<compile_context>
chip_gen: v7x
topology: tpu7x:2x2x1
jax: 0.10.2.dev20260603
libtpu: 0.0.44.dev20260713+nightly
codegen_flags: <defaults>
</compile_context>

<pallas_src>
import functools

import jax
import jax.numpy as jnp
from jax import lax
from jax.experimental import pallas as pl
from jax.experimental.pallas import tpu as pltpu
from jax.experimental.pallas import tpu_sc as plsc

ROWS = 128
COLS = 32768
K = 8

TC_COLS = 22528
SC_COLS = COLS - TC_COLS


_NET8 = [
    (0, 1), (2, 3), (4, 5), (6, 7),
    (0, 2), (1, 3), (4, 6), (5, 7),
    (1, 2), (5, 6),
    (0, 4), (1, 5), (2, 6), (3, 7),
    (2, 4), (3, 5),
    (1, 2), (3, 4), (5, 6),
]

_BITONIC8 = [
    (0, 4), (1, 5), (2, 6), (3, 7),
    (0, 2), (1, 3), (4, 6), (5, 7),
    (0, 1), (2, 3), (4, 5), (6, 7),
]


def _apply_net(vs, net):
    vs = list(vs)
    for i, j in net:
        a, b = vs[i], vs[j]
        vs[i] = jnp.maximum(a, b)
        vs[j] = jnp.minimum(a, b)
    return vs


def _merge_top8(avs, bvs):
    c = [jnp.maximum(avs[i], bvs[K - 1 - i]) for i in range(K)]
    return _apply_net(c, _BITONIC8)


def _halve(vs):
    w = vs[0].shape[1] // 2
    a = [v[:, :w] for v in vs]
    b = [v[:, w:] for v in vs]
    return _merge_top8(a, b)



NC = 2
NS = 16
NW = NC * NS
RPW = ROWS // NW
SLANES = 16
SGRP = K * SLANES
SNGRP = SC_COLS // SGRP

_mesh = plsc.VectorSubcoreMesh(core_axis_name="c", subcore_axis_name="s")


@functools.partial(
    pl.kernel,
    mesh=_mesh,
    out_type=jax.ShapeDtypeStruct((ROWS, K * SLANES), jnp.float32),
    scratch_types=[
        pltpu.VMEM((SC_COLS,), jnp.float32),
        pltpu.VMEM((SC_COLS,), jnp.float32),
        pltpu.VMEM((RPW, K * SLANES), jnp.float32),
        pltpu.SemaphoreType.DMA,
        pltpu.SemaphoreType.DMA,
    ],
)
def _sc_topk(x_hbm, out_hbm, buf0, buf1, res, sem0, sem1):
    wid = lax.axis_index("s") * NC + lax.axis_index("c")
    row0 = wid * RPW
    bufs = (buf0, buf1)
    sems = (sem0, sem1)

    def dma(r, b):
        return pltpu.make_async_copy(
            x_hbm.at[row0 + r, pl.ds(TC_COLS, SC_COLS)], bufs[b], sems[b])

    dma(0, 0).start()
    for r in range(RPW):
        if r + 1 < RPW:
            dma(r + 1, (r + 1) % 2).start()
        buf = bufs[r % 2]
        dma(r, r % 2).wait()

        neg = jnp.full((SLANES,), -jnp.inf, jnp.float32)

        def body(g, accs):
            base = g * SGRP
            vs = [buf[pl.ds(base + k * SLANES, SLANES)] for k in range(K)]
            vs = _apply_net(vs, _NET8)
            return tuple(_merge_top8(list(accs), vs))

        accs = lax.fori_loop(0, SNGRP, body, (neg,) * K)
        for j in range(K):
            res[r, pl.ds(j * SLANES, SLANES)] = accs[j]

    pltpu.sync_copy(res, out_hbm.at[pl.ds(row0, RPW)])



RBLK = 8
NRB = ROWS // RBLK
TLANES = 128
TCHUNK = K * TLANES
TNCHUNK = TC_COLS // TCHUNK
NCHAINS = 4


def _tc_kernel(x_ref, o_ref, acc_ref):
    step = pl.program_id(0)
    accs = [None] * NCHAINS
    for c in range(TNCHUNK):
        base = c * TCHUNK
        vs = [x_ref[:, base + k * TLANES:base + (k + 1) * TLANES]
              for k in range(K)]
        vs = _apply_net(vs, _NET8)
        ch = c % NCHAINS
        accs[ch] = vs if accs[ch] is None else _merge_top8(accs[ch], vs)
    acc = _merge_top8(_merge_top8(accs[0], accs[1]),
                      _merge_top8(accs[2], accs[3]))
    acc_ref[pl.ds(step * RBLK, RBLK), :] = jnp.concatenate(acc, axis=1)

    @pl.when(step == NRB - 1)
    def _finalize():
        fin = [acc_ref[:, k * TLANES:(k + 1) * TLANES] for k in range(K)]
        while fin[0].shape[1] > 1:
            fin = _halve(fin)
        o_ref[...] = jnp.concatenate(fin, axis=1)


def _tc_topk(x):
    return pl.pallas_call(
        _tc_kernel,
        grid=(NRB,),
        in_specs=[pl.BlockSpec((RBLK, TC_COLS), lambda i: (i, 0))],
        out_specs=pl.BlockSpec((ROWS, K), lambda i: (0, 0)),
        out_shape=jax.ShapeDtypeStruct((ROWS, K), jnp.float32),
        scratch_shapes=[pltpu.VMEM((ROWS, K * TLANES), jnp.float32)],
    )(x)



def _merge_kernel(c_ref, t_ref, o_ref):
    fin = [c_ref[:, j * SLANES:(j + 1) * SLANES] for j in range(K)]
    while fin[0].shape[1] > 1:
        fin = _halve(fin)
    tc = [t_ref[:, j:j + 1] for j in range(K)]
    out = _merge_top8(tc, fin)
    o_ref[...] = jnp.concatenate(out, axis=1)


def _merge(cand_sc, tc8):
    return pl.pallas_call(
        _merge_kernel,
        in_specs=[pl.BlockSpec((ROWS, K * SLANES), lambda: (0, 0)),
                  pl.BlockSpec((ROWS, K), lambda: (0, 0))],
        out_specs=pl.BlockSpec((ROWS, K), lambda: (0, 0)),
        out_shape=jax.ShapeDtypeStruct((ROWS, K), jnp.float32),
    )(cand_sc, tc8)


def kernel(input):
    tc8 = _tc_topk(input)
    cand_sc = _sc_topk(input)
    return _merge(cand_sc, tc8)

# --- scband reference (transcript-rebuilt; emitter-appended) ---
"""Pipeline reference for scband-kmax-pooling-layer-35450660061581 (READ-ONLY COPY).

The authoritative reference and input builder live on the scoring server;
editing this copy changes nothing except your own understanding.
"""

import jax, jax.numpy as jnp
import numpy as np

K = 8
DIM = 1

def setup_inputs(seed: int = 0) -> dict:
    key = jax.random.key(seed)
    x = jax.random.normal(key, (128, 32768), dtype=jnp.float32)
    return {"input": x}

def reference(input) -> jnp.ndarray:
    # torch.topk(input, k, dim=1, sorted=True)[0]
    # dim=1 is the last axis of the 2D input, so lax.top_k applies directly
    values, _ = jax.lax.top_k(input, K)
    return values

if __name__ == "__main__":
    import jax
    _d = setup_inputs()
    print(jax.jit(kernel)(*tuple(_d.values())))

</pallas_src>

<mosaic_0001>
#map = affine_map<(d0, d1) -> (0, 0)>
module attributes {stable_mosaic.version = 14 : i64} {
  func.func @_sc_topk(%arg0: i32, %arg1: i32, %arg2: memref<128x32768xf32, #tpu.memory_space<hbm>>, %arg3: memref<128x128xf32, #tpu.memory_space<hbm>>, %arg4: memref<10240xf32, #tpu.memory_space<vmem>>, %arg5: memref<10240xf32, #tpu.memory_space<vmem>>, %arg6: memref<4x128xf32, #tpu.memory_space<vmem>>, %arg7: memref<!tpu.dma_semaphore, #tpu.memory_space<semaphore_mem>>, %arg8: memref<!tpu.dma_semaphore, #tpu.memory_space<semaphore_mem>>) attributes {dimension_semantics = [#tpu.dimension_semantics<core_parallel>, #tpu.dimension_semantics<subcore_parallel>], iteration_bounds = array<i64: 2, 16>, scalar_prefetch = 0 : i64, scratch_operands = 5 : i64, tpu.core_type = #tpu.core_type<sc_vector_subcore>, window_params = [{transform_indices = #map}, {transform_indices = #map}]} {
    %mul3A = arith.constant 2 : i32
    %mul3A_0 = arith.muli %arg1, %mul3A : i32
    %add3A = arith.addi %mul3A_0, %arg0 : i32
    %mul3A_1 = arith.constant 4 : i32
    %mul3A_2 = arith.muli %add3A, %mul3A_1 : i32
    %add3A_3 = arith.constant 0 : i32
    %add3A_4 = arith.addi %mul3A_2, %add3A_3 : i32
    %dma_start3A = arith.constant 22528 : i32
    %dma_start3A_5 = tpu.memref_slice %arg2[%add3A_4, %dma_start3A] : memref<128x32768xf32, #tpu.memory_space<hbm>> -> memref<1x10240xf32, #tpu.memory_space<hbm>>
    %dma_start3A_6 = tpu.memref_squeeze %dma_start3A_5 : memref<1x10240xf32, #tpu.memory_space<hbm>> -> memref<10240xf32, #tpu.memory_space<hbm>>
    %dma_start3A_7 = arith.constant 22528 : i32
    %dma_start3A_8 = tpu.memref_slice %arg2[%add3A_4, %dma_start3A_7] : memref<128x32768xf32, #tpu.memory_space<hbm>> -> memref<1x10240xf32, #tpu.memory_space<hbm>>
    %dma_start3A_9 = tpu.memref_squeeze %dma_start3A_8 : memref<1x10240xf32, #tpu.memory_space<hbm>> -> memref<10240xf32, #tpu.memory_space<hbm>>
    tpu.enqueue_dma source(%dma_start3A_9 : memref<10240xf32, #tpu.memory_space<hbm>>) target(%arg4 : memref<10240xf32, #tpu.memory_space<vmem>>) target_semaphore(%arg7 : memref<!tpu.dma_semaphore, #tpu.memory_space<semaphore_mem>>)
    %add3A_10 = arith.constant 1 : i32
    %add3A_11 = arith.addi %mul3A_2, %add3A_10 : i32
    %dma_start3A_12 = arith.constant 22528 : i32
    %dma_start3A_13 = tpu.memref_slice %arg2[%add3A_11, %dma_start3A_12] : memref<128x32768xf32, #tpu.memory_space<hbm>> -> memref<1x10240xf32, #tpu.memory_space<hbm>>
    %dma_start3A_14 = tpu.memref_squeeze %dma_start3A_13 : memref<1x10240xf32, #tpu.memory_space<hbm>> -> memref<10240xf32, #tpu.memory_space<hbm>>
    %dma_start3A_15 = arith.constant 22528 : i32
    %dma_start3A_16 = tpu.memref_slice %arg2[%add3A_11, %dma_start3A_15] : memref<128x32768xf32, #tpu.memory_space<hbm>> -> memref<1x10240xf32, #tpu.memory_space<hbm>>
    %dma_start3A_17 = tpu.memref_squeeze %dma_start3A_16 : memref<1x10240xf32, #tpu.memory_space<hbm>> -> memref<10240xf32, #tpu.memory_space<hbm>>
    tpu.enqueue_dma source(%dma_start3A_17 : memref<10240xf32, #tpu.memory_space<hbm>>) target(%arg5 : memref<10240xf32, #tpu.memory_space<vmem>>) target_semaphore(%arg8 : memref<!tpu.dma_semaphore, #tpu.memory_space<semaphore_mem>>)
    %add3A_18 = arith.constant 0 : i32
    %add3A_19 = arith.addi %mul3A_2, %add3A_18 : i32
    %dma_wait3A = arith.constant 22528 : i32
    %dma_wait3A_20 = tpu.memref_slice %arg2[%add3A_19, %dma_wait3A] : memref<128x32768xf32, #tpu.memory_space<hbm>> -> memref<1x10240xf32, #tpu.memory_space<hbm>>
    %dma_wait3A_21 = tpu.memref_squeeze %dma_wait3A_20 : memref<1x10240xf32, #tpu.memory_space<hbm>> -> memref<10240xf32, #tpu.memory_space<hbm>>
    %dma_wait3A_22 = arith.constant 22528 : i32
    %dma_wait3A_23 = tpu.memref_slice %arg2[%add3A_19, %dma_wait3A_22] : memref<128x32768xf32, #tpu.memory_space<hbm>> -> memref<1x10240xf32, #tpu.memory_space<hbm>>
    %dma_wait3A_24 = tpu.memref_squeeze %dma_wait3A_23 : memref<1x10240xf32, #tpu.memory_space<hbm>> -> memref<10240xf32, #tpu.memory_space<hbm>>
    tpu.wait_dma2 semaphore(%arg7 : memref<!tpu.dma_semaphore, #tpu.memory_space<semaphore_mem>>) src(%dma_wait3A_24 : memref<10240xf32, #tpu.memory_space<hbm>>) dst(%arg4 : memref<10240xf32, #tpu.memory_space<vmem>>)
    %broadcast_in_dim3A = arith.constant 0xFF800000 : f32
    %broadcast_in_dim3A_25 = vector.broadcast %broadcast_in_dim3A : f32 to vector<16xf32>
    %scan3A = arith.constant 0 : i32
    %scan3A_26 = arith.constant 80 : i32
    %scan3A_27 = arith.addi %scan3A, %scan3A_26 : i32
    %scan3A_28 = arith.constant 1 : i32
    %scan3A_29:8 = scf.for %scan3A_286 = %scan3A to %scan3A_27 step %scan3A_28 iter_args(%scan3A_287 = %broadcast_in_dim3A_25, %scan3A_288 = %broadcast_in_dim3A_25, %scan3A_289 = %broadcast_in_dim3A_25, %scan3A_290 = %broadcast_in_dim3A_25, %scan3A_291 = %broadcast_in_dim3A_25, %scan3A_292 = %broadcast_in_dim3A_25, %scan3A_293 = %broadcast_in_dim3A_25, %scan3A_294 = %broadcast_in_dim3A_25) -> (vector<16xf32>, vector<16xf32>, vector<16xf32>, vector<16xf32>, vector<16xf32>, vector<16xf32>, vector<16xf32>, vector<16xf32>)  : i32 {
      %mul3A_295 = arith.constant 128 : i32
      %mul3A_296 = arith.muli %scan3A_286, %mul3A_295 : i32
      %add3A_297 = arith.constant 0 : i32
      %add3A_298 = arith.addi %mul3A_296, %add3A_297 : i32
      %get3A = arith.index_cast %add3A_298 : i32 to index
      %get3A_299 = tpu.vector_load %arg4[%get3A] {strides = array<i32>} : memref<10240xf32, #tpu.memory_space<vmem>>, vector<16xf32>,
      %get3A_300 = vector.shape_cast %get3A_299 : vector<16xf32> to vector<16xf32>
      %add3A_301 = arith.constant 16 : i32
      %add3A_302 = arith.addi %mul3A_296, %add3A_301 : i32
      %get3A_303 = arith.index_cast %add3A_302 : i32 to index
      %get3A_304 = tpu.vector_load %arg4[%get3A_303] {strides = array<i32>} : memref<10240xf32, #tpu.memory_space<vmem>>, vector<16xf32>,
      %get3A_305 = vector.shape_cast %get3A_304 : vector<16xf32> to vector<16xf32>
      %add3A_306 = arith.constant 32 : i32
      %add3A_307 = arith.addi %mul3A_296, %add3A_306 : i32
      %get3A_308 = arith.index_cast %add3A_307 : i32 to index
      %get3A_309 = tpu.vector_load %arg4[%get3A_308] {strides = array<i32>} : memref<10240xf32, #tpu.memory_space<vmem>>, vector<16xf32>,
      %get3A_310 = vector.shape_cast %get3A_309 : vector<16xf32> to vector<16xf32>
      %add3A_311 = arith.constant 48 : i32
      %add3A_312 = arith.addi %mul3A_296, %add3A_311 : i32
      %get3A_313 = arith.index_cast %add3A_312 : i32 to index
      %get3A_314 = tpu.vector_load %arg4[%get3A_313] {strides = array<i32>} : memref<10240xf32, #tpu.memory_space<vmem>>, vector<16xf32>,
      %get3A_315 = vector.shape_cast %get3A_314 : vector<16xf32> to vector<16xf32>
      %add3A_316 = arith.constant 64 : i32
      %add3A_317 = arith.addi %mul3A_296, %add3A_316 : i32
      %get3A_318 = arith.index_cast %add3A_317 : i32 to index
      %get3A_319 = tpu.vector_load %arg4[%get3A_318] {strides = array<i32>} : memref<10240xf32, #tpu.memory_space<vmem>>, vector<16xf32>,
      %get3A_320 = vector.shape_cast %get3A_319 : vector<16xf32> to vector<16xf32>
      %add3A_321 = arith.constant 80 : i32
      %add3A_322 = arith.addi %mul3A_296, %add3A_321 : i32
      %get3A_323 = arith.index_cast %add3A_322 : i32 to index
      %get3A_324 = tpu.vector_load %arg4[%get3A_323] {strides = array<i32>} : memref<10240xf32, #tpu.memory_space<vmem>>, vector<16xf32>,
      %get3A_325 = vector.shape_cast %get3A_324 : vector<16xf32> to vector<16xf32>
      %add3A_326 = arith.constant 96 : i32
      %add3A_327 = arith.addi %mul3A_296, %add3A_326 : i32
      %get3A_328 = arith.index_cast %add3A_327 : i32 to index
      %get3A_329 = tpu.vector_load %arg4[%get3A_328] {strides = array<i32>} : memref<10240xf32, #tpu.memory_space<vmem>>, vector<16xf32>,
      %get3A_330 = vector.shape_cast %get3A_329 : vector<16xf32> to vector<16xf32>
      %add3A_331 = arith.constant 112 : i32
      %add3A_332 = arith.addi %mul3A_296, %add3A_331 : i32
      %get3A_333 = arith.index_cast %add3A_332 : i32 to index
      %get3A_334 = tpu.vector_load %arg4[%get3A_333] {strides = array<i32>} : memref<10240xf32, #tpu.memory_space<vmem>>, vector<16xf32>,
      %get3A_335 = vector.shape_cast %get3A_334 : vector<16xf32> to vector<16xf32>
      %max3A = arith.maximumf %get3A_300, %get3A_305 : vector<16xf32>
      %min3A = arith.minimumf %get3A_300, %get3A_305 : vector<16xf32>
      %max3A_336 = arith.maximumf %get3A_310, %get3A_315 : vector<16xf32>
      %min3A_337 = arith.minimumf %get3A_310, %get3A_315 : vector<16xf32>
      %max3A_338 = arith.maximumf %get3A_320, %get3A_325 : vector<16xf32>
      %min3A_339 = arith.minimumf %get3A_320, %get3A_325 : vector<16xf32>
      %max3A_340 = arith.maximumf %get3A_330, %get3A_335 : vector<16xf32>
      %min3A_341 = arith.minimumf %get3A_330, %get3A_335 : vector<16xf32>
      %max3A_342 = arith.maximumf %max3A, %max3A_336 : vector<16xf32>
      %min3A_343 = arith.minimumf %max3A, %max3A_336 : vector<16xf32>
      %max3A_344 = arith.maximumf %min3A, %min3A_337 : vector<16xf32>
      %min3A_345 = arith.minimumf %min3A, %min3A_337 : vector<16xf32>
      %max3A_346 = arith.maximumf %max3A_338, %max3A_340 : vector<16xf32>
      %min3A_347 = arith.minimumf %max3A_338, %max3A_340 : vector<16xf32>
      %max3A_348 = arith.maximumf %min3A_339, %min3A_341 : vector<16xf32>
      %min3A_349 = arith.minimumf %min3A_339, %min3A_341 : vector<16xf32>
      %max3A_350 = arith.maximumf %max3A_344, %min3A_343 : vector<16xf32>
      %min3A_351 = arith.minimumf %max3A_344, %min3A_343 : vector<16xf32>
      %max3A_352 = arith.maximumf %max3A_348, %min3A_347 : vector<16xf32>
      %min3A_353 = arith.minimumf %max3A_348, %min3A_347 : vector<16xf32>
      %max3A_354 = arith.maximumf %max3A_342, %max3A_346 : vector<16xf32>
      %min3A_355 = arith.minimumf %max3A_342, %max3A_346 : vector<16xf32>
      %max3A_356 = arith.maximumf %max3A_350, %max3A_352 : vector<16xf32>
      %min3A_357 = arith.minimumf %max3A_350, %max3A_352 : vector<16xf32>
      %max3A_358 = arith.maximumf %min3A_351, %min3A_353 : vector<16xf32>
      %min3A_359 = arith.minimumf %min3A_351, %min3A_353 : vector<16xf32>
      %max3A_360 = arith.maximumf %min3A_345, %min3A_349 : vector<16xf32>
      %min3A_361 = arith.minimumf %min3A_345, %min3A_349 : vector<16xf32>
      %max3A_362 = arith.maximumf %max3A_358, %min3A_355 : vector<16xf32>
      %min3A_363 = arith.minimumf %max3A_358, %min3A_355 : vector<16xf32>
      %max3A_364 = arith.maximumf %max3A_360, %min3A_357 : vector<16xf32>
      %min3A_365 = arith.minimumf %max3A_360, %min3A_357 : vector<16xf32>
      %max3A_366 = arith.maximumf %max3A_356, %max3A_362 : vector<16xf32>
      %min3A_367 = arith.minimumf %max3A_356, %max3A_362 : vector<16xf32>
      %max3A_368 = arith.maximumf %max3A_364, %min3A_363 : vector<16xf32>
      %min3A_369 = arith.minimumf %max3A_364, %min3A_363 : vector<16xf32>
      %max3A_370 = arith.maximumf %min3A_365, %min3A_359 : vector<16xf32>
      %min3A_371 = arith.minimumf %min3A_365, %min3A_359 : vector<16xf32>
      %max3A_372 = arith.maximumf %scan3A_287, %min3A_361 : vector<16xf32>
      %max3A_373 = arith.maximumf %scan3A_288, %min3A_371 : vector<16xf32>
      %max3A_374 = arith.maximumf %scan3A_289, %max3A_370 : vector<16xf32>
      %max3A_375 = arith.maximumf %scan3A_290, %min3A_369 : vector<16xf32>
      %max3A_376 = arith.maximumf %scan3A_291, %max3A_368 : vector<16xf32>
      %max3A_377 = arith.maximumf %scan3A_292, %min3A_367 : vector<16xf32>
      %max3A_378 = arith.maximumf %scan3A_293, %max3A_366 : vector<16xf32>
      %max3A_379 = arith.maximumf %scan3A_294, %max3A_354 : vector<16xf32>
      %max3A_380 = arith.maximumf %max3A_372, %max3A_376 : vector<16xf32>
      %min3A_381 = arith.minimumf %max3A_372, %max3A_376 : vector<16xf32>
      %max3A_382 = arith.maximumf %max3A_373, %max3A_377 : vector<16xf32>
      %min3A_383 = arith.minimumf %max3A_373, %max3A_377 : vector<16xf32>
      %max3A_384 = arith.maximumf %max3A_374, %max3A_378 : vector<16xf32>
      %min3A_385 = arith.minimumf %max3A_374, %max3A_378 : vector<16xf32>
      %max3A_386 = arith.maximumf %max3A_375, %max3A_379 : vector<16xf32>
      %min3A_387 = arith.minimumf %max3A_375, %max3A_379 : vector<16xf32>
      %max3A_388 = arith.maximumf %max3A_380, %max3A_384 : vector<16xf32>
      %min3A_389 = arith.minimumf %max3A_380, %max3A_384 : vector<16xf32>
      %max3A_390 = arith.maximumf %max3A_382, %max3A_386 : vector<16xf32>
      %min3A_391 = arith.minimumf %max3A_382, %max3A_386 : vector<16xf32>
      %max3A_392 = arith.maximumf %min3A_381, %min3A_385 : vector<16xf32>
      %min3A_393 = arith.minimumf %min3A_381, %min3A_385 : vector<16xf32>
      %max3A_394 = arith.maximumf %min3A_383, %min3A_387 : vector<16xf32>
      %min3A_395 = arith.minimumf %min3A_383, %min3A_387 : vector<16xf32>
      %max3A_396 = arith.maximumf %max3A_388, %max3A_390 : vector<16xf32>
      %min3A_397 = arith.minimumf %max3A_388, %max3A_390 : vector<16xf32>
      %max3A_398 = arith.maximumf %min3A_389, %min3A_391 : vector<16xf32>
      %min3A_399 = arith.minimumf %min3A_389, %min3A_391 : vector<16xf32>
      %max3A_400 = arith.maximumf %max3A_392, %max3A_394 : vector<16xf32>
      %min3A_401 = arith.minimumf %max3A_392, %max3A_394 : vector<16xf32>
      %max3A_402 = arith.maximumf %min3A_393, %min3A_395 : vector<16xf32>
      %min3A_403 = arith.minimumf %min3A_393, %min3A_395 : vector<16xf32>
      scf.yield %max3A_396, %min3A_397, %max3A_398, %min3A_399, %max3A_400, %min3A_401, %max3A_402, %min3A_403 : vector<16xf32>, vector<16xf32>, vector<16xf32>, vector<16xf32>, vector<16xf32>, vector<16xf32>, vector<16xf32>, vector<16xf32>
    }
    %scan3A_30 = arith.constant 80 : i32
    %swap3A = arith.constant 0 : i32
    %swap3A_31 = arith.index_cast %swap3A : i32 to index
    %swap3A_32 = arith.constant 0 : index
    %swap3A_33 = tpu.vector_load %arg6[%swap3A_31, %swap3A_32] {strides = array<i32>} : memref<4x128xf32, #tpu.memory_space<vmem>>, vector<1x16xf32>,
    %swap3A_34 = vector.shape_cast %swap3A_33 : vector<1x16xf32> to vector<16xf32>
    %swap3A_35 = vector.shape_cast %scan3A_29#0 : vector<16xf32> to vector<1x16xf32>
    tpu.vector_store %arg6[%swap3A_31, %swap3A_32], %swap3A_35 {strides = array<i32>} : memref<4x128xf32, #tpu.memory_space<vmem>>, vector<1x16xf32>,
    %swap3A_36 = arith.constant 0 : i32
    %swap3A_37 = arith.index_cast %swap3A_36 : i32 to index
    %swap3A_38 = arith.constant 16 : index
    %swap3A_39 = tpu.vector_load %arg6[%swap3A_37, %swap3A_38] {strides = array<i32>} : memref<4x128xf32, #tpu.memory_space<vmem>>, vector<1x16xf32>,
    %swap3A_40 = vector.shape_cast %swap3A_39 : vector<1x16xf32> to vector<16xf32>
    %swap3A_41 = vector.shape_cast %scan3A_29#1 : vector<16xf32> to vector<1x16xf32>
    tpu.vector_store %arg6[%swap3A_37, %swap3A_38], %swap3A_41 {strides = array<i32>} : memref<4x128xf32, #tpu.memory_space<vmem>>, vector<1x16xf32>,
    %swap3A_42 = arith.constant 0 : i32
    %swap3A_43 = arith.index_cast %swap3A_42 : i32 to index
    %swap3A_44 = arith.constant 32 : index
    %swap3A_45 = tpu.vector_load %arg6[%swap3A_43, %swap3A_44] {strides = array<i32>} : memref<4x128xf32, #tpu.memory_space<vmem>>, vector<1x16xf32>,
    %swap3A_46 = vector.shape_cast %swap3A_45 : vector<1x16xf32> to vector<16xf32>
    %swap3A_47 = vector.shape_cast %scan3A_29#2 : vector<16xf32> to vector<1x16xf32>
    tpu.vector_store %arg6[%swap3A_43, %swap3A_44], %swap3A_47 {strides = array<i32>} : memref<4x128xf32, #tpu.memory_space<vmem>>, vector<1x16xf32>,
    %swap3A_48 = arith.constant 0 : i32
    %swap3A_49 = arith.index_cast %swap3A_48 : i32 to index
    %swap3A_50 = arith.constant 48 : index
    %swap3A_51 = tpu.vector_load %arg6[%swap3A_49, %swap3A_50] {strides = array<i32>} : memref<4x128xf32, #tpu.memory_space<vmem>>, vector<1x16xf32>,
    %swap3A_52 = vector.shape_cast %swap3A_51 : vector<1x16xf32> to vector<16xf32>
    %swap3A_53 = vector.shape_cast %scan3A_29#3 : vector<16xf32> to vector<1x16xf32>
    tpu.vector_store %arg6[%swap3A_49, %swap3A_50], %swap3A_53 {strides = array<i32>} : memref<4x128xf32, #tpu.memory_space<vmem>>, vector<1x16xf32>,
    %swap3A_54 = arith.constant 0 : i32
    %swap3A_55 = arith.index_cast %swap3A_54 : i32 to index
    %swap3A_56 = arith.constant 64 : index
    %swap3A_57 = tpu.vector_load %arg6[%swap3A_55, %swap3A_56] {strides = array<i32>} : memref<4x128xf32, #tpu.memory_space<vmem>>, vector<1x16xf32>,
    %swap3A_58 = vector.shape_cast %swap3A_57 : vector<1x16xf32> to vector<16xf32>
    %swap3A_59 = vector.shape_cast %scan3A_29#4 : vector<16xf32> to vector<1x16xf32>
    tpu.vector_store %arg6[%swap3A_55, %swap3A_56], %swap3A_59 {strides = array<i32>} : memref<4x128xf32, #tpu.memory_space<vmem>>, vector<1x16xf32>,
    %swap3A_60 = arith.constant 0 : i32
    %swap3A_61 = arith.index_cast %swap3A_60 : i32 to index
    %swap3A_62 = arith.constant 80 : index
    %swap3A_63 = tpu.vector_load %arg6[%swap3A_61, %swap3A_62] {strides = array<i32>} : memref<4x128xf32, #tpu.memory_space<vmem>>, vector<1x16xf32>,
    %swap3A_64 = vector.shape_cast %swap3A_63 : vector<1x16xf32> to vector<16xf32>
    %swap3A_65 = vector.shape_cast %scan3A_29#5 : vector<16xf32> to vector<1x16xf32>
    tpu.vector_store %arg6[%swap3A_61, %swap3A_62], %swap3A_65 {strides = array<i32>} : memref<4x128xf32, #tpu.memory_space<vmem>>, vector<1x16xf32>,
    %swap3A_66 = arith.constant 0 : i32
    %swap3A_67 = arith.index_cast %swap3A_66 : i32 to index
    %swap3A_68 = arith.constant 96 : index
    %swap3A_69 = tpu.vector_load %arg6[%swap3A_67, %swap3A_68] {strides = array<i32>} : memref<4x128xf32, #tpu.memory_space<vmem>>, vector<1x16xf32>,
    %swap3A_70 = vector.shape_cast %swap3A_69 : vector<1x16xf32> to vector<16xf32>
    %swap3A_71 = vector.shape_cast %scan3A_29#6 : vector<16xf32> to vector<1x16xf32>
    tpu.vector_store %arg6[%swap3A_67, %swap3A_68], %swap3A_71 {strides = array<i32>} : memref<4x128xf32, #tpu.memory_space<vmem>>, vector<1x16xf32>,
    %swap3A_72 = arith.constant 0 : i32
    %swap3A_73 = arith.index_cast %swap3A_72 : i32 to index
    %swap3A_74 = arith.constant 112 : index
    %swap3A_75 = tpu.vector_load %arg6[%swap3A_73, %swap3A_74] {strides = array<i32>} : memref<4x128xf32, #tpu.memory_space<vmem>>, vector<1x16xf32>,
    %swap3A_76 = vector.shape_cast %swap3A_75 : vector<1x16xf32> to vector<16xf32>
    %swap3A_77 = vector.shape_cast %scan3A_29#7 : vector<16xf32> to vector<1x16xf32>
    tpu.vector_store %arg6[%swap3A_73, %swap3A_74], %swap3A_77 {strides = array<i32>} : memref<4x128xf32, #tpu.memory_space<vmem>>, vector<1x16xf32>,
    %add3A_78 = arith.constant 2 : i32
    %add3A_79 = arith.addi %mul3A_2, %add3A_78 : i32
    %dma_start3A_80 = arith.constant 22528 : i32
    %dma_start3A_81 = tpu.memref_slice %arg2[%add3A_79, %dma_start3A_80] : memref<128x32768xf32, #tpu.memory_space<hbm>> -> memref<1x10240xf32, #tpu.memory_space<hbm>>
    %dma_start3A_82 = tpu.memref_squeeze %dma_start3A_81 : memref<1x10240xf32, #tpu.memory_space<hbm>> -> memref<10240xf32, #tpu.memory_space<hbm>>
    %dma_start3A_83 = arith.constant 22528 : i32
    %dma_start3A_84 = tpu.memref_slice %arg2[%add3A_79, %dma_start3A_83] : memref<128x32768xf32, #tpu.memory_space<hbm>> -> memref<1x10240xf32, #tpu.memory_space<hbm>>
    %dma_start3A_85 = tpu.memref_squeeze %dma_start3A_84 : memref<1x10240xf32, #tpu.memory_space<hbm>> -> memref<10240xf32, #tpu.memory_space<hbm>>
    tpu.enqueue_dma source(%dma_start3A_85 : memref<10240xf32, #tpu.memory_space<hbm>>) target(%arg4 : memref<10240xf32, #tpu.memory_space<vmem>>) target_semaphore(%arg7 : memref<!tpu.dma_semaphore, #tpu.memory_space<semaphore_mem>>)
    %add3A_86 = arith.constant 1 : i32
    %add3A_87 = arith.addi %mul3A_2, %add3A_86 : i32
    %dma_wait3A_88 = arith.constant 22528 : i32
    %dma_wait3A_89 = tpu.memref_slice %arg2[%add3A_87, %dma_wait3A_88] : memref<128x32768xf32, #tpu.memory_space<hbm>> -> memref<1x10240xf32, #tpu.memory_space<hbm>>
    %dma_wait3A_90 = tpu.memref_squeeze %dma_wait3A_89 : memref<1x10240xf32, #tpu.memory_space<hbm>> -> memref<10240xf32, #tpu.memory_space<hbm>>
    %dma_wait3A_91 = arith.constant 22528 : i32
    %dma_wait3A_92 = tpu.memref_slice %arg2[%add3A_87, %dma_wait3A_91] : memref<128x32768xf32, #tpu.memory_space<hbm>> -> memref<1x10240xf32, #tpu.memory_space<hbm>>
    %dma_wait3A_93 = tpu.memref_squeeze %dma_wait3A_92 : memref<1x10240xf32, #tpu.memory_space<hbm>> -> memref<10240xf32, #tpu.memory_space<hbm>>
    tpu.wait_dma2 semaphore(%arg8 : memref<!tpu.dma_semaphore, #tpu.memory_space<semaphore_mem>>) src(%dma_wait3A_93 : memref<10240xf32, #tpu.memory_space<hbm>>) dst(%arg5 : memref<10240xf32, #tpu.memory_space<vmem>>)
    %broadcast_in_dim3A_94 = arith.constant 0xFF800000 : f32
    %broadcast_in_dim3A_95 = vector.broadcast %broadcast_in_dim3A_94 : f32 to vector<16xf32>
    %scan3A_96 = arith.constant 0 : i32
    %scan3A_97 = arith.constant 80 : i32
    %scan3A_98 = arith.addi %scan3A_96, %scan3A_97 : i32
    %scan3A_99 = arith.constant 1 : i32
    %scan3A_100:8 = scf.for %scan3A_286 = %scan3A_96 to %scan3A_98 step %scan3A_99 iter_args(%scan3A_287 = %broadcast_in_dim3A_95, %scan3A_288 = %broadcast_in_dim3A_95, %scan3A_289 = %broadcast_in_dim3A_95, %scan3A_290 = %broadcast_in_dim3A_95, %scan3A_291 = %broadcast_in_dim3A_95, %scan3A_292 = %broadcast_in_dim3A_95, %scan3A_293 = %broadcast_in_dim3A_95, %scan3A_294 = %broadcast_in_dim3A_95) -> (vector<16xf32>, vector<16xf32>, vector<16xf32>, vector<16xf32>, vector<16xf32>, vector<16xf32>, vector<16xf32>, vector<16xf32>)  : i32 {
      %mul3A_295 = arith.constant 128 : i32
      %mul3A_296 = arith.muli %scan3A_286, %mul3A_295 : i32
      %add3A_297 = arith.constant 0 : i32
      %add3A_298 = arith.addi %mul3A_296, %add3A_297 : i32
      %get3A = arith.index_cast %add3A_298 : i32 to index
      %get3A_299 = tpu.vector_load %arg5[%get3A] {strides = array<i32>} : memref<10240xf32, #tpu.memory_space<vmem>>, vector<16xf32>,
      %get3A_300 = vector.shape_cast %get3A_299 : vector<16xf32> to vector<16xf32>
      %add3A_301 = arith.constant 16 : i32
      %add3A_302 = arith.addi %mul3A_296, %add3A_301 : i32
      %get3A_303 = arith.index_cast %add3A_302 : i32 to index
      %get3A_304 = tpu.vector_load %arg5[%get3A_303] {strides = array<i32>} : memref<10240xf32, #tpu.memory_space<vmem>>, vector<16xf32>,
      %get3A_305 = vector.shape_cast %get3A_304 : vector<16xf32> to vector<16xf32>
      %add3A_306 = arith.constant 32 : i32
      %add3A_307 = arith.addi %mul3A_296, %add3A_306 : i32
      %get3A_308 = arith.index_cast %add3A_307 : i32 to index
      %get3A_309 = tpu.vector_load %arg5[%get3A_308] {strides = array<i32>} : memref<10240xf32, #tpu.memory_space<vmem>>, vector<16xf32>,
      %get3A_310 = vector.shape_cast %get3A_309 : vector<16xf32> to vector<16xf32>
      %add3A_311 = arith.constant 48 : i32
      %add3A_312 = arith.addi %mul3A_296, %add3A_311 : i32
      %get3A_313 = arith.index_cast %add3A_312 : i32 to index
      %get3A_314 = tpu.vector_load %arg5[%get3A_313] {strides = array<i32>} : memref<10240xf32, #tpu.memory_space<vmem>>, vector<16xf32>,
      %get3A_315 = vector.shape_cast %get3A_314 : vector<16xf32> to vector<16xf32>
      %add3A_316 = arith.constant 64 : i32
      %add3A_317 = arith.addi %mul3A_296, %add3A_316 : i32
      %get3A_318 = arith.index_cast %add3A_317 : i32 to index
      %get3A_319 = tpu.vector_load %arg5[%get3A_318] {strides = array<i32>} : memref<10240xf32, #tpu.memory_space<vmem>>, vector<16xf32>,
      %get3A_320 = vector.shape_cast %get3A_319 : vector<16xf32> to vector<16xf32>
      %add3A_321 = arith.constant 80 : i32
      %add3A_322 = arith.addi %mul3A_296, %add3A_321 : i32
      %get3A_323 = arith.index_cast %add3A_322 : i32 to index
      %get3A_324 = tpu.vector_load %arg5[%get3A_323] {strides = array<i32>} : memref<10240xf32, #tpu.memory_space<vmem>>, vector<16xf32>,
      %get3A_325 = vector.shape_cast %get3A_324 : vector<16xf32> to vector<16xf32>
      %add3A_326 = arith.constant 96 : i32
      %add3A_327 = arith.addi %mul3A_296, %add3A_326 : i32
      %get3A_328 = arith.index_cast %add3A_327 : i32 to index
      %get3A_329 = tpu.vector_load %arg5[%get3A_328] {strides = array<i32>} : memref<10240xf32, #tpu.memory_space<vmem>>, vector<16xf32>,
      %get3A_330 = vector.shape_cast %get3A_329 : vector<16xf32> to vector<16xf32>
      %add3A_331 = arith.constant 112 : i32
      %add3A_332 = arith.addi %mul3A_296, %add3A_331 : i32
      %get3A_333 = arith.index_cast %add3A_332 : i32 to index
      %get3A_334 = tpu.vector_load %arg5[%get3A_333] {strides = array<i32>} : memref<10240xf32, #tpu.memory_space<vmem>>, vector<16xf32>,
      %get3A_335 = vector.shape_cast %get3A_334 : vector<16xf32> to vector<16xf32>
      %max3A = arith.maximumf %get3A_300, %get3A_305 : vector<16xf32>
      %min3A = arith.minimumf %get3A_300, %get3A_305 : vector<16xf32>
      %max3A_336 = arith.maximumf %get3A_310, %get3A_315 : vector<16xf32>
      %min3A_337 = arith.minimumf %get3A_310, %get3A_315 : vector<16xf32>
      %max3A_338 = arith.maximumf %get3A_320, %get3A_325 : vector<16xf32>
      %min3A_339 = arith.minimumf %get3A_320, %get3A_325 : vector<16xf32>
      %max3A_340 = arith.maximumf %get3A_330, %get3A_335 : vector<16xf32>
      %min3A_341 = arith.minimumf %get3A_330, %get3A_335 : vector<16xf32>
      %max3A_342 = arith.maximumf %max3A, %max3A_336 : vector<16xf32>
      %min3A_343 = arith.minimumf %max3A, %max3A_336 : vector<16xf32>
      %max3A_344 = arith.maximumf %min3A, %min3A_337 : vector<16xf32>
      %min3A_345 = arith.minimumf %min3A, %min3A_337 : vector<16xf32>
      %max3A_346 = arith.maximumf %max3A_338, %max3A_340 : vector<16xf32>
      %min3A_347 = arith.minimumf %max3A_338, %max3A_340 : vector<16xf32>
      %max3A_348 = arith.maximumf %min3A_339, %min3A_341 : vector<16xf32>
      %min3A_349 = arith.minimumf %min3A_339, %min3A_341 : vector<16xf32>
      %max3A_350 = arith.maximumf %max3A_344, %min3A_343 : vector<16xf32>
      %min3A_351 = arith.minimumf %max3A_344, %min3A_343 : vector<16xf32>
      %max3A_352 = arith.maximumf %max3A_348, %min3A_347 : vector<16xf32>
      %min3A_353 = arith.minimumf %max3A_348, %min3A_347 : vector<16xf32>
      %max3A_354 = arith.maximumf %max3A_342, %max3A_346 : vector<16xf32>
      %min3A_355 = arith.minimumf %max3A_342, %max3A_346 : vector<16xf32>
      %max3A_356 = arith.maximumf %max3A_350, %max3A_352 : vector<16xf32>
      %min3A_357 = arith.minimumf %max3A_350, %max3A_352 : vector<16xf32>
      %max3A_358 = arith.maximumf %min3A_351, %min3A_353 : vector<16xf32>
      %min3A_359 = arith.minimumf %min3A_351, %min3A_353 : vector<16xf32>
      %max3A_360 = arith.maximumf %min3A_345, %min3A_349 : vector<16xf32>
      %min3A_361 = arith.minimumf %min3A_345, %min3A_349 : vector<16xf32>
      %max3A_362 = arith.maximumf %max3A_358, %min3A_355 : vector<16xf32>
      %min3A_363 = arith.minimumf %max3A_358, %min3A_355 : vector<16xf32>
      %max3A_364 = arith.maximumf %max3A_360, %min3A_357 : vector<16xf32>
      %min3A_365 = arith.minimumf %max3A_360, %min3A_357 : vector<16xf32>
      %max3A_366 = arith.maximumf %max3A_356, %max3A_362 : vector<16xf32>
      %min3A_367 = arith.minimumf %max3A_356, %max3A_362 : vector<16xf32>
      %max3A_368 = arith.maximumf %max3A_364, %min3A_363 : vector<16xf32>
      %min3A_369 = arith.minimumf %max3A_364, %min3A_363 : vector<16xf32>
      %max3A_370 = arith.maximumf %min3A_365, %min3A_359 : vector<16xf32>
      %min3A_371 = arith.minimumf %min3A_365, %min3A_359 : vector<16xf32>
      %max3A_372 = arith.maximumf %scan3A_287, %min3A_361 : vector<16xf32>
      %max3A_373 = arith.maximumf %scan3A_288, %min3A_371 : vector<16xf32>
      %max3A_374 = arith.maximumf %scan3A_289, %max3A_370 : vector<16xf32>
      %max3A_375 = arith.maximumf %scan3A_290, %min3A_369 : vector<16xf32>
      %max3A_376 = arith.maximumf %scan3A_291, %max3A_368 : vector<16xf32>
      %max3A_377 = arith.maximumf %scan3A_292, %min3A_367 : vector<16xf32>
      %max3A_378 = arith.maximumf %scan3A_293, %max3A_366 : vector<16xf32>
      %max3A_379 = arith.maximumf %scan3A_294, %max3A_354 : vector<16xf32>
      %max3A_380 = arith.maximumf %max3A_372, %max3A_376 : vector<16xf32>
      %min3A_381 = arith.minimumf %max3A_372, %max3A_376 : vector<16xf32>
      %max3A_382 = arith.maximumf %max3A_373, %max3A_377 : vector<16xf32>
      %min3A_383 = arith.minimumf %max3A_373, %max3A_377 : vector<16xf32>
      %max3A_384 = arith.maximumf %max3A_374, %max3A_378 : vector<16xf32>
      %min3A_385 = arith.minimumf %max3A_374, %max3A_378 : vector<16xf32>
      %max3A_386 = arith.maximumf %max3A_375, %max3A_379 : vector<16xf32>
      %min3A_387 = arith.minimumf %max3A_375, %max3A_379 : vector<16xf32>
      %max3A_388 = arith.maximumf %max3A_380, %max3A_384 : vector<16xf32>
      %min3A_389 = arith.minimumf %max3A_380, %max3A_384 : vector<16xf32>
      %max3A_390 = arith.maximumf %max3A_382, %max3A_386 : vector<16xf32>
      %min3A_391 = arith.minimumf %max3A_382, %max3A_386 : vector<16xf32>
      %max3A_392 = arith.maximumf %min3A_381, %min3A_385 : vector<16xf32>
      %min3A_393 = arith.minimumf %min3A_381, %min3A_385 : vector<16xf32>
      %max3A_394 = arith.maximumf %min3A_383, %min3A_387 : vector<16xf32>
      %min3A_395 = arith.minimumf %min3A_383, %min3A_387 : vector<16xf32>
      %max3A_396 = arith.maximumf %max3A_388, %max3A_390 : vector<16xf32>
      %min3A_397 = arith.minimumf %max3A_388, %max3A_390 : vector<16xf32>
      %max3A_398 = arith.maximumf %min3A_389, %min3A_391 : vector<16xf32>
      %min3A_399 = arith.minimumf %min3A_389, %min3A_391 : vector<16xf32>
      %max3A_400 = arith.maximumf %max3A_392, %max3A_394 : vector<16xf32>
      %min3A_401 = arith.minimumf %max3A_392, %max3A_394 : vector<16xf32>
      %max3A_402 = arith.maximumf %min3A_393, %min3A_395 : vector<16xf32>
      %min3A_403 = arith.minimumf %min3A_393, %min3A_395 : vector<16xf32>
      scf.yield %max3A_396, %min3A_397, %max3A_398, %min3A_399, %max3A_400, %min3A_401, %max3A_402, %min3A_403 : vector<16xf32>, vector<16xf32>, vector<16xf32>, vector<16xf32>, vector<16xf32>, vector<16xf32>, vector<16xf32>, vector<16xf32>
    }
    %scan3A_101 = arith.constant 80 : i32
    %swap3A_102 = arith.constant 1 : i32
    %swap3A_103 = arith.index_cast %swap3A_102 : i32 to index
    %swap3A_104 = arith.constant 0 : index
    %swap3A_105 = tpu.vector_load %arg6[%swap3A_103, %swap3A_104] {strides = array<i32>} : memref<4x128xf32, #tpu.memory_space<vmem>>, vector<1x16xf32>,
    %swap3A_106 = vector.shape_cast %swap3A_105 : vector<1x16xf32> to vector<16xf32>
    %swap3A_107 = vector.shape_cast %scan3A_100#0 : vector<16xf32> to vector<1x16xf32>
    tpu.vector_store %arg6[%swap3A_103, %swap3A_104], %swap3A_107 {strides = array<i32>} : memref<4x128xf32, #tpu.memory_space<vmem>>, vector<1x16xf32>,
    %swap3A_108 = arith.constant 1 : i32
    %swap3A_109 = arith.index_cast %swap3A_108 : i32 to index
    %swap3A_110 = arith.constant 16 : index
    %swap3A_111 = tpu.vector_load %arg6[%swap3A_109, %swap3A_110] {strides = array<i32>} : memref<4x128xf32, #tpu.memory_space<vmem>>, vector<1x16xf32>,
    %swap3A_112 = vector.shape_cast %swap3A_111 : vector<1x16xf32> to vector<16xf32>
    %swap3A_113 = vector.shape_cast %scan3A_100#1 : vector<16xf32> to vector<1x16xf32>
    tpu.vector_store %arg6[%swap3A_109, %swap3A_110], %swap3A_113 {strides = array<i32>} : memref<4x128xf32, #tpu.memory_space<vmem>>, vector<1x16xf32>,
    %swap3A_114 = arith.constant 1 : i32
    %swap3A_115 = arith.index_cast %swap3A_114 : i32 to index
    %swap3A_116 = arith.constant 32 : index
    %swap3A_117 = tpu.vector_load %arg6[%swap3A_115, %swap3A_116] {strides = array<i32>} : memref<4x128xf32, #tpu.memory_space<vmem>>, vector<1x16xf32>,
    %swap3A_118 = vector.shape_cast %swap3A_117 : vector<1x16xf32> to vector<16xf32>
    %swap3A_119 = vector.shape_cast %scan3A_100#2 : vector<16xf32> to vector<1x16xf32>
    tpu.vector_store %arg6[%swap3A_115, %swap3A_116], %swap3A_119 {strides = array<i32>} : memref<4x128xf32, #tpu.memory_space<vmem>>, vector<1x16xf32>,
    %swap3A_120 = arith.constant 1 : i32
    %swap3A_121 = arith.index_cast %swap3A_120 : i32 to index
    %swap3A_122 = arith.constant 48 : index
    %swap3A_123 = tpu.vector_load %arg6[%swap3A_121, %swap3A_122] {strides = array<i32>} : memref<4x128xf32, #tpu.memory_space<vmem>>, vector<1x16xf32>,
    %swap3A_124 = vector.shape_cast %swap3A_123 : vector<1x16xf32> to vector<16xf32>
    %swap3A_125 = vector.shape_cast %scan3A_100#3 : vector<16xf32> to vector<1x16xf32>
    tpu.vector_store %arg6[%swap3A_121, %swap3A_122], %swap3A_125 {strides = array<i32>} : memref<4x128xf32, #tpu.memory_space<vmem>>, vector<1x16xf32>,
    %swap3A_126 = arith.constant 1 : i32
    %swap3A_127 = arith.index_cast %swap3A_126 : i32 to index
    %swap3A_128 = arith.constant 64 : index
    %swap3A_129 = tpu.vector_load %arg6[%swap3A_127, %swap3A_128] {strides = array<i32>} : memref<4x128xf32, #tpu.memory_space<vmem>>, vector<1x16xf32>,
    %swap3A_130 = vector.shape_cast %swap3A_129 : vector<1x16xf32> to vector<16xf32>
    %swap3A_131 = vector.shape_cast %scan3A_100#4 : vector<16xf32> to vector<1x16xf32>
    tpu.vector_store %arg6[%swap3A_127, %swap3A_128], %swap3A_131 {strides = array<i32>} : memref<4x128xf32, #tpu.memory_space<vmem>>, vector<1x16xf32>,
    %swap3A_132 = arith.constant 1 : i32
    %swap3A_133 = arith.index_cast %swap3A_132 : i32 to index
    %swap3A_134 = arith.constant 80 : index
    %swap3A_135 = tpu.vector_load %arg6[%swap3A_133, %swap3A_134] {strides = array<i32>} : memref<4x128xf32, #tpu.memory_space<vmem>>, vector<1x16xf32>,
    %swap3A_136 = vector.shape_cast %swap3A_135 : vector<1x16xf32> to vector<16xf32>
    %swap3A_137 = vector.shape_cast %scan3A_100#5 : vector<16xf32> to vector<1x16xf32>
    tpu.vector_store %arg6[%swap3A_133, %swap3A_134], %swap3A_137 {strides = array<i32>} : memref<4x128xf32, #tpu.memory_space<vmem>>, vector<1x16xf32>,
    %swap3A_138 = arith.constant 1 : i32
    %swap3A_139 = arith.index_cast %swap3A_138 : i32 to index
    %swap3A_140 = arith.constant 96 : index
    %swap3A_141 = tpu.vector_load %arg6[%swap3A_139, %swap3A_140] {strides = array<i32>} : memref<4x128xf32, #tpu.memory_space<vmem>>, vector<1x16xf32>,
    %swap3A_142 = vector.shape_cast %swap3A_141 : vector<1x16xf32> to vector<16xf32>
    %swap3A_143 = vector.shape_cast %scan3A_100#6 : vector<16xf32> to vector<1x16xf32>
    tpu.vector_store %arg6[%swap3A_139, %swap3A_140], %swap3A_143 {strides = array<i32>} : memref<4x128xf32, #tpu.memory_space<vmem>>, vector<1x16xf32>,
    %swap3A_144 = arith.constant 1 : i32
    %swap3A_145 = arith.index_cast %swap3A_144 : i32 to index
    %swap3A_146 = arith.constant 112 : index
    %swap3A_147 = tpu.vector_load %arg6[%swap3A_145, %swap3A_146] {strides = array<i32>} : memref<4x128xf32, #tpu.memory_space<vmem>>, vector<1x16xf32>,
    %swap3A_148 = vector.shape_cast %swap3A_147 : vector<1x16xf32> to vector<16xf32>
    %swap3A_149 = vector.shape_cast %scan3A_100#7 : vector<16xf32> to vector<1x16xf32>
    tpu.vector_store %arg6[%swap3A_145, %swap3A_146], %swap3A_149 {strides = array<i32>} : memref<4x128xf32, #tpu.memory_space<vmem>>, vector<1x16xf32>,
    %add3A_150 = arith.constant 3 : i32
    %add3A_151 = arith.addi %mul3A_2, %add3A_150 : i32
    %dma_start3A_152 = arith.constant 22528 : i32
    %dma_start3A_153 = tpu.memref_slice %arg2[%add3A_151, %dma_start3A_152] : memref<128x32768xf32, #tpu.memory_space<hbm>> -> memref<1x10240xf32, #tpu.memory_space<hbm>>
    %dma_start3A_154 = tpu.memref_squeeze %dma_start3A_153 : memref<1x10240xf32, #tpu.memory_space<hbm>> -> memref<10240xf32, #tpu.memory_space<hbm>>
    %dma_start3A_155 = arith.constant 22528 : i32
    %dma_start3A_156 = tpu.memref_slice %arg2[%add3A_151, %dma_start3A_155] : memref<128x32768xf32, #tpu.memory_space<hbm>> -> memref<1x10240xf32, #tpu.memory_space<hbm>>
    %dma_start3A_157 = tpu.memref_squeeze %dma_start3A_156 : memref<1x10240xf32, #tpu.memory_space<hbm>> -> memref<10240xf32, #tpu.memory_space<hbm>>
    tpu.enqueue_dma source(%dma_start3A_157 : memref<10240xf32, #tpu.memory_space<hbm>>) target(%arg5 : memref<10240xf32, #tpu.memory_space<vmem>>) target_semaphore(%arg8 : memref<!tpu.dma_semaphore, #tpu.memory_space<semaphore_mem>>)
    %add3A_158 = arith.constant 2 : i32
    %add3A_159 = arith.addi %mul3A_2, %add3A_158 : i32
    %dma_wait3A_160 = arith.constant 22528 : i32
    %dma_wait3A_161 = tpu.memref_slice %arg2[%add3A_159, %dma_wait3A_160] : memref<128x32768xf32, #tpu.memory_space<hbm>> -> memref<1x10240xf32, #tpu.memory_space<hbm>>
    %dma_wait3A_162 = tpu.memref_squeeze %dma_wait3A_161 : memref<1x10240xf32, #tpu.memory_space<hbm>> -> memref<10240xf32, #tpu.memory_space<hbm>>
    %dma_wait3A_163 = arith.constant 22528 : i32
    %dma_wait3A_164 = tpu.memref_slice %arg2[%add3A_159, %dma_wait3A_163] : memref<128x32768xf32, #tpu.memory_space<hbm>> -> memref<1x10240xf32, #tpu.memory_space<hbm>>
    %dma_wait3A_165 = tpu.memref_squeeze %dma_wait3A_164 : memref<1x10240xf32, #tpu.memory_space<hbm>> -> memref<10240xf32, #tpu.memory_space<hbm>>
    tpu.wait_dma2 semaphore(%arg7 : memref<!tpu.dma_semaphore, #tpu.memory_space<semaphore_mem>>) src(%dma_wait3A_165 : memref<10240xf32, #tpu.memory_space<hbm>>) dst(%arg4 : memref<10240xf32, #tpu.memory_space<vmem>>)
    %broadcast_in_dim3A_166 = arith.constant 0xFF800000 : f32
    %broadcast_in_dim3A_167 = vector.broadcast %broadcast_in_dim3A_166 : f32 to vector<16xf32>
    %scan3A_168 = arith.constant 0 : i32
    %scan3A_169 = arith.constant 80 : i32
    %scan3A_170 = arith.addi %scan3A_168, %scan3A_169 : i32
    %scan3A_171 = arith.constant 1 : i32
    %scan3A_172:8 = scf.for %scan3A_286 = %scan3A_168 to %scan3A_170 step %scan3A_171 iter_args(%scan3A_287 = %broadcast_in_dim3A_167, %scan3A_288 = %broadcast_in_dim3A_167, %scan3A_289 = %broadcast_in_dim3A_167, %scan3A_290 = %broadcast_in_dim3A_167, %scan3A_291 = %broadcast_in_dim3A_167, %scan3A_292 = %broadcast_in_dim3A_167, %scan3A_293 = %broadcast_in_dim3A_167, %scan3A_294 = %broadcast_in_dim3A_167) -> (vector<16xf32>, vector<16xf32>, vector<16xf32>, vector<16xf32>, vector<16xf32>, vector<16xf32>, vector<16xf32>, vector<16xf32>)  : i32 {
      %mul3A_295 = arith.constant 128 : i32
      %mul3A_296 = arith.muli %scan3A_286, %mul3A_295 : i32
      %add3A_297 = arith.constant 0 : i32
      %add3A_298 = arith.addi %mul3A_296, %add3A_297 : i32
      %get3A = arith.index_cast %add3A_298 : i32 to index
      %get3A_299 = tpu.vector_load %arg4[%get3A] {strides = array<i32>} : memref<10240xf32, #tpu.memory_space<vmem>>, vector<16xf32>,
      %get3A_300 = vector.shape_cast %get3A_299 : vector<16xf32> to vector<16xf32>
      %add3A_301 = arith.constant 16 : i32
      %add3A_302 = arith.addi %mul3A_296, %add3A_301 : i32
      %get3A_303 = arith.index_cast %add3A_302 : i32 to index
      %get3A_304 = tpu.vector_load %arg4[%get3A_303] {strides = array<i32>} : memref<10240xf32, #tpu.memory_space<vmem>>, vector<16xf32>,
      %get3A_305 = vector.shape_cast %get3A_304 : vector<16xf32> to vector<16xf32>
      %add3A_306 = arith.constant 32 : i32
      %add3A_307 = arith.addi %mul3A_296, %add3A_306 : i32
      %get3A_308 = arith.index_cast %add3A_307 : i32 to index
      %get3A_309 = tpu.vector_load %arg4[%get3A_308] {strides = array<i32>} : memref<10240xf32, #tpu.memory_space<vmem>>, vector<16xf32>,
      %get3A_310 = vector.shape_cast %get3A_309 : vector<16xf32> to vector<16xf32>
      %add3A_311 = arith.constant 48 : i32
      %add3A_312 = arith.addi %mul3A_296, %add3A_311 : i32
      %get3A_313 = arith.index_cast %add3A_312 : i32 to index
      %get3A_314 = tpu.vector_load %arg4[%get3A_313] {strides = array<i32>} : memref<10240xf32, #tpu.memory_space<vmem>>, vector<16xf32>,
      %get3A_315 = vector.shape_cast %get3A_314 : vector<16xf32> to vector<16xf32>
      %add3A_316 = arith.constant 64 : i32
      %add3A_317 = arith.addi %mul3A_296, %add3A_316 : i32
      %get3A_318 = arith.index_cast %add3A_317 : i32 to index
      %get3A_319 = tpu.vector_load %arg4[%get3A_318] {strides = array<i32>} : memref<10240xf32, #tpu.memory_space<vmem>>, vector<16xf32>,
      %get3A_320 = vector.shape_cast %get3A_319 : vector<16xf32> to vector<16xf32>
      %add3A_321 = arith.constant 80 : i32
      %add3A_322 = arith.addi %mul3A_296, %add3A_321 : i32
      %get3A_323 = arith.index_cast %add3A_322 : i32 to index
      %get3A_324 = tpu.vector_load %arg4[%get3A_323] {strides = array<i32>} : memref<10240xf32, #tpu.memory_space<vmem>>, vector<16xf32>,
      %get3A_325 = vector.shape_cast %get3A_324 : vector<16xf32> to vector<16xf32>
      %add3A_326 = arith.constant 96 : i32
      %add3A_327 = arith.addi %mul3A_296, %add3A_326 : i32
      %get3A_328 = arith.index_cast %add3A_327 : i32 to index
      %get3A_329 = tpu.vector_load %arg4[%get3A_328] {strides = array<i32>} : memref<10240xf32, #tpu.memory_space<vmem>>, vector<16xf32>,
      %get3A_330 = vector.shape_cast %get3A_329 : vector<16xf32> to vector<16xf32>
      %add3A_331 = arith.constant 112 : i32
      %add3A_332 = arith.addi %mul3A_296, %add3A_331 : i32
      %get3A_333 = arith.index_cast %add3A_332 : i32 to index
      %get3A_334 = tpu.vector_load %arg4[%get3A_333] {strides = array<i32>} : memref<10240xf32, #tpu.memory_space<vmem>>, vector<16xf32>,
      %get3A_335 = vector.shape_cast %get3A_334 : vector<16xf32> to vector<16xf32>
      %max3A = arith.maximumf %get3A_300, %get3A_305 : vector<16xf32>
      %min3A = arith.minimumf %get3A_300, %get3A_305 : vector<16xf32>
      %max3A_336 = arith.maximumf %get3A_310, %get3A_315 : vector<16xf32>
      %min3A_337 = arith.minimumf %get3A_310, %get3A_315 : vector<16xf32>
      %max3A_338 = arith.maximumf %get3A_320, %get3A_325 : vector<16xf32>
      %min3A_339 = arith.minimumf %get3A_320, %get3A_325 : vector<16xf32>
      %max3A_340 = arith.maximumf %get3A_330, %get3A_335 : vector<16xf32>
      %min3A_341 = arith.minimumf %get3A_330, %get3A_335 : vector<16xf32>
      %max3A_342 = arith.maximumf %max3A, %max3A_336 : vector<16xf32>
      %min3A_343 = arith.minimumf %max3A, %max3A_336 : vector<16xf32>
      %max3A_344 = arith.maximumf %min3A, %min3A_337 : vector<16xf32>
      %min3A_345 = arith.minimumf %min3A, %min3A_337 : vector<16xf32>
      %max3A_346 = arith.maximumf %max3A_338, %max3A_340 : vector<16xf32>
      %min3A_347 = arith.minimumf %max3A_338, %max3A_340 : vector<16xf32>
      %max3A_348 = arith.maximumf %min3A_339, %min3A_341 : vector<16xf32>
      %min3A_349 = arith.minimumf %min3A_339, %min3A_341 : vector<16xf32>
      %max3A_350 = arith.maximumf %max3A_344, %min3A_343 : vector<16xf32>
      %min3A_351 = arith.minimumf %max3A_344, %min3A_343 : vector<16xf32>
      %max3A_352 = arith.maximumf %max3A_348, %min3A_347 : vector<16xf32>
      %min3A_353 = arith.minimumf %max3A_348, %min3A_347 : vector<16xf32>
      %max3A_354 = arith.maximumf %max3A_342, %max3A_346 : vector<16xf32>
      %min3A_355 = arith.minimumf %max3A_342, %max3A_346 : vector<16xf32>
      %max3A_356 = arith.maximumf %max3A_350, %max3A_352 : vector<16xf32>
      %min3A_357 = arith.minimumf %max3A_350, %max3A_352 : vector<16xf32>
      %max3A_358 = arith.maximumf %min3A_351, %min3A_353 : vector<16xf32>
      %min3A_359 = arith.minimumf %min3A_351, %min3A_353 : vector<16xf32>
      %max3A_360 = arith.maximumf %min3A_345, %min3A_349 : vector<16xf32>
      %min3A_361 = arith.minimumf %min3A_345, %min3A_349 : vector<16xf32>
      %max3A_362 = arith.maximumf %max3A_358, %min3A_355 : vector<16xf32>
      %min3A_363 = arith.minimumf %max3A_358, %min3A_355 : vector<16xf32>
      %max3A_364 = arith.maximumf %max3A_360, %min3A_357 : vector<16xf32>
      %min3A_365 = arith.minimumf %max3A_360, %min3A_357 : vector<16xf32>
      %max3A_366 = arith.maximumf %max3A_356, %max3A_362 : vector<16xf32>
      %min3A_367 = arith.minimumf %max3A_356, %max3A_362 : vector<16xf32>
      %max3A_368 = arith.maximumf %max3A_364, %min3A_363 : vector<16xf32>
      %min3A_369 = arith.minimumf %max3A_364, %min3A_363 : vector<16xf32>
      %max3A_370 = arith.maximumf %min3A_365, %min3A_359 : vector<16xf32>
      %min3A_371 = arith.minimumf %min3A_365, %min3A_359 : vector<16xf32>
      %max3A_372 = arith.maximumf %scan3A_287, %min3A_361 : vector<16xf32>
      %max3A_373 = arith.maximumf %scan3A_288, %min3A_371 : vector<16xf32>
      %max3A_374 = arith.maximumf %scan3A_289, %max3A_370 : vector<16xf32>
      %max3A_375 = arith.maximumf %scan3A_290, %min3A_369 : vector<16xf32>
      %max3A_376 = arith.maximumf %scan3A_291, %max3A_368 : vector<16xf32>
      %max3A_377 = arith.maximumf %scan3A_292, %min3A_367 : vector<16xf32>
      %max3A_378 = arith.maximumf %scan3A_293, %max3A_366 : vector<16xf32>
      %max3A_379 = arith.maximumf %scan3A_294, %max3A_354 : vector<16xf32>
      %max3A_380 = arith.maximumf %max3A_372, %max3A_376 : vector<16xf32>
      %min3A_381 = arith.minimumf %max3A_372, %max3A_376 : vector<16xf32>
      %max3A_382 = arith.maximumf %max3A_373, %max3A_377 : vector<16xf32>
      %min3A_383 = arith.minimumf %max3A_373, %max3A_377 : vector<16xf32>
      %max3A_384 = arith.maximumf %max3A_374, %max3A_378 : vector<16xf32>
      %min3A_385 = arith.minimumf %max3A_374, %max3A_378 : vector<16xf32>
      %max3A_386 = arith.maximumf %max3A_375, %max3A_379 : vector<16xf32>
      %min3A_387 = arith.minimumf %max3A_375, %max3A_379 : vector<16xf32>
      %max3A_388 = arith.maximumf %max3A_380, %max3A_384 : vector<16xf32>
      %min3A_389 = arith.minimumf %max3A_380, %max3A_384 : vector<16xf32>
      %max3A_390 = arith.maximumf %max3A_382, %max3A_386 : vector<16xf32>
      %min3A_391 = arith.minimumf %max3A_382, %max3A_386 : vector<16xf32>
      %max3A_392 = arith.maximumf %min3A_381, %min3A_385 : vector<16xf32>
      %min3A_393 = arith.minimumf %min3A_381, %min3A_385 : vector<16xf32>
      %max3A_394 = arith.maximumf %min3A_383, %min3A_387 : vector<16xf32>
      %min3A_395 = arith.minimumf %min3A_383, %min3A_387 : vector<16xf32>
      %max3A_396 = arith.maximumf %max3A_388, %max3A_390 : vector<16xf32>
      %min3A_397 = arith.minimumf %max3A_388, %max3A_390 : vector<16xf32>
      %max3A_398 = arith.maximumf %min3A_389, %min3A_391 : vector<16xf32>
      %min3A_399 = arith.minimumf %min3A_389, %min3A_391 : vector<16xf32>
      %max3A_400 = arith.maximumf %max3A_392, %max3A_394 : vector<16xf32>
      %min3A_401 = arith.minimumf %max3A_392, %max3A_394 : vector<16xf32>
      %max3A_402 = arith.maximumf %min3A_393, %min3A_395 : vector<16xf32>
      %min3A_403 = arith.minimumf %min3A_393, %min3A_395 : vector<16xf32>
      scf.yield %max3A_396, %min3A_397, %max3A_398, %min3A_399, %max3A_400, %min3A_401, %max3A_402, %min3A_403 : vector<16xf32>, vector<16xf32>, vector<16xf32>, vector<16xf32>, vector<16xf32>, vector<16xf32>, vector<16xf32>, vector<16xf32>
    }
    %scan3A_173 = arith.constant 80 : i32
    %swap3A_174 = arith.constant 2 : i32
    %swap3A_175 = arith.index_cast %swap3A_174 : i32 to index
    %swap3A_176 = arith.constant 0 : index
    %swap3A_177 = tpu.vector_load %arg6[%swap3A_175, %swap3A_176] {strides = array<i32>} : memref<4x128xf32, #tpu.memory_space<vmem>>, vector<1x16xf32>,
    %swap3A_178 = vector.shape_cast %swap3A_177 : vector<1x16xf32> to vector<16xf32>
    %swap3A_179 = vector.shape_cast %scan3A_172#0 : vector<16xf32> to vector<1x16xf32>
    tpu.vector_store %arg6[%swap3A_175, %swap3A_176], %swap3A_179 {strides = array<i32>} : memref<4x128xf32, #tpu.memory_space<vmem>>, vector<1x16xf32>,
    %swap3A_180 = arith.constant 2 : i32
    %swap3A_181 = arith.index_cast %swap3A_180 : i32 to index
    %swap3A_182 = arith.constant 16 : index
    %swap3A_183 = tpu.vector_load %arg6[%swap3A_181, %swap3A_182] {strides = array<i32>} : memref<4x128xf32, #tpu.memory_space<vmem>>, vector<1x16xf32>,
    %swap3A_184 = vector.shape_cast %swap3A_183 : vector<1x16xf32> to vector<16xf32>
    %swap3A_185 = vector.shape_cast %scan3A_172#1 : vector<16xf32> to vector<1x16xf32>
    tpu.vector_store %arg6[%swap3A_181, %swap3A_182], %swap3A_185 {strides = array<i32>} : memref<4x128xf32, #tpu.memory_space<vmem>>, vector<1x16xf32>,
    %swap3A_186 = arith.constant 2 : i32
    %swap3A_187 = arith.index_cast %swap3A_186 : i32 to index
    %swap3A_188 = arith.constant 32 : index
    %swap3A_189 = tpu.vector_load %arg6[%swap3A_187, %swap3A_188] {strides = array<i32>} : memref<4x128xf32, #tpu.memory_space<vmem>>, vector<1x16xf32>,
    %swap3A_190 = vector.shape_cast %swap3A_189 : vector<1x16xf32> to vector<16xf32>
    %swap3A_191 = vector.shape_cast %scan3A_172#2 : vector<16xf32> to vector<1x16xf32>
    tpu.vector_store %arg6[%swap3A_187, %swap3A_188], %swap3A_191 {strides = array<i32>} : memref<4x128xf32, #tpu.memory_space<vmem>>, vector<1x16xf32>,
    %swap3A_192 = arith.constant 2 : i32
    %swap3A_193 = arith.index_cast %swap3A_192 : i32 to index
    %swap3A_194 = arith.constant 48 : index
    %swap3A_195 = tpu.vector_load %arg6[%swap3A_193, %swap3A_194] {strides = array<i32>} : memref<4x128xf32, #tpu.memory_space<vmem>>, vector<1x16xf32>,
    %swap3A_196 = vector.shape_cast %swap3A_195 : vector<1x16xf32> to vector<16xf32>
    %swap3A_197 = vector.shape_cast %scan3A_172#3 : vector<16xf32> to vector<1x16xf32>
    tpu.vector_store %arg6[%swap3A_193, %swap3A_194], %swap3A_197 {strides = array<i32>} : memref<4x128xf32, #tpu.memory_space<vmem>>, vector<1x16xf32>,
    %swap3A_198 = arith.constant 2 : i32
    %swap3A_199 = arith.index_cast %swap3A_198 : i32 to index
    %swap3A_200 = arith.constant 64 : index
    %swap3A_201 = tpu.vector_load %arg6[%swap3A_199, %swap3A_200] {strides = array<i32>} : memref<4x128xf32, #tpu.memory_space<vmem>>, vector<1x16xf32>,
    %swap3A_202 = vector.shape_cast %swap3A_201 : vector<1x16xf32> to vector<16xf32>
    %swap3A_203 = vector.shape_cast %scan3A_172#4 : vector<16xf32> to vector<1x16xf32>
    tpu.vector_store %arg6[%swap3A_199, %swap3A_200], %swap3A_203 {strides = array<i32>} : memref<4x128xf32, #tpu.memory_space<vmem>>, vector<1x16xf32>,
    %swap3A_204 = arith.constant 2 : i32
    %swap3A_205 = arith.index_cast %swap3A_204 : i32 to index
    %swap3A_206 = arith.constant 80 : index
    %swap3A_207 = tpu.vector_load %arg6[%swap3A_205, %swap3A_206] {strides = array<i32>} : memref<4x128xf32, #tpu.memory_space<vmem>>, vector<1x16xf32>,
    %swap3A_208 = vector.shape_cast %swap3A_207 : vector<1x16xf32> to vector<16xf32>
    %swap3A_209 = vector.shape_cast %scan3A_172#5 : vector<16xf32> to vector<1x16xf32>
    tpu.vector_store %arg6[%swap3A_205, %swap3A_206], %swap3A_209 {strides = array<i32>} : memref<4x128xf32, #tpu.memory_space<vmem>>, vector<1x16xf32>,
    %swap3A_210 = arith.constant 2 : i32
    %swap3A_211 = arith.index_cast %swap3A_210 : i32 to index
    %swap3A_212 = arith.constant 96 : index
    %swap3A_213 = tpu.vector_load %arg6[%swap3A_211, %swap3A_212] {strides = array<i32>} : memref<4x128xf32, #tpu.memory_space<vmem>>, vector<1x16xf32>,
    %swap3A_214 = vector.shape_cast %swap3A_213 : vector<1x16xf32> to vector<16xf32>
    %swap3A_215 = vector.shape_cast %scan3A_172#6 : vector<16xf32> to vector<1x16xf32>
    tpu.vector_store %arg6[%swap3A_211, %swap3A_212], %swap3A_215 {strides = array<i32>} : memref<4x128xf32, #tpu.memory_space<vmem>>, vector<1x16xf32>,
    %swap3A_216 = arith.constant 2 : i32
    %swap3A_217 = arith.index_cast %swap3A_216 : i32 to index
    %swap3A_218 = arith.constant 112 : index
    %swap3A_219 = tpu.vector_load %arg6[%swap3A_217, %swap3A_218] {strides = array<i32>} : memref<4x128xf32, #tpu.memory_space<vmem>>, vector<1x16xf32>,
    %swap3A_220 = vector.shape_cast %swap3A_219 : vector<1x16xf32> to vector<16xf32>
    %swap3A_221 = vector.shape_cast %scan3A_172#7 : vector<16xf32> to vector<1x16xf32>
    tpu.vector_store %arg6[%swap3A_217, %swap3A_218], %swap3A_221 {strides = array<i32>} : memref<4x128xf32, #tpu.memory_space<vmem>>, vector<1x16xf32>,
    %add3A_222 = arith.constant 3 : i32
    %add3A_223 = arith.addi %mul3A_2, %add3A_222 : i32
    %dma_wait3A_224 = arith.constant 22528 : i32
    %dma_wait3A_225 = tpu.memref_slice %arg2[%add3A_223, %dma_wait3A_224] : memref<128x32768xf32, #tpu.memory_space<hbm>> -> memref<1x10240xf32, #tpu.memory_space<hbm>>
    %dma_wait3A_226 = tpu.memref_squeeze %dma_wait3A_225 : memref<1x10240xf32, #tpu.memory_space<hbm>> -> memref<10240xf32, #tpu.memory_space<hbm>>
    %dma_wait3A_227 = arith.constant 22528 : i32
    %dma_wait3A_228 = tpu.memref_slice %arg2[%add3A_223, %dma_wait3A_227] : memref<128x32768xf32, #tpu.memory_space<hbm>> -> memref<1x10240xf32, #tpu.memory_space<hbm>>
    %dma_wait3A_229 = tpu.memref_squeeze %dma_wait3A_228 : memref<1x10240xf32, #tpu.memory_space<hbm>> -> memref<10240xf32, #tpu.memory_space<hbm>>
    tpu.wait_dma2 semaphore(%arg8 : memref<!tpu.dma_semaphore, #tpu.memory_space<semaphore_mem>>) src(%dma_wait3A_229 : memref<10240xf32, #tpu.memory_space<hbm>>) dst(%arg5 : memref<10240xf32, #tpu.memory_space<vmem>>)
    %broadcast_in_dim3A_230 = arith.constant 0xFF800000 : f32
    %broadcast_in_dim3A_231 = vector.broadcast %broadcast_in_dim3A_230 : f32 to vector<16xf32>
    %scan3A_232 = arith.constant 0 : i32
    %scan3A_233 = arith.constant 80 : i32
    %scan3A_234 = arith.addi %scan3A_232, %scan3A_233 : i32
    %scan3A_235 = arith.constant 1 : i32
    %scan3A_236:8 = scf.for %scan3A_286 = %scan3A_232 to %scan3A_234 step %scan3A_235 iter_args(%scan3A_287 = %broadcast_in_dim3A_231, %scan3A_288 = %broadcast_in_dim3A_231, %scan3A_289 = %broadcast_in_dim3A_231, %scan3A_290 = %broadcast_in_dim3A_231, %scan3A_291 = %broadcast_in_dim3A_231, %scan3A_292 = %broadcast_in_dim3A_231, %scan3A_293 = %broadcast_in_dim3A_231, %scan3A_294 = %broadcast_in_dim3A_231) -> (vector<16xf32>, vector<16xf32>, vector<16xf32>, vector<16xf32>, vector<16xf32>, vector<16xf32>, vector<16xf32>, vector<16xf32>)  : i32 {
      %mul3A_295 = arith.constant 128 : i32
      %mul3A_296 = arith.muli %scan3A_286, %mul3A_295 : i32
      %add3A_297 = arith.constant 0 : i32
      %add3A_298 = arith.addi %mul3A_296, %add3A_297 : i32
      %get3A = arith.index_cast %add3A_298 : i32 to index
      %get3A_299 = tpu.vector_load %arg5[%get3A] {strides = array<i32>} : memref<10240xf32, #tpu.memory_space<vmem>>, vector<16xf32>,
      %get3A_300 = vector.shape_cast %get3A_299 : vector<16xf32> to vector<16xf32>
      %add3A_301 = arith.constant 16 : i32
      %add3A_302 = arith.addi %mul3A_296, %add3A_301 : i32
      %get3A_303 = arith.index_cast %add3A_302 : i32 to index
      %get3A_304 = tpu.vector_load %arg5[%get3A_303] {strides = array<i32>} : memref<10240xf32, #tpu.memory_space<vmem>>, vector<16xf32>,
      %get3A_305 = vector.shape_cast %get3A_304 : vector<16xf32> to vector<16xf32>
      %add3A_306 = arith.constant 32 : i32
      %add3A_307 = arith.addi %mul3A_296, %add3A_306 : i32
      %get3A_308 = arith.index_cast %add3A_307 : i32 to index
      %get3A_309 = tpu.vector_load %arg5[%get3A_308] {strides = array<i32>} : memref<10240xf32, #tpu.memory_space<vmem>>, vector<16xf32>,
      %get3A_310 = vector.shape_cast %get3A_309 : vector<16xf32> to vector<16xf32>
      %add3A_311 = arith.constant 48 : i32
      %add3A_312 = arith.addi %mul3A_296, %add3A_311 : i32
      %get3A_313 = arith.index_cast %add3A_312 : i32 to index
      %get3A_314 = tpu.vector_load %arg5[%get3A_313] {strides = array<i32>} : memref<10240xf32, #tpu.memory_space<vmem>>, vector<16xf32>,
      %get3A_315 = vector.shape_cast %get3A_314 : vector<16xf32> to vector<16xf32>
      %add3A_316 = arith.constant 64 : i32
      %add3A_317 = arith.addi %mul3A_296, %add3A_316 : i32
      %get3A_318 = arith.index_cast %add3A_317 : i32 to index
      %get3A_319 = tpu.vector_load %arg5[%get3A_318] {strides = array<i32>} : memref<10240xf32, #tpu.memory_space<vmem>>, vector<16xf32>,
      %get3A_320 = vector.shape_cast %get3A_319 : vector<16xf32> to vector<16xf32>
      %add3A_321 = arith.constant 80 : i32
      %add3A_322 = arith.addi %mul3A_296, %add3A_321 : i32
      %get3A_323 = arith.index_cast %add3A_322 : i32 to index
      %get3A_324 = tpu.vector_load %arg5[%get3A_323] {strides = array<i32>} : memref<10240xf32, #tpu.memory_space<vmem>>, vector<16xf32>,
      %get3A_325 = vector.shape_cast %get3A_324 : vector<16xf32> to vector<16xf32>
      %add3A_326 = arith.constant 96 : i32
      %add3A_327 = arith.addi %mul3A_296, %add3A_326 : i32
      %get3A_328 = arith.index_cast %add3A_327 : i32 to index
      %get3A_329 = tpu.vector_load %arg5[%get3A_328] {strides = array<i32>} : memref<10240xf32, #tpu.memory_space<vmem>>, vector<16xf32>,
      %get3A_330 = vector.shape_cast %get3A_329 : vector<16xf32> to vector<16xf32>
      %add3A_331 = arith.constant 112 : i32
      %add3A_332 = arith.addi %mul3A_296, %add3A_331 : i32
      %get3A_333 = arith.index_cast %add3A_332 : i32 to index
      %get3A_334 = tpu.vector_load %arg5[%get3A_333] {strides = array<i32>} : memref<10240xf32, #tpu.memory_space<vmem>>, vector<16xf32>,
      %get3A_335 = vector.shape_cast %get3A_334 : vector<16xf32> to vector<16xf32>
      %max3A = arith.maximumf %get3A_300, %get3A_305 : vector<16xf32>
      %min3A = arith.minimumf %get3A_300, %get3A_305 : vector<16xf32>
      %max3A_336 = arith.maximumf %get3A_310, %get3A_315 : vector<16xf32>
      %min3A_337 = arith.minimumf %get3A_310, %get3A_315 : vector<16xf32>
      %max3A_338 = arith.maximumf %get3A_320, %get3A_325 : vector<16xf32>
      %min3A_339 = arith.minimumf %get3A_320, %get3A_325 : vector<16xf32>
      %max3A_340 = arith.maximumf %get3A_330, %get3A_335 : vector<16xf32>
      %min3A_341 = arith.minimumf %get3A_330, %get3A_335 : vector<16xf32>
      %max3A_342 = arith.maximumf %max3A, %max3A_336 : vector<16xf32>
      %min3A_343 = arith.minimumf %max3A, %max3A_336 : vector<16xf32>
      %max3A_344 = arith.maximumf %min3A, %min3A_337 : vector<16xf32>
      %min3A_345 = arith.minimumf %min3A, %min3A_337 : vector<16xf32>
      %max3A_346 = arith.maximumf %max3A_338, %max3A_340 : vector<16xf32>
      %min3A_347 = arith.minimumf %max3A_338, %max3A_340 : vector<16xf32>
      %max3A_348 = arith.maximumf %min3A_339, %min3A_341 : vector<16xf32>
      %min3A_349 = arith.minimumf %min3A_339, %min3A_341 : vector<16xf32>
      %max3A_350 = arith.maximumf %max3A_344, %min3A_343 : vector<16xf32>
      %min3A_351 = arith.minimumf %max3A_344, %min3A_343 : vector<16xf32>
      %max3A_352 = arith.maximumf %max3A_348, %min3A_347 : vector<16xf32>
      %min3A_353 = arith.minimumf %max3A_348, %min3A_347 : vector<16xf32>
      %max3A_354 = arith.maximumf %max3A_342, %max3A_346 : vector<16xf32>
      %min3A_355 = arith.minimumf %max3A_342, %max3A_346 : vector<16xf32>
      %max3A_356 = arith.maximumf %max3A_350, %max3A_352 : vector<16xf32>
      %min3A_357 = arith.minimumf %max3A_350, %max3A_352 : vector<16xf32>
      %max3A_358 = arith.maximumf %min3A_351, %min3A_353 : vector<16xf32>
      %min3A_359 = arith.minimumf %min3A_351, %min3A_353 : vector<16xf32>
      %max3A_360 = arith.maximumf %min3A_345, %min3A_349 : vector<16xf32>
      %min3A_361 = arith.minimumf %min3A_345, %min3A_349 : vector<16xf32>
      %max3A_362 = arith.maximumf %max3A_358, %min3A_355 : vector<16xf32>
      %min3A_363 = arith.minimumf %max3A_358, %min3A_355 : vector<16xf32>
      %max3A_364 = arith.maximumf %max3A_360, %min3A_357 : vector<16xf32>
      %min3A_365 = arith.minimumf %max3A_360, %min3A_357 : vector<16xf32>
      %max3A_366 = arith.maximumf %max3A_356, %max3A_362 : vector<16xf32>
      %min3A_367 = arith.minimumf %max3A_356, %max3A_362 : vector<16xf32>
      %max3A_368 = arith.maximumf %max3A_364, %min3A_363 : vector<16xf32>
      %min3A_369 = arith.minimumf %max3A_364, %min3A_363 : vector<16xf32>
      %max3A_370 = arith.maximumf %min3A_365, %min3A_359 : vector<16xf32>
      %min3A_371 = arith.minimumf %min3A_365, %min3A_359 : vector<16xf32>
      %max3A_372 = arith.maximumf %scan3A_287, %min3A_361 : vector<16xf32>
      %max3A_373 = arith.maximumf %scan3A_288, %min3A_371 : vector<16xf32>
      %max3A_374 = arith.maximumf %scan3A_289, %max3A_370 : vector<16xf32>
      %max3A_375 = arith.maximumf %scan3A_290, %min3A_369 : vector<16xf32>
      %max3A_376 = arith.maximumf %scan3A_291, %max3A_368 : vector<16xf32>
      %max3A_377 = arith.maximumf %scan3A_292, %min3A_367 : vector<16xf32>
      %max3A_378 = arith.maximumf %scan3A_293, %max3A_366 : vector<16xf32>
      %max3A_379 = arith.maximumf %scan3A_294, %max3A_354 : vector<16xf32>
      %max3A_380 = arith.maximumf %max3A_372, %max3A_376 : vector<16xf32>
      %min3A_381 = arith.minimumf %max3A_372, %max3A_376 : vector<16xf32>
      %max3A_382 = arith.maximumf %max3A_373, %max3A_377 : vector<16xf32>
      %min3A_383 = arith.minimumf %max3A_373, %max3A_377 : vector<16xf32>
      %max3A_384 = arith.maximumf %max3A_374, %max3A_378 : vector<16xf32>
      %min3A_385 = arith.minimumf %max3A_374, %max3A_378 : vector<16xf32>
      %max3A_386 = arith.maximumf %max3A_375, %max3A_379 : vector<16xf32>
      %min3A_387 = arith.minimumf %max3A_375, %max3A_379 : vector<16xf32>
      %max3A_388 = arith.maximumf %max3A_380, %max3A_384 : vector<16xf32>
      %min3A_389 = arith.minimumf %max3A_380, %max3A_384 : vector<16xf32>
      %max3A_390 = arith.maximumf %max3A_382, %max3A_386 : vector<16xf32>
      %min3A_391 = arith.minimumf %max3A_382, %max3A_386 : vector<16xf32>
      %max3A_392 = arith.maximumf %min3A_381, %min3A_385 : vector<16xf32>
      %min3A_393 = arith.minimumf %min3A_381, %min3A_385 : vector<16xf32>
      %max3A_394 = arith.maximumf %min3A_383, %min3A_387 : vector<16xf32>
      %min3A_395 = arith.minimumf %min3A_383, %min3A_387 : vector<16xf32>
      %max3A_396 = arith.maximumf %max3A_388, %max3A_390 : vector<16xf32>
      %min3A_397 = arith.minimumf %max3A_388, %max3A_390 : vector<16xf32>
      %max3A_398 = arith.maximumf %min3A_389, %min3A_391 : vector<16xf32>
      %min3A_399 = arith.minimumf %min3A_389, %min3A_391 : vector<16xf32>
      %max3A_400 = arith.maximumf %max3A_392, %max3A_394 : vector<16xf32>
      %min3A_401 = arith.minimumf %max3A_392, %max3A_394 : vector<16xf32>
      %max3A_402 = arith.maximumf %min3A_393, %min3A_395 : vector<16xf32>
      %min3A_403 = arith.minimumf %min3A_393, %min3A_395 : vector<16xf32>
      scf.yield %max3A_396, %min3A_397, %max3A_398, %min3A_399, %max3A_400, %min3A_401, %max3A_402, %min3A_403 : vector<16xf32>, vector<16xf32>, vector<16xf32>, vector<16xf32>, vector<16xf32>, vector<16xf32>, vector<16xf32>, vector<16xf32>
    }
    %scan3A_237 = arith.constant 80 : i32
    %swap3A_238 = arith.constant 3 : i32
    %swap3A_239 = arith.index_cast %swap3A_238 : i32 to index
    %swap3A_240 = arith.constant 0 : index
    %swap3A_241 = tpu.vector_load %arg6[%swap3A_239, %swap3A_240] {strides = array<i32>} : memref<4x128xf32, #tpu.memory_space<vmem>>, vector<1x16xf32>,
    %swap3A_242 = vector.shape_cast %swap3A_241 : vector<1x16xf32> to vector<16xf32>
    %swap3A_243 = vector.shape_cast %scan3A_236#0 : vector<16xf32> to vector<1x16xf32>
    tpu.vector_store %arg6[%swap3A_239, %swap3A_240], %swap3A_243 {strides = array<i32>} : memref<4x128xf32, #tpu.memory_space<vmem>>, vector<1x16xf32>,
    %swap3A_244 = arith.constant 3 : i32
    %swap3A_245 = arith.index_cast %swap3A_244 : i32 to index
    %swap3A_246 = arith.constant 16 : index
    %swap3A_247 = tpu.vector_load %arg6[%swap3A_245, %swap3A_246] {strides = array<i32>} : memref<4x128xf32, #tpu.memory_space<vmem>>, vector<1x16xf32>,
    %swap3A_248 = vector.shape_cast %swap3A_247 : vector<1x16xf32> to vector<16xf32>
    %swap3A_249 = vector.shape_cast %scan3A_236#1 : vector<16xf32> to vector<1x16xf32>
    tpu.vector_store %arg6[%swap3A_245, %swap3A_246], %swap3A_249 {strides = array<i32>} : memref<4x128xf32, #tpu.memory_space<vmem>>, vector<1x16xf32>,
    %swap3A_250 = arith.constant 3 : i32
    %swap3A_251 = arith.index_cast %swap3A_250 : i32 to index
    %swap3A_252 = arith.constant 32 : index
    %swap3A_253 = tpu.vector_load %arg6[%swap3A_251, %swap3A_252] {strides = array<i32>} : memref<4x128xf32, #tpu.memory_space<vmem>>, vector<1x16xf32>,
    %swap3A_254 = vector.shape_cast %swap3A_253 : vector<1x16xf32> to vector<16xf32>
    %swap3A_255 = vector.shape_cast %scan3A_236#2 : vector<16xf32> to vector<1x16xf32>
    tpu.vector_store %arg6[%swap3A_251, %swap3A_252], %swap3A_255 {strides = array<i32>} : memref<4x128xf32, #tpu.memory_space<vmem>>, vector<1x16xf32>,
    %swap3A_256 = arith.constant 3 : i32
    %swap3A_257 = arith.index_cast %swap3A_256 : i32 to index
    %swap3A_258 = arith.constant 48 : index
    %swap3A_259 = tpu.vector_load %arg6[%swap3A_257, %swap3A_258] {strides = array<i32>} : memref<4x128xf32, #tpu.memory_space<vmem>>, vector<1x16xf32>,
    %swap3A_260 = vector.shape_cast %swap3A_259 : vector<1x16xf32> to vector<16xf32>
    %swap3A_261 = vector.shape_cast %scan3A_236#3 : vector<16xf32> to vector<1x16xf32>
    tpu.vector_store %arg6[%swap3A_257, %swap3A_258], %swap3A_261 {strides = array<i32>} : memref<4x128xf32, #tpu.memory_space<vmem>>, vector<1x16xf32>,
    %swap3A_262 = arith.constant 3 : i32
    %swap3A_263 = arith.index_cast %swap3A_262 : i32 to index
    %swap3A_264 = arith.constant 64 : index
    %swap3A_265 = tpu.vector_load %arg6[%swap3A_263, %swap3A_264] {strides = array<i32>} : memref<4x128xf32, #tpu.memory_space<vmem>>, vector<1x16xf32>,
    %swap3A_266 = vector.shape_cast %swap3A_265 : vector<1x16xf32> to vector<16xf32>
    %swap3A_267 = vector.shape_cast %scan3A_236#4 : vector<16xf32> to vector<1x16xf32>
    tpu.vector_store %arg6[%swap3A_263, %swap3A_264], %swap3A_267 {strides = array<i32>} : memref<4x128xf32, #tpu.memory_space<vmem>>, vector<1x16xf32>,
    %swap3A_268 = arith.constant 3 : i32
    %swap3A_269 = arith.index_cast %swap3A_268 : i32 to index
    %swap3A_270 = arith.constant 80 : index
    %swap3A_271 = tpu.vector_load %arg6[%swap3A_269, %swap3A_270] {strides = array<i32>} : memref<4x128xf32, #tpu.memory_space<vmem>>, vector<1x16xf32>,
    %swap3A_272 = vector.shape_cast %swap3A_271 : vector<1x16xf32> to vector<16xf32>
    %swap3A_273 = vector.shape_cast %scan3A_236#5 : vector<16xf32> to vector<1x16xf32>
    tpu.vector_store %arg6[%swap3A_269, %swap3A_270], %swap3A_273 {strides = array<i32>} : memref<4x128xf32, #tpu.memory_space<vmem>>, vector<1x16xf32>,
    %swap3A_274 = arith.constant 3 : i32
    %swap3A_275 = arith.index_cast %swap3A_274 : i32 to index
    %swap3A_276 = arith.constant 96 : index
    %swap3A_277 = tpu.vector_load %arg6[%swap3A_275, %swap3A_276] {strides = array<i32>} : memref<4x128xf32, #tpu.memory_space<vmem>>, vector<1x16xf32>,
    %swap3A_278 = vector.shape_cast %swap3A_277 : vector<1x16xf32> to vector<16xf32>
    %swap3A_279 = vector.shape_cast %scan3A_236#6 : vector<16xf32> to vector<1x16xf32>
    tpu.vector_store %arg6[%swap3A_275, %swap3A_276], %swap3A_279 {strides = array<i32>} : memref<4x128xf32, #tpu.memory_space<vmem>>, vector<1x16xf32>,
    %swap3A_280 = arith.constant 3 : i32
    %swap3A_281 = arith.index_cast %swap3A_280 : i32 to index
    %swap3A_282 = arith.constant 112 : index
    %swap3A_283 = tpu.vector_load %arg6[%swap3A_281, %swap3A_282] {strides = array<i32>} : memref<4x128xf32, #tpu.memory_space<vmem>>, vector<1x16xf32>,
    %swap3A_284 = vector.shape_cast %swap3A_283 : vector<1x16xf32> to vector<16xf32>
    %swap3A_285 = vector.shape_cast %scan3A_236#7 : vector<16xf32> to vector<1x16xf32>
    tpu.vector_store %arg6[%swap3A_281, %swap3A_282], %swap3A_285 {strides = array<i32>} : memref<4x128xf32, #tpu.memory_space<vmem>>, vector<1x16xf32>,
    "tpu.region"() ({
      %run_scoped3A = tpu.sem_alloc : memref<!tpu.dma_semaphore, #tpu.memory_space<semaphore_mem>>
      %dma_start3A_286 = arith.constant 0 : i32
      %dma_start3A_287 = tpu.memref_slice %arg3[%mul3A_2, %dma_start3A_286] : memref<128x128xf32, #tpu.memory_space<hbm>> -> memref<4x128xf32, #tpu.memory_space<hbm>>
      %dma_start3A_288 = arith.constant 0 : i32
      %dma_start3A_289 = tpu.memref_slice %arg3[%mul3A_2, %dma_start3A_288] : memref<128x128xf32, #tpu.memory_space<hbm>> -> memref<4x128xf32, #tpu.memory_space<hbm>>
      tpu.enqueue_dma source(%arg6 : memref<4x128xf32, #tpu.memory_space<vmem>>) target(%dma_start3A_289 : memref<4x128xf32, #tpu.memory_space<hbm>>) target_semaphore(%run_scoped3A : memref<!tpu.dma_semaphore, #tpu.memory_space<semaphore_mem>>)
      %dma_wait3A_290 = arith.constant 0 : i32
      %dma_wait3A_291 = tpu.memref_slice %arg3[%mul3A_2, %dma_wait3A_290] : memref<128x128xf32, #tpu.memory_space<hbm>> -> memref<4x128xf32, #tpu.memory_space<hbm>>
      %dma_wait3A_292 = arith.constant 0 : i32
      %dma_wait3A_293 = tpu.memref_slice %arg3[%mul3A_2, %dma_wait3A_292] : memref<128x128xf32, #tpu.memory_space<hbm>> -> memref<4x128xf32, #tpu.memory_space<hbm>>
      tpu.wait_dma2 semaphore(%run_scoped3A : memref<!tpu.dma_semaphore, #tpu.memory_space<semaphore_mem>>) src(%arg6 : memref<4x128xf32, #tpu.memory_space<vmem>>) dst(%dma_wait3A_293 : memref<4x128xf32, #tpu.memory_space<hbm>>)
      tpu.yield
    }) : () -> ()
    return
  }
}

module attributes {stable_mosaic.version = 14 : i64} {
  func.func @_tc_kernel(%arg0: i32, %arg1: memref<8x22528xf32, #tpu.memory_space<vmem>>, %arg2: memref<128x8xf32, #tpu.memory_space<vmem>>, %arg3: memref<128x1024xf32, #tpu.memory_space<vmem>>) attributes {dimension_semantics = [#tpu.dimension_semantics<arbitrary>], iteration_bounds = array<i64: 16>, scalar_prefetch = 0 : i64, scratch_operands = 1 : i64, tpu.core_type = #tpu.core_type<tc>, window_params = [{transform_indices = @transform_0, window_bounds = array<i64: 8, 22528>}, {pipeline_mode = #tpu.pipeline_mode<synchronous>, transform_indices = @transform_1, window_bounds = array<i64: 128, 8>}]} {
    %get3A = arith.constant 0 : index
    %get3A_0 = arith.constant 0 : index
    %get3A_1 = vector.load %arg1[%get3A, %get3A_0] : memref<8x22528xf32, #tpu.memory_space<vmem>>, vector<8x128xf32>
    %get3A_2 = arith.constant 0 : index
    %get3A_3 = arith.constant 128 : index
    %get3A_4 = vector.load %arg1[%get3A_2, %get3A_3] : memref<8x22528xf32, #tpu.memory_space<vmem>>, vector<8x128xf32>
    %get3A_5 = arith.constant 0 : index
    %get3A_6 = arith.constant 256 : index
    %get3A_7 = vector.load %arg1[%get3A_5, %get3A_6] : memref<8x22528xf32, #tpu.memory_space<vmem>>, vector<8x128xf32>
    %get3A_8 = arith.constant 0 : index
    %get3A_9 = arith.constant 384 : index
    %get3A_10 = vector.load %arg1[%get3A_8, %get3A_9] : memref<8x22528xf32, #tpu.memory_space<vmem>>, vector<8x128xf32>
    %get3A_11 = arith.constant 0 : index
    %get3A_12 = arith.constant 512 : index
    %get3A_13 = vector.load %arg1[%get3A_11, %get3A_12] : memref<8x22528xf32, #tpu.memory_space<vmem>>, vector<8x128xf32>
    %get3A_14 = arith.constant 0 : index
    %get3A_15 = arith.constant 640 : index
    %get3A_16 = vector.load %arg1[%get3A_14, %get3A_15] : memref<8x22528xf32, #tpu.memory_space<vmem>>, vector<8x128xf32>
    %get3A_17 = arith.constant 0 : index
    %get3A_18 = arith.constant 768 : index
    %get3A_19 = vector.load %arg1[%get3A_17, %get3A_18] : memref<8x22528xf32, #tpu.memory_space<vmem>>, vector<8x128xf32>
    %get3A_20 = arith.constant 0 : index
    %get3A_21 = arith.constant 896 : index
    %get3A_22 = vector.load %arg1[%get3A_20, %get3A_21] : memref<8x22528xf32, #tpu.memory_space<vmem>>, vector<8x128xf32>
    %max3A = arith.maximumf %get3A_1, %get3A_4 : vector<8x128xf32>
    %min3A = arith.minimumf %get3A_1, %get3A_4 : vector<8x128xf32>
    %max3A_23 = arith.maximumf %get3A_7, %get3A_10 : vector<8x128xf32>
    %min3A_24 = arith.minimumf %get3A_7, %get3A_10 : vector<8x128xf32>
    %max3A_25 = arith.maximumf %get3A_13, %get3A_16 : vector<8x128xf32>
    %min3A_26 = arith.minimumf %get3A_13, %get3A_16 : vector<8x128xf32>
    %max3A_27 = arith.maximumf %get3A_19, %get3A_22 : vector<8x128xf32>
    %min3A_28 = arith.minimumf %get3A_19, %get3A_22 : vector<8x128xf32>
    %max3A_29 = arith.maximumf %max3A, %max3A_23 : vector<8x128xf32>
    %min3A_30 = arith.minimumf %max3A, %max3A_23 : vector<8x128xf32>
    %max3A_31 = arith.maximumf %min3A, %min3A_24 : vector<8x128xf32>
    %min3A_32 = arith.minimumf %min3A, %min3A_24 : vector<8x128xf32>
    %max3A_33 = arith.maximumf %max3A_25, %max3A_27 : vector<8x128xf32>
    %min3A_34 = arith.minimumf %max3A_25, %max3A_27 : vector<8x128xf32>
    %max3A_35 = arith.maximumf %min3A_26, %min3A_28 : vector<8x128xf32>
    %min3A_36 = arith.minimumf %min3A_26, %min3A_28 : vector<8x128xf32>
    %max3A_37 = arith.maximumf %max3A_31, %min3A_30 : vector<8x128xf32>
    %min3A_38 = arith.minimumf %max3A_31, %min3A_30 : vector<8x128xf32>
    %max3A_39 = arith.maximumf %max3A_35, %min3A_34 : vector<8x128xf32>
    %min3A_40 = arith.minimumf %max3A_35, %min3A_34 : vector<8x128xf32>
    %max3A_41 = arith.maximumf %max3A_29, %max3A_33 : vector<8x128xf32>
    %min3A_42 = arith.minimumf %max3A_29, %max3A_33 : vector<8x128xf32>
    %max3A_43 = arith.maximumf %max3A_37, %max3A_39 : vector<8x128xf32>
    %min3A_44 = arith.minimumf %max3A_37, %max3A_39 : vector<8x128xf32>
    %max3A_45 = arith.maximumf %min3A_38, %min3A_40 : vector<8x128xf32>
    %min3A_46 = arith.minimumf %min3A_38, %min3A_40 : vector<8x128xf32>
    %max3A_47 = arith.maximumf %min3A_32, %min3A_36 : vector<8x128xf32>
    %min3A_48 = arith.minimumf %min3A_32, %min3A_36 : vector<8x128xf32>
    %max3A_49 = arith.maximumf %max3A_45, %min3A_42 : vector<8x128xf32>
    %min3A_50 = arith.minimumf %max3A_45, %min3A_42 : vector<8x128xf32>
    %max3A_51 = arith.maximumf %max3A_47, %min3A_44 : vector<8x128xf32>
    %min3A_52 = arith.minimumf %max3A_47, %min3A_44 : vector<8x128xf32>
    %max3A_53 = arith.maximumf %max3A_43, %max3A_49 : vector<8x128xf32>
    %min3A_54 = arith.minimumf %max3A_43, %max3A_49 : vector<8x128xf32>
    %max3A_55 = arith.maximumf %max3A_51, %min3A_50 : vector<8x128xf32>
    %min3A_56 = arith.minimumf %max3A_51, %min3A_50 : vector<8x128xf32>
    %max3A_57 = arith.maximumf %min3A_52, %min3A_46 : vector<8x128xf32>
    %min3A_58 = arith.minimumf %min3A_52, %min3A_46 : vector<8x128xf32>
    %get3A_59 = arith.constant 0 : index
    %get3A_60 = arith.constant 1024 : index
    %get3A_61 = vector.load %arg1[%get3A_59, %get3A_60] : memref<8x22528xf32, #tpu.memory_space<vmem>>, vector<8x128xf32>
    %get3A_62 = arith.constant 0 : index
    %get3A_63 = arith.constant 1152 : index
    %get3A_64 = vector.load %arg1[%get3A_62, %get3A_63] : memref<8x22528xf32, #tpu.memory_space<vmem>>, vector<8x128xf32>
    %get3A_65 = arith.constant 0 : index
    %get3A_66 = arith.constant 1280 : index
    %get3A_67 = vector.load %arg1[%get3A_65, %get3A_66] : memref<8x22528xf32, #tpu.memory_space<vmem>>, vector<8x128xf32>
    %get3A_68 = arith.constant 0 : index
    %get3A_69 = arith.constant 1408 : index
    %get3A_70 = vector.load %arg1[%get3A_68, %get3A_69] : memref<8x22528xf32, #tpu.memory_space<vmem>>, vector<8x128xf32>
    %get3A_71 = arith.constant 0 : index
    %get3A_72 = arith.constant 1536 : index
    %get3A_73 = vector.load %arg1[%get3A_71, %get3A_72] : memref<8x22528xf32, #tpu.memory_space<vmem>>, vector<8x128xf32>
    %get3A_74 = arith.constant 0 : index
    %get3A_75 = arith.constant 1664 : index
    %get3A_76 = vector.load %arg1[%get3A_74, %get3A_75] : memref<8x22528xf32, #tpu.memory_space<vmem>>, vector<8x128xf32>
    %get3A_77 = arith.constant 0 : index
    %get3A_78 = arith.constant 1792 : index
    %get3A_79 = vector.load %arg1[%get3A_77, %get3A_78] : memref<8x22528xf32, #tpu.memory_space<vmem>>, vector<8x128xf32>
    %get3A_80 = arith.constant 0 : index
    %get3A_81 = arith.constant 1920 : index
    %get3A_82 = vector.load %arg1[%get3A_80, %get3A_81] : memref<8x22528xf32, #tpu.memory_space<vmem>>, vector<8x128xf32>
    %max3A_83 = arith.maximumf %get3A_61, %get3A_64 : vector<8x128xf32>
    %min3A_84 = arith.minimumf %get3A_61, %get3A_64 : vector<8x128xf32>
    %max3A_85 = arith.maximumf %get3A_67, %get3A_70 : vector<8x128xf32>
    %min3A_86 = arith.minimumf %get3A_67, %get3A_70 : vector<8x128xf32>
    %max3A_87 = arith.maximumf %get3A_73, %get3A_76 : vector<8x128xf32>
    %min3A_88 = arith.minimumf %get3A_73, %get3A_76 : vector<8x128xf32>
    %max3A_89 = arith.maximumf %get3A_79, %get3A_82 : vector<8x128xf32>
    %min3A_90 = arith.minimumf %get3A_79, %get3A_82 : vector<8x128xf32>
    %max3A_91 = arith.maximumf %max3A_83, %max3A_85 : vector<8x128xf32>
    %min3A_92 = arith.minimumf %max3A_83, %max3A_85 : vector<8x128xf32>
    %max3A_93 = arith.maximumf %min3A_84, %min3A_86 : vector<8x128xf32>
    %min3A_94 = arith.minimumf %min3A_84, %min3A_86 : vector<8x128xf32>
    %max3A_95 = arith.maximumf %max3A_87, %max3A_89 : vector<8x128xf32>
    %min3A_96 = arith.minimumf %max3A_87, %max3A_89 : vector<8x128xf32>
    %max3A_97 = arith.maximumf %min3A_88, %min3A_90 : vector<8x128xf32>
    %min3A_98 = arith.minimumf %min3A_88, %min3A_90 : vector<8x128xf32>
    %max3A_99 = arith.maximumf %max3A_93, %min3A_92 : vector<8x128xf32>
    %min3A_100 = arith.minimumf %max3A_93, %min3A_92 : vector<8x128xf32>
    %max3A_101 = arith.maximumf %max3A_97, %min3A_96 : vector<8x128xf32>
    %min3A_102 = arith.minimumf %max3A_97, %min3A_96 : vector<8x128xf32>
    %max3A_103 = arith.maximumf %max3A_91, %max3A_95 : vector<8x128xf32>
    %min3A_104 = arith.minimumf %max3A_91, %max3A_95 : vector<8x128xf32>
    %max3A_105 = arith.maximumf %max3A_99, %max3A_101 : vector<8x128xf32>
    %min3A_106 = arith.minimumf %max3A_99, %max3A_101 : vector<8x128xf32>
    %max3A_107 = arith.maximumf %min3A_100, %min3A_102 : vector<8x128xf32>
    %min3A_108 = arith.minimumf %min3A_100, %min3A_102 : vector<8x128xf32>
    %max3A_109 = arith.maximumf %min3A_94, %min3A_98 : vector<8x128xf32>
    %min3A_110 = arith.minimumf %min3A_94, %min3A_98 : vector<8x128xf32>
    %max3A_111 = arith.maximumf %max3A_107, %min3A_104 : vector<8x128xf32>
    %min3A_112 = arith.minimumf %max3A_107, %min3A_104 : vector<8x128xf32>
    %max3A_113 = arith.maximumf %max3A_109, %min3A_106 : vector<8x128xf32>
    %min3A_114 = arith.minimumf %max3A_109, %min3A_106 : vector<8x128xf32>
    %max3A_115 = arith.maximumf %max3A_105, %max3A_111 : vector<8x128xf32>
    %min3A_116 = arith.minimumf %max3A_105, %max3A_111 : vector<8x128xf32>
    %max3A_117 = arith.maximumf %max3A_113, %min3A_112 : vector<8x128xf32>
    %min3A_118 = arith.minimumf %max3A_113, %min3A_112 : vector<8x128xf32>
    %max3A_119 = arith.maximumf %min3A_114, %min3A_108 : vector<8x128xf32>
    %min3A_120 = arith.minimumf %min3A_114, %min3A_108 : vector<8x128xf32>
    %get3A_121 = arith.constant 0 : index
    %get3A_122 = arith.constant 2048 : index
    %get3A_123 = vector.load %arg1[%get3A_121, %get3A_122] : memref<8x22528xf32, #tpu.memory_space<vmem>>, vector<8x128xf32>
    %get3A_124 = arith.constant 0 : index
    %get3A_125 = arith.constant 2176 : index
    %get3A_126 = vector.load %arg1[%get3A_124, %get3A_125] : memref<8x22528xf32, #tpu.memory_space<vmem>>, vector<8x128xf32>
    %get3A_127 = arith.constant 0 : index
    %get3A_128 = arith.constant 2304 : index
    %get3A_129 = vector.load %arg1[%get3A_127, %get3A_128] : memref<8x22528xf32, #tpu.memory_space<vmem>>, vector<8x128xf32>
    %get3A_130 = arith.constant 0 : index
    %get3A_131 = arith.constant 2432 : index
    %get3A_132 = vector.load %arg1[%get3A_130, %get3A_131] : memref<8x22528xf32, #tpu.memory_space<vmem>>, vector<8x128xf32>
    %get3A_133 = arith.constant 0 : index
    %get3A_134 = arith.constant 2560 : index
    %get3A_135 = vector.load %arg1[%get3A_133, %get3A_134] : memref<8x22528xf32, #tpu.memory_space<vmem>>, vector<8x128xf32>
    %get3A_136 = arith.constant 0 : index
    %get3A_137 = arith.constant 2688 : index
    %get3A_138 = vector.load %arg1[%get3A_136, %get3A_137] : memref<8x22528xf32, #tpu.memory_space<vmem>>, vector<8x128xf32>
    %get3A_139 = arith.constant 0 : index
    %get3A_140 = arith.constant 2816 : index
    %get3A_141 = vector.load %arg1[%get3A_139, %get3A_140] : memref<8x22528xf32, #tpu.memory_space<vmem>>, vector<8x128xf32>
    %get3A_142 = arith.constant 0 : index
    %get3A_143 = arith.constant 2944 : index
    %get3A_144 = vector.load %arg1[%get3A_142, %get3A_143] : memref<8x22528xf32, #tpu.memory_space<vmem>>, vector<8x128xf32>
    %max3A_145 = arith.maximumf %get3A_123, %get3A_126 : vector<8x128xf32>
    %min3A_146 = arith.minimumf %get3A_123, %get3A_126 : vector<8x128xf32>
    %max3A_147 = arith.maximumf %get3A_129, %get3A_132 : vector<8x128xf32>
    %min3A_148 = arith.minimumf %get3A_129, %get3A_132 : vector<8x128xf32>
    %max3A_149 = arith.maximumf %get3A_135, %get3A_138 : vector<8x128xf32>
    %min3A_150 = arith.minimumf %get3A_135, %get3A_138 : vector<8x128xf32>
    %max3A_151 = arith.maximumf %get3A_141, %get3A_144 : vector<8x128xf32>
    %min3A_152 = arith.minimumf %get3A_141, %get3A_144 : vector<8x128xf32>
    %max3A_153 = arith.maximumf %max3A_145, %max3A_147 : vector<8x128xf32>
    %min3A_154 = arith.minimumf %max3A_145, %max3A_147 : vector<8x128xf32>
    %max3A_155 = arith.maximumf %min3A_146, %min3A_148 : vector<8x128xf32>
    %min3A_156 = arith.minimumf %min3A_146, %min3A_148 : vector<8x128xf32>
    %max3A_157 = arith.maximumf %max3A_149, %max3A_151 : vector<8x128xf32>
    %min3A_158 = arith.minimumf %max3A_149, %max3A_151 : vector<8x128xf32>
    %max3A_159 = arith.maximumf %min3A_150, %min3A_152 : vector<8x128xf32>
    %min3A_160 = arith.minimumf %min3A_150, %min3A_152 : vector<8x128xf32>
    %max3A_161 = arith.maximumf %max3A_155, %min3A_154 : vector<8x128xf32>
    %min3A_162 = arith.minimumf %max3A_155, %min3A_154 : vector<8x128xf32>
    %max3A_163 = arith.maximumf %max3A_159, %min3A_158 : vector<8x128xf32>
    %min3A_164 = arith.minimumf %max3A_159, %min3A_158 : vector<8x128xf32>
    %max3A_165 = arith.maximumf %max3A_153, %max3A_157 : vector<8x128xf32>
    %min3A_166 = arith.minimumf %max3A_153, %max3A_157 : vector<8x128xf32>
    %max3A_167 = arith.maximumf %max3A_161, %max3A_163 : vector<8x128xf32>
    %min3A_168 = arith.minimumf %max3A_161, %max3A_163 : vector<8x128xf32>
    %max3A_169 = arith.maximumf %min3A_162, %min3A_164 : vector<8x128xf32>
    %min3A_170 = arith.minimumf %min3A_162, %min3A_164 : vector<8x128xf32>
    %max3A_171 = arith.maximumf %min3A_156, %min3A_160 : vector<8x128xf32>
    %min3A_172 = arith.minimumf %min3A_156, %min3A_160 : vector<8x128xf32>
    %max3A_173 = arith.maximumf %max3A_169, %min3A_166 : vector<8x128xf32>
    %min3A_174 = arith.minimumf %max3A_169, %min3A_166 : vector<8x128xf32>
    %max3A_175 = arith.maximumf %max3A_171, %min3A_168 : vector<8x128xf32>
    %min3A_176 = arith.minimumf %max3A_171, %min3A_168 : vector<8x128xf32>
    %max3A_177 = arith.maximumf %max3A_167, %max3A_173 : vector<8x128xf32>
    %min3A_178 = arith.minimumf %max3A_167, %max3A_173 : vector<8x128xf32>
    %max3A_179 = arith.maximumf %max3A_175, %min3A_174 : vector<8x128xf32>
    %min3A_180 = arith.minimumf %max3A_175, %min3A_174 : vector<8x128xf32>
    %max3A_181 = arith.maximumf %min3A_176, %min3A_170 : vector<8x128xf32>
    %min3A_182 = arith.minimumf %min3A_176, %min3A_170 : vector<8x128xf32>
    %get3A_183 = arith.constant 0 : index
    %get3A_184 = arith.constant 3072 : index
    %get3A_185 = vector.load %arg1[%get3A_183, %get3A_184] : memref<8x22528xf32, #tpu.memory_space<vmem>>, vector<8x128xf32>
    %get3A_186 = arith.constant 0 : index
    %get3A_187 = arith.constant 3200 : index
    %get3A_188 = vector.load %arg1[%get3A_186, %get3A_187] : memref<8x22528xf32, #tpu.memory_space<vmem>>, vector<8x128xf32>
    %get3A_189 = arith.constant 0 : index
    %get3A_190 = arith.constant 3328 : index
    %get3A_191 = vector.load %arg1[%get3A_189, %get3A_190] : memref<8x22528xf32, #tpu.memory_space<vmem>>, vector<8x128xf32>
    %get3A_192 = arith.constant 0 : index
    %get3A_193 = arith.constant 3456 : index
    %get3A_194 = vector.load %arg1[%get3A_192, %get3A_193] : memref<8x22528xf32, #tpu.memory_space<vmem>>, vector<8x128xf32>
    %get3A_195 = arith.constant 0 : index
    %get3A_196 = arith.constant 3584 : index
    %get3A_197 = vector.load %arg1[%get3A_195, %get3A_196] : memref<8x22528xf32, #tpu.memory_space<vmem>>, vector<8x128xf32>
    %get3A_198 = arith.constant 0 : index
    %get3A_199 = arith.constant 3712 : index
    %get3A_200 = vector.load %arg1[%get3A_198, %get3A_199] : memref<8x22528xf32, #tpu.memory_space<vmem>>, vector<8x128xf32>
    %get3A_201 = arith.constant 0 : index
    %get3A_202 = arith.constant 3840 : index
    %get3A_203 = vector.load %arg1[%get3A_201, %get3A_202] : memref<8x22528xf32, #tpu.memory_space<vmem>>, vector<8x128xf32>
    %get3A_204 = arith.constant 0 : index
    %get3A_205 = arith.constant 3968 : index
    %get3A_206 = vector.load %arg1[%get3A_204, %get3A_205] : memref<8x22528xf32, #tpu.memory_space<vmem>>, vector<8x128xf32>
    %max3A_207 = arith.maximumf %get3A_185, %get3A_188 : vector<8x128xf32>
    %min3A_208 = arith.minimumf %get3A_185, %get3A_188 : vector<8x128xf32>
    %max3A_209 = arith.maximumf %get3A_191, %get3A_194 : vector<8x128xf32>
    %min3A_210 = arith.minimumf %get3A_191, %get3A_194 : vector<8x128xf32>
    %max3A_211 = arith.maximumf %get3A_197, %get3A_200 : vector<8x128xf32>
    %min3A_212 = arith.minimumf %get3A_197, %get3A_200 : vector<8x128xf32>
    %max3A_213 = arith.maximumf %get3A_203, %get3A_206 : vector<8x128xf32>
    %min3A_214 = arith.minimumf %get3A_203, %get3A_206 : vector<8x128xf32>
    %max3A_215 = arith.maximumf %max3A_207, %max3A_209 : vector<8x128xf32>
    %min3A_216 = arith.minimumf %max3A_207, %max3A_209 : vector<8x128xf32>
    %max3A_217 = arith.maximumf %min3A_208, %min3A_210 : vector<8x128xf32>
    %min3A_218 = arith.minimumf %min3A_208, %min3A_210 : vector<8x128xf32>
    %max3A_219 = arith.maximumf %max3A_211, %max3A_213 : vector<8x128xf32>
    %min3A_220 = arith.minimumf %max3A_211, %max3A_213 : vector<8x128xf32>
    %max3A_221 = arith.maximumf %min3A_212, %min3A_214 : vector<8x128xf32>
    %min3A_222 = arith.minimumf %min3A_212, %min3A_214 : vector<8x128xf32>
    %max3A_223 = arith.maximumf %max3A_217, %min3A_216 : vector<8x128xf32>
    %min3A_224 = arith.minimumf %max3A_217, %min3A_216 : vector<8x128xf32>
    %max3A_225 = arith.maximumf %max3A_221, %min3A_220 : vector<8x128xf32>
    %min3A_226 = arith.minimumf %max3A_221, %min3A_220 : vector<8x128xf32>
    %max3A_227 = arith.maximumf %max3A_215, %max3A_219 : vector<8x128xf32>
    %min3A_228 = arith.minimumf %max3A_215, %max3A_219 : vector<8x128xf32>
    %max3A_229 = arith.maximumf %max3A_223, %max3A_225 : vector<8x128xf32>
    %min3A_230 = arith.minimumf %max3A_223, %max3A_225 : vector<8x128xf32>
    %max3A_231 = arith.maximumf %min3A_224, %min3A_226 : vector<8x128xf32>
    %min3A_232 = arith.minimumf %min3A_224, %min3A_226 : vector<8x128xf32>
    %max3A_233 = arith.maximumf %min3A_218, %min3A_222 : vector<8x128xf32>
    %min3A_234 = arith.minimumf %min3A_218, %min3A_222 : vector<8x128xf32>
    %max3A_235 = arith.maximumf %max3A_231, %min3A_228 : vector<8x128xf32>
    %min3A_236 = arith.minimumf %max3A_231, %min3A_228 : vector<8x128xf32>
    %max3A_237 = arith.maximumf %max3A_233, %min3A_230 : vector<8x128xf32>
    %min3A_238 = arith.minimumf %max3A_233, %min3A_230 : vector<8x128xf32>
    %max3A_239 = arith.maximumf %max3A_229, %max3A_235 : vector<8x128xf32>
    %min3A_240 = arith.minimumf %max3A_229, %max3A_235 : vector<8x128xf32>
    %max3A_241 = arith.maximumf %max3A_237, %min3A_236 : vector<8x128xf32>
    %min3A_242 = arith.minimumf %max3A_237, %min3A_236 : vector<8x128xf32>
    %max3A_243 = arith.maximumf %min3A_238, %min3A_232 : vector<8x128xf32>
    %min3A_244 = arith.minimumf %min3A_238, %min3A_232 : vector<8x128xf32>
    %get3A_245 = arith.constant 0 : index
    %get3A_246 = arith.constant 4096 : index
    %get3A_247 = vector.load %arg1[%get3A_245, %get3A_246] : memref<8x22528xf32, #tpu.memory_space<vmem>>, vector<8x128xf32>
    %get3A_248 = arith.constant 0 : index
    %get3A_249 = arith.constant 4224 : index
    %get3A_250 = vector.load %arg1[%get3A_248, %get3A_249] : memref<8x22528xf32, #tpu.memory_space<vmem>>, vector<8x128xf32>
    %get3A_251 = arith.constant 0 : index
    %get3A_252 = arith.constant 4352 : index
    %get3A_253 = vector.load %arg1[%get3A_251, %get3A_252] : memref<8x22528xf32, #tpu.memory_space<vmem>>, vector<8x128xf32>
    %get3A_254 = arith.constant 0 : index
    %get3A_255 = arith.constant 4480 : index
    %get3A_256 = vector.load %arg1[%get3A_254, %get3A_255] : memref<8x22528xf32, #tpu.memory_space<vmem>>, vector<8x128xf32>
    %get3A_257 = arith.constant 0 : index
    %get3A_258 = arith.constant 4608 : index
    %get3A_259 = vector.load %arg1[%get3A_257, %get3A_258] : memref<8x22528xf32, #tpu.memory_space<vmem>>, vector<8x128xf32>
    %get3A_260 = arith.constant 0 : index
    %get3A_261 = arith.constant 4736 : index
    %get3A_262 = vector.load %arg1[%get3A_260, %get3A_261] : memref<8x22528xf32, #tpu.memory_space<vmem>>, vector<8x128xf32>
    %get3A_263 = arith.constant 0 : index
    %get3A_264 = arith.constant 4864 : index
    %get3A_265 = vector.load %arg1[%get3A_263, %get3A_264] : memref<8x22528xf32, #tpu.memory_space<vmem>>, vector<8x128xf32>
    %get3A_266 = arith.constant 0 : index
    %get3A_267 = arith.constant 4992 : index
    %get3A_268 = vector.load %arg1[%get3A_266, %get3A_267] : memref<8x22528xf32, #tpu.memory_space<vmem>>, vector<8x128xf32>
    %max3A_269 = arith.maximumf %get3A_247, %get3A_250 : vector<8x128xf32>
    %min3A_270 = arith.minimumf %get3A_247, %get3A_250 : vector<8x128xf32>
    %max3A_271 = arith.maximumf %get3A_253, %get3A_256 : vector<8x128xf32>
    %min3A_272 = arith.minimumf %get3A_253, %get3A_256 : vector<8x128xf32>
    %max3A_273 = arith.maximumf %get3A_259, %get3A_262 : vector<8x128xf32>
    %min3A_274 = arith.minimumf %get3A_259, %get3A_262 : vector<8x128xf32>
    %max3A_275 = arith.maximumf %get3A_265, %get3A_268 : vector<8x128xf32>
    %min3A_276 = arith.minimumf %get3A_265, %get3A_268 : vector<8x128xf32>
    %max3A_277 = arith.maximumf %max3A_269, %max3A_271 : vector<8x128xf32>
    %min3A_278 = arith.minimumf %max3A_269, %max3A_271 : vector<8x128xf32>
    %max3A_279 = arith.maximumf %min3A_270, %min3A_272 : vector<8x128xf32>
    %min3A_280 = arith.minimumf %min3A_270, %min3A_272 : vector<8x128xf32>
    %max3A_281 = arith.maximumf %max3A_273, %max3A_275 : vector<8x128xf32>
    %min3A_282 = arith.minimumf %max3A_273, %max3A_275 : vector<8x128xf32>
    %max3A_283 = arith.maximumf %min3A_274, %min3A_276 : vector<8x128xf32>
    %min3A_284 = arith.minimumf %min3A_274, %min3A_276 : vector<8x128xf32>
    %max3A_285 = arith.maximumf %max3A_279, %min3A_278 : vector<8x128xf32>
    %min3A_286 = arith.minimumf %max3A_279, %min3A_278 : vector<8x128xf32>
    %max3A_287 = arith.maximumf %max3A_283, %min3A_282 : vector<8x128xf32>
    %min3A_288 = arith.minimumf %max3A_283, %min3A_282 : vector<8x128xf32>
    %max3A_289 = arith.maximumf %max3A_277, %max3A_281 : vector<8x128xf32>
    %min3A_290 = arith.minimumf %max3A_277, %max3A_281 : vector<8x128xf32>
    %max3A_291 = arith.maximumf %max3A_285, %max3A_287 : vector<8x128xf32>
    %min3A_292 = arith.minimumf %max3A_285, %max3A_287 : vector<8x128xf32>
    %max3A_293 = arith.maximumf %min3A_286, %min3A_288 : vector<8x128xf32>
    %min3A_294 = arith.minimumf %min3A_286, %min3A_288 : vector<8x128xf32>
    %max3A_295 = arith.maximumf %min3A_280, %min3A_284 : vector<8x128xf32>
    %min3A_296 = arith.minimumf %min3A_280, %min3A_284 : vector<8x128xf32>
    %max3A_297 = arith.maximumf %max3A_293, %min3A_290 : vector<8x128xf32>
    %min3A_298 = arith.minimumf %max3A_293, %min3A_290 : vector<8x128xf32>
    %max3A_299 = arith.maximumf %max3A_295, %min3A_292 : vector<8x128xf32>
    %min3A_300 = arith.minimumf %max3A_295, %min3A_292 : vector<8x128xf32>
    %max3A_301 = arith.maximumf %max3A_291, %max3A_297 : vector<8x128xf32>
    %min3A_302 = arith.minimumf %max3A_291, %max3A_297 : vector<8x128xf32>
    %max3A_303 = arith.maximumf %max3A_299, %min3A_298 : vector<8x128xf32>
    %min3A_304 = arith.minimumf %max3A_299, %min3A_298 : vector<8x128xf32>
    %max3A_305 = arith.maximumf %min3A_300, %min3A_294 : vector<8x128xf32>
    %min3A_306 = arith.minimumf %min3A_300, %min3A_294 : vector<8x128xf32>
    %max3A_307 = arith.maximumf %max3A_41, %min3A_296 : vector<8x128xf32>
    %max3A_308 = arith.maximumf %max3A_53, %min3A_306 : vector<8x128xf32>
    %max3A_309 = arith.maximumf %min3A_54, %max3A_305 : vector<8x128xf32>
    %max3A_310 = arith.maximumf %max3A_55, %min3A_304 : vector<8x128xf32>
    %max3A_311 = arith.maximumf %min3A_56, %max3A_303 : vector<8x128xf32>
    %max3A_312 = arith.maximumf %max3A_57, %min3A_302 : vector<8x128xf32>
    %max3A_313 = arith.maximumf %min3A_58, %max3A_301 : vector<8x128xf32>
    %max3A_314 = arith.maximumf %min3A_48, %max3A_289 : vector<8x128xf32>
    %max3A_315 = arith.maximumf %max3A_307, %max3A_311 : vector<8x128xf32>
    %min3A_316 = arith.minimumf %max3A_307, %max3A_311 : vector<8x128xf32>
    %max3A_317 = arith.maximumf %max3A_308, %max3A_312 : vector<8x128xf32>
    %min3A_318 = arith.minimumf %max3A_308, %max3A_312 : vector<8x128xf32>
    %max3A_319 = arith.maximumf %max3A_309, %max3A_313 : vector<8x128xf32>
    %min3A_320 = arith.minimumf %max3A_309, %max3A_313 : vector<8x128xf32>
    %max3A_321 = arith.maximumf %max3A_310, %max3A_314 : vector<8x128xf32>
    %min3A_322 = arith.minimumf %max3A_310, %max3A_314 : vector<8x128xf32>
    %max3A_323 = arith.maximumf %max3A_315, %max3A_319 : vector<8x128xf32>
    %min3A_324 = arith.minimumf %max3A_315, %max3A_319 : vector<8x128xf32>
    %max3A_325 = arith.maximumf %max3A_317, %max3A_321 : vector<8x128xf32>
    %min3A_326 = arith.minimumf %max3A_317, %max3A_321 : vector<8x128xf32>
    %max3A_327 = arith.maximumf %min3A_316, %min3A_320 : vector<8x128xf32>
    %min3A_328 = arith.minimumf %min3A_316, %min3A_320 : vector<8x128xf32>
    %max3A_329 = arith.maximumf %min3A_318, %min3A_322 : vector<8x128xf32>
    %min3A_330 = arith.minimumf %min3A_318, %min3A_322 : vector<8x128xf32>
    %max3A_331 = arith.maximumf %max3A_323, %max3A_325 : vector<8x128xf32>
    %min3A_332 = arith.minimumf %max3A_323, %max3A_325 : vector<8x128xf32>
    %max3A_333 = arith.maximumf %min3A_324, %min3A_326 : vector<8x128xf32>
    %min3A_334 = arith.minimumf %min3A_324, %min3A_326 : vector<8x128xf32>
    %max3A_335 = arith.maximumf %max3A_327, %max3A_329 : vector<8x128xf32>
    %min3A_336 = arith.minimumf %max3A_327, %max3A_329 : vector<8x128xf32>
    %max3A_337 = arith.maximumf %min3A_328, %min3A_330 : vector<8x128xf32>
    %min3A_338 = arith.minimumf %min3A_328, %min3A_330 : vector<8x128xf32>
    %get3A_339 = arith.constant 0 : index
    %get3A_340 = arith.constant 5120 : index
    %get3A_341 = vector.load %arg1[%get3A_339, %get3A_340] : memref<8x22528xf32, #tpu.memory_space<vmem>>, vector<8x128xf32>
    %get3A_342 = arith.constant 0 : index
    %get3A_343 = arith.constant 5248 : index
    %get3A_344 = vector.load %arg1[%get3A_342, %get3A_343] : memref<8x22528xf32, #tpu.memory_space<vmem>>, vector<8x128xf32>
    %get3A_345 = arith.constant 0 : index
    %get3A_346 = arith.constant 5376 : index
    %get3A_347 = vector.load %arg1[%get3A_345, %get3A_346] : memref<8x22528xf32, #tpu.memory_space<vmem>>, vector<8x128xf32>
    %get3A_348 = arith.constant 0 : index
    %get3A_349 = arith.constant 5504 : index
    %get3A_350 = vector.load %arg1[%get3A_348, %get3A_349] : memref<8x22528xf32, #tpu.memory_space<vmem>>, vector<8x128xf32>
    %get3A_351 = arith.constant 0 : index
    %get3A_352 = arith.constant 5632 : index
    %get3A_353 = vector.load %arg1[%get3A_351, %get3A_352] : memref<8x22528xf32, #tpu.memory_space<vmem>>, vector<8x128xf32>
    %get3A_354 = arith.constant 0 : index
    %get3A_355 = arith.constant 5760 : index
    %get3A_356 = vector.load %arg1[%get3A_354, %get3A_355] : memref<8x22528xf32, #tpu.memory_space<vmem>>, vector<8x128xf32>
    %get3A_357 = arith.constant 0 : index
    %get3A_358 = arith.constant 5888 : index
    %get3A_359 = vector.load %arg1[%get3A_357, %get3A_358] : memref<8x22528xf32, #tpu.memory_space<vmem>>, vector<8x128xf32>
    %get3A_360 = arith.constant 0 : index
    %get3A_361 = arith.constant 6016 : index
    %get3A_362 = vector.load %arg1[%get3A_360, %get3A_361] : memref<8x22528xf32, #tpu.memory_space<vmem>>, vector<8x128xf32>
    %max3A_363 = arith.maximumf %get3A_341, %get3A_344 : vector<8x128xf32>
    %min3A_364 = arith.minimumf %get3A_341, %get3A_344 : vector<8x128xf32>
    %max3A_365 = arith.maximumf %get3A_347, %get3A_350 : vector<8x128xf32>
    %min3A_366 = arith.minimumf %get3A_347, %get3A_350 : vector<8x128xf32>
    %max3A_367 = arith.maximumf %get3A_353, %get3A_356 : vector<8x128xf32>
    %min3A_368 = arith.minimumf %get3A_353, %get3A_356 : vector<8x128xf32>
    %max3A_369 = arith.maximumf %get3A_359, %get3A_362 : vector<8x128xf32>
    %min3A_370 = arith.minimumf %get3A_359, %get3A_362 : vector<8x128xf32>
    %max3A_371 = arith.maximumf %max3A_363, %max3A_365 : vector<8x128xf32>
    %min3A_372 = arith.minimumf %max3A_363, %max3A_365 : vector<8x128xf32>
    %max3A_373 = arith.maximumf %min3A_364, %min3A_366 : vector<8x128xf32>
    %min3A_374 = arith.minimumf %min3A_364, %min3A_366 : vector<8x128xf32>
    %max3A_375 = arith.maximumf %max3A_367, %max3A_369 : vector<8x128xf32>
    %min3A_376 = arith.minimumf %max3A_367, %max3A_369 : vector<8x128xf32>
    %max3A_377 = arith.maximumf %min3A_368, %min3A_370 : vector<8x128xf32>
    %min3A_378 = arith.minimumf %min3A_368, %min3A_370 : vector<8x128xf32>
    %max3A_379 = arith.maximumf %max3A_373, %min3A_372 : vector<8x128xf32>
    %min3A_380 = arith.minimumf %max3A_373, %min3A_372 : vector<8x128xf32>
    %max3A_381 = arith.maximumf %max3A_377, %min3A_376 : vector<8x128xf32>
    %min3A_382 = arith.minimumf %max3A_377, %min3A_376 : vector<8x128xf32>
    %max3A_383 = arith.maximumf %max3A_371, %max3A_375 : vector<8x128xf32>
    %min3A_384 = arith.minimumf %max3A_371, %max3A_375 : vector<8x128xf32>
    %max3A_385 = arith.maximumf %max3A_379, %max3A_381 : vector<8x128xf32>
    %min3A_386 = arith.minimumf %max3A_379, %max3A_381 : vector<8x128xf32>
    %max3A_387 = arith.maximumf %min3A_380, %min3A_382 : vector<8x128xf32>
    %min3A_388 = arith.minimumf %min3A_380, %min3A_382 : vector<8x128xf32>
    %max3A_389 = arith.maximumf %min3A_374, %min3A_378 : vector<8x128xf32>
    %min3A_390 = arith.minimumf %min3A_374, %min3A_378 : vector<8x128xf32>
    %max3A_391 = arith.maximumf %max3A_387, %min3A_384 : vector<8x128xf32>
    %min3A_392 = arith.minimumf %max3A_387, %min3A_384 : vector<8x128xf32>
    %max3A_393 = arith.maximumf %max3A_389, %min3A_386 : vector<8x128xf32>
    %min3A_394 = arith.minimumf %max3A_389, %min3A_386 : vector<8x128xf32>
    %max3A_395 = arith.maximumf %max3A_385, %max3A_391 : vector<8x128xf32>
    %min3A_396 = arith.minimumf %max3A_385, %max3A_391 : vector<8x128xf32>
    %max3A_397 = arith.maximumf %max3A_393, %min3A_392 : vector<8x128xf32>
    %min3A_398 = arith.minimumf %max3A_393, %min3A_392 : vector<8x128xf32>
    %max3A_399 = arith.maximumf %min3A_394, %min3A_388 : vector<8x128xf32>
    %min3A_400 = arith.minimumf %min3A_394, %min3A_388 : vector<8x128xf32>
    %max3A_401 = arith.maximumf %max3A_103, %min3A_390 : vector<8x128xf32>
    %max3A_402 = arith.maximumf %max3A_115, %min3A_400 : vector<8x128xf32>
    %max3A_403 = arith.maximumf %min3A_116, %max3A_399 : vector<8x128xf32>
    %max3A_404 = arith.maximumf %max3A_117, %min3A_398 : vector<8x128xf32>
    %max3A_405 = arith.maximumf %min3A_118, %max3A_397 : vector<8x128xf32>
    %max3A_406 = arith.maximumf %max3A_119, %min3A_396 : vector<8x128xf32>
    %max3A_407 = arith.maximumf %min3A_120, %max3A_395 : vector<8x128xf32>
    %max3A_408 = arith.maximumf %min3A_110, %max3A_383 : vector<8x128xf32>
    %max3A_409 = arith.maximumf %max3A_401, %max3A_405 : vector<8x128xf32>
    %min3A_410 = arith.minimumf %max3A_401, %max3A_405 : vector<8x128xf32>
    %max3A_411 = arith.maximumf %max3A_402, %max3A_406 : vector<8x128xf32>
    %min3A_412 = arith.minimumf %max3A_402, %max3A_406 : vector<8x128xf32>
    %max3A_413 = arith.maximumf %max3A_403, %max3A_407 : vector<8x128xf32>
    %min3A_414 = arith.minimumf %max3A_403, %max3A_407 : vector<8x128xf32>
    %max3A_415 = arith.maximumf %max3A_404, %max3A_408 : vector<8x128xf32>
    %min3A_416 = arith.minimumf %max3A_404, %max3A_408 : vector<8x128xf32>
    %max3A_417 = arith.maximumf %max3A_409, %max3A_413 : vector<8x128xf32>
    %min3A_418 = arith.minimumf %max3A_409, %max3A_413 : vector<8x128xf32>
    %max3A_419 = arith.maximumf %max3A_411, %max3A_415 : vector<8x128xf32>
    %min3A_420 = arith.minimumf %max3A_411, %max3A_415 : vector<8x128xf32>
    %max3A_421 = arith.maximumf %min3A_410, %min3A_414 : vector<8x128xf32>
    %min3A_422 = arith.minimumf %min3A_410, %min3A_414 : vector<8x128xf32>
    %max3A_423 = arith.maximumf %min3A_412, %min3A_416 : vector<8x128xf32>
    %min3A_424 = arith.minimumf %min3A_412, %min3A_416 : vector<8x128xf32>
    %max3A_425 = arith.maximumf %max3A_417, %max3A_419 : vector<8x128xf32>
    %min3A_426 = arith.minimumf %max3A_417, %max3A_419 : vector<8x128xf32>
    %max3A_427 = arith.maximumf %min3A_418, %min3A_420 : vector<8x128xf32>
    %min3A_428 = arith.minimumf %min3A_418, %min3A_420 : vector<8x128xf32>
    %max3A_429 = arith.maximumf %max3A_421, %max3A_423 : vector<8x128xf32>
    %min3A_430 = arith.minimumf %max3A_421, %max3A_423 : vector<8x128xf32>
    %max3A_431 = arith.maximumf %min3A_422, %min3A_424 : vector<8x128xf32>
    %min3A_432 = arith.minimumf %min3A_422, %min3A_424 : vector<8x128xf32>
    %get3A_433 = arith.constant 0 : index
    %get3A_434 = arith.constant 6144 : index
    %get3A_435 = vector.load %arg1[%get3A_433, %get3A_434] : memref<8x22528xf32, #tpu.memory_space<vmem>>, vector<8x128xf32>
    %get3A_436 = arith.constant 0 : index
    %get3A_437 = arith.constant 6272 : index
    %get3A_438 = vector.load %arg1[%get3A_436, %get3A_437] : memref<8x22528xf32, #tpu.memory_space<vmem>>, vector<8x128xf32>
    %get3A_439 = arith.constant 0 : index
    %get3A_440 = arith.constant 6400 : index
    %get3A_441 = vector.load %arg1[%get3A_439, %get3A_440] : memref<8x22528xf32, #tpu.memory_space<vmem>>, vector<8x128xf32>
    %get3A_442 = arith.constant 0 : index
    %get3A_443 = arith.constant 6528 : index
    %get3A_444 = vector.load %arg1[%get3A_442, %get3A_443] : memref<8x22528xf32, #tpu.memory_space<vmem>>, vector<8x128xf32>
    %get3A_445 = arith.constant 0 : index
    %get3A_446 = arith.constant 6656 : index
    %get3A_447 = vector.load %arg1[%get3A_445, %get3A_446] : memref<8x22528xf32, #tpu.memory_space<vmem>>, vector<8x128xf32>
    %get3A_448 = arith.constant 0 : index
    %get3A_449 = arith.constant 6784 : index
    %get3A_450 = vector.load %arg1[%get3A_448, %get3A_449] : memref<8x22528xf32, #tpu.memory_space<vmem>>, vector<8x128xf32>
    %get3A_451 = arith.constant 0 : index
    %get3A_452 = arith.constant 6912 : index
    %get3A_453 = vector.load %arg1[%get3A_451, %get3A_452] : memref<8x22528xf32, #tpu.memory_space<vmem>>, vector<8x128xf32>
    %get3A_454 = arith.constant 0 : index
    %get3A_455 = arith.constant 7040 : index
    %get3A_456 = vector.load %arg1[%get3A_454, %get3A_455] : memref<8x22528xf32, #tpu.memory_space<vmem>>, vector<8x128xf32>
    %max3A_457 = arith.maximumf %get3A_435, %get3A_438 : vector<8x128xf32>
    %min3A_458 = arith.minimumf %get3A_435, %get3A_438 : vector<8x128xf32>
    %max3A_459 = arith.maximumf %get3A_441, %get3A_444 : vector<8x128xf32>
    %min3A_460 = arith.minimumf %get3A_441, %get3A_444 : vector<8x128xf32>
    %max3A_461 = arith.maximumf %get3A_447, %get3A_450 : vector<8x128xf32>
    %min3A_462 = arith.minimumf %get3A_447, %get3A_450 : vector<8x128xf32>
    %max3A_463 = arith.maximumf %get3A_453, %get3A_456 : vector<8x128xf32>
    %min3A_464 = arith.minimumf %get3A_453, %get3A_456 : vector<8x128xf32>
    %max3A_465 = arith.maximumf %max3A_457, %max3A_459 : vector<8x128xf32>
    %min3A_466 = arith.minimumf %max3A_457, %max3A_459 : vector<8x128xf32>
    %max3A_467 = arith.maximumf %min3A_458, %min3A_460 : vector<8x128xf32>
    %min3A_468 = arith.minimumf %min3A_458, %min3A_460 : vector<8x128xf32>
    %max3A_469 = arith.maximumf %max3A_461, %max3A_463 : vector<8x128xf32>
    %min3A_470 = arith.minimumf %max3A_461, %max3A_463 : vector<8x128xf32>
    %max3A_471 = arith.maximumf %min3A_462, %min3A_464 : vector<8x128xf32>
    %min3A_472 = arith.minimumf %min3A_462, %min3A_464 : vector<8x128xf32>
    %max3A_473 = arith.maximumf %max3A_467, %min3A_466 : vector<8x128xf32>
    %min3A_474 = arith.minimumf %max3A_467, %min3A_466 : vector<8x128xf32>
    %max3A_475 = arith.maximumf %max3A_471, %min3A_470 : vector<8x128xf32>
    %min3A_476 = arith.minimumf %max3A_471, %min3A_470 : vector<8x128xf32>
    %max3A_477 = arith.maximumf %max3A_465, %max3A_469 : vector<8x128xf32>
    %min3A_478 = arith.minimumf %max3A_465, %max3A_469 : vector<8x128xf32>
    %max3A_479 = arith.maximumf %max3A_473, %max3A_475 : vector<8x128xf32>
    %min3A_480 = arith.minimumf %max3A_473, %max3A_475 : vector<8x128xf32>
    %max3A_481 = arith.maximumf %min3A_474, %min3A_476 : vector<8x128xf32>
    %min3A_482 = arith.minimumf %min3A_474, %min3A_476 : vector<8x128xf32>
    %max3A_483 = arith.maximumf %min3A_468, %min3A_472 : vector<8x128xf32>
    %min3A_484 = arith.minimumf %min3A_468, %min3A_472 : vector<8x128xf32>
    %max3A_485 = arith.maximumf %max3A_481, %min3A_478 : vector<8x128xf32>
    %min3A_486 = arith.minimumf %max3A_481, %min3A_478 : vector<8x128xf32>
    %max3A_487 = arith.maximumf %max3A_483, %min3A_480 : vector<8x128xf32>
    %min3A_488 = arith.minimumf %max3A_483, %min3A_480 : vector<8x128xf32>
    %max3A_489 = arith.maximumf %max3A_479, %max3A_485 : vector<8x128xf32>
    %min3A_490 = arith.minimumf %max3A_479, %max3A_485 : vector<8x128xf32>
    %max3A_491 = arith.maximumf %max3A_487, %min3A_486 : vector<8x128xf32>
    %min3A_492 = arith.minimumf %max3A_487, %min3A_486 : vector<8x128xf32>
    %max3A_493 = arith.maximumf %min3A_488, %min3A_482 : vector<8x128xf32>
    %min3A_494 = arith.minimumf %min3A_488, %min3A_482 : vector<8x128xf32>
    %max3A_495 = arith.maximumf %max3A_165, %min3A_484 : vector<8x128xf32>
    %max3A_496 = arith.maximumf %max3A_177, %min3A_494 : vector<8x128xf32>
    %max3A_497 = arith.maximumf %min3A_178, %max3A_493 : vector<8x128xf32>
    %max3A_498 = arith.maximumf %max3A_179, %min3A_492 : vector<8x128xf32>
    %max3A_499 = arith.maximumf %min3A_180, %max3A_491 : vector<8x128xf32>
    %max3A_500 = arith.maximumf %max3A_181, %min3A_490 : vector<8x128xf32>
    %max3A_501 = arith.maximumf %min3A_182, %max3A_489 : vector<8x128xf32>
    %max3A_502 = arith.maximumf %min3A_172, %max3A_477 : vector<8x128xf32>
    %max3A_503 = arith.maximumf %max3A_495, %max3A_499 : vector<8x128xf32>
    %min3A_504 = arith.minimumf %max3A_495, %max3A_499 : vector<8x128xf32>
    %max3A_505 = arith.maximumf %max3A_496, %max3A_500 : vector<8x128xf32>
    %min3A_506 = arith.minimumf %max3A_496, %max3A_500 : vector<8x128xf32>
    %max3A_507 = arith.maximumf %max3A_497, %max3A_501 : vector<8x128xf32>
    %min3A_508 = arith.minimumf %max3A_497, %max3A_501 : vector<8x128xf32>
    %max3A_509 = arith.maximumf %max3A_498, %max3A_502 : vector<8x128xf32>
    %min3A_510 = arith.minimumf %max3A_498, %max3A_502 : vector<8x128xf32>
    %max3A_511 = arith.maximumf %max3A_503, %max3A_507 : vector<8x128xf32>
    %min3A_512 = arith.minimumf %max3A_503, %max3A_507 : vector<8x128xf32>
    %max3A_513 = arith.maximumf %max3A_505, %max3A_509 : vector<8x128xf32>
    %min3A_514 = arith.minimumf %max3A_505, %max3A_509 : vector<8x128xf32>
    %max3A_515 = arith.maximumf %min3A_504, %min3A_508 : vector<8x128xf32>
    %min3A_516 = arith.minimumf %min3A_504, %min3A_508 : vector<8x128xf32>
    %max3A_517 = arith.maximumf %min3A_506, %min3A_510 : vector<8x128xf32>
    %min3A_518 = arith.minimumf %min3A_506, %min3A_510 : vector<8x128xf32>
    %max3A_519 = arith.maximumf %max3A_511, %max3A_513 : vector<8x128xf32>
    %min3A_520 = arith.minimumf %max3A_511, %max3A_513 : vector<8x128xf32>
    %max3A_521 = arith.maximumf %min3A_512, %min3A_514 : vector<8x128xf32>
    %min3A_522 = arith.minimumf %min3A_512, %min3A_514 : vector<8x128xf32>
    %max3A_523 = arith.maximumf %max3A_515, %max3A_517 : vector<8x128xf32>
    %min3A_524 = arith.minimumf %max3A_515, %max3A_517 : vector<8x128xf32>
    %max3A_525 = arith.maximumf %min3A_516, %min3A_518 : vector<8x128xf32>
    %min3A_526 = arith.minimumf %min3A_516, %min3A_518 : vector<8x128xf32>
    %get3A_527 = arith.constant 0 : index
    %get3A_528 = arith.constant 7168 : index
    %get3A_529 = vector.load %arg1[%get3A_527, %get3A_528] : memref<8x22528xf32, #tpu.memory_space<vmem>>, vector<8x128xf32>
    %get3A_530 = arith.constant 0 : index
    %get3A_531 = arith.constant 7296 : index
    %get3A_532 = vector.load %arg1[%get3A_530, %get3A_531] : memref<8x22528xf32, #tpu.memory_space<vmem>>, vector<8x128xf32>
    %get3A_533 = arith.constant 0 : index
    %get3A_534 = arith.constant 7424 : index
    %get3A_535 = vector.load %arg1[%get3A_533, %get3A_534] : memref<8x22528xf32, #tpu.memory_space<vmem>>, vector<8x128xf32>
    %get3A_536 = arith.constant 0 : index
    %get3A_537 = arith.constant 7552 : index
    %get3A_538 = vector.load %arg1[%get3A_536, %get3A_537] : memref<8x22528xf32, #tpu.memory_space<vmem>>, vector<8x128xf32>
    %get3A_539 = arith.constant 0 : index
    %get3A_540 = arith.constant 7680 : index
    %get3A_541 = vector.load %arg1[%get3A_539, %get3A_540] : memref<8x22528xf32, #tpu.memory_space<vmem>>, vector<8x128xf32>
    %get3A_542 = arith.constant 0 : index
    %get3A_543 = arith.constant 7808 : index
    %get3A_544 = vector.load %arg1[%get3A_542, %get3A_543] : memref<8x22528xf32, #tpu.memory_space<vmem>>, vector<8x128xf32>
    %get3A_545 = arith.constant 0 : index
    %get3A_546 = arith.constant 7936 : index
    %get3A_547 = vector.load %arg1[%get3A_545, %get3A_546] : memref<8x22528xf32, #tpu.memory_space<vmem>>, vector<8x128xf32>
    %get3A_548 = arith.constant 0 : index
    %get3A_549 = arith.constant 8064 : index
    %get3A_550 = vector.load %arg1[%get3A_548, %get3A_549] : memref<8x22528xf32, #tpu.memory_space<vmem>>, vector<8x128xf32>
    %max3A_551 = arith.maximumf %get3A_529, %get3A_532 : vector<8x128xf32>
    %min3A_552 = arith.minimumf %get3A_529, %get3A_532 : vector<8x128xf32>
    %max3A_553 = arith.maximumf %get3A_535, %get3A_538 : vector<8x128xf32>
    %min3A_554 = arith.minimumf %get3A_535, %get3A_538 : vector<8x128xf32>
    %max3A_555 = arith.maximumf %get3A_541, %get3A_544 : vector<8x128xf32>
    %min3A_556 = arith.minimumf %get3A_541, %get3A_544 : vector<8x128xf32>
    %max3A_557 = arith.maximumf %get3A_547, %get3A_550 : vector<8x128xf32>
    %min3A_558 = arith.minimumf %get3A_547, %get3A_550 : vector<8x128xf32>
    %max3A_559 = arith.maximumf %max3A_551, %max3A_553 : vector<8x128xf32>
    %min3A_560 = arith.minimumf %max3A_551, %max3A_553 : vector<8x128xf32>
    %max3A_561 = arith.maximumf %min3A_552, %min3A_554 : vector<8x128xf32>
    %min3A_562 = arith.minimumf %min3A_552, %min3A_554 : vector<8x128xf32>
    %max3A_563 = arith.maximumf %max3A_555, %max3A_557 : vector<8x128xf32>
    %min3A_564 = arith.minimumf %max3A_555, %max3A_557 : vector<8x128xf32>
    %max3A_565 = arith.maximumf %min3A_556, %min3A_558 : vector<8x128xf32>
    %min3A_566 = arith.minimumf %min3A_556, %min3A_558 : vector<8x128xf32>
    %max3A_567 = arith.maximumf %max3A_561, %min3A_560 : vector<8x128xf32>
    %min3A_568 = arith.minimumf %max3A_561, %min3A_560 : vector<8x128xf32>
    %max3A_569 = arith.maximumf %max3A_565, %min3A_564 : vector<8x128xf32>
    %min3A_570 = arith.minimumf %max3A_565, %min3A_564 : vector<8x128xf32>
    %max3A_571 = arith.maximumf %max3A_559, %max3A_563 : vector<8x128xf32>
    %min3A_572 = arith.minimumf %max3A_559, %max3A_563 : vector<8x128xf32>
    %max3A_573 = arith.maximumf %max3A_567, %max3A_569 : vector<8x128xf32>
    %min3A_574 = arith.minimumf %max3A_567, %max3A_569 : vector<8x128xf32>
    %max3A_575 = arith.maximumf %min3A_568, %min3A_570 : vector<8x128xf32>
    %min3A_576 = arith.minimumf %min3A_568, %min3A_570 : vector<8x128xf32>
    %max3A_577 = arith.maximumf %min3A_562, %min3A_566 : vector<8x128xf32>
    %min3A_578 = arith.minimumf %min3A_562, %min3A_566 : vector<8x128xf32>
    %max3A_579 = arith.maximumf %max3A_575, %min3A_572 : vector<8x128xf32>
    %min3A_580 = arith.minimumf %max3A_575, %min3A_572 : vector<8x128xf32>
    %max3A_581 = arith.maximumf %max3A_577, %min3A_574 : vector<8x128xf32>
    %min3A_582 = arith.minimumf %max3A_577, %min3A_574 : vector<8x128xf32>
    %max3A_583 = arith.maximumf %max3A_573, %max3A_579 : vector<8x128xf32>
    %min3A_584 = arith.minimumf %max3A_573, %max3A_579 : vector<8x128xf32>
    %max3A_585 = arith.maximumf %max3A_581, %min3A_580 : vector<8x128xf32>
    %min3A_586 = arith.minimumf %max3A_581, %min3A_580 : vector<8x128xf32>
    %max3A_587 = arith.maximumf %min3A_582, %min3A_576 : vector<8x128xf32>
    %min3A_588 = arith.minimumf %min3A_582, %min3A_576 : vector<8x128xf32>
    %max3A_589 = arith.maximumf %max3A_227, %min3A_578 : vector<8x128xf32>
    %max3A_590 = arith.maximumf %max3A_239, %min3A_588 : vector<8x128xf32>
    %max3A_591 = arith.maximumf %min3A_240, %max3A_587 : vector<8x128xf32>
    %max3A_592 = arith.maximumf %max3A_241, %min3A_586 : vector<8x128xf32>
    %max3A_593 = arith.maximumf %min3A_242, %max3A_585 : vector<8x128xf32>
    %max3A_594 = arith.maximumf %max3A_243, %min3A_584 : vector<8x128xf32>
    %max3A_595 = arith.maximumf %min3A_244, %max3A_583 : vector<8x128xf32>
    %max3A_596 = arith.maximumf %min3A_234, %max3A_571 : vector<8x128xf32>
    %max3A_597 = arith.maximumf %max3A_589, %max3A_593 : vector<8x128xf32>
    %min3A_598 = arith.minimumf %max3A_589, %max3A_593 : vector<8x128xf32>
    %max3A_599 = arith.maximumf %max3A_590, %max3A_594 : vector<8x128xf32>
    %min3A_600 = arith.minimumf %max3A_590, %max3A_594 : vector<8x128xf32>
    %max3A_601 = arith.maximumf %max3A_591, %max3A_595 : vector<8x128xf32>
    %min3A_602 = arith.minimumf %max3A_591, %max3A_595 : vector<8x128xf32>
    %max3A_603 = arith.maximumf %max3A_592, %max3A_596 : vector<8x128xf32>
    %min3A_604 = arith.minimumf %max3A_592, %max3A_596 : vector<8x128xf32>
    %max3A_605 = arith.maximumf %max3A_597, %max3A_601 : vector<8x128xf32>
    %min3A_606 = arith.minimumf %max3A_597, %max3A_601 : vector<8x128xf32>
    %max3A_607 = arith.maximumf %max3A_599, %max3A_603 : vector<8x128xf32>
    %min3A_608 = arith.minimumf %max3A_599, %max3A_603 : vector<8x128xf32>
    %max3A_609 = arith.maximumf %min3A_598, %min3A_602 : vector<8x128xf32>
    %min3A_610 = arith.minimumf %min3A_598, %min3A_602 : vector<8x128xf32>
    %max3A_611 = arith.maximumf %min3A_600, %min3A_604 : vector<8x128xf32>
    %min3A_612 = arith.minimumf %min3A_600, %min3A_604 : vector<8x128xf32>
    %max3A_613 = arith.maximumf %max3A_605, %max3A_607 : vector<8x128xf32>
    %min3A_614 = arith.minimumf %max3A_605, %max3A_607 : vector<8x128xf32>
    %max3A_615 = arith.maximumf %min3A_606, %min3A_608 : vector<8x128xf32>
    %min3A_616 = arith.minimumf %min3A_606, %min3A_608 : vector<8x128xf32>
    %max3A_617 = arith.maximumf %max3A_609, %max3A_611 : vector<8x128xf32>
    %min3A_618 = arith.minimumf %max3A_609, %max3A_611 : vector<8x128xf32>
    %max3A_619 = arith.maximumf %min3A_610, %min3A_612 : vector<8x128xf32>
    %min3A_620 = arith.minimumf %min3A_610, %min3A_612 : vector<8x128xf32>
    %get3A_621 = arith.constant 0 : index
    %get3A_622 = arith.constant 8192 : index
    %get3A_623 = vector.load %arg1[%get3A_621, %get3A_622] : memref<8x22528xf32, #tpu.memory_space<vmem>>, vector<8x128xf32>
    %get3A_624 = arith.constant 0 : index
    %get3A_625 = arith.constant 8320 : index
    %get3A_626 = vector.load %arg1[%get3A_624, %get3A_625] : memref<8x22528xf32, #tpu.memory_space<vmem>>, vector<8x128xf32>
    %get3A_627 = arith.constant 0 : index
    %get3A_628 = arith.constant 8448 : index
    %get3A_629 = vector.load %arg1[%get3A_627, %get3A_628] : memref<8x22528xf32, #tpu.memory_space<vmem>>, vector<8x128xf32>
    %get3A_630 = arith.constant 0 : index
    %get3A_631 = arith.constant 8576 : index
    %get3A_632 = vector.load %arg1[%get3A_630, %get3A_631] : memref<8x22528xf32, #tpu.memory_space<vmem>>, vector<8x128xf32>
    %get3A_633 = arith.constant 0 : index
    %get3A_634 = arith.constant 8704 : index
    %get3A_635 = vector.load %arg1[%get3A_633, %get3A_634] : memref<8x22528xf32, #tpu.memory_space<vmem>>, vector<8x128xf32>
    %get3A_636 = arith.constant 0 : index
    %get3A_637 = arith.constant 8832 : index
    %get3A_638 = vector.load %arg1[%get3A_636, %get3A_637] : memref<8x22528xf32, #tpu.memory_space<vmem>>, vector<8x128xf32>
    %get3A_639 = arith.constant 0 : index
    %get3A_640 = arith.constant 8960 : index
    %get3A_641 = vector.load %arg1[%get3A_639, %get3A_640] : memref<8x22528xf32, #tpu.memory_space<vmem>>, vector<8x128xf32>
    %get3A_642 = arith.constant 0 : index
    %get3A_643 = arith.constant 9088 : index
    %get3A_644 = vector.load %arg1[%get3A_642, %get3A_643] : memref<8x22528xf32, #tpu.memory_space<vmem>>, vector<8x128xf32>
    %max3A_645 = arith.maximumf %get3A_623, %get3A_626 : vector<8x128xf32>
    %min3A_646 = arith.minimumf %get3A_623, %get3A_626 : vector<8x128xf32>
    %max3A_647 = arith.maximumf %get3A_629, %get3A_632 : vector<8x128xf32>
    %min3A_648 = arith.minimumf %get3A_629, %get3A_632 : vector<8x128xf32>
    %max3A_649 = arith.maximumf %get3A_635, %get3A_638 : vector<8x128xf32>
    %min3A_650 = arith.minimumf %get3A_635, %get3A_638 : vector<8x128xf32>
    %max3A_651 = arith.maximumf %get3A_641, %get3A_644 : vector<8x128xf32>
    %min3A_652 = arith.minimumf %get3A_641, %get3A_644 : vector<8x128xf32>
    %max3A_653 = arith.maximumf %max3A_645, %max3A_647 : vector<8x128xf32>
    %min3A_654 = arith.minimumf %max3A_645, %max3A_647 : vector<8x128xf32>
    %max3A_655 = arith.maximumf %min3A_646, %min3A_648 : vector<8x128xf32>
    %min3A_656 = arith.minimumf %min3A_646, %min3A_648 : vector<8x128xf32>
    %max3A_657 = arith.maximumf %max3A_649, %max3A_651 : vector<8x128xf32>
    %min3A_658 = arith.minimumf %max3A_649, %max3A_651 : vector<8x128xf32>
    %max3A_659 = arith.maximumf %min3A_650, %min3A_652 : vector<8x128xf32>
    %min3A_660 = arith.minimumf %min3A_650, %min3A_652 : vector<8x128xf32>
    %max3A_661 = arith.maximumf %max3A_655, %min3A_654 : vector<8x128xf32>
    %min3A_662 = arith.minimumf %max3A_655, %min3A_654 : vector<8x128xf32>
    %max3A_663 = arith.maximumf %max3A_659, %min3A_658 : vector<8x128xf32>
    %min3A_664 = arith.minimumf %max3A_659, %min3A_658 : vector<8x128xf32>
    %max3A_665 = arith.maximumf %max3A_653, %max3A_657 : vector<8x128xf32>
    %min3A_666 = arith.minimumf %max3A_653, %max3A_657 : vector<8x128xf32>
    %max3A_667 = arith.maximumf %max3A_661, %max3A_663 : vector<8x128xf32>
    %min3A_668 = arith.minimumf %max3A_661, %max3A_663 : vector<8x128xf32>
    %max3A_669 = arith.maximumf %min3A_662, %min3A_664 : vector<8x128xf32>
    %min3A_670 = arith.minimumf %min3A_662, %min3A_664 : vector<8x128xf32>
    %max3A_671 = arith.maximumf %min3A_656, %min3A_660 : vector<8x128xf32>
    %min3A_672 = arith.minimumf %min3A_656, %min3A_660 : vector<8x128xf32>
    %max3A_673 = arith.maximumf %max3A_669, %min3A_666 : vector<8x128xf32>
    %min3A_674 = arith.minimumf %max3A_669, %min3A_666 : vector<8x128xf32>
    %max3A_675 = arith.maximumf %max3A_671, %min3A_668 : vector<8x128xf32>
    %min3A_676 = arith.minimumf %max3A_671, %min3A_668 : vector<8x128xf32>
    %max3A_677 = arith.maximumf %max3A_667, %max3A_673 : vector<8x128xf32>
    %min3A_678 = arith.minimumf %max3A_667, %max3A_673 : vector<8x128xf32>
    %max3A_679 = arith.maximumf %max3A_675, %min3A_674 : vector<8x128xf32>
    %min3A_680 = arith.minimumf %max3A_675, %min3A_674 : vector<8x128xf32>
    %max3A_681 = arith.maximumf %min3A_676, %min3A_670 : vector<8x128xf32>
    %min3A_682 = arith.minimumf %min3A_676, %min3A_670 : vector<8x128xf32>
    %max3A_683 = arith.maximumf %max3A_331, %min3A_672 : vector<8x128xf32>
    %max3A_684 = arith.maximumf %min3A_332, %min3A_682 : vector<8x128xf32>
    %max3A_685 = arith.maximumf %max3A_333, %max3A_681 : vector<8x128xf32>
    %max3A_686 = arith.maximumf %min3A_334, %min3A_680 : vector<8x128xf32>
    %max3A_687 = arith.maximumf %max3A_335, %max3A_679 : vector<8x128xf32>
    %max3A_688 = arith.maximumf %min3A_336, %min3A_678 : vector<8x128xf32>
    %max3A_689 = arith.maximumf %max3A_337, %max3A_677 : vector<8x128xf32>
    %max3A_690 = arith.maximumf %min3A_338, %max3A_665 : vector<8x128xf32>
    %max3A_691 = arith.maximumf %max3A_683, %max3A_687 : vector<8x128xf32>
    %min3A_692 = arith.minimumf %max3A_683, %max3A_687 : vector<8x128xf32>
    %max3A_693 = arith.maximumf %max3A_684, %max3A_688 : vector<8x128xf32>
    %min3A_694 = arith.minimumf %max3A_684, %max3A_688 : vector<8x128xf32>
    %max3A_695 = arith.maximumf %max3A_685, %max3A_689 : vector<8x128xf32>
    %min3A_696 = arith.minimumf %max3A_685, %max3A_689 : vector<8x128xf32>
    %max3A_697 = arith.maximumf %max3A_686, %max3A_690 : vector<8x128xf32>
    %min3A_698 = arith.minimumf %max3A_686, %max3A_690 : vector<8x128xf32>
    %max3A_699 = arith.maximumf %max3A_691, %max3A_695 : vector<8x128xf32>
    %min3A_700 = arith.minimumf %max3A_691, %max3A_695 : vector<8x128xf32>
    %max3A_701 = arith.maximumf %max3A_693, %max3A_697 : vector<8x128xf32>
    %min3A_702 = arith.minimumf %max3A_693, %max3A_697 : vector<8x128xf32>
    %max3A_703 = arith.maximumf %min3A_692, %min3A_696 : vector<8x128xf32>
    %min3A_704 = arith.minimumf %min3A_692, %min3A_696 : vector<8x128xf32>
    %max3A_705 = arith.maximumf %min3A_694, %min3A_698 : vector<8x128xf32>
    %min3A_706 = arith.minimumf %min3A_694, %min3A_698 : vector<8x128xf32>
    %max3A_707 = arith.maximumf %max3A_699, %max3A_701 : vector<8x128xf32>
    %min3A_708 = arith.minimumf %max3A_699, %max3A_701 : vector<8x128xf32>
    %max3A_709 = arith.maximumf %min3A_700, %min3A_702 : vector<8x128xf32>
    %min3A_710 = arith.minimumf %min3A_700, %min3A_702 : vector<8x128xf32>
    %max3A_711 = arith.maximumf %max3A_703, %max3A_705 : vector<8x128xf32>
    %min3A_712 = arith.minimumf %max3A_703, %max3A_705 : vector<8x128xf32>
    %max3A_713 = arith.maximumf %min3A_704, %min3A_706 : vector<8x128xf32>
    %min3A_714 = arith.minimumf %min3A_704, %min3A_706 : vector<8x128xf32>
    %get3A_715 = arith.constant 0 : index
    %get3A_716 = arith.constant 9216 : index
    %get3A_717 = vector.load %arg1[%get3A_715, %get3A_716] : memref<8x22528xf32, #tpu.memory_space<vmem>>, vector<8x128xf32>
    %get3A_718 = arith.constant 0 : index
    %get3A_719 = arith.constant 9344 : index
    %get3A_720 = vector.load %arg1[%get3A_718, %get3A_719] : memref<8x22528xf32, #tpu.memory_space<vmem>>, vector<8x128xf32>
    %get3A_721 = arith.constant 0 : index
    %get3A_722 = arith.constant 9472 : index
    %get3A_723 = vector.load %arg1[%get3A_721, %get3A_722] : memref<8x22528xf32, #tpu.memory_space<vmem>>, vector<8x128xf32>
    %get3A_724 = arith.constant 0 : index
    %get3A_725 = arith.constant 9600 : index
    %get3A_726 = vector.load %arg1[%get3A_724, %get3A_725] : memref<8x22528xf32, #tpu.memory_space<vmem>>, vector<8x128xf32>
    %get3A_727 = arith.constant 0 : index
    %get3A_728 = arith.constant 9728 : index
    %get3A_729 = vector.load %arg1[%get3A_727, %get3A_728] : memref<8x22528xf32, #tpu.memory_space<vmem>>, vector<8x128xf32>
    %get3A_730 = arith.constant 0 : index
    %get3A_731 = arith.constant 9856 : index
    %get3A_732 = vector.load %arg1[%get3A_730, %get3A_731] : memref<8x22528xf32, #tpu.memory_space<vmem>>, vector<8x128xf32>
    %get3A_733 = arith.constant 0 : index
    %get3A_734 = arith.constant 9984 : index
    %get3A_735 = vector.load %arg1[%get3A_733, %get3A_734] : memref<8x22528xf32, #tpu.memory_space<vmem>>, vector<8x128xf32>
    %get3A_736 = arith.constant 0 : index
    %get3A_737 = arith.constant 10112 : index
    %get3A_738 = vector.load %arg1[%get3A_736, %get3A_737] : memref<8x22528xf32, #tpu.memory_space<vmem>>, vector<8x128xf32>
    %max3A_739 = arith.maximumf %get3A_717, %get3A_720 : vector<8x128xf32>
    %min3A_740 = arith.minimumf %get3A_717, %get3A_720 : vector<8x128xf32>
    %max3A_741 = arith.maximumf %get3A_723, %get3A_726 : vector<8x128xf32>
    %min3A_742 = arith.minimumf %get3A_723, %get3A_726 : vector<8x128xf32>
    %max3A_743 = arith.maximumf %get3A_729, %get3A_732 : vector<8x128xf32>
    %min3A_744 = arith.minimumf %get3A_729, %get3A_732 : vector<8x128xf32>
    %max3A_745 = arith.maximumf %get3A_735, %get3A_738 : vector<8x128xf32>
    %min3A_746 = arith.minimumf %get3A_735, %get3A_738 : vector<8x128xf32>
    %max3A_747 = arith.maximumf %max3A_739, %max3A_741 : vector<8x128xf32>
    %min3A_748 = arith.minimumf %max3A_739, %max3A_741 : vector<8x128xf32>
    %max3A_749 = arith.maximumf %min3A_740, %min3A_742 : vector<8x128xf32>
    %min3A_750 = arith.minimumf %min3A_740, %min3A_742 : vector<8x128xf32>
    %max3A_751 = arith.maximumf %max3A_743, %max3A_745 : vector<8x128xf32>
    %min3A_752 = arith.minimumf %max3A_743, %max3A_745 : vector<8x128xf32>
    %max3A_753 = arith.maximumf %min3A_744, %min3A_746 : vector<8x128xf32>
    %min3A_754 = arith.minimumf %min3A_744, %min3A_746 : vector<8x128xf32>
    %max3A_755 = arith.maximumf %max3A_749, %min3A_748 : vector<8x128xf32>
    %min3A_756 = arith.minimumf %max3A_749, %min3A_748 : vector<8x128xf32>
    %max3A_757 = arith.maximumf %max3A_753, %min3A_752 : vector<8x128xf32>
    %min3A_758 = arith.minimumf %max3A_753, %min3A_752 : vector<8x128xf32>
    %max3A_759 = arith.maximumf %max3A_747, %max3A_751 : vector<8x128xf32>
    %min3A_760 = arith.minimumf %max3A_747, %max3A_751 : vector<8x128xf32>
    %max3A_761 = arith.maximumf %max3A_755, %max3A_757 : vector<8x128xf32>
    %min3A_762 = arith.minimumf %max3A_755, %max3A_757 : vector<8x128xf32>
    %max3A_763 = arith.maximumf %min3A_756, %min3A_758 : vector<8x128xf32>
    %min3A_764 = arith.minimumf %min3A_756, %min3A_758 : vector<8x128xf32>
    %max3A_765 = arith.maximumf %min3A_750, %min3A_754 : vector<8x128xf32>
    %min3A_766 = arith.minimumf %min3A_750, %min3A_754 : vector<8x128xf32>
    %max3A_767 = arith.maximumf %max3A_763, %min3A_760 : vector<8x128xf32>
    %min3A_768 = arith.minimumf %max3A_763, %min3A_760 : vector<8x128xf32>
    %max3A_769 = arith.maximumf %max3A_765, %min3A_762 : vector<8x128xf32>
    %min3A_770 = arith.minimumf %max3A_765, %min3A_762 : vector<8x128xf32>
    %max3A_771 = arith.maximumf %max3A_761, %max3A_767 : vector<8x128xf32>
    %min3A_772 = arith.minimumf %max3A_761, %max3A_767 : vector<8x128xf32>
    %max3A_773 = arith.maximumf %max3A_769, %min3A_768 : vector<8x128xf32>
    %min3A_774 = arith.minimumf %max3A_769, %min3A_768 : vector<8x128xf32>
    %max3A_775 = arith.maximumf %min3A_770, %min3A_764 : vector<8x128xf32>
    %min3A_776 = arith.minimumf %min3A_770, %min3A_764 : vector<8x128xf32>
    %max3A_777 = arith.maximumf %max3A_425, %min3A_766 : vector<8x128xf32>
    %max3A_778 = arith.maximumf %min3A_426, %min3A_776 : vector<8x128xf32>
    %max3A_779 = arith.maximumf %max3A_427, %max3A_775 : vector<8x128xf32>
    %max3A_780 = arith.maximumf %min3A_428, %min3A_774 : vector<8x128xf32>
    %max3A_781 = arith.maximumf %max3A_429, %max3A_773 : vector<8x128xf32>
    %max3A_782 = arith.maximumf %min3A_430, %min3A_772 : vector<8x128xf32>
    %max3A_783 = arith.maximumf %max3A_431, %max3A_771 : vector<8x128xf32>
    %max3A_784 = arith.maximumf %min3A_432, %max3A_759 : vector<8x128xf32>
    %max3A_785 = arith.maximumf %max3A_777, %max3A_781 : vector<8x128xf32>
    %min3A_786 = arith.minimumf %max3A_777, %max3A_781 : vector<8x128xf32>
    %max3A_787 = arith.maximumf %max3A_778, %max3A_782 : vector<8x128xf32>
    %min3A_788 = arith.minimumf %max3A_778, %max3A_782 : vector<8x128xf32>
    %max3A_789 = arith.maximumf %max3A_779, %max3A_783 : vector<8x128xf32>
    %min3A_790 = arith.minimumf %max3A_779, %max3A_783 : vector<8x128xf32>
    %max3A_791 = arith.maximumf %max3A_780, %max3A_784 : vector<8x128xf32>
    %min3A_792 = arith.minimumf %max3A_780, %max3A_784 : vector<8x128xf32>
    %max3A_793 = arith.maximumf %max3A_785, %max3A_789 : vector<8x128xf32>
    %min3A_794 = arith.minimumf %max3A_785, %max3A_789 : vector<8x128xf32>
    %max3A_795 = arith.maximumf %max3A_787, %max3A_791 : vector<8x128xf32>
    %min3A_796 = arith.minimumf %max3A_787, %max3A_791 : vector<8x128xf32>
    %max3A_797 = arith.maximumf %min3A_786, %min3A_790 : vector<8x128xf32>
    %min3A_798 = arith.minimumf %min3A_786, %min3A_790 : vector<8x128xf32>
    %max3A_799 = arith.maximumf %min3A_788, %min3A_792 : vector<8x128xf32>
    %min3A_800 = arith.minimumf %min3A_788, %min3A_792 : vector<8x128xf32>
    %max3A_801 = arith.maximumf %max3A_793, %max3A_795 : vector<8x128xf32>
    %min3A_802 = arith.minimumf %max3A_793, %max3A_795 : vector<8x128xf32>
    %max3A_803 = arith.maximumf %min3A_794, %min3A_796 : vector<8x128xf32>
    %min3A_804 = arith.minimumf %min3A_794, %min3A_796 : vector<8x128xf32>
    %max3A_805 = arith.maximumf %max3A_797, %max3A_799 : vector<8x128xf32>
    %min3A_806 = arith.minimumf %max3A_797, %max3A_799 : vector<8x128xf32>
    %max3A_807 = arith.maximumf %min3A_798, %min3A_800 : vector<8x128xf32>
    %min3A_808 = arith.minimumf %min3A_798, %min3A_800 : vector<8x128xf32>
    %get3A_809 = arith.constant 0 : index
    %get3A_810 = arith.constant 10240 : index
    %get3A_811 = vector.load %arg1[%get3A_809, %get3A_810] : memref<8x22528xf32, #tpu.memory_space<vmem>>, vector<8x128xf32>
    %get3A_812 = arith.constant 0 : index
    %get3A_813 = arith.constant 10368 : index
    %get3A_814 = vector.load %arg1[%get3A_812, %get3A_813] : memref<8x22528xf32, #tpu.memory_space<vmem>>, vector<8x128xf32>
    %get3A_815 = arith.constant 0 : index
    %get3A_816 = arith.constant 10496 : index
    %get3A_817 = vector.load %arg1[%get3A_815, %get3A_816] : memref<8x22528xf32, #tpu.memory_space<vmem>>, vector<8x128xf32>
    %get3A_818 = arith.constant 0 : index
    %get3A_819 = arith.constant 10624 : index
    %get3A_820 = vector.load %arg1[%get3A_818, %get3A_819] : memref<8x22528xf32, #tpu.memory_space<vmem>>, vector<8x128xf32>
    %get3A_821 = arith.constant 0 : index
    %get3A_822 = arith.constant 10752 : index
    %get3A_823 = vector.load %arg1[%get3A_821, %get3A_822] : memref<8x22528xf32, #tpu.memory_space<vmem>>, vector<8x128xf32>
    %get3A_824 = arith.constant 0 : index
    %get3A_825 = arith.constant 10880 : index
    %get3A_826 = vector.load %arg1[%get3A_824, %get3A_825] : memref<8x22528xf32, #tpu.memory_space<vmem>>, vector<8x128xf32>
    %get3A_827 = arith.constant 0 : index
    %get3A_828 = arith.constant 11008 : index
    %get3A_829 = vector.load %arg1[%get3A_827, %get3A_828] : memref<8x22528xf32, #tpu.memory_space<vmem>>, vector<8x128xf32>
    %get3A_830 = arith.constant 0 : index
    %get3A_831 = arith.constant 11136 : index
    %get3A_832 = vector.load %arg1[%get3A_830, %get3A_831] : memref<8x22528xf32, #tpu.memory_space<vmem>>, vector<8x128xf32>
    %max3A_833 = arith.maximumf %get3A_811, %get3A_814 : vector<8x128xf32>
    %min3A_834 = arith.minimumf %get3A_811, %get3A_814 : vector<8x128xf32>
    %max3A_835 = arith.maximumf %get3A_817, %get3A_820 : vector<8x128xf32>
    %min3A_836 = arith.minimumf %get3A_817, %get3A_820 : vector<8x128xf32>
    %max3A_837 = arith.maximumf %get3A_823, %get3A_826 : vector<8x128xf32>
    %min3A_838 = arith.minimumf %get3A_823, %get3A_826 : vector<8x128xf32>
    %max3A_839 = arith.maximumf %get3A_829, %get3A_832 : vector<8x128xf32>
    %min3A_840 = arith.minimumf %get3A_829, %get3A_832 : vector<8x128xf32>
    %max3A_841 = arith.maximumf %max3A_833, %max3A_835 : vector<8x128xf32>
    %min3A_842 = arith.minimumf %max3A_833, %max3A_835 : vector<8x128xf32>
    %max3A_843 = arith.maximumf %min3A_834, %min3A_836 : vector<8x128xf32>
    %min3A_844 = arith.minimumf %min3A_834, %min3A_836 : vector<8x128xf32>
    %max3A_845 = arith.maximumf %max3A_837, %max3A_839 : vector<8x128xf32>
    %min3A_846 = arith.minimumf %max3A_837, %max3A_839 : vector<8x128xf32>
    %max3A_847 = arith.maximumf %min3A_838, %min3A_840 : vector<8x128xf32>
    %min3A_848 = arith.minimumf %min3A_838, %min3A_840 : vector<8x128xf32>
    %max3A_849 = arith.maximumf %max3A_843, %min3A_842 : vector<8x128xf32>
    %min3A_850 = arith.minimumf %max3A_843, %min3A_842 : vector<8x128xf32>
    %max3A_851 = arith.maximumf %max3A_847, %min3A_846 : vector<8x128xf32>
    %min3A_852 = arith.minimumf %max3A_847, %min3A_846 : vector<8x128xf32>
    %max3A_853 = arith.maximumf %max3A_841, %max3A_845 : vector<8x128xf32>
    %min3A_854 = arith.minimumf %max3A_841, %max3A_845 : vector<8x128xf32>
    %max3A_855 = arith.maximumf %max3A_849, %max3A_851 : vector<8x128xf32>
    %min3A_856 = arith.minimumf %max3A_849, %max3A_851 : vector<8x128xf32>
    %max3A_857 = arith.maximumf %min3A_850, %min3A_852 : vector<8x128xf32>
    %min3A_858 = arith.minimumf %min3A_850, %min3A_852 : vector<8x128xf32>
    %max3A_859 = arith.maximumf %min3A_844, %min3A_848 : vector<8x128xf32>
    %min3A_860 = arith.minimumf %min3A_844, %min3A_848 : vector<8x128xf32>
    %max3A_861 = arith.maximumf %max3A_857, %min3A_854 : vector<8x128xf32>
    %min3A_862 = arith.minimumf %max3A_857, %min3A_854 : vector<8x128xf32>
    %max3A_863 = arith.maximumf %max3A_859, %min3A_856 : vector<8x128xf32>
    %min3A_864 = arith.minimumf %max3A_859, %min3A_856 : vector<8x128xf32>
    %max3A_865 = arith.maximumf %max3A_855, %max3A_861 : vector<8x128xf32>
    %min3A_866 = arith.minimumf %max3A_855, %max3A_861 : vector<8x128xf32>
    %max3A_867 = arith.maximumf %max3A_863, %min3A_862 : vector<8x128xf32>
    %min3A_868 = arith.minimumf %max3A_863, %min3A_862 : vector<8x128xf32>
    %max3A_869 = arith.maximumf %min3A_864, %min3A_858 : vector<8x128xf32>
    %min3A_870 = arith.minimumf %min3A_864, %min3A_858 : vector<8x128xf32>
    %max3A_871 = arith.maximumf %max3A_519, %min3A_860 : vector<8x128xf32>
    %max3A_872 = arith.maximumf %min3A_520, %min3A_870 : vector<8x128xf32>
    %max3A_873 = arith.maximumf %max3A_521, %max3A_869 : vector<8x128xf32>
    %max3A_874 = arith.maximumf %min3A_522, %min3A_868 : vector<8x128xf32>
    %max3A_875 = arith.maximumf %max3A_523, %max3A_867 : vector<8x128xf32>
    %max3A_876 = arith.maximumf %min3A_524, %min3A_866 : vector<8x128xf32>
    %max3A_877 = arith.maximumf %max3A_525, %max3A_865 : vector<8x128xf32>
    %max3A_878 = arith.maximumf %min3A_526, %max3A_853 : vector<8x128xf32>
    %max3A_879 = arith.maximumf %max3A_871, %max3A_875 : vector<8x128xf32>
    %min3A_880 = arith.minimumf %max3A_871, %max3A_875 : vector<8x128xf32>
    %max3A_881 = arith.maximumf %max3A_872, %max3A_876 : vector<8x128xf32>
    %min3A_882 = arith.minimumf %max3A_872, %max3A_876 : vector<8x128xf32>
    %max3A_883 = arith.maximumf %max3A_873, %max3A_877 : vector<8x128xf32>
    %min3A_884 = arith.minimumf %max3A_873, %max3A_877 : vector<8x128xf32>
    %max3A_885 = arith.maximumf %max3A_874, %max3A_878 : vector<8x128xf32>
    %min3A_886 = arith.minimumf %max3A_874, %max3A_878 : vector<8x128xf32>
    %max3A_887 = arith.maximumf %max3A_879, %max3A_883 : vector<8x128xf32>
    %min3A_888 = arith.minimumf %max3A_879, %max3A_883 : vector<8x128xf32>
    %max3A_889 = arith.maximumf %max3A_881, %max3A_885 : vector<8x128xf32>
    %min3A_890 = arith.minimumf %max3A_881, %max3A_885 : vector<8x128xf32>
    %max3A_891 = arith.maximumf %min3A_880, %min3A_884 : vector<8x128xf32>
    %min3A_892 = arith.minimumf %min3A_880, %min3A_884 : vector<8x128xf32>
    %max3A_893 = arith.maximumf %min3A_882, %min3A_886 : vector<8x128xf32>
    %min3A_894 = arith.minimumf %min3A_882, %min3A_886 : vector<8x128xf32>
    %max3A_895 = arith.maximumf %max3A_887, %max3A_889 : vector<8x128xf32>
    %min3A_896 = arith.minimumf %max3A_887, %max3A_889 : vector<8x128xf32>
    %max3A_897 = arith.maximumf %min3A_888, %min3A_890 : vector<8x128xf32>
    %min3A_898 = arith.minimumf %min3A_888, %min3A_890 : vector<8x128xf32>
    %max3A_899 = arith.maximumf %max3A_891, %max3A_893 : vector<8x128xf32>
    %min3A_900 = arith.minimumf %max3A_891, %max3A_893 : vector<8x128xf32>
    %max3A_901 = arith.maximumf %min3A_892, %min3A_894 : vector<8x128xf32>
    %min3A_902 = arith.minimumf %min3A_892, %min3A_894 : vector<8x128xf32>
    %get3A_903 = arith.constant 0 : index
    %get3A_904 = arith.constant 11264 : index
    %get3A_905 = vector.load %arg1[%get3A_903, %get3A_904] : memref<8x22528xf32, #tpu.memory_space<vmem>>, vector<8x128xf32>
    %get3A_906 = arith.constant 0 : index
    %get3A_907 = arith.constant 11392 : index
    %get3A_908 = vector.load %arg1[%get3A_906, %get3A_907] : memref<8x22528xf32, #tpu.memory_space<vmem>>, vector<8x128xf32>
    %get3A_909 = arith.constant 0 : index
    %get3A_910 = arith.constant 11520 : index
    %get3A_911 = vector.load %arg1[%get3A_909, %get3A_910] : memref<8x22528xf32, #tpu.memory_space<vmem>>, vector<8x128xf32>
    %get3A_912 = arith.constant 0 : index
    %get3A_913 = arith.constant 11648 : index
    %get3A_914 = vector.load %arg1[%get3A_912, %get3A_913] : memref<8x22528xf32, #tpu.memory_space<vmem>>, vector<8x128xf32>
    %get3A_915 = arith.constant 0 : index
    %get3A_916 = arith.constant 11776 : index
    %get3A_917 = vector.load %arg1[%get3A_915, %get3A_916] : memref<8x22528xf32, #tpu.memory_space<vmem>>, vector<8x128xf32>
    %get3A_918 = arith.constant 0 : index
    %get3A_919 = arith.constant 11904 : index
    %get3A_920 = vector.load %arg1[%get3A_918, %get3A_919] : memref<8x22528xf32, #tpu.memory_space<vmem>>, vector<8x128xf32>
    %get3A_921 = arith.constant 0 : index
    %get3A_922 = arith.constant 12032 : index
    %get3A_923 = vector.load %arg1[%get3A_921, %get3A_922] : memref<8x22528xf32, #tpu.memory_space<vmem>>, vector<8x128xf32>
    %get3A_924 = arith.constant 0 : index
    %get3A_925 = arith.constant 12160 : index
    %get3A_926 = vector.load %arg1[%get3A_924, %get3A_925] : memref<8x22528xf32, #tpu.memory_space<vmem>>, vector<8x128xf32>
    %max3A_927 = arith.maximumf %get3A_905, %get3A_908 : vector<8x128xf32>
    %min3A_928 = arith.minimumf %get3A_905, %get3A_908 : vector<8x128xf32>
    %max3A_929 = arith.maximumf %get3A_911, %get3A_914 : vector<8x128xf32>
    %min3A_930 = arith.minimumf %get3A_911, %get3A_914 : vector<8x128xf32>
    %max3A_931 = arith.maximumf %get3A_917, %get3A_920 : vector<8x128xf32>
    %min3A_932 = arith.minimumf %get3A_917, %get3A_920 : vector<8x128xf32>
    %max3A_933 = arith.maximumf %get3A_923, %get3A_926 : vector<8x128xf32>
    %min3A_934 = arith.minimumf %get3A_923, %get3A_926 : vector<8x128xf32>
    %max3A_935 = arith.maximumf %max3A_927, %max3A_929 : vector<8x128xf32>
    %min3A_936 = arith.minimumf %max3A_927, %max3A_929 : vector<8x128xf32>
    %max3A_937 = arith.maximumf %min3A_928, %min3A_930 : vector<8x128xf32>
    %min3A_938 = arith.minimumf %min3A_928, %min3A_930 : vector<8x128xf32>
    %max3A_939 = arith.maximumf %max3A_931, %max3A_933 : vector<8x128xf32>
    %min3A_940 = arith.minimumf %max3A_931, %max3A_933 : vector<8x128xf32>
    %max3A_941 = arith.maximumf %min3A_932, %min3A_934 : vector<8x128xf32>
    %min3A_942 = arith.minimumf %min3A_932, %min3A_934 : vector<8x128xf32>
    %max3A_943 = arith.maximumf %max3A_937, %min3A_936 : vector<8x128xf32>
    %min3A_944 = arith.minimumf %max3A_937, %min3A_936 : vector<8x128xf32>
    %max3A_945 = arith.maximumf %max3A_941, %min3A_940 : vector<8x128xf32>
    %min3A_946 = arith.minimumf %max3A_941, %min3A_940 : vector<8x128xf32>
    %max3A_947 = arith.maximumf %max3A_935, %max3A_939 : vector<8x128xf32>
    %min3A_948 = arith.minimumf %max3A_935, %max3A_939 : vector<8x128xf32>
    %max3A_949 = arith.maximumf %max3A_943, %max3A_945 : vector<8x128xf32>
    %min3A_950 = arith.minimumf %max3A_943, %max3A_945 : vector<8x128xf32>
    %max3A_951 = arith.maximumf %min3A_944, %min3A_946 : vector<8x128xf32>
    %min3A_952 = arith.minimumf %min3A_944, %min3A_946 : vector<8x128xf32>
    %max3A_953 = arith.maximumf %min3A_938, %min3A_942 : vector<8x128xf32>
    %min3A_954 = arith.minimumf %min3A_938, %min3A_942 : vector<8x128xf32>
    %max3A_955 = arith.maximumf %max3A_951, %min3A_948 : vector<8x128xf32>
    %min3A_956 = arith.minimumf %max3A_951, %min3A_948 : vector<8x128xf32>
    %max3A_957 = arith.maximumf %max3A_953, %min3A_950 : vector<8x128xf32>
    %min3A_958 = arith.minimumf %max3A_953, %min3A_950 : vector<8x128xf32>
    %max3A_959 = arith.maximumf %max3A_949, %max3A_955 : vector<8x128xf32>
    %min3A_960 = arith.minimumf %max3A_949, %max3A_955 : vector<8x128xf32>
    %max3A_961 = arith.maximumf %max3A_957, %min3A_956 : vector<8x128xf32>
    %min3A_962 = arith.minimumf %max3A_957, %min3A_956 : vector<8x128xf32>
    %max3A_963 = arith.maximumf %min3A_958, %min3A_952 : vector<8x128xf32>
    %min3A_964 = arith.minimumf %min3A_958, %min3A_952 : vector<8x128xf32>
    %max3A_965 = arith.maximumf %max3A_613, %min3A_954 : vector<8x128xf32>
    %max3A_966 = arith.maximumf %min3A_614, %min3A_964 : vector<8x128xf32>
    %max3A_967 = arith.maximumf %max3A_615, %max3A_963 : vector<8x128xf32>
    %max3A_968 = arith.maximumf %min3A_616, %min3A_962 : vector<8x128xf32>
    %max3A_969 = arith.maximumf %max3A_617, %max3A_961 : vector<8x128xf32>
    %max3A_970 = arith.maximumf %min3A_618, %min3A_960 : vector<8x128xf32>
    %max3A_971 = arith.maximumf %max3A_619, %max3A_959 : vector<8x128xf32>
    %max3A_972 = arith.maximumf %min3A_620, %max3A_947 : vector<8x128xf32>
    %max3A_973 = arith.maximumf %max3A_965, %max3A_969 : vector<8x128xf32>
    %min3A_974 = arith.minimumf %max3A_965, %max3A_969 : vector<8x128xf32>
    %max3A_975 = arith.maximumf %max3A_966, %max3A_970 : vector<8x128xf32>
    %min3A_976 = arith.minimumf %max3A_966, %max3A_970 : vector<8x128xf32>
    %max3A_977 = arith.maximumf %max3A_967, %max3A_971 : vector<8x128xf32>
    %min3A_978 = arith.minimumf %max3A_967, %max3A_971 : vector<8x128xf32>
    %max3A_979 = arith.maximumf %max3A_968, %max3A_972 : vector<8x128xf32>
    %min3A_980 = arith.minimumf %max3A_968, %max3A_972 : vector<8x128xf32>
    %max3A_981 = arith.maximumf %max3A_973, %max3A_977 : vector<8x128xf32>
    %min3A_982 = arith.minimumf %max3A_973, %max3A_977 : vector<8x128xf32>
    %max3A_983 = arith.maximumf %max3A_975, %max3A_979 : vector<8x128xf32>
    %min3A_984 = arith.minimumf %max3A_975, %max3A_979 : vector<8x128xf32>
    %max3A_985 = arith.maximumf %min3A_974, %min3A_978 : vector<8x128xf32>
    %min3A_986 = arith.minimumf %min3A_974, %min3A_978 : vector<8x128xf32>
    %max3A_987 = arith.maximumf %min3A_976, %min3A_980 : vector<8x128xf32>
    %min3A_988 = arith.minimumf %min3A_976, %min3A_980 : vector<8x128xf32>
    %max3A_989 = arith.maximumf %max3A_981, %max3A_983 : vector<8x128xf32>
    %min3A_990 = arith.minimumf %max3A_981, %max3A_983 : vector<8x128xf32>
    %max3A_991 = arith.maximumf %min3A_982, %min3A_984 : vector<8x128xf32>
    %min3A_992 = arith.minimumf %min3A_982, %min3A_984 : vector<8x128xf32>
    %max3A_993 = arith.maximumf %max3A_985, %max3A_987 : vector<8x128xf32>
    %min3A_994 = arith.minimumf %max3A_985, %max3A_987 : vector<8x128xf32>
    %max3A_995 = arith.maximumf %min3A_986, %min3A_988 : vector<8x128xf32>
    %min3A_996 = arith.minimumf %min3A_986, %min3A_988 : vector<8x128xf32>
    %get3A_997 = arith.constant 0 : index
    %get3A_998 = arith.constant 12288 : index
    %get3A_999 = vector.load %arg1[%get3A_997, %get3A_998] : memref<8x22528xf32, #tpu.memory_space<vmem>>, vector<8x128xf32>
    %get3A_1000 = arith.constant 0 : index
    %get3A_1001 = arith.constant 12416 : index
    %get3A_1002 = vector.load %arg1[%get3A_1000, %get3A_1001] : memref<8x22528xf32, #tpu.memory_space<vmem>>, vector<8x128xf32>
    %get3A_1003 = arith.constant 0 : index
    %get3A_1004 = arith.constant 12544 : index
    %get3A_1005 = vector.load %arg1[%get3A_1003, %get3A_1004] : memref<8x22528xf32, #tpu.memory_space<vmem>>, vector<8x128xf32>
    %get3A_1006 = arith.constant 0 : index
    %get3A_1007 = arith.constant 12672 : index
    %get3A_1008 = vector.load %arg1[%get3A_1006, %get3A_1007] : memref<8x22528xf32, #tpu.memory_space<vmem>>, vector<8x128xf32>
    %get3A_1009 = arith.constant 0 : index
    %get3A_1010 = arith.constant 12800 : index
    %get3A_1011 = vector.load %arg1[%get3A_1009, %get3A_1010] : memref<8x22528xf32, #tpu.memory_space<vmem>>, vector<8x128xf32>
    %get3A_1012 = arith.constant 0 : index
    %get3A_1013 = arith.constant 12928 : index
    %get3A_1014 = vector.load %arg1[%get3A_1012, %get3A_1013] : memref<8x22528xf32, #tpu.memory_space<vmem>>, vector<8x128xf32>
    %get3A_1015 = arith.constant 0 : index
    %get3A_1016 = arith.constant 13056 : index
    %get3A_1017 = vector.load %arg1[%get3A_1015, %get3A_1016] : memref<8x22528xf32, #tpu.memory_space<vmem>>, vector<8x128xf32>
    %get3A_1018 = arith.constant 0 : index
    %get3A_1019 = arith.constant 13184 : index
    %get3A_1020 = vector.load %arg1[%get3A_1018, %get3A_1019] : memref<8x22528xf32, #tpu.memory_space<vmem>>, vector<8x128xf32>
    %max3A_1021 = arith.maximumf %get3A_999, %get3A_1002 : vector<8x128xf32>
    %min3A_1022 = arith.minimumf %get3A_999, %get3A_1002 : vector<8x128xf32>
    %max3A_1023 = arith.maximumf %get3A_1005, %get3A_1008 : vector<8x128xf32>
    %min3A_1024 = arith.minimumf %get3A_1005, %get3A_1008 : vector<8x128xf32>
    %max3A_1025 = arith.maximumf %get3A_1011, %get3A_1014 : vector<8x128xf32>
    %min3A_1026 = arith.minimumf %get3A_1011, %get3A_1014 : vector<8x128xf32>
    %max3A_1027 = arith.maximumf %get3A_1017, %get3A_1020 : vector<8x128xf32>
    %min3A_1028 = arith.minimumf %get3A_1017, %get3A_1020 : vector<8x128xf32>
    %max3A_1029 = arith.maximumf %max3A_1021, %max3A_1023 : vector<8x128xf32>
    %min3A_1030 = arith.minimumf %max3A_1021, %max3A_1023 : vector<8x128xf32>
    %max3A_1031 = arith.maximumf %min3A_1022, %min3A_1024 : vector<8x128xf32>
    %min3A_1032 = arith.minimumf %min3A_1022, %min3A_1024 : vector<8x128xf32>
    %max3A_1033 = arith.maximumf %max3A_1025, %max3A_1027 : vector<8x128xf32>
    %min3A_1034 = arith.minimumf %max3A_1025, %max3A_1027 : vector<8x128xf32>
    %max3A_1035 = arith.maximumf %min3A_1026, %min3A_1028 : vector<8x128xf32>
    %min3A_1036 = arith.minimumf %min3A_1026, %min3A_1028 : vector<8x128xf32>
    %max3A_1037 = arith.maximumf %max3A_1031, %min3A_1030 : vector<8x128xf32>
    %min3A_1038 = arith.minimumf %max3A_1031, %min3A_1030 : vector<8x128xf32>
    %max3A_1039 = arith.maximumf %max3A_1035, %min3A_1034 : vector<8x128xf32>
    %min3A_1040 = arith.minimumf %max3A_1035, %min3A_1034 : vector<8x128xf32>
    %max3A_1041 = arith.maximumf %max3A_1029, %max3A_1033 : vector<8x128xf32>
    %min3A_1042 = arith.minimumf %max3A_1029, %max3A_1033 : vector<8x128xf32>
    %max3A_1043 = arith.maximumf %max3A_1037, %max3A_1039 : vector<8x128xf32>
    %min3A_1044 = arith.minimumf %max3A_1037, %max3A_1039 : vector<8x128xf32>
    %max3A_1045 = arith.maximumf %min3A_1038, %min3A_1040 : vector<8x128xf32>
    %min3A_1046 = arith.minimumf %min3A_1038, %min3A_1040 : vector<8x128xf32>
    %max3A_1047 = arith.maximumf %min3A_1032, %min3A_1036 : vector<8x128xf32>
    %min3A_1048 = arith.minimumf %min3A_1032, %min3A_1036 : vector<8x128xf32>
    %max3A_1049 = arith.maximumf %max3A_1045, %min3A_1042 : vector<8x128xf32>
    %min3A_1050 = arith.minimumf %max3A_1045, %min3A_1042 : vector<8x128xf32>
    %max3A_1051 = arith.maximumf %max3A_1047, %min3A_1044 : vector<8x128xf32>
    %min3A_1052 = arith.minimumf %max3A_1047, %min3A_1044 : vector<8x128xf32>
    %max3A_1053 = arith.maximumf %max3A_1043, %max3A_1049 : vector<8x128xf32>
    %min3A_1054 = arith.minimumf %max3A_1043, %max3A_1049 : vector<8x128xf32>
    %max3A_1055 = arith.maximumf %max3A_1051, %min3A_1050 : vector<8x128xf32>
    %min3A_1056 = arith.minimumf %max3A_1051, %min3A_1050 : vector<8x128xf32>
    %max3A_1057 = arith.maximumf %min3A_1052, %min3A_1046 : vector<8x128xf32>
    %min3A_1058 = arith.minimumf %min3A_1052, %min3A_1046 : vector<8x128xf32>
    %max3A_1059 = arith.maximumf %max3A_707, %min3A_1048 : vector<8x128xf32>
    %max3A_1060 = arith.maximumf %min3A_708, %min3A_1058 : vector<8x128xf32>
    %max3A_1061 = arith.maximumf %max3A_709, %max3A_1057 : vector<8x128xf32>
    %max3A_1062 = arith.maximumf %min3A_710, %min3A_1056 : vector<8x128xf32>
    %max3A_1063 = arith.maximumf %max3A_711, %max3A_1055 : vector<8x128xf32>
    %max3A_1064 = arith.maximumf %min3A_712, %min3A_1054 : vector<8x128xf32>
    %max3A_1065 = arith.maximumf %max3A_713, %max3A_1053 : vector<8x128xf32>
    %max3A_1066 = arith.maximumf %min3A_714, %max3A_1041 : vector<8x128xf32>
    %max3A_1067 = arith.maximumf %max3A_1059, %max3A_1063 : vector<8x128xf32>
    %min3A_1068 = arith.minimumf %max3A_1059, %max3A_1063 : vector<8x128xf32>
    %max3A_1069 = arith.maximumf %max3A_1060, %max3A_1064 : vector<8x128xf32>
    %min3A_1070 = arith.minimumf %max3A_1060, %max3A_1064 : vector<8x128xf32>
    %max3A_1071 = arith.maximumf %max3A_1061, %max3A_1065 : vector<8x128xf32>
    %min3A_1072 = arith.minimumf %max3A_1061, %max3A_1065 : vector<8x128xf32>
    %max3A_1073 = arith.maximumf %max3A_1062, %max3A_1066 : vector<8x128xf32>
    %min3A_1074 = arith.minimumf %max3A_1062, %max3A_1066 : vector<8x128xf32>
    %max3A_1075 = arith.maximumf %max3A_1067, %max3A_1071 : vector<8x128xf32>
    %min3A_1076 = arith.minimumf %max3A_1067, %max3A_1071 : vector<8x128xf32>
    %max3A_1077 = arith.maximumf %max3A_1069, %max3A_1073 : vector<8x128xf32>
    %min3A_1078 = arith.minimumf %max3A_1069, %max3A_1073 : vector<8x128xf32>
    %max3A_1079 = arith.maximumf %min3A_1068, %min3A_1072 : vector<8x128xf32>
    %min3A_1080 = arith.minimumf %min3A_1068, %min3A_1072 : vector<8x128xf32>
    %max3A_1081 = arith.maximumf %min3A_1070, %min3A_1074 : vector<8x128xf32>
    %min3A_1082 = arith.minimumf %min3A_1070, %min3A_1074 : vector<8x128xf32>
    %max3A_1083 = arith.maximumf %max3A_1075, %max3A_1077 : vector<8x128xf32>
    %min3A_1084 = arith.minimumf %max3A_1075, %max3A_1077 : vector<8x128xf32>
    %max3A_1085 = arith.maximumf %min3A_1076, %min3A_1078 : vector<8x128xf32>
    %min3A_1086 = arith.minimumf %min3A_1076, %min3A_1078 : vector<8x128xf32>
    %max3A_1087 = arith.maximumf %max3A_1079, %max3A_1081 : vector<8x128xf32>
    %min3A_1088 = arith.minimumf %max3A_1079, %max3A_1081 : vector<8x128xf32>
    %max3A_1089 = arith.maximumf %min3A_1080, %min3A_1082 : vector<8x128xf32>
    %min3A_1090 = arith.minimumf %min3A_1080, %min3A_1082 : vector<8x128xf32>
    %get3A_1091 = arith.constant 0 : index
    %get3A_1092 = arith.constant 13312 : index
    %get3A_1093 = vector.load %arg1[%get3A_1091, %get3A_1092] : memref<8x22528xf32, #tpu.memory_space<vmem>>, vector<8x128xf32>
    %get3A_1094 = arith.constant 0 : index
    %get3A_1095 = arith.constant 13440 : index
    %get3A_1096 = vector.load %arg1[%get3A_1094, %get3A_1095] : memref<8x22528xf32, #tpu.memory_space<vmem>>, vector<8x128xf32>
    %get3A_1097 = arith.constant 0 : index
    %get3A_1098 = arith.constant 13568 : index
    %get3A_1099 = vector.load %arg1[%get3A_1097, %get3A_1098] : memref<8x22528xf32, #tpu.memory_space<vmem>>, vector<8x128xf32>
    %get3A_1100 = arith.constant 0 : index
    %get3A_1101 = arith.constant 13696 : index
    %get3A_1102 = vector.load %arg1[%get3A_1100, %get3A_1101] : memref<8x22528xf32, #tpu.memory_space<vmem>>, vector<8x128xf32>
    %get3A_1103 = arith.constant 0 : index
    %get3A_1104 = arith.constant 13824 : index
    %get3A_1105 = vector.load %arg1[%get3A_1103, %get3A_1104] : memref<8x22528xf32, #tpu.memory_space<vmem>>, vector<8x128xf32>
    %get3A_1106 = arith.constant 0 : index
    %get3A_1107 = arith.constant 13952 : index
    %get3A_1108 = vector.load %arg1[%get3A_1106, %get3A_1107] : memref<8x22528xf32, #tpu.memory_space<vmem>>, vector<8x128xf32>
    %get3A_1109 = arith.constant 0 : index
    %get3A_1110 = arith.constant 14080 : index
    %get3A_1111 = vector.load %arg1[%get3A_1109, %get3A_1110] : memref<8x22528xf32, #tpu.memory_space<vmem>>, vector<8x128xf32>
    %get3A_1112 = arith.constant 0 : index
    %get3A_1113 = arith.constant 14208 : index
    %get3A_1114 = vector.load %arg1[%get3A_1112, %get3A_1113] : memref<8x22528xf32, #tpu.memory_space<vmem>>, vector<8x128xf32>
    %max3A_1115 = arith.maximumf %get3A_1093, %get3A_1096 : vector<8x128xf32>
    %min3A_1116 = arith.minimumf %get3A_1093, %get3A_1096 : vector<8x128xf32>
    %max3A_1117 = arith.maximumf %get3A_1099, %get3A_1102 : vector<8x128xf32>
    %min3A_1118 = arith.minimumf %get3A_1099, %get3A_1102 : vector<8x128xf32>
    %max3A_1119 = arith.maximumf %get3A_1105, %get3A_1108 : vector<8x128xf32>
    %min3A_1120 = arith.minimumf %get3A_1105, %get3A_1108 : vector<8x128xf32>
    %max3A_1121 = arith.maximumf %get3A_1111, %get3A_1114 : vector<8x128xf32>
    %min3A_1122 = arith.minimumf %get3A_1111, %get3A_1114 : vector<8x128xf32>
    %max3A_1123 = arith.maximumf %max3A_1115, %max3A_1117 : vector<8x128xf32>
    %min3A_1124 = arith.minimumf %max3A_1115, %max3A_1117 : vector<8x128xf32>
    %max3A_1125 = arith.maximumf %min3A_1116, %min3A_1118 : vector<8x128xf32>
    %min3A_1126 = arith.minimumf %min3A_1116, %min3A_1118 : vector<8x128xf32>
    %max3A_1127 = arith.maximumf %max3A_1119, %max3A_1121 : vector<8x128xf32>
    %min3A_1128 = arith.minimumf %max3A_1119, %max3A_1121 : vector<8x128xf32>
    %max3A_1129 = arith.maximumf %min3A_1120, %min3A_1122 : vector<8x128xf32>
    %min3A_1130 = arith.minimumf %min3A_1120, %min3A_1122 : vector<8x128xf32>
    %max3A_1131 = arith.maximumf %max3A_1125, %min3A_1124 : vector<8x128xf32>
    %min3A_1132 = arith.minimumf %max3A_1125, %min3A_1124 : vector<8x128xf32>
    %max3A_1133 = arith.maximumf %max3A_1129, %min3A_1128 : vector<8x128xf32>
    %min3A_1134 = arith.minimumf %max3A_1129, %min3A_1128 : vector<8x128xf32>
    %max3A_1135 = arith.maximumf %max3A_1123, %max3A_1127 : vector<8x128xf32>
    %min3A_1136 = arith.minimumf %max3A_1123, %max3A_1127 : vector<8x128xf32>
    %max3A_1137 = arith.maximumf %max3A_1131, %max3A_1133 : vector<8x128xf32>
    %min3A_1138 = arith.minimumf %max3A_1131, %max3A_1133 : vector<8x128xf32>
    %max3A_1139 = arith.maximumf %min3A_1132, %min3A_1134 : vector<8x128xf32>
    %min3A_1140 = arith.minimumf %min3A_1132, %min3A_1134 : vector<8x128xf32>
    %max3A_1141 = arith.maximumf %min3A_1126, %min3A_1130 : vector<8x128xf32>
    %min3A_1142 = arith.minimumf %min3A_1126, %min3A_1130 : vector<8x128xf32>
    %max3A_1143 = arith.maximumf %max3A_1139, %min3A_1136 : vector<8x128xf32>
    %min3A_1144 = arith.minimumf %max3A_1139, %min3A_1136 : vector<8x128xf32>
    %max3A_1145 = arith.maximumf %max3A_1141, %min3A_1138 : vector<8x128xf32>
    %min3A_1146 = arith.minimumf %max3A_1141, %min3A_1138 : vector<8x128xf32>
    %max3A_1147 = arith.maximumf %max3A_1137, %max3A_1143 : vector<8x128xf32>
    %min3A_1148 = arith.minimumf %max3A_1137, %max3A_1143 : vector<8x128xf32>
    %max3A_1149 = arith.maximumf %max3A_1145, %min3A_1144 : vector<8x128xf32>
    %min3A_1150 = arith.minimumf %max3A_1145, %min3A_1144 : vector<8x128xf32>
    %max3A_1151 = arith.maximumf %min3A_1146, %min3A_1140 : vector<8x128xf32>
    %min3A_1152 = arith.minimumf %min3A_1146, %min3A_1140 : vector<8x128xf32>
    %max3A_1153 = arith.maximumf %max3A_801, %min3A_1142 : vector<8x128xf32>
    %max3A_1154 = arith.maximumf %min3A_802, %min3A_1152 : vector<8x128xf32>
    %max3A_1155 = arith.maximumf %max3A_803, %max3A_1151 : vector<8x128xf32>
    %max3A_1156 = arith.maximumf %min3A_804, %min3A_1150 : vector<8x128xf32>
    %max3A_1157 = arith.maximumf %max3A_805, %max3A_1149 : vector<8x128xf32>
    %max3A_1158 = arith.maximumf %min3A_806, %min3A_1148 : vector<8x128xf32>
    %max3A_1159 = arith.maximumf %max3A_807, %max3A_1147 : vector<8x128xf32>
    %max3A_1160 = arith.maximumf %min3A_808, %max3A_1135 : vector<8x128xf32>
    %max3A_1161 = arith.maximumf %max3A_1153, %max3A_1157 : vector<8x128xf32>
    %min3A_1162 = arith.minimumf %max3A_1153, %max3A_1157 : vector<8x128xf32>
    %max3A_1163 = arith.maximumf %max3A_1154, %max3A_1158 : vector<8x128xf32>
    %min3A_1164 = arith.minimumf %max3A_1154, %max3A_1158 : vector<8x128xf32>
    %max3A_1165 = arith.maximumf %max3A_1155, %max3A_1159 : vector<8x128xf32>
    %min3A_1166 = arith.minimumf %max3A_1155, %max3A_1159 : vector<8x128xf32>
    %max3A_1167 = arith.maximumf %max3A_1156, %max3A_1160 : vector<8x128xf32>
    %min3A_1168 = arith.minimumf %max3A_1156, %max3A_1160 : vector<8x128xf32>
    %max3A_1169 = arith.maximumf %max3A_1161, %max3A_1165 : vector<8x128xf32>
    %min3A_1170 = arith.minimumf %max3A_1161, %max3A_1165 : vector<8x128xf32>
    %max3A_1171 = arith.maximumf %max3A_1163, %max3A_1167 : vector<8x128xf32>
    %min3A_1172 = arith.minimumf %max3A_1163, %max3A_1167 : vector<8x128xf32>
    %max3A_1173 = arith.maximumf %min3A_1162, %min3A_1166 : vector<8x128xf32>
    %min3A_1174 = arith.minimumf %min3A_1162, %min3A_1166 : vector<8x128xf32>
    %max3A_1175 = arith.maximumf %min3A_1164, %min3A_1168 : vector<8x128xf32>
    %min3A_1176 = arith.minimumf %min3A_1164, %min3A_1168 : vector<8x128xf32>
    %max3A_1177 = arith.maximumf %max3A_1169, %max3A_1171 : vector<8x128xf32>
    %min3A_1178 = arith.minimumf %max3A_1169, %max3A_1171 : vector<8x128xf32>
    %max3A_1179 = arith.maximumf %min3A_1170, %min3A_1172 : vector<8x128xf32>
    %min3A_1180 = arith.minimumf %min3A_1170, %min3A_1172 : vector<8x128xf32>
    %max3A_1181 = arith.maximumf %max3A_1173, %max3A_1175 : vector<8x128xf32>
    %min3A_1182 = arith.minimumf %max3A_1173, %max3A_1175 : vector<8x128xf32>
    %max3A_1183 = arith.maximumf %min3A_1174, %min3A_1176 : vector<8x128xf32>
    %min3A_1184 = arith.minimumf %min3A_1174, %min3A_1176 : vector<8x128xf32>
    %get3A_1185 = arith.constant 0 : index
    %get3A_1186 = arith.constant 14336 : index
    %get3A_1187 = vector.load %arg1[%get3A_1185, %get3A_1186] : memref<8x22528xf32, #tpu.memory_space<vmem>>, vector<8x128xf32>
    %get3A_1188 = arith.constant 0 : index
    %get3A_1189 = arith.constant 14464 : index
    %get3A_1190 = vector.load %arg1[%get3A_1188, %get3A_1189] : memref<8x22528xf32, #tpu.memory_space<vmem>>, vector<8x128xf32>
    %get3A_1191 = arith.constant 0 : index
    %get3A_1192 = arith.constant 14592 : index
    %get3A_1193 = vector.load %arg1[%get3A_1191, %get3A_1192] : memref<8x22528xf32, #tpu.memory_space<vmem>>, vector<8x128xf32>
    %get3A_1194 = arith.constant 0 : index
    %get3A_1195 = arith.constant 14720 : index
    %get3A_1196 = vector.load %arg1[%get3A_1194, %get3A_1195] : memref<8x22528xf32, #tpu.memory_space<vmem>>, vector<8x128xf32>
    %get3A_1197 = arith.constant 0 : index
    %get3A_1198 = arith.constant 14848 : index
    %get3A_1199 = vector.load %arg1[%get3A_1197, %get3A_1198] : memref<8x22528xf32, #tpu.memory_space<vmem>>, vector<8x128xf32>
    %get3A_1200 = arith.constant 0 : index
    %get3A_1201 = arith.constant 14976 : index
    %get3A_1202 = vector.load %arg1[%get3A_1200, %get3A_1201] : memref<8x22528xf32, #tpu.memory_space<vmem>>, vector<8x128xf32>
    %get3A_1203 = arith.constant 0 : index
    %get3A_1204 = arith.constant 15104 : index
    %get3A_1205 = vector.load %arg1[%get3A_1203, %get3A_1204] : memref<8x22528xf32, #tpu.memory_space<vmem>>, vector<8x128xf32>
    %get3A_1206 = arith.constant 0 : index
    %get3A_1207 = arith.constant 15232 : index
    %get3A_1208 = vector.load %arg1[%get3A_1206, %get3A_1207] : memref<8x22528xf32, #tpu.memory_space<vmem>>, vector<8x128xf32>
    %max3A_1209 = arith.maximumf %get3A_1187, %get3A_1190 : vector<8x128xf32>
    %min3A_1210 = arith.minimumf %get3A_1187, %get3A_1190 : vector<8x128xf32>
    %max3A_1211 = arith.maximumf %get3A_1193, %get3A_1196 : vector<8x128xf32>
    %min3A_1212 = arith.minimumf %get3A_1193, %get3A_1196 : vector<8x128xf32>
    %max3A_1213 = arith.maximumf %get3A_1199, %get3A_1202 : vector<8x128xf32>
    %min3A_1214 = arith.minimumf %get3A_1199, %get3A_1202 : vector<8x128xf32>
    %max3A_1215 = arith.maximumf %get3A_1205, %get3A_1208 : vector<8x128xf32>
    %min3A_1216 = arith.minimumf %get3A_1205, %get3A_1208 : vector<8x128xf32>
    %max3A_1217 = arith.maximumf %max3A_1209, %max3A_1211 : vector<8x128xf32>
    %min3A_1218 = arith.minimumf %max3A_1209, %max3A_1211 : vector<8x128xf32>
    %max3A_1219 = arith.maximumf %min3A_1210, %min3A_1212 : vector<8x128xf32>
    %min3A_1220 = arith.minimumf %min3A_1210, %min3A_1212 : vector<8x128xf32>
    %max3A_1221 = arith.maximumf %max3A_1213, %max3A_1215 : vector<8x128xf32>
    %min3A_1222 = arith.minimumf %max3A_1213, %max3A_1215 : vector<8x128xf32>
    %max3A_1223 = arith.maximumf %min3A_1214, %min3A_1216 : vector<8x128xf32>
    %min3A_1224 = arith.minimumf %min3A_1214, %min3A_1216 : vector<8x128xf32>
    %max3A_1225 = arith.maximumf %max3A_1219, %min3A_1218 : vector<8x128xf32>
    %min3A_1226 = arith.minimumf %max3A_1219, %min3A_1218 : vector<8x128xf32>
    %max3A_1227 = arith.maximumf %max3A_1223, %min3A_1222 : vector<8x128xf32>
    %min3A_1228 = arith.minimumf %max3A_1223, %min3A_1222 : vector<8x128xf32>
    %max3A_1229 = arith.maximumf %max3A_1217, %max3A_1221 : vector<8x128xf32>
    %min3A_1230 = arith.minimumf %max3A_1217, %max3A_1221 : vector<8x128xf32>
    %max3A_1231 = arith.maximumf %max3A_1225, %max3A_1227 : vector<8x128xf32>
    %min3A_1232 = arith.minimumf %max3A_1225, %max3A_1227 : vector<8x128xf32>
    %max3A_1233 = arith.maximumf %min3A_1226, %min3A_1228 : vector<8x128xf32>
    %min3A_1234 = arith.minimumf %min3A_1226, %min3A_1228 : vector<8x128xf32>
    %max3A_1235 = arith.maximumf %min3A_1220, %min3A_1224 : vector<8x128xf32>
    %min3A_1236 = arith.minimumf %min3A_1220, %min3A_1224 : vector<8x128xf32>
    %max3A_1237 = arith.maximumf %max3A_1233, %min3A_1230 : vector<8x128xf32>
    %min3A_1238 = arith.minimumf %max3A_1233, %min3A_1230 : vector<8x128xf32>
    %max3A_1239 = arith.maximumf %max3A_1235, %min3A_1232 : vector<8x128xf32>
    %min3A_1240 = arith.minimumf %max3A_1235, %min3A_1232 : vector<8x128xf32>
    %max3A_1241 = arith.maximumf %max3A_1231, %max3A_1237 : vector<8x128xf32>
    %min3A_1242 = arith.minimumf %max3A_1231, %max3A_1237 : vector<8x128xf32>
    %max3A_1243 = arith.maximumf %max3A_1239, %min3A_1238 : vector<8x128xf32>
    %min3A_1244 = arith.minimumf %max3A_1239, %min3A_1238 : vector<8x128xf32>
    %max3A_1245 = arith.maximumf %min3A_1240, %min3A_1234 : vector<8x128xf32>
    %min3A_1246 = arith.minimumf %min3A_1240, %min3A_1234 : vector<8x128xf32>
    %max3A_1247 = arith.maximumf %max3A_895, %min3A_1236 : vector<8x128xf32>
    %max3A_1248 = arith.maximumf %min3A_896, %min3A_1246 : vector<8x128xf32>
    %max3A_1249 = arith.maximumf %max3A_897, %max3A_1245 : vector<8x128xf32>
    %max3A_1250 = arith.maximumf %min3A_898, %min3A_1244 : vector<8x128xf32>
    %max3A_1251 = arith.maximumf %max3A_899, %max3A_1243 : vector<8x128xf32>
    %max3A_1252 = arith.maximumf %min3A_900, %min3A_1242 : vector<8x128xf32>
    %max3A_1253 = arith.maximumf %max3A_901, %max3A_1241 : vector<8x128xf32>
    %max3A_1254 = arith.maximumf %min3A_902, %max3A_1229 : vector<8x128xf32>
    %max3A_1255 = arith.maximumf %max3A_1247, %max3A_1251 : vector<8x128xf32>
    %min3A_1256 = arith.minimumf %max3A_1247, %max3A_1251 : vector<8x128xf32>
    %max3A_1257 = arith.maximumf %max3A_1248, %max3A_1252 : vector<8x128xf32>
    %min3A_1258 = arith.minimumf %max3A_1248, %max3A_1252 : vector<8x128xf32>
    %max3A_1259 = arith.maximumf %max3A_1249, %max3A_1253 : vector<8x128xf32>
    %min3A_1260 = arith.minimumf %max3A_1249, %max3A_1253 : vector<8x128xf32>
    %max3A_1261 = arith.maximumf %max3A_1250, %max3A_1254 : vector<8x128xf32>
    %min3A_1262 = arith.minimumf %max3A_1250, %max3A_1254 : vector<8x128xf32>
    %max3A_1263 = arith.maximumf %max3A_1255, %max3A_1259 : vector<8x128xf32>
    %min3A_1264 = arith.minimumf %max3A_1255, %max3A_1259 : vector<8x128xf32>
    %max3A_1265 = arith.maximumf %max3A_1257, %max3A_1261 : vector<8x128xf32>
    %min3A_1266 = arith.minimumf %max3A_1257, %max3A_1261 : vector<8x128xf32>
    %max3A_1267 = arith.maximumf %min3A_1256, %min3A_1260 : vector<8x128xf32>
    %min3A_1268 = arith.minimumf %min3A_1256, %min3A_1260 : vector<8x128xf32>
    %max3A_1269 = arith.maximumf %min3A_1258, %min3A_1262 : vector<8x128xf32>
    %min3A_1270 = arith.minimumf %min3A_1258, %min3A_1262 : vector<8x128xf32>
    %max3A_1271 = arith.maximumf %max3A_1263, %max3A_1265 : vector<8x128xf32>
    %min3A_1272 = arith.minimumf %max3A_1263, %max3A_1265 : vector<8x128xf32>
    %max3A_1273 = arith.maximumf %min3A_1264, %min3A_1266 : vector<8x128xf32>
    %min3A_1274 = arith.minimumf %min3A_1264, %min3A_1266 : vector<8x128xf32>
    %max3A_1275 = arith.maximumf %max3A_1267, %max3A_1269 : vector<8x128xf32>
    %min3A_1276 = arith.minimumf %max3A_1267, %max3A_1269 : vector<8x128xf32>
    %max3A_1277 = arith.maximumf %min3A_1268, %min3A_1270 : vector<8x128xf32>
    %min3A_1278 = arith.minimumf %min3A_1268, %min3A_1270 : vector<8x128xf32>
    %get3A_1279 = arith.constant 0 : index
    %get3A_1280 = arith.constant 15360 : index
    %get3A_1281 = vector.load %arg1[%get3A_1279, %get3A_1280] : memref<8x22528xf32, #tpu.memory_space<vmem>>, vector<8x128xf32>
    %get3A_1282 = arith.constant 0 : index
    %get3A_1283 = arith.constant 15488 : index
    %get3A_1284 = vector.load %arg1[%get3A_1282, %get3A_1283] : memref<8x22528xf32, #tpu.memory_space<vmem>>, vector<8x128xf32>
    %get3A_1285 = arith.constant 0 : index
    %get3A_1286 = arith.constant 15616 : index
    %get3A_1287 = vector.load %arg1[%get3A_1285, %get3A_1286] : memref<8x22528xf32, #tpu.memory_space<vmem>>, vector<8x128xf32>
    %get3A_1288 = arith.constant 0 : index
    %get3A_1289 = arith.constant 15744 : index
    %get3A_1290 = vector.load %arg1[%get3A_1288, %get3A_1289] : memref<8x22528xf32, #tpu.memory_space<vmem>>, vector<8x128xf32>
    %get3A_1291 = arith.constant 0 : index
    %get3A_1292 = arith.constant 15872 : index
    %get3A_1293 = vector.load %arg1[%get3A_1291, %get3A_1292] : memref<8x22528xf32, #tpu.memory_space<vmem>>, vector<8x128xf32>
    %get3A_1294 = arith.constant 0 : index
    %get3A_1295 = arith.constant 16000 : index
    %get3A_1296 = vector.load %arg1[%get3A_1294, %get3A_1295] : memref<8x22528xf32, #tpu.memory_space<vmem>>, vector<8x128xf32>
    %get3A_1297 = arith.constant 0 : index
    %get3A_1298 = arith.constant 16128 : index
    %get3A_1299 = vector.load %arg1[%get3A_1297, %get3A_1298] : memref<8x22528xf32, #tpu.memory_space<vmem>>, vector<8x128xf32>
    %get3A_1300 = arith.constant 0 : index
    %get3A_1301 = arith.constant 16256 : index
    %get3A_1302 = vector.load %arg1[%get3A_1300, %get3A_1301] : memref<8x22528xf32, #tpu.memory_space<vmem>>, vector<8x128xf32>
    %max3A_1303 = arith.maximumf %get3A_1281, %get3A_1284 : vector<8x128xf32>
    %min3A_1304 = arith.minimumf %get3A_1281, %get3A_1284 : vector<8x128xf32>
    %max3A_1305 = arith.maximumf %get3A_1287, %get3A_1290 : vector<8x128xf32>
    %min3A_1306 = arith.minimumf %get3A_1287, %get3A_1290 : vector<8x128xf32>
    %max3A_1307 = arith.maximumf %get3A_1293, %get3A_1296 : vector<8x128xf32>
    %min3A_1308 = arith.minimumf %get3A_1293, %get3A_1296 : vector<8x128xf32>
    %max3A_1309 = arith.maximumf %get3A_1299, %get3A_1302 : vector<8x128xf32>
    %min3A_1310 = arith.minimumf %get3A_1299, %get3A_1302 : vector<8x128xf32>
    %max3A_1311 = arith.maximumf %max3A_1303, %max3A_1305 : vector<8x128xf32>
    %min3A_1312 = arith.minimumf %max3A_1303, %max3A_1305 : vector<8x128xf32>
    %max3A_1313 = arith.maximumf %min3A_1304, %min3A_1306 : vector<8x128xf32>
    %min3A_1314 = arith.minimumf %min3A_1304, %min3A_1306 : vector<8x128xf32>
    %max3A_1315 = arith.maximumf %max3A_1307, %max3A_1309 : vector<8x128xf32>
    %min3A_1316 = arith.minimumf %max3A_1307, %max3A_1309 : vector<8x128xf32>
    %max3A_1317 = arith.maximumf %min3A_1308, %min3A_1310 : vector<8x128xf32>
    %min3A_1318 = arith.minimumf %min3A_1308, %min3A_1310 : vector<8x128xf32>
    %max3A_1319 = arith.maximumf %max3A_1313, %min3A_1312 : vector<8x128xf32>
    %min3A_1320 = arith.minimumf %max3A_1313, %min3A_1312 : vector<8x128xf32>
    %max3A_1321 = arith.maximumf %max3A_1317, %min3A_1316 : vector<8x128xf32>
    %min3A_1322 = arith.minimumf %max3A_1317, %min3A_1316 : vector<8x128xf32>
    %max3A_1323 = arith.maximumf %max3A_1311, %max3A_1315 : vector<8x128xf32>
    %min3A_1324 = arith.minimumf %max3A_1311, %max3A_1315 : vector<8x128xf32>
    %max3A_1325 = arith.maximumf %max3A_1319, %max3A_1321 : vector<8x128xf32>
    %min3A_1326 = arith.minimumf %max3A_1319, %max3A_1321 : vector<8x128xf32>
    %max3A_1327 = arith.maximumf %min3A_1320, %min3A_1322 : vector<8x128xf32>
    %min3A_1328 = arith.minimumf %min3A_1320, %min3A_1322 : vector<8x128xf32>
    %max3A_1329 = arith.maximumf %min3A_1314, %min3A_1318 : vector<8x128xf32>
    %min3A_1330 = arith.minimumf %min3A_1314, %min3A_1318 : vector<8x128xf32>
    %max3A_1331 = arith.maximumf %max3A_1327, %min3A_1324 : vector<8x128xf32>
    %min3A_1332 = arith.minimumf %max3A_1327, %min3A_1324 : vector<8x128xf32>
    %max3A_1333 = arith.maximumf %max3A_1329, %min3A_1326 : vector<8x128xf32>
    %min3A_1334 = arith.minimumf %max3A_1329, %min3A_1326 : vector<8x128xf32>
    %max3A_1335 = arith.maximumf %max3A_1325, %max3A_1331 : vector<8x128xf32>
    %min3A_1336 = arith.minimumf %max3A_1325, %max3A_1331 : vector<8x128xf32>
    %max3A_1337 = arith.maximumf %max3A_1333, %min3A_1332 : vector<8x128xf32>
    %min3A_1338 = arith.minimumf %max3A_1333, %min3A_1332 : vector<8x128xf32>
    %max3A_1339 = arith.maximumf %min3A_1334, %min3A_1328 : vector<8x128xf32>
    %min3A_1340 = arith.minimumf %min3A_1334, %min3A_1328 : vector<8x128xf32>
    %max3A_1341 = arith.maximumf %max3A_989, %min3A_1330 : vector<8x128xf32>
    %max3A_1342 = arith.maximumf %min3A_990, %min3A_1340 : vector<8x128xf32>
    %max3A_1343 = arith.maximumf %max3A_991, %max3A_1339 : vector<8x128xf32>
    %max3A_1344 = arith.maximumf %min3A_992, %min3A_1338 : vector<8x128xf32>
    %max3A_1345 = arith.maximumf %max3A_993, %max3A_1337 : vector<8x128xf32>
    %max3A_1346 = arith.maximumf %min3A_994, %min3A_1336 : vector<8x128xf32>
    %max3A_1347 = arith.maximumf %max3A_995, %max3A_1335 : vector<8x128xf32>
    %max3A_1348 = arith.maximumf %min3A_996, %max3A_1323 : vector<8x128xf32>
    %max3A_1349 = arith.maximumf %max3A_1341, %max3A_1345 : vector<8x128xf32>
    %min3A_1350 = arith.minimumf %max3A_1341, %max3A_1345 : vector<8x128xf32>
    %max3A_1351 = arith.maximumf %max3A_1342, %max3A_1346 : vector<8x128xf32>
    %min3A_1352 = arith.minimumf %max3A_1342, %max3A_1346 : vector<8x128xf32>
    %max3A_1353 = arith.maximumf %max3A_1343, %max3A_1347 : vector<8x128xf32>
    %min3A_1354 = arith.minimumf %max3A_1343, %max3A_1347 : vector<8x128xf32>
    %max3A_1355 = arith.maximumf %max3A_1344, %max3A_1348 : vector<8x128xf32>
    %min3A_1356 = arith.minimumf %max3A_1344, %max3A_1348 : vector<8x128xf32>
    %max3A_1357 = arith.maximumf %max3A_1349, %max3A_1353 : vector<8x128xf32>
    %min3A_1358 = arith.minimumf %max3A_1349, %max3A_1353 : vector<8x128xf32>
    %max3A_1359 = arith.maximumf %max3A_1351, %max3A_1355 : vector<8x128xf32>
    %min3A_1360 = arith.minimumf %max3A_1351, %max3A_1355 : vector<8x128xf32>
    %max3A_1361 = arith.maximumf %min3A_1350, %min3A_1354 : vector<8x128xf32>
    %min3A_1362 = arith.minimumf %min3A_1350, %min3A_1354 : vector<8x128xf32>
    %max3A_1363 = arith.maximumf %min3A_1352, %min3A_1356 : vector<8x128xf32>
    %min3A_1364 = arith.minimumf %min3A_1352, %min3A_1356 : vector<8x128xf32>
    %max3A_1365 = arith.maximumf %max3A_1357, %max3A_1359 : vector<8x128xf32>
    %min3A_1366 = arith.minimumf %max3A_1357, %max3A_1359 : vector<8x128xf32>
    %max3A_1367 = arith.maximumf %min3A_1358, %min3A_1360 : vector<8x128xf32>
    %min3A_1368 = arith.minimumf %min3A_1358, %min3A_1360 : vector<8x128xf32>
    %max3A_1369 = arith.maximumf %max3A_1361, %max3A_1363 : vector<8x128xf32>
    %min3A_1370 = arith.minimumf %max3A_1361, %max3A_1363 : vector<8x128xf32>
    %max3A_1371 = arith.maximumf %min3A_1362, %min3A_1364 : vector<8x128xf32>
    %min3A_1372 = arith.minimumf %min3A_1362, %min3A_1364 : vector<8x128xf32>
    %get3A_1373 = arith.constant 0 : index
    %get3A_1374 = arith.constant 16384 : index
    %get3A_1375 = vector.load %arg1[%get3A_1373, %get3A_1374] : memref<8x22528xf32, #tpu.memory_space<vmem>>, vector<8x128xf32>
    %get3A_1376 = arith.constant 0 : index
    %get3A_1377 = arith.constant 16512 : index
    %get3A_1378 = vector.load %arg1[%get3A_1376, %get3A_1377] : memref<8x22528xf32, #tpu.memory_space<vmem>>, vector<8x128xf32>
    %get3A_1379 = arith.constant 0 : index
    %get3A_1380 = arith.constant 16640 : index
    %get3A_1381 = vector.load %arg1[%get3A_1379, %get3A_1380] : memref<8x22528xf32, #tpu.memory_space<vmem>>, vector<8x128xf32>
    %get3A_1382 = arith.constant 0 : index
    %get3A_1383 = arith.constant 16768 : index
    %get3A_1384 = vector.load %arg1[%get3A_1382, %get3A_1383] : memref<8x22528xf32, #tpu.memory_space<vmem>>, vector<8x128xf32>
    %get3A_1385 = arith.constant 0 : index
    %get3A_1386 = arith.constant 16896 : index
    %get3A_1387 = vector.load %arg1[%get3A_1385, %get3A_1386] : memref<8x22528xf32, #tpu.memory_space<vmem>>, vector<8x128xf32>
    %get3A_1388 = arith.constant 0 : index
    %get3A_1389 = arith.constant 17024 : index
    %get3A_1390 = vector.load %arg1[%get3A_1388, %get3A_1389] : memref<8x22528xf32, #tpu.memory_space<vmem>>, vector<8x128xf32>
    %get3A_1391 = arith.constant 0 : index
    %get3A_1392 = arith.constant 17152 : index
    %get3A_1393 = vector.load %arg1[%get3A_1391, %get3A_1392] : memref<8x22528xf32, #tpu.memory_space<vmem>>, vector<8x128xf32>
    %get3A_1394 = arith.constant 0 : index
    %get3A_1395 = arith.constant 17280 : index
    %get3A_1396 = vector.load %arg1[%get3A_1394, %get3A_1395] : memref<8x22528xf32, #tpu.memory_space<vmem>>, vector<8x128xf32>
    %max3A_1397 = arith.maximumf %get3A_1375, %get3A_1378 : vector<8x128xf32>
    %min3A_1398 = arith.minimumf %get3A_1375, %get3A_1378 : vector<8x128xf32>
    %max3A_1399 = arith.maximumf %get3A_1381, %get3A_1384 : vector<8x128xf32>
    %min3A_1400 = arith.minimumf %get3A_1381, %get3A_1384 : vector<8x128xf32>
    %max3A_1401 = arith.maximumf %get3A_1387, %get3A_1390 : vector<8x128xf32>
    %min3A_1402 = arith.minimumf %get3A_1387, %get3A_1390 : vector<8x128xf32>
    %max3A_1403 = arith.maximumf %get3A_1393, %get3A_1396 : vector<8x128xf32>
    %min3A_1404 = arith.minimumf %get3A_1393, %get3A_1396 : vector<8x128xf32>
    %max3A_1405 = arith.maximumf %max3A_1397, %max3A_1399 : vector<8x128xf32>
    %min3A_1406 = arith.minimumf %max3A_1397, %max3A_1399 : vector<8x128xf32>
    %max3A_1407 = arith.maximumf %min3A_1398, %min3A_1400 : vector<8x128xf32>
    %min3A_1408 = arith.minimumf %min3A_1398, %min3A_1400 : vector<8x128xf32>
    %max3A_1409 = arith.maximumf %max3A_1401, %max3A_1403 : vector<8x128xf32>
    %min3A_1410 = arith.minimumf %max3A_1401, %max3A_1403 : vector<8x128xf32>
    %max3A_1411 = arith.maximumf %min3A_1402, %min3A_1404 : vector<8x128xf32>
    %min3A_1412 = arith.minimumf %min3A_1402, %min3A_1404 : vector<8x128xf32>
    %max3A_1413 = arith.maximumf %max3A_1407, %min3A_1406 : vector<8x128xf32>
    %min3A_1414 = arith.minimumf %max3A_1407, %min3A_1406 : vector<8x128xf32>
    %max3A_1415 = arith.maximumf %max3A_1411, %min3A_1410 : vector<8x128xf32>
    %min3A_1416 = arith.minimumf %max3A_1411, %min3A_1410 : vector<8x128xf32>
    %max3A_1417 = arith.maximumf %max3A_1405, %max3A_1409 : vector<8x128xf32>
    %min3A_1418 = arith.minimumf %max3A_1405, %max3A_1409 : vector<8x128xf32>
    %max3A_1419 = arith.maximumf %max3A_1413, %max3A_1415 : vector<8x128xf32>
    %min3A_1420 = arith.minimumf %max3A_1413, %max3A_1415 : vector<8x128xf32>
    %max3A_1421 = arith.maximumf %min3A_1414, %min3A_1416 : vector<8x128xf32>
    %min3A_1422 = arith.minimumf %min3A_1414, %min3A_1416 : vector<8x128xf32>
    %max3A_1423 = arith.maximumf %min3A_1408, %min3A_1412 : vector<8x128xf32>
    %min3A_1424 = arith.minimumf %min3A_1408, %min3A_1412 : vector<8x128xf32>
    %max3A_1425 = arith.maximumf %max3A_1421, %min3A_1418 : vector<8x128xf32>
    %min3A_1426 = arith.minimumf %max3A_1421, %min3A_1418 : vector<8x128xf32>
    %max3A_1427 = arith.maximumf %max3A_1423, %min3A_1420 : vector<8x128xf32>
    %min3A_1428 = arith.minimumf %max3A_1423, %min3A_1420 : vector<8x128xf32>
    %max3A_1429 = arith.maximumf %max3A_1419, %max3A_1425 : vector<8x128xf32>
    %min3A_1430 = arith.minimumf %max3A_1419, %max3A_1425 : vector<8x128xf32>
    %max3A_1431 = arith.maximumf %max3A_1427, %min3A_1426 : vector<8x128xf32>
    %min3A_1432 = arith.minimumf %max3A_1427, %min3A_1426 : vector<8x128xf32>
    %max3A_1433 = arith.maximumf %min3A_1428, %min3A_1422 : vector<8x128xf32>
    %min3A_1434 = arith.minimumf %min3A_1428, %min3A_1422 : vector<8x128xf32>
    %max3A_1435 = arith.maximumf %max3A_1083, %min3A_1424 : vector<8x128xf32>
    %max3A_1436 = arith.maximumf %min3A_1084, %min3A_1434 : vector<8x128xf32>
    %max3A_1437 = arith.maximumf %max3A_1085, %max3A_1433 : vector<8x128xf32>
    %max3A_1438 = arith.maximumf %min3A_1086, %min3A_1432 : vector<8x128xf32>
    %max3A_1439 = arith.maximumf %max3A_1087, %max3A_1431 : vector<8x128xf32>
    %max3A_1440 = arith.maximumf %min3A_1088, %min3A_1430 : vector<8x128xf32>
    %max3A_1441 = arith.maximumf %max3A_1089, %max3A_1429 : vector<8x128xf32>
    %max3A_1442 = arith.maximumf %min3A_1090, %max3A_1417 : vector<8x128xf32>
    %max3A_1443 = arith.maximumf %max3A_1435, %max3A_1439 : vector<8x128xf32>
    %min3A_1444 = arith.minimumf %max3A_1435, %max3A_1439 : vector<8x128xf32>
    %max3A_1445 = arith.maximumf %max3A_1436, %max3A_1440 : vector<8x128xf32>
    %min3A_1446 = arith.minimumf %max3A_1436, %max3A_1440 : vector<8x128xf32>
    %max3A_1447 = arith.maximumf %max3A_1437, %max3A_1441 : vector<8x128xf32>
    %min3A_1448 = arith.minimumf %max3A_1437, %max3A_1441 : vector<8x128xf32>
    %max3A_1449 = arith.maximumf %max3A_1438, %max3A_1442 : vector<8x128xf32>
    %min3A_1450 = arith.minimumf %max3A_1438, %max3A_1442 : vector<8x128xf32>
    %max3A_1451 = arith.maximumf %max3A_1443, %max3A_1447 : vector<8x128xf32>
    %min3A_1452 = arith.minimumf %max3A_1443, %max3A_1447 : vector<8x128xf32>
    %max3A_1453 = arith.maximumf %max3A_1445, %max3A_1449 : vector<8x128xf32>
    %min3A_1454 = arith.minimumf %max3A_1445, %max3A_1449 : vector<8x128xf32>
    %max3A_1455 = arith.maximumf %min3A_1444, %min3A_1448 : vector<8x128xf32>
    %min3A_1456 = arith.minimumf %min3A_1444, %min3A_1448 : vector<8x128xf32>
    %max3A_1457 = arith.maximumf %min3A_1446, %min3A_1450 : vector<8x128xf32>
    %min3A_1458 = arith.minimumf %min3A_1446, %min3A_1450 : vector<8x128xf32>
    %max3A_1459 = arith.maximumf %max3A_1451, %max3A_1453 : vector<8x128xf32>
    %min3A_1460 = arith.minimumf %max3A_1451, %max3A_1453 : vector<8x128xf32>
    %max3A_1461 = arith.maximumf %min3A_1452, %min3A_1454 : vector<8x128xf32>
    %min3A_1462 = arith.minimumf %min3A_1452, %min3A_1454 : vector<8x128xf32>
    %max3A_1463 = arith.maximumf %max3A_1455, %max3A_1457 : vector<8x128xf32>
    %min3A_1464 = arith.minimumf %max3A_1455, %max3A_1457 : vector<8x128xf32>
    %max3A_1465 = arith.maximumf %min3A_1456, %min3A_1458 : vector<8x128xf32>
    %min3A_1466 = arith.minimumf %min3A_1456, %min3A_1458 : vector<8x128xf32>
    %get3A_1467 = arith.constant 0 : index
    %get3A_1468 = arith.constant 17408 : index
    %get3A_1469 = vector.load %arg1[%get3A_1467, %get3A_1468] : memref<8x22528xf32, #tpu.memory_space<vmem>>, vector<8x128xf32>
    %get3A_1470 = arith.constant 0 : index
    %get3A_1471 = arith.constant 17536 : index
    %get3A_1472 = vector.load %arg1[%get3A_1470, %get3A_1471] : memref<8x22528xf32, #tpu.memory_space<vmem>>, vector<8x128xf32>
    %get3A_1473 = arith.constant 0 : index
    %get3A_1474 = arith.constant 17664 : index
    %get3A_1475 = vector.load %arg1[%get3A_1473, %get3A_1474] : memref<8x22528xf32, #tpu.memory_space<vmem>>, vector<8x128xf32>
    %get3A_1476 = arith.constant 0 : index
    %get3A_1477 = arith.constant 17792 : index
    %get3A_1478 = vector.load %arg1[%get3A_1476, %get3A_1477] : memref<8x22528xf32, #tpu.memory_space<vmem>>, vector<8x128xf32>
    %get3A_1479 = arith.constant 0 : index
    %get3A_1480 = arith.constant 17920 : index
    %get3A_1481 = vector.load %arg1[%get3A_1479, %get3A_1480] : memref<8x22528xf32, #tpu.memory_space<vmem>>, vector<8x128xf32>
    %get3A_1482 = arith.constant 0 : index
    %get3A_1483 = arith.constant 18048 : index
    %get3A_1484 = vector.load %arg1[%get3A_1482, %get3A_1483] : memref<8x22528xf32, #tpu.memory_space<vmem>>, vector<8x128xf32>
    %get3A_1485 = arith.constant 0 : index
    %get3A_1486 = arith.constant 18176 : index
    %get3A_1487 = vector.load %arg1[%get3A_1485, %get3A_1486] : memref<8x22528xf32, #tpu.memory_space<vmem>>, vector<8x128xf32>
    %get3A_1488 = arith.constant 0 : index
    %get3A_1489 = arith.constant 18304 : index
    %get3A_1490 = vector.load %arg1[%get3A_1488, %get3A_1489] : memref<8x22528xf32, #tpu.memory_space<vmem>>, vector<8x128xf32>
    %max3A_1491 = arith.maximumf %get3A_1469, %get3A_1472 : vector<8x128xf32>
    %min3A_1492 = arith.minimumf %get3A_1469, %get3A_1472 : vector<8x128xf32>
    %max3A_1493 = arith.maximumf %get3A_1475, %get3A_1478 : vector<8x128xf32>
    %min3A_1494 = arith.minimumf %get3A_1475, %get3A_1478 : vector<8x128xf32>
    %max3A_1495 = arith.maximumf %get3A_1481, %get3A_1484 : vector<8x128xf32>
    %min3A_1496 = arith.minimumf %get3A_1481, %get3A_1484 : vector<8x128xf32>
    %max3A_1497 = arith.maximumf %get3A_1487, %get3A_1490 : vector<8x128xf32>
    %min3A_1498 = arith.minimumf %get3A_1487, %get3A_1490 : vector<8x128xf32>
    %max3A_1499 = arith.maximumf %max3A_1491, %max3A_1493 : vector<8x128xf32>
    %min3A_1500 = arith.minimumf %max3A_1491, %max3A_1493 : vector<8x128xf32>
    %max3A_1501 = arith.maximumf %min3A_1492, %min3A_1494 : vector<8x128xf32>
    %min3A_1502 = arith.minimumf %min3A_1492, %min3A_1494 : vector<8x128xf32>
    %max3A_1503 = arith.maximumf %max3A_1495, %max3A_1497 : vector<8x128xf32>
    %min3A_1504 = arith.minimumf %max3A_1495, %max3A_1497 : vector<8x128xf32>
    %max3A_1505 = arith.maximumf %min3A_1496, %min3A_1498 : vector<8x128xf32>
    %min3A_1506 = arith.minimumf %min3A_1496, %min3A_1498 : vector<8x128xf32>
    %max3A_1507 = arith.maximumf %max3A_1501, %min3A_1500 : vector<8x128xf32>
    %min3A_1508 = arith.minimumf %max3A_1501, %min3A_1500 : vector<8x128xf32>
    %max3A_1509 = arith.maximumf %max3A_1505, %min3A_1504 : vector<8x128xf32>
    %min3A_1510 = arith.minimumf %max3A_1505, %min3A_1504 : vector<8x128xf32>
    %max3A_1511 = arith.maximumf %max3A_1499, %max3A_1503 : vector<8x128xf32>
    %min3A_1512 = arith.minimumf %max3A_1499, %max3A_1503 : vector<8x128xf32>
    %max3A_1513 = arith.maximumf %max3A_1507, %max3A_1509 : vector<8x128xf32>
    %min3A_1514 = arith.minimumf %max3A_1507, %max3A_1509 : vector<8x128xf32>
    %max3A_1515 = arith.maximumf %min3A_1508, %min3A_1510 : vector<8x128xf32>
    %min3A_1516 = arith.minimumf %min3A_1508, %min3A_1510 : vector<8x128xf32>
    %max3A_1517 = arith.maximumf %min3A_1502, %min3A_1506 : vector<8x128xf32>
    %min3A_1518 = arith.minimumf %min3A_1502, %min3A_1506 : vector<8x128xf32>
    %max3A_1519 = arith.maximumf %max3A_1515, %min3A_1512 : vector<8x128xf32>
    %min3A_1520 = arith.minimumf %max3A_1515, %min3A_1512 : vector<8x128xf32>
    %max3A_1521 = arith.maximumf %max3A_1517, %min3A_1514 : vector<8x128xf32>
    %min3A_1522 = arith.minimumf %max3A_1517, %min3A_1514 : vector<8x128xf32>
    %max3A_1523 = arith.maximumf %max3A_1513, %max3A_1519 : vector<8x128xf32>
    %min3A_1524 = arith.minimumf %max3A_1513, %max3A_1519 : vector<8x128xf32>
    %max3A_1525 = arith.maximumf %max3A_1521, %min3A_1520 : vector<8x128xf32>
    %min3A_1526 = arith.minimumf %max3A_1521, %min3A_1520 : vector<8x128xf32>
    %max3A_1527 = arith.maximumf %min3A_1522, %min3A_1516 : vector<8x128xf32>
    %min3A_1528 = arith.minimumf %min3A_1522, %min3A_1516 : vector<8x128xf32>
    %max3A_1529 = arith.maximumf %max3A_1177, %min3A_1518 : vector<8x128xf32>
    %max3A_1530 = arith.maximumf %min3A_1178, %min3A_1528 : vector<8x128xf32>
    %max3A_1531 = arith.maximumf %max3A_1179, %max3A_1527 : vector<8x128xf32>
    %max3A_1532 = arith.maximumf %min3A_1180, %min3A_1526 : vector<8x128xf32>
    %max3A_1533 = arith.maximumf %max3A_1181, %max3A_1525 : vector<8x128xf32>
    %max3A_1534 = arith.maximumf %min3A_1182, %min3A_1524 : vector<8x128xf32>
    %max3A_1535 = arith.maximumf %max3A_1183, %max3A_1523 : vector<8x128xf32>
    %max3A_1536 = arith.maximumf %min3A_1184, %max3A_1511 : vector<8x128xf32>
    %max3A_1537 = arith.maximumf %max3A_1529, %max3A_1533 : vector<8x128xf32>
    %min3A_1538 = arith.minimumf %max3A_1529, %max3A_1533 : vector<8x128xf32>
    %max3A_1539 = arith.maximumf %max3A_1530, %max3A_1534 : vector<8x128xf32>
    %min3A_1540 = arith.minimumf %max3A_1530, %max3A_1534 : vector<8x128xf32>
    %max3A_1541 = arith.maximumf %max3A_1531, %max3A_1535 : vector<8x128xf32>
    %min3A_1542 = arith.minimumf %max3A_1531, %max3A_1535 : vector<8x128xf32>
    %max3A_1543 = arith.maximumf %max3A_1532, %max3A_1536 : vector<8x128xf32>
    %min3A_1544 = arith.minimumf %max3A_1532, %max3A_1536 : vector<8x128xf32>
    %max3A_1545 = arith.maximumf %max3A_1537, %max3A_1541 : vector<8x128xf32>
    %min3A_1546 = arith.minimumf %max3A_1537, %max3A_1541 : vector<8x128xf32>
    %max3A_1547 = arith.maximumf %max3A_1539, %max3A_1543 : vector<8x128xf32>
    %min3A_1548 = arith.minimumf %max3A_1539, %max3A_1543 : vector<8x128xf32>
    %max3A_1549 = arith.maximumf %min3A_1538, %min3A_1542 : vector<8x128xf32>
    %min3A_1550 = arith.minimumf %min3A_1538, %min3A_1542 : vector<8x128xf32>
    %max3A_1551 = arith.maximumf %min3A_1540, %min3A_1544 : vector<8x128xf32>
    %min3A_1552 = arith.minimumf %min3A_1540, %min3A_1544 : vector<8x128xf32>
    %max3A_1553 = arith.maximumf %max3A_1545, %max3A_1547 : vector<8x128xf32>
    %min3A_1554 = arith.minimumf %max3A_1545, %max3A_1547 : vector<8x128xf32>
    %max3A_1555 = arith.maximumf %min3A_1546, %min3A_1548 : vector<8x128xf32>
    %min3A_1556 = arith.minimumf %min3A_1546, %min3A_1548 : vector<8x128xf32>
    %max3A_1557 = arith.maximumf %max3A_1549, %max3A_1551 : vector<8x128xf32>
    %min3A_1558 = arith.minimumf %max3A_1549, %max3A_1551 : vector<8x128xf32>
    %max3A_1559 = arith.maximumf %min3A_1550, %min3A_1552 : vector<8x128xf32>
    %min3A_1560 = arith.minimumf %min3A_1550, %min3A_1552 : vector<8x128xf32>
    %get3A_1561 = arith.constant 0 : index
    %get3A_1562 = arith.constant 18432 : index
    %get3A_1563 = vector.load %arg1[%get3A_1561, %get3A_1562] : memref<8x22528xf32, #tpu.memory_space<vmem>>, vector<8x128xf32>
    %get3A_1564 = arith.constant 0 : index
    %get3A_1565 = arith.constant 18560 : index
    %get3A_1566 = vector.load %arg1[%get3A_1564, %get3A_1565] : memref<8x22528xf32, #tpu.memory_space<vmem>>, vector<8x128xf32>
    %get3A_1567 = arith.constant 0 : index
    %get3A_1568 = arith.constant 18688 : index
    %get3A_1569 = vector.load %arg1[%get3A_1567, %get3A_1568] : memref<8x22528xf32, #tpu.memory_space<vmem>>, vector<8x128xf32>
    %get3A_1570 = arith.constant 0 : index
    %get3A_1571 = arith.constant 18816 : index
    %get3A_1572 = vector.load %arg1[%get3A_1570, %get3A_1571] : memref<8x22528xf32, #tpu.memory_space<vmem>>, vector<8x128xf32>
    %get3A_1573 = arith.constant 0 : index
    %get3A_1574 = arith.constant 18944 : index
    %get3A_1575 = vector.load %arg1[%get3A_1573, %get3A_1574] : memref<8x22528xf32, #tpu.memory_space<vmem>>, vector<8x128xf32>
    %get3A_1576 = arith.constant 0 : index
    %get3A_1577 = arith.constant 19072 : index
    %get3A_1578 = vector.load %arg1[%get3A_1576, %get3A_1577] : memref<8x22528xf32, #tpu.memory_space<vmem>>, vector<8x128xf32>
    %get3A_1579 = arith.constant 0 : index
    %get3A_1580 = arith.constant 19200 : index
    %get3A_1581 = vector.load %arg1[%get3A_1579, %get3A_1580] : memref<8x22528xf32, #tpu.memory_space<vmem>>, vector<8x128xf32>
    %get3A_1582 = arith.constant 0 : index
    %get3A_1583 = arith.constant 19328 : index
    %get3A_1584 = vector.load %arg1[%get3A_1582, %get3A_1583] : memref<8x22528xf32, #tpu.memory_space<vmem>>, vector<8x128xf32>
    %max3A_1585 = arith.maximumf %get3A_1563, %get3A_1566 : vector<8x128xf32>
    %min3A_1586 = arith.minimumf %get3A_1563, %get3A_1566 : vector<8x128xf32>
    %max3A_1587 = arith.maximumf %get3A_1569, %get3A_1572 : vector<8x128xf32>
    %min3A_1588 = arith.minimumf %get3A_1569, %get3A_1572 : vector<8x128xf32>
    %max3A_1589 = arith.maximumf %get3A_1575, %get3A_1578 : vector<8x128xf32>
    %min3A_1590 = arith.minimumf %get3A_1575, %get3A_1578 : vector<8x128xf32>
    %max3A_1591 = arith.maximumf %get3A_1581, %get3A_1584 : vector<8x128xf32>
    %min3A_1592 = arith.minimumf %get3A_1581, %get3A_1584 : vector<8x128xf32>
    %max3A_1593 = arith.maximumf %max3A_1585, %max3A_1587 : vector<8x128xf32>
    %min3A_1594 = arith.minimumf %max3A_1585, %max3A_1587 : vector<8x128xf32>
    %max3A_1595 = arith.maximumf %min3A_1586, %min3A_1588 : vector<8x128xf32>
    %min3A_1596 = arith.minimumf %min3A_1586, %min3A_1588 : vector<8x128xf32>
    %max3A_1597 = arith.maximumf %max3A_1589, %max3A_1591 : vector<8x128xf32>
    %min3A_1598 = arith.minimumf %max3A_1589, %max3A_1591 : vector<8x128xf32>
    %max3A_1599 = arith.maximumf %min3A_1590, %min3A_1592 : vector<8x128xf32>
    %min3A_1600 = arith.minimumf %min3A_1590, %min3A_1592 : vector<8x128xf32>
    %max3A_1601 = arith.maximumf %max3A_1595, %min3A_1594 : vector<8x128xf32>
    %min3A_1602 = arith.minimumf %max3A_1595, %min3A_1594 : vector<8x128xf32>
    %max3A_1603 = arith.maximumf %max3A_1599, %min3A_1598 : vector<8x128xf32>
    %min3A_1604 = arith.minimumf %max3A_1599, %min3A_1598 : vector<8x128xf32>
    %max3A_1605 = arith.maximumf %max3A_1593, %max3A_1597 : vector<8x128xf32>
    %min3A_1606 = arith.minimumf %max3A_1593, %max3A_1597 : vector<8x128xf32>
    %max3A_1607 = arith.maximumf %max3A_1601, %max3A_1603 : vector<8x128xf32>
    %min3A_1608 = arith.minimumf %max3A_1601, %max3A_1603 : vector<8x128xf32>
    %max3A_1609 = arith.maximumf %min3A_1602, %min3A_1604 : vector<8x128xf32>
    %min3A_1610 = arith.minimumf %min3A_1602, %min3A_1604 : vector<8x128xf32>
    %max3A_1611 = arith.maximumf %min3A_1596, %min3A_1600 : vector<8x128xf32>
    %min3A_1612 = arith.minimumf %min3A_1596, %min3A_1600 : vector<8x128xf32>
    %max3A_1613 = arith.maximumf %max3A_1609, %min3A_1606 : vector<8x128xf32>
    %min3A_1614 = arith.minimumf %max3A_1609, %min3A_1606 : vector<8x128xf32>
    %max3A_1615 = arith.maximumf %max3A_1611, %min3A_1608 : vector<8x128xf32>
    %min3A_1616 = arith.minimumf %max3A_1611, %min3A_1608 : vector<8x128xf32>
    %max3A_1617 = arith.maximumf %max3A_1607, %max3A_1613 : vector<8x128xf32>
    %min3A_1618 = arith.minimumf %max3A_1607, %max3A_1613 : vector<8x128xf32>
    %max3A_1619 = arith.maximumf %max3A_1615, %min3A_1614 : vector<8x128xf32>
    %min3A_1620 = arith.minimumf %max3A_1615, %min3A_1614 : vector<8x128xf32>
    %max3A_1621 = arith.maximumf %min3A_1616, %min3A_1610 : vector<8x128xf32>
    %min3A_1622 = arith.minimumf %min3A_1616, %min3A_1610 : vector<8x128xf32>
    %max3A_1623 = arith.maximumf %max3A_1271, %min3A_1612 : vector<8x128xf32>
    %max3A_1624 = arith.maximumf %min3A_1272, %min3A_1622 : vector<8x128xf32>
    %max3A_1625 = arith.maximumf %max3A_1273, %max3A_1621 : vector<8x128xf32>
    %max3A_1626 = arith.maximumf %min3A_1274, %min3A_1620 : vector<8x128xf32>
    %max3A_1627 = arith.maximumf %max3A_1275, %max3A_1619 : vector<8x128xf32>
    %max3A_1628 = arith.maximumf %min3A_1276, %min3A_1618 : vector<8x128xf32>
    %max3A_1629 = arith.maximumf %max3A_1277, %max3A_1617 : vector<8x128xf32>
    %max3A_1630 = arith.maximumf %min3A_1278, %max3A_1605 : vector<8x128xf32>
    %max3A_1631 = arith.maximumf %max3A_1623, %max3A_1627 : vector<8x128xf32>
    %min3A_1632 = arith.minimumf %max3A_1623, %max3A_1627 : vector<8x128xf32>
    %max3A_1633 = arith.maximumf %max3A_1624, %max3A_1628 : vector<8x128xf32>
    %min3A_1634 = arith.minimumf %max3A_1624, %max3A_1628 : vector<8x128xf32>
    %max3A_1635 = arith.maximumf %max3A_1625, %max3A_1629 : vector<8x128xf32>
    %min3A_1636 = arith.minimumf %max3A_1625, %max3A_1629 : vector<8x128xf32>
    %max3A_1637 = arith.maximumf %max3A_1626, %max3A_1630 : vector<8x128xf32>
    %min3A_1638 = arith.minimumf %max3A_1626, %max3A_1630 : vector<8x128xf32>
    %max3A_1639 = arith.maximumf %max3A_1631, %max3A_1635 : vector<8x128xf32>
    %min3A_1640 = arith.minimumf %max3A_1631, %max3A_1635 : vector<8x128xf32>
    %max3A_1641 = arith.maximumf %max3A_1633, %max3A_1637 : vector<8x128xf32>
    %min3A_1642 = arith.minimumf %max3A_1633, %max3A_1637 : vector<8x128xf32>
    %max3A_1643 = arith.maximumf %min3A_1632, %min3A_1636 : vector<8x128xf32>
    %min3A_1644 = arith.minimumf %min3A_1632, %min3A_1636 : vector<8x128xf32>
    %max3A_1645 = arith.maximumf %min3A_1634, %min3A_1638 : vector<8x128xf32>
    %min3A_1646 = arith.minimumf %min3A_1634, %min3A_1638 : vector<8x128xf32>
    %max3A_1647 = arith.maximumf %max3A_1639, %max3A_1641 : vector<8x128xf32>
    %min3A_1648 = arith.minimumf %max3A_1639, %max3A_1641 : vector<8x128xf32>
    %max3A_1649 = arith.maximumf %min3A_1640, %min3A_1642 : vector<8x128xf32>
    %min3A_1650 = arith.minimumf %min3A_1640, %min3A_1642 : vector<8x128xf32>
    %max3A_1651 = arith.maximumf %max3A_1643, %max3A_1645 : vector<8x128xf32>
    %min3A_1652 = arith.minimumf %max3A_1643, %max3A_1645 : vector<8x128xf32>
    %max3A_1653 = arith.maximumf %min3A_1644, %min3A_1646 : vector<8x128xf32>
    %min3A_1654 = arith.minimumf %min3A_1644, %min3A_1646 : vector<8x128xf32>
    %get3A_1655 = arith.constant 0 : index
    %get3A_1656 = arith.constant 19456 : index
    %get3A_1657 = vector.load %arg1[%get3A_1655, %get3A_1656] : memref<8x22528xf32, #tpu.memory_space<vmem>>, vector<8x128xf32>
    %get3A_1658 = arith.constant 0 : index
    %get3A_1659 = arith.constant 19584 : index
    %get3A_1660 = vector.load %arg1[%get3A_1658, %get3A_1659] : memref<8x22528xf32, #tpu.memory_space<vmem>>, vector<8x128xf32>
    %get3A_1661 = arith.constant 0 : index
    %get3A_1662 = arith.constant 19712 : index
    %get3A_1663 = vector.load %arg1[%get3A_1661, %get3A_1662] : memref<8x22528xf32, #tpu.memory_space<vmem>>, vector<8x128xf32>
    %get3A_1664 = arith.constant 0 : index
    %get3A_1665 = arith.constant 19840 : index
    %get3A_1666 = vector.load %arg1[%get3A_1664, %get3A_1665] : memref<8x22528xf32, #tpu.memory_space<vmem>>, vector<8x128xf32>
    %get3A_1667 = arith.constant 0 : index
    %get3A_1668 = arith.constant 19968 : index
    %get3A_1669 = vector.load %arg1[%get3A_1667, %get3A_1668] : memref<8x22528xf32, #tpu.memory_space<vmem>>, vector<8x128xf32>
    %get3A_1670 = arith.constant 0 : index
    %get3A_1671 = arith.constant 20096 : index
    %get3A_1672 = vector.load %arg1[%get3A_1670, %get3A_1671] : memref<8x22528xf32, #tpu.memory_space<vmem>>, vector<8x128xf32>
    %get3A_1673 = arith.constant 0 : index
    %get3A_1674 = arith.constant 20224 : index
    %get3A_1675 = vector.load %arg1[%get3A_1673, %get3A_1674] : memref<8x22528xf32, #tpu.memory_space<vmem>>, vector<8x128xf32>
    %get3A_1676 = arith.constant 0 : index
    %get3A_1677 = arith.constant 20352 : index
    %get3A_1678 = vector.load %arg1[%get3A_1676, %get3A_1677] : memref<8x22528xf32, #tpu.memory_space<vmem>>, vector<8x128xf32>
    %max3A_1679 = arith.maximumf %get3A_1657, %get3A_1660 : vector<8x128xf32>
    %min3A_1680 = arith.minimumf %get3A_1657, %get3A_1660 : vector<8x128xf32>
    %max3A_1681 = arith.maximumf %get3A_1663, %get3A_1666 : vector<8x128xf32>
    %min3A_1682 = arith.minimumf %get3A_1663, %get3A_1666 : vector<8x128xf32>
    %max3A_1683 = arith.maximumf %get3A_1669, %get3A_1672 : vector<8x128xf32>
    %min3A_1684 = arith.minimumf %get3A_1669, %get3A_1672 : vector<8x128xf32>
    %max3A_1685 = arith.maximumf %get3A_1675, %get3A_1678 : vector<8x128xf32>
    %min3A_1686 = arith.minimumf %get3A_1675, %get3A_1678 : vector<8x128xf32>
    %max3A_1687 = arith.maximumf %max3A_1679, %max3A_1681 : vector<8x128xf32>
    %min3A_1688 = arith.minimumf %max3A_1679, %max3A_1681 : vector<8x128xf32>
    %max3A_1689 = arith.maximumf %min3A_1680, %min3A_1682 : vector<8x128xf32>
    %min3A_1690 = arith.minimumf %min3A_1680, %min3A_1682 : vector<8x128xf32>
    %max3A_1691 = arith.maximumf %max3A_1683, %max3A_1685 : vector<8x128xf32>
    %min3A_1692 = arith.minimumf %max3A_1683, %max3A_1685 : vector<8x128xf32>
    %max3A_1693 = arith.maximumf %min3A_1684, %min3A_1686 : vector<8x128xf32>
    %min3A_1694 = arith.minimumf %min3A_1684, %min3A_1686 : vector<8x128xf32>
    %max3A_1695 = arith.maximumf %max3A_1689, %min3A_1688 : vector<8x128xf32>
    %min3A_1696 = arith.minimumf %max3A_1689, %min3A_1688 : vector<8x128xf32>
    %max3A_1697 = arith.maximumf %max3A_1693, %min3A_1692 : vector<8x128xf32>
    %min3A_1698 = arith.minimumf %max3A_1693, %min3A_1692 : vector<8x128xf32>
    %max3A_1699 = arith.maximumf %max3A_1687, %max3A_1691 : vector<8x128xf32>
    %min3A_1700 = arith.minimumf %max3A_1687, %max3A_1691 : vector<8x128xf32>
    %max3A_1701 = arith.maximumf %max3A_1695, %max3A_1697 : vector<8x128xf32>
    %min3A_1702 = arith.minimumf %max3A_1695, %max3A_1697 : vector<8x128xf32>
    %max3A_1703 = arith.maximumf %min3A_1696, %min3A_1698 : vector<8x128xf32>
    %min3A_1704 = arith.minimumf %min3A_1696, %min3A_1698 : vector<8x128xf32>
    %max3A_1705 = arith.maximumf %min3A_1690, %min3A_1694 : vector<8x128xf32>
    %min3A_1706 = arith.minimumf %min3A_1690, %min3A_1694 : vector<8x128xf32>
    %max3A_1707 = arith.maximumf %max3A_1703, %min3A_1700 : vector<8x128xf32>
    %min3A_1708 = arith.minimumf %max3A_1703, %min3A_1700 : vector<8x128xf32>
    %max3A_1709 = arith.maximumf %max3A_1705, %min3A_1702 : vector<8x128xf32>
    %min3A_1710 = arith.minimumf %max3A_1705, %min3A_1702 : vector<8x128xf32>
    %max3A_1711 = arith.maximumf %max3A_1701, %max3A_1707 : vector<8x128xf32>
    %min3A_1712 = arith.minimumf %max3A_1701, %max3A_1707 : vector<8x128xf32>
    %max3A_1713 = arith.maximumf %max3A_1709, %min3A_1708 : vector<8x128xf32>
    %min3A_1714 = arith.minimumf %max3A_1709, %min3A_1708 : vector<8x128xf32>
    %max3A_1715 = arith.maximumf %min3A_1710, %min3A_1704 : vector<8x128xf32>
    %min3A_1716 = arith.minimumf %min3A_1710, %min3A_1704 : vector<8x128xf32>
    %max3A_1717 = arith.maximumf %max3A_1365, %min3A_1706 : vector<8x128xf32>
    %max3A_1718 = arith.maximumf %min3A_1366, %min3A_1716 : vector<8x128xf32>
    %max3A_1719 = arith.maximumf %max3A_1367, %max3A_1715 : vector<8x128xf32>
    %max3A_1720 = arith.maximumf %min3A_1368, %min3A_1714 : vector<8x128xf32>
    %max3A_1721 = arith.maximumf %max3A_1369, %max3A_1713 : vector<8x128xf32>
    %max3A_1722 = arith.maximumf %min3A_1370, %min3A_1712 : vector<8x128xf32>
    %max3A_1723 = arith.maximumf %max3A_1371, %max3A_1711 : vector<8x128xf32>
    %max3A_1724 = arith.maximumf %min3A_1372, %max3A_1699 : vector<8x128xf32>
    %max3A_1725 = arith.maximumf %max3A_1717, %max3A_1721 : vector<8x128xf32>
    %min3A_1726 = arith.minimumf %max3A_1717, %max3A_1721 : vector<8x128xf32>
    %max3A_1727 = arith.maximumf %max3A_1718, %max3A_1722 : vector<8x128xf32>
    %min3A_1728 = arith.minimumf %max3A_1718, %max3A_1722 : vector<8x128xf32>
    %max3A_1729 = arith.maximumf %max3A_1719, %max3A_1723 : vector<8x128xf32>
    %min3A_1730 = arith.minimumf %max3A_1719, %max3A_1723 : vector<8x128xf32>
    %max3A_1731 = arith.maximumf %max3A_1720, %max3A_1724 : vector<8x128xf32>
    %min3A_1732 = arith.minimumf %max3A_1720, %max3A_1724 : vector<8x128xf32>
    %max3A_1733 = arith.maximumf %max3A_1725, %max3A_1729 : vector<8x128xf32>
    %min3A_1734 = arith.minimumf %max3A_1725, %max3A_1729 : vector<8x128xf32>
    %max3A_1735 = arith.maximumf %max3A_1727, %max3A_1731 : vector<8x128xf32>
    %min3A_1736 = arith.minimumf %max3A_1727, %max3A_1731 : vector<8x128xf32>
    %max3A_1737 = arith.maximumf %min3A_1726, %min3A_1730 : vector<8x128xf32>
    %min3A_1738 = arith.minimumf %min3A_1726, %min3A_1730 : vector<8x128xf32>
    %max3A_1739 = arith.maximumf %min3A_1728, %min3A_1732 : vector<8x128xf32>
    %min3A_1740 = arith.minimumf %min3A_1728, %min3A_1732 : vector<8x128xf32>
    %max3A_1741 = arith.maximumf %max3A_1733, %max3A_1735 : vector<8x128xf32>
    %min3A_1742 = arith.minimumf %max3A_1733, %max3A_1735 : vector<8x128xf32>
    %max3A_1743 = arith.maximumf %min3A_1734, %min3A_1736 : vector<8x128xf32>
    %min3A_1744 = arith.minimumf %min3A_1734, %min3A_1736 : vector<8x128xf32>
    %max3A_1745 = arith.maximumf %max3A_1737, %max3A_1739 : vector<8x128xf32>
    %min3A_1746 = arith.minimumf %max3A_1737, %max3A_1739 : vector<8x128xf32>
    %max3A_1747 = arith.maximumf %min3A_1738, %min3A_1740 : vector<8x128xf32>
    %min3A_1748 = arith.minimumf %min3A_1738, %min3A_1740 : vector<8x128xf32>
    %get3A_1749 = arith.constant 0 : index
    %get3A_1750 = arith.constant 20480 : index
    %get3A_1751 = vector.load %arg1[%get3A_1749, %get3A_1750] : memref<8x22528xf32, #tpu.memory_space<vmem>>, vector<8x128xf32>
    %get3A_1752 = arith.constant 0 : index
    %get3A_1753 = arith.constant 20608 : index
    %get3A_1754 = vector.load %arg1[%get3A_1752, %get3A_1753] : memref<8x22528xf32, #tpu.memory_space<vmem>>, vector<8x128xf32>
    %get3A_1755 = arith.constant 0 : index
    %get3A_1756 = arith.constant 20736 : index
    %get3A_1757 = vector.load %arg1[%get3A_1755, %get3A_1756] : memref<8x22528xf32, #tpu.memory_space<vmem>>, vector<8x128xf32>
    %get3A_1758 = arith.constant 0 : index
    %get3A_1759 = arith.constant 20864 : index
    %get3A_1760 = vector.load %arg1[%get3A_1758, %get3A_1759] : memref<8x22528xf32, #tpu.memory_space<vmem>>, vector<8x128xf32>
    %get3A_1761 = arith.constant 0 : index
    %get3A_1762 = arith.constant 20992 : index
    %get3A_1763 = vector.load %arg1[%get3A_1761, %get3A_1762] : memref<8x22528xf32, #tpu.memory_space<vmem>>, vector<8x128xf32>
    %get3A_1764 = arith.constant 0 : index
    %get3A_1765 = arith.constant 21120 : index
    %get3A_1766 = vector.load %arg1[%get3A_1764, %get3A_1765] : memref<8x22528xf32, #tpu.memory_space<vmem>>, vector<8x128xf32>
    %get3A_1767 = arith.constant 0 : index
    %get3A_1768 = arith.constant 21248 : index
    %get3A_1769 = vector.load %arg1[%get3A_1767, %get3A_1768] : memref<8x22528xf32, #tpu.memory_space<vmem>>, vector<8x128xf32>
    %get3A_1770 = arith.constant 0 : index
    %get3A_1771 = arith.constant 21376 : index
    %get3A_1772 = vector.load %arg1[%get3A_1770, %get3A_1771] : memref<8x22528xf32, #tpu.memory_space<vmem>>, vector<8x128xf32>
    %max3A_1773 = arith.maximumf %get3A_1751, %get3A_1754 : vector<8x128xf32>
    %min3A_1774 = arith.minimumf %get3A_1751, %get3A_1754 : vector<8x128xf32>
    %max3A_1775 = arith.maximumf %get3A_1757, %get3A_1760 : vector<8x128xf32>
    %min3A_1776 = arith.minimumf %get3A_1757, %get3A_1760 : vector<8x128xf32>
    %max3A_1777 = arith.maximumf %get3A_1763, %get3A_1766 : vector<8x128xf32>
    %min3A_1778 = arith.minimumf %get3A_1763, %get3A_1766 : vector<8x128xf32>
    %max3A_1779 = arith.maximumf %get3A_1769, %get3A_1772 : vector<8x128xf32>
    %min3A_1780 = arith.minimumf %get3A_1769, %get3A_1772 : vector<8x128xf32>
    %max3A_1781 = arith.maximumf %max3A_1773, %max3A_1775 : vector<8x128xf32>
    %min3A_1782 = arith.minimumf %max3A_1773, %max3A_1775 : vector<8x128xf32>
    %max3A_1783 = arith.maximumf %min3A_1774, %min3A_1776 : vector<8x128xf32>
    %min3A_1784 = arith.minimumf %min3A_1774, %min3A_1776 : vector<8x128xf32>
    %max3A_1785 = arith.maximumf %max3A_1777, %max3A_1779 : vector<8x128xf32>
    %min3A_1786 = arith.minimumf %max3A_1777, %max3A_1779 : vector<8x128xf32>
    %max3A_1787 = arith.maximumf %min3A_1778, %min3A_1780 : vector<8x128xf32>
    %min3A_1788 = arith.minimumf %min3A_1778, %min3A_1780 : vector<8x128xf32>
    %max3A_1789 = arith.maximumf %max3A_1783, %min3A_1782 : vector<8x128xf32>
    %min3A_1790 = arith.minimumf %max3A_1783, %min3A_1782 : vector<8x128xf32>
    %max3A_1791 = arith.maximumf %max3A_1787, %min3A_1786 : vector<8x128xf32>
    %min3A_1792 = arith.minimumf %max3A_1787, %min3A_1786 : vector<8x128xf32>
    %max3A_1793 = arith.maximumf %max3A_1781, %max3A_1785 : vector<8x128xf32>
    %min3A_1794 = arith.minimumf %max3A_1781, %max3A_1785 : vector<8x128xf32>
    %max3A_1795 = arith.maximumf %max3A_1789, %max3A_1791 : vector<8x128xf32>
    %min3A_1796 = arith.minimumf %max3A_1789, %max3A_1791 : vector<8x128xf32>
    %max3A_1797 = arith.maximumf %min3A_1790, %min3A_1792 : vector<8x128xf32>
    %min3A_1798 = arith.minimumf %min3A_1790, %min3A_1792 : vector<8x128xf32>
    %max3A_1799 = arith.maximumf %min3A_1784, %min3A_1788 : vector<8x128xf32>
    %min3A_1800 = arith.minimumf %min3A_1784, %min3A_1788 : vector<8x128xf32>
    %max3A_1801 = arith.maximumf %max3A_1797, %min3A_1794 : vector<8x128xf32>
    %min3A_1802 = arith.minimumf %max3A_1797, %min3A_1794 : vector<8x128xf32>
    %max3A_1803 = arith.maximumf %max3A_1799, %min3A_1796 : vector<8x128xf32>
    %min3A_1804 = arith.minimumf %max3A_1799, %min3A_1796 : vector<8x128xf32>
    %max3A_1805 = arith.maximumf %max3A_1795, %max3A_1801 : vector<8x128xf32>
    %min3A_1806 = arith.minimumf %max3A_1795, %max3A_1801 : vector<8x128xf32>
    %max3A_1807 = arith.maximumf %max3A_1803, %min3A_1802 : vector<8x128xf32>
    %min3A_1808 = arith.minimumf %max3A_1803, %min3A_1802 : vector<8x128xf32>
    %max3A_1809 = arith.maximumf %min3A_1804, %min3A_1798 : vector<8x128xf32>
    %min3A_1810 = arith.minimumf %min3A_1804, %min3A_1798 : vector<8x128xf32>
    %max3A_1811 = arith.maximumf %max3A_1459, %min3A_1800 : vector<8x128xf32>
    %max3A_1812 = arith.maximumf %min3A_1460, %min3A_1810 : vector<8x128xf32>
    %max3A_1813 = arith.maximumf %max3A_1461, %max3A_1809 : vector<8x128xf32>
    %max3A_1814 = arith.maximumf %min3A_1462, %min3A_1808 : vector<8x128xf32>
    %max3A_1815 = arith.maximumf %max3A_1463, %max3A_1807 : vector<8x128xf32>
    %max3A_1816 = arith.maximumf %min3A_1464, %min3A_1806 : vector<8x128xf32>
    %max3A_1817 = arith.maximumf %max3A_1465, %max3A_1805 : vector<8x128xf32>
    %max3A_1818 = arith.maximumf %min3A_1466, %max3A_1793 : vector<8x128xf32>
    %max3A_1819 = arith.maximumf %max3A_1811, %max3A_1815 : vector<8x128xf32>
    %min3A_1820 = arith.minimumf %max3A_1811, %max3A_1815 : vector<8x128xf32>
    %max3A_1821 = arith.maximumf %max3A_1812, %max3A_1816 : vector<8x128xf32>
    %min3A_1822 = arith.minimumf %max3A_1812, %max3A_1816 : vector<8x128xf32>
    %max3A_1823 = arith.maximumf %max3A_1813, %max3A_1817 : vector<8x128xf32>
    %min3A_1824 = arith.minimumf %max3A_1813, %max3A_1817 : vector<8x128xf32>
    %max3A_1825 = arith.maximumf %max3A_1814, %max3A_1818 : vector<8x128xf32>
    %min3A_1826 = arith.minimumf %max3A_1814, %max3A_1818 : vector<8x128xf32>
    %max3A_1827 = arith.maximumf %max3A_1819, %max3A_1823 : vector<8x128xf32>
    %min3A_1828 = arith.minimumf %max3A_1819, %max3A_1823 : vector<8x128xf32>
    %max3A_1829 = arith.maximumf %max3A_1821, %max3A_1825 : vector<8x128xf32>
    %min3A_1830 = arith.minimumf %max3A_1821, %max3A_1825 : vector<8x128xf32>
    %max3A_1831 = arith.maximumf %min3A_1820, %min3A_1824 : vector<8x128xf32>
    %min3A_1832 = arith.minimumf %min3A_1820, %min3A_1824 : vector<8x128xf32>
    %max3A_1833 = arith.maximumf %min3A_1822, %min3A_1826 : vector<8x128xf32>
    %min3A_1834 = arith.minimumf %min3A_1822, %min3A_1826 : vector<8x128xf32>
    %max3A_1835 = arith.maximumf %max3A_1827, %max3A_1829 : vector<8x128xf32>
    %min3A_1836 = arith.minimumf %max3A_1827, %max3A_1829 : vector<8x128xf32>
    %max3A_1837 = arith.maximumf %min3A_1828, %min3A_1830 : vector<8x128xf32>
    %min3A_1838 = arith.minimumf %min3A_1828, %min3A_1830 : vector<8x128xf32>
    %max3A_1839 = arith.maximumf %max3A_1831, %max3A_1833 : vector<8x128xf32>
    %min3A_1840 = arith.minimumf %max3A_1831, %max3A_1833 : vector<8x128xf32>
    %max3A_1841 = arith.maximumf %min3A_1832, %min3A_1834 : vector<8x128xf32>
    %min3A_1842 = arith.minimumf %min3A_1832, %min3A_1834 : vector<8x128xf32>
    %get3A_1843 = arith.constant 0 : index
    %get3A_1844 = arith.constant 21504 : index
    %get3A_1845 = vector.load %arg1[%get3A_1843, %get3A_1844] : memref<8x22528xf32, #tpu.memory_space<vmem>>, vector<8x128xf32>
    %get3A_1846 = arith.constant 0 : index
    %get3A_1847 = arith.constant 21632 : index
    %get3A_1848 = vector.load %arg1[%get3A_1846, %get3A_1847] : memref<8x22528xf32, #tpu.memory_space<vmem>>, vector<8x128xf32>
    %get3A_1849 = arith.constant 0 : index
    %get3A_1850 = arith.constant 21760 : index
    %get3A_1851 = vector.load %arg1[%get3A_1849, %get3A_1850] : memref<8x22528xf32, #tpu.memory_space<vmem>>, vector<8x128xf32>
    %get3A_1852 = arith.constant 0 : index
    %get3A_1853 = arith.constant 21888 : index
    %get3A_1854 = vector.load %arg1[%get3A_1852, %get3A_1853] : memref<8x22528xf32, #tpu.memory_space<vmem>>, vector<8x128xf32>
    %get3A_1855 = arith.constant 0 : index
    %get3A_1856 = arith.constant 22016 : index
    %get3A_1857 = vector.load %arg1[%get3A_1855, %get3A_1856] : memref<8x22528xf32, #tpu.memory_space<vmem>>, vector<8x128xf32>
    %get3A_1858 = arith.constant 0 : index
    %get3A_1859 = arith.constant 22144 : index
    %get3A_1860 = vector.load %arg1[%get3A_1858, %get3A_1859] : memref<8x22528xf32, #tpu.memory_space<vmem>>, vector<8x128xf32>
    %get3A_1861 = arith.constant 0 : index
    %get3A_1862 = arith.constant 22272 : index
    %get3A_1863 = vector.load %arg1[%get3A_1861, %get3A_1862] : memref<8x22528xf32, #tpu.memory_space<vmem>>, vector<8x128xf32>
    %get3A_1864 = arith.constant 0 : index
    %get3A_1865 = arith.constant 22400 : index
    %get3A_1866 = vector.load %arg1[%get3A_1864, %get3A_1865] : memref<8x22528xf32, #tpu.memory_space<vmem>>, vector<8x128xf32>
    %max3A_1867 = arith.maximumf %get3A_1845, %get3A_1848 : vector<8x128xf32>
    %min3A_1868 = arith.minimumf %get3A_1845, %get3A_1848 : vector<8x128xf32>
    %max3A_1869 = arith.maximumf %get3A_1851, %get3A_1854 : vector<8x128xf32>
    %min3A_1870 = arith.minimumf %get3A_1851, %get3A_1854 : vector<8x128xf32>
    %max3A_1871 = arith.maximumf %get3A_1857, %get3A_1860 : vector<8x128xf32>
    %min3A_1872 = arith.minimumf %get3A_1857, %get3A_1860 : vector<8x128xf32>
    %max3A_1873 = arith.maximumf %get3A_1863, %get3A_1866 : vector<8x128xf32>
    %min3A_1874 = arith.minimumf %get3A_1863, %get3A_1866 : vector<8x128xf32>
    %max3A_1875 = arith.maximumf %max3A_1867, %max3A_1869 : vector<8x128xf32>
    %min3A_1876 = arith.minimumf %max3A_1867, %max3A_1869 : vector<8x128xf32>
    %max3A_1877 = arith.maximumf %min3A_1868, %min3A_1870 : vector<8x128xf32>
    %min3A_1878 = arith.minimumf %min3A_1868, %min3A_1870 : vector<8x128xf32>
    %max3A_1879 = arith.maximumf %max3A_1871, %max3A_1873 : vector<8x128xf32>
    %min3A_1880 = arith.minimumf %max3A_1871, %max3A_1873 : vector<8x128xf32>
    %max3A_1881 = arith.maximumf %min3A_1872, %min3A_1874 : vector<8x128xf32>
    %min3A_1882 = arith.minimumf %min3A_1872, %min3A_1874 : vector<8x128xf32>
    %max3A_1883 = arith.maximumf %max3A_1877, %min3A_1876 : vector<8x128xf32>
    %min3A_1884 = arith.minimumf %max3A_1877, %min3A_1876 : vector<8x128xf32>
    %max3A_1885 = arith.maximumf %max3A_1881, %min3A_1880 : vector<8x128xf32>
    %min3A_1886 = arith.minimumf %max3A_1881, %min3A_1880 : vector<8x128xf32>
    %max3A_1887 = arith.maximumf %max3A_1875, %max3A_1879 : vector<8x128xf32>
    %min3A_1888 = arith.minimumf %max3A_1875, %max3A_1879 : vector<8x128xf32>
    %max3A_1889 = arith.maximumf %max3A_1883, %max3A_1885 : vector<8x128xf32>
    %min3A_1890 = arith.minimumf %max3A_1883, %max3A_1885 : vector<8x128xf32>
    %max3A_1891 = arith.maximumf %min3A_1884, %min3A_1886 : vector<8x128xf32>
    %min3A_1892 = arith.minimumf %min3A_1884, %min3A_1886 : vector<8x128xf32>
    %max3A_1893 = arith.maximumf %min3A_1878, %min3A_1882 : vector<8x128xf32>
    %min3A_1894 = arith.minimumf %min3A_1878, %min3A_1882 : vector<8x128xf32>
    %max3A_1895 = arith.maximumf %max3A_1891, %min3A_1888 : vector<8x128xf32>
    %min3A_1896 = arith.minimumf %max3A_1891, %min3A_1888 : vector<8x128xf32>
    %max3A_1897 = arith.maximumf %max3A_1893, %min3A_1890 : vector<8x128xf32>
    %min3A_1898 = arith.minimumf %max3A_1893, %min3A_1890 : vector<8x128xf32>
    %max3A_1899 = arith.maximumf %max3A_1889, %max3A_1895 : vector<8x128xf32>
    %min3A_1900 = arith.minimumf %max3A_1889, %max3A_1895 : vector<8x128xf32>
    %max3A_1901 = arith.maximumf %max3A_1897, %min3A_1896 : vector<8x128xf32>
    %min3A_1902 = arith.minimumf %max3A_1897, %min3A_1896 : vector<8x128xf32>
    %max3A_1903 = arith.maximumf %min3A_1898, %min3A_1892 : vector<8x128xf32>
    %min3A_1904 = arith.minimumf %min3A_1898, %min3A_1892 : vector<8x128xf32>
    %max3A_1905 = arith.maximumf %max3A_1553, %min3A_1894 : vector<8x128xf32>
    %max3A_1906 = arith.maximumf %min3A_1554, %min3A_1904 : vector<8x128xf32>
    %max3A_1907 = arith.maximumf %max3A_1555, %max3A_1903 : vector<8x128xf32>
    %max3A_1908 = arith.maximumf %min3A_1556, %min3A_1902 : vector<8x128xf32>
    %max3A_1909 = arith.maximumf %max3A_1557, %max3A_1901 : vector<8x128xf32>
    %max3A_1910 = arith.maximumf %min3A_1558, %min3A_1900 : vector<8x128xf32>
    %max3A_1911 = arith.maximumf %max3A_1559, %max3A_1899 : vector<8x128xf32>
    %max3A_1912 = arith.maximumf %min3A_1560, %max3A_1887 : vector<8x128xf32>
    %max3A_1913 = arith.maximumf %max3A_1905, %max3A_1909 : vector<8x128xf32>
    %min3A_1914 = arith.minimumf %max3A_1905, %max3A_1909 : vector<8x128xf32>
    %max3A_1915 = arith.maximumf %max3A_1906, %max3A_1910 : vector<8x128xf32>
    %min3A_1916 = arith.minimumf %max3A_1906, %max3A_1910 : vector<8x128xf32>
    %max3A_1917 = arith.maximumf %max3A_1907, %max3A_1911 : vector<8x128xf32>
    %min3A_1918 = arith.minimumf %max3A_1907, %max3A_1911 : vector<8x128xf32>
    %max3A_1919 = arith.maximumf %max3A_1908, %max3A_1912 : vector<8x128xf32>
    %min3A_1920 = arith.minimumf %max3A_1908, %max3A_1912 : vector<8x128xf32>
    %max3A_1921 = arith.maximumf %max3A_1913, %max3A_1917 : vector<8x128xf32>
    %min3A_1922 = arith.minimumf %max3A_1913, %max3A_1917 : vector<8x128xf32>
    %max3A_1923 = arith.maximumf %max3A_1915, %max3A_1919 : vector<8x128xf32>
    %min3A_1924 = arith.minimumf %max3A_1915, %max3A_1919 : vector<8x128xf32>
    %max3A_1925 = arith.maximumf %min3A_1914, %min3A_1918 : vector<8x128xf32>
    %min3A_1926 = arith.minimumf %min3A_1914, %min3A_1918 : vector<8x128xf32>
    %max3A_1927 = arith.maximumf %min3A_1916, %min3A_1920 : vector<8x128xf32>
    %min3A_1928 = arith.minimumf %min3A_1916, %min3A_1920 : vector<8x128xf32>
    %max3A_1929 = arith.maximumf %max3A_1921, %max3A_1923 : vector<8x128xf32>
    %min3A_1930 = arith.minimumf %max3A_1921, %max3A_1923 : vector<8x128xf32>
    %max3A_1931 = arith.maximumf %min3A_1922, %min3A_1924 : vector<8x128xf32>
    %min3A_1932 = arith.minimumf %min3A_1922, %min3A_1924 : vector<8x128xf32>
    %max3A_1933 = arith.maximumf %max3A_1925, %max3A_1927 : vector<8x128xf32>
    %min3A_1934 = arith.minimumf %max3A_1925, %max3A_1927 : vector<8x128xf32>
    %max3A_1935 = arith.maximumf %min3A_1926, %min3A_1928 : vector<8x128xf32>
    %min3A_1936 = arith.minimumf %min3A_1926, %min3A_1928 : vector<8x128xf32>
    %max3A_1937 = arith.maximumf %max3A_1835, %min3A_1936 : vector<8x128xf32>
    %max3A_1938 = arith.maximumf %min3A_1836, %max3A_1935 : vector<8x128xf32>
    %max3A_1939 = arith.maximumf %max3A_1837, %min3A_1934 : vector<8x128xf32>
    %max3A_1940 = arith.maximumf %min3A_1838, %max3A_1933 : vector<8x128xf32>
    %max3A_1941 = arith.maximumf %max3A_1839, %min3A_1932 : vector<8x128xf32>
    %max3A_1942 = arith.maximumf %min3A_1840, %max3A_1931 : vector<8x128xf32>
    %max3A_1943 = arith.maximumf %max3A_1841, %min3A_1930 : vector<8x128xf32>
    %max3A_1944 = arith.maximumf %min3A_1842, %max3A_1929 : vector<8x128xf32>
    %max3A_1945 = arith.maximumf %max3A_1937, %max3A_1941 : vector<8x128xf32>
    %min3A_1946 = arith.minimumf %max3A_1937, %max3A_1941 : vector<8x128xf32>
    %max3A_1947 = arith.maximumf %max3A_1938, %max3A_1942 : vector<8x128xf32>
    %min3A_1948 = arith.minimumf %max3A_1938, %max3A_1942 : vector<8x128xf32>
    %max3A_1949 = arith.maximumf %max3A_1939, %max3A_1943 : vector<8x128xf32>
    %min3A_1950 = arith.minimumf %max3A_1939, %max3A_1943 : vector<8x128xf32>
    %max3A_1951 = arith.maximumf %max3A_1940, %max3A_1944 : vector<8x128xf32>
    %min3A_1952 = arith.minimumf %max3A_1940, %max3A_1944 : vector<8x128xf32>
    %max3A_1953 = arith.maximumf %max3A_1945, %max3A_1949 : vector<8x128xf32>
    %min3A_1954 = arith.minimumf %max3A_1945, %max3A_1949 : vector<8x128xf32>
    %max3A_1955 = arith.maximumf %max3A_1947, %max3A_1951 : vector<8x128xf32>
    %min3A_1956 = arith.minimumf %max3A_1947, %max3A_1951 : vector<8x128xf32>
    %max3A_1957 = arith.maximumf %min3A_1946, %min3A_1950 : vector<8x128xf32>
    %min3A_1958 = arith.minimumf %min3A_1946, %min3A_1950 : vector<8x128xf32>
    %max3A_1959 = arith.maximumf %min3A_1948, %min3A_1952 : vector<8x128xf32>
    %min3A_1960 = arith.minimumf %min3A_1948, %min3A_1952 : vector<8x128xf32>
    %max3A_1961 = arith.maximumf %max3A_1953, %max3A_1955 : vector<8x128xf32>
    %min3A_1962 = arith.minimumf %max3A_1953, %max3A_1955 : vector<8x128xf32>
    %max3A_1963 = arith.maximumf %min3A_1954, %min3A_1956 : vector<8x128xf32>
    %min3A_1964 = arith.minimumf %min3A_1954, %min3A_1956 : vector<8x128xf32>
    %max3A_1965 = arith.maximumf %max3A_1957, %max3A_1959 : vector<8x128xf32>
    %min3A_1966 = arith.minimumf %max3A_1957, %max3A_1959 : vector<8x128xf32>
    %max3A_1967 = arith.maximumf %min3A_1958, %min3A_1960 : vector<8x128xf32>
    %min3A_1968 = arith.minimumf %min3A_1958, %min3A_1960 : vector<8x128xf32>
    %max3A_1969 = arith.maximumf %max3A_1647, %min3A_1748 : vector<8x128xf32>
    %max3A_1970 = arith.maximumf %min3A_1648, %max3A_1747 : vector<8x128xf32>
    %max3A_1971 = arith.maximumf %max3A_1649, %min3A_1746 : vector<8x128xf32>
    %max3A_1972 = arith.maximumf %min3A_1650, %max3A_1745 : vector<8x128xf32>
    %max3A_1973 = arith.maximumf %max3A_1651, %min3A_1744 : vector<8x128xf32>
    %max3A_1974 = arith.maximumf %min3A_1652, %max3A_1743 : vector<8x128xf32>
    %max3A_1975 = arith.maximumf %max3A_1653, %min3A_1742 : vector<8x128xf32>
    %max3A_1976 = arith.maximumf %min3A_1654, %max3A_1741 : vector<8x128xf32>
    %max3A_1977 = arith.maximumf %max3A_1969, %max3A_1973 : vector<8x128xf32>
    %min3A_1978 = arith.minimumf %max3A_1969, %max3A_1973 : vector<8x128xf32>
    %max3A_1979 = arith.maximumf %max3A_1970, %max3A_1974 : vector<8x128xf32>
    %min3A_1980 = arith.minimumf %max3A_1970, %max3A_1974 : vector<8x128xf32>
    %max3A_1981 = arith.maximumf %max3A_1971, %max3A_1975 : vector<8x128xf32>
    %min3A_1982 = arith.minimumf %max3A_1971, %max3A_1975 : vector<8x128xf32>
    %max3A_1983 = arith.maximumf %max3A_1972, %max3A_1976 : vector<8x128xf32>
    %min3A_1984 = arith.minimumf %max3A_1972, %max3A_1976 : vector<8x128xf32>
    %max3A_1985 = arith.maximumf %max3A_1977, %max3A_1981 : vector<8x128xf32>
    %min3A_1986 = arith.minimumf %max3A_1977, %max3A_1981 : vector<8x128xf32>
    %max3A_1987 = arith.maximumf %max3A_1979, %max3A_1983 : vector<8x128xf32>
    %min3A_1988 = arith.minimumf %max3A_1979, %max3A_1983 : vector<8x128xf32>
    %max3A_1989 = arith.maximumf %min3A_1978, %min3A_1982 : vector<8x128xf32>
    %min3A_1990 = arith.minimumf %min3A_1978, %min3A_1982 : vector<8x128xf32>
    %max3A_1991 = arith.maximumf %min3A_1980, %min3A_1984 : vector<8x128xf32>
    %min3A_1992 = arith.minimumf %min3A_1980, %min3A_1984 : vector<8x128xf32>
    %max3A_1993 = arith.maximumf %max3A_1985, %max3A_1987 : vector<8x128xf32>
    %min3A_1994 = arith.minimumf %max3A_1985, %max3A_1987 : vector<8x128xf32>
    %max3A_1995 = arith.maximumf %min3A_1986, %min3A_1988 : vector<8x128xf32>
    %min3A_1996 = arith.minimumf %min3A_1986, %min3A_1988 : vector<8x128xf32>
    %max3A_1997 = arith.maximumf %max3A_1989, %max3A_1991 : vector<8x128xf32>
    %min3A_1998 = arith.minimumf %max3A_1989, %max3A_1991 : vector<8x128xf32>
    %max3A_1999 = arith.maximumf %min3A_1990, %min3A_1992 : vector<8x128xf32>
    %min3A_2000 = arith.minimumf %min3A_1990, %min3A_1992 : vector<8x128xf32>
    %max3A_2001 = arith.maximumf %max3A_1961, %min3A_2000 : vector<8x128xf32>
    %max3A_2002 = arith.maximumf %min3A_1962, %max3A_1999 : vector<8x128xf32>
    %max3A_2003 = arith.maximumf %max3A_1963, %min3A_1998 : vector<8x128xf32>
    %max3A_2004 = arith.maximumf %min3A_1964, %max3A_1997 : vector<8x128xf32>
    %max3A_2005 = arith.maximumf %max3A_1965, %min3A_1996 : vector<8x128xf32>
    %max3A_2006 = arith.maximumf %min3A_1966, %max3A_1995 : vector<8x128xf32>
    %max3A_2007 = arith.maximumf %max3A_1967, %min3A_1994 : vector<8x128xf32>
    %max3A_2008 = arith.maximumf %min3A_1968, %max3A_1993 : vector<8x128xf32>
    %max3A_2009 = arith.maximumf %max3A_2001, %max3A_2005 : vector<8x128xf32>
    %min3A_2010 = arith.minimumf %max3A_2001, %max3A_2005 : vector<8x128xf32>
    %max3A_2011 = arith.maximumf %max3A_2002, %max3A_2006 : vector<8x128xf32>
    %min3A_2012 = arith.minimumf %max3A_2002, %max3A_2006 : vector<8x128xf32>
    %max3A_2013 = arith.maximumf %max3A_2003, %max3A_2007 : vector<8x128xf32>
    %min3A_2014 = arith.minimumf %max3A_2003, %max3A_2007 : vector<8x128xf32>
    %max3A_2015 = arith.maximumf %max3A_2004, %max3A_2008 : vector<8x128xf32>
    %min3A_2016 = arith.minimumf %max3A_2004, %max3A_2008 : vector<8x128xf32>
    %max3A_2017 = arith.maximumf %max3A_2009, %max3A_2013 : vector<8x128xf32>
    %min3A_2018 = arith.minimumf %max3A_2009, %max3A_2013 : vector<8x128xf32>
    %max3A_2019 = arith.maximumf %max3A_2011, %max3A_2015 : vector<8x128xf32>
    %min3A_2020 = arith.minimumf %max3A_2011, %max3A_2015 : vector<8x128xf32>
    %max3A_2021 = arith.maximumf %min3A_2010, %min3A_2014 : vector<8x128xf32>
    %min3A_2022 = arith.minimumf %min3A_2010, %min3A_2014 : vector<8x128xf32>
    %max3A_2023 = arith.maximumf %min3A_2012, %min3A_2016 : vector<8x128xf32>
    %min3A_2024 = arith.minimumf %min3A_2012, %min3A_2016 : vector<8x128xf32>
    %max3A_2025 = arith.maximumf %max3A_2017, %max3A_2019 : vector<8x128xf32>
    %min3A_2026 = arith.minimumf %max3A_2017, %max3A_2019 : vector<8x128xf32>
    %max3A_2027 = arith.maximumf %min3A_2018, %min3A_2020 : vector<8x128xf32>
    %min3A_2028 = arith.minimumf %min3A_2018, %min3A_2020 : vector<8x128xf32>
    %max3A_2029 = arith.maximumf %max3A_2021, %max3A_2023 : vector<8x128xf32>
    %min3A_2030 = arith.minimumf %max3A_2021, %max3A_2023 : vector<8x128xf32>
    %max3A_2031 = arith.maximumf %min3A_2022, %min3A_2024 : vector<8x128xf32>
    %min3A_2032 = arith.minimumf %min3A_2022, %min3A_2024 : vector<8x128xf32>
    %concatenate3A = tpu.concatenate %max3A_2025, %min3A_2026, %max3A_2027, %min3A_2028, %max3A_2029, %min3A_2030, %max3A_2031, %min3A_2032 in 1 : vector<8x128xf32>, vector<8x128xf32>, vector<8x128xf32>, vector<8x128xf32>, vector<8x128xf32>, vector<8x128xf32>, vector<8x128xf32>, vector<8x128xf32> -> vector<8x1024xf32>
    %mul3A = arith.constant 8 : i32
    %mul3A_2033 = arith.muli %arg0, %mul3A : i32
    %swap3A = arith.index_cast %mul3A_2033 : i32 to index
    %swap3A_2034 = arith.constant 0 : index
    %swap3A_2035 = vector.load %arg3[%swap3A, %swap3A_2034] : memref<128x1024xf32, #tpu.memory_space<vmem>>, vector<8x1024xf32>
    tpu.vector_store %arg3[%swap3A, %swap3A_2034], %concatenate3A {strides = array<i32>} : memref<128x1024xf32, #tpu.memory_space<vmem>>, vector<8x1024xf32>,
    %eq3A = arith.constant 15 : i32
    %eq3A_2036 = arith.cmpi eq, %arg0, %eq3A : i32
    %convert_element_type3A = arith.extui %eq3A_2036 : i1 to i32
    %cond3A = arith.constant 0 : i32
    %cond3A_2037 = arith.cmpi ne, %convert_element_type3A, %cond3A : i32
    scf.if %cond3A_2037 {
      %get3A_2038 = arith.constant 0 : index
      %get3A_2039 = arith.constant 0 : index
      %get3A_2040 = vector.load %arg3[%get3A_2038, %get3A_2039] : memref<128x1024xf32, #tpu.memory_space<vmem>>, vector<128x128xf32>
      %get3A_2041 = arith.constant 0 : index
      %get3A_2042 = arith.constant 128 : index
      %get3A_2043 = vector.load %arg3[%get3A_2041, %get3A_2042] : memref<128x1024xf32, #tpu.memory_space<vmem>>, vector<128x128xf32>
      %get3A_2044 = arith.constant 0 : index
      %get3A_2045 = arith.constant 256 : index
      %get3A_2046 = vector.load %arg3[%get3A_2044, %get3A_2045] : memref<128x1024xf32, #tpu.memory_space<vmem>>, vector<128x128xf32>
      %get3A_2047 = arith.constant 0 : index
      %get3A_2048 = arith.constant 384 : index
      %get3A_2049 = vector.load %arg3[%get3A_2047, %get3A_2048] : memref<128x1024xf32, #tpu.memory_space<vmem>>, vector<128x128xf32>
      %get3A_2050 = arith.constant 0 : index
      %get3A_2051 = arith.constant 512 : index
      %get3A_2052 = vector.load %arg3[%get3A_2050, %get3A_2051] : memref<128x1024xf32, #tpu.memory_space<vmem>>, vector<128x128xf32>
      %get3A_2053 = arith.constant 0 : index
      %get3A_2054 = arith.constant 640 : index
      %get3A_2055 = vector.load %arg3[%get3A_2053, %get3A_2054] : memref<128x1024xf32, #tpu.memory_space<vmem>>, vector<128x128xf32>
      %get3A_2056 = arith.constant 0 : index
      %get3A_2057 = arith.constant 768 : index
      %get3A_2058 = vector.load %arg3[%get3A_2056, %get3A_2057] : memref<128x1024xf32, #tpu.memory_space<vmem>>, vector<128x128xf32>
      %get3A_2059 = arith.constant 0 : index
      %get3A_2060 = arith.constant 896 : index
      %get3A_2061 = vector.load %arg3[%get3A_2059, %get3A_2060] : memref<128x1024xf32, #tpu.memory_space<vmem>>, vector<128x128xf32>
      %slice3A = vector.extract_strided_slice %get3A_2040 {offsets = [0, 0], sizes = [128, 64], strides = [1, 1]} : vector<128x128xf32> to vector<128x64xf32>
      %slice3A_2062 = vector.extract_strided_slice %get3A_2043 {offsets = [0, 0], sizes = [128, 64], strides = [1, 1]} : vector<128x128xf32> to vector<128x64xf32>
      %slice3A_2063 = vector.extract_strided_slice %get3A_2046 {offsets = [0, 0], sizes = [128, 64], strides = [1, 1]} : vector<128x128xf32> to vector<128x64xf32>
      %slice3A_2064 = vector.extract_strided_slice %get3A_2049 {offsets = [0, 0], sizes = [128, 64], strides = [1, 1]} : vector<128x128xf32> to vector<128x64xf32>
      %slice3A_2065 = vector.extract_strided_slice %get3A_2052 {offsets = [0, 0], sizes = [128, 64], strides = [1, 1]} : vector<128x128xf32> to vector<128x64xf32>
      %slice3A_2066 = vector.extract_strided_slice %get3A_2055 {offsets = [0, 0], sizes = [128, 64], strides = [1, 1]} : vector<128x128xf32> to vector<128x64xf32>
      %slice3A_2067 = vector.extract_strided_slice %get3A_2058 {offsets = [0, 0], sizes = [128, 64], strides = [1, 1]} : vector<128x128xf32> to vector<128x64xf32>
      %slice3A_2068 = vector.extract_strided_slice %get3A_2061 {offsets = [0, 0], sizes = [128, 64], strides = [1, 1]} : vector<128x128xf32> to vector<128x64xf32>
      %slice3A_2069 = vector.extract_strided_slice %get3A_2040 {offsets = [0, 64], sizes = [128, 64], strides = [1, 1]} : vector<128x128xf32> to vector<128x64xf32>
      %slice3A_2070 = vector.extract_strided_slice %get3A_2043 {offsets = [0, 64], sizes = [128, 64], strides = [1, 1]} : vector<128x128xf32> to vector<128x64xf32>
      %slice3A_2071 = vector.extract_strided_slice %get3A_2046 {offsets = [0, 64], sizes = [128, 64], strides = [1, 1]} : vector<128x128xf32> to vector<128x64xf32>
      %slice3A_2072 = vector.extract_strided_slice %get3A_2049 {offsets = [0, 64], sizes = [128, 64], strides = [1, 1]} : vector<128x128xf32> to vector<128x64xf32>
      %slice3A_2073 = vector.extract_strided_slice %get3A_2052 {offsets = [0, 64], sizes = [128, 64], strides = [1, 1]} : vector<128x128xf32> to vector<128x64xf32>
      %slice3A_2074 = vector.extract_strided_slice %get3A_2055 {offsets = [0, 64], sizes = [128, 64], strides = [1, 1]} : vector<128x128xf32> to vector<128x64xf32>
      %slice3A_2075 = vector.extract_strided_slice %get3A_2058 {offsets = [0, 64], sizes = [128, 64], strides = [1, 1]} : vector<128x128xf32> to vector<128x64xf32>
      %slice3A_2076 = vector.extract_strided_slice %get3A_2061 {offsets = [0, 64], sizes = [128, 64], strides = [1, 1]} : vector<128x128xf32> to vector<128x64xf32>
      %max3A_2077 = arith.maximumf %slice3A, %slice3A_2076 : vector<128x64xf32>
      %max3A_2078 = arith.maximumf %slice3A_2062, %slice3A_2075 : vector<128x64xf32>
      %max3A_2079 = arith.maximumf %slice3A_2063, %slice3A_2074 : vector<128x64xf32>
      %max3A_2080 = arith.maximumf %slice3A_2064, %slice3A_2073 : vector<128x64xf32>
      %max3A_2081 = arith.maximumf %slice3A_2065, %slice3A_2072 : vector<128x64xf32>
      %max3A_2082 = arith.maximumf %slice3A_2066, %slice3A_2071 : vector<128x64xf32>
      %max3A_2083 = arith.maximumf %slice3A_2067, %slice3A_2070 : vector<128x64xf32>
      %max3A_2084 = arith.maximumf %slice3A_2068, %slice3A_2069 : vector<128x64xf32>
      %max3A_2085 = arith.maximumf %max3A_2077, %max3A_2081 : vector<128x64xf32>
      %min3A_2086 = arith.minimumf %max3A_2077, %max3A_2081 : vector<128x64xf32>
      %max3A_2087 = arith.maximumf %max3A_2078, %max3A_2082 : vector<128x64xf32>
      %min3A_2088 = arith.minimumf %max3A_2078, %max3A_2082 : vector<128x64xf32>
      %max3A_2089 = arith.maximumf %max3A_2079, %max3A_2083 : vector<128x64xf32>
      %min3A_2090 = arith.minimumf %max3A_2079, %max3A_2083 : vector<128x64xf32>
      %max3A_2091 = arith.maximumf %max3A_2080, %max3A_2084 : vector<128x64xf32>
      %min3A_2092 = arith.minimumf %max3A_2080, %max3A_2084 : vector<128x64xf32>
      %max3A_2093 = arith.maximumf %max3A_2085, %max3A_2089 : vector<128x64xf32>
      %min3A_2094 = arith.minimumf %max3A_2085, %max3A_2089 : vector<128x64xf32>
      %max3A_2095 = arith.maximumf %max3A_2087, %max3A_2091 : vector<128x64xf32>
      %min3A_2096 = arith.minimumf %max3A_2087, %max3A_2091 : vector<128x64xf32>
      %max3A_2097 = arith.maximumf %min3A_2086, %min3A_2090 : vector<128x64xf32>
      %min3A_2098 = arith.minimumf %min3A_2086, %min3A_2090 : vector<128x64xf32>
      %max3A_2099 = arith.maximumf %min3A_2088, %min3A_2092 : vector<128x64xf32>
      %min3A_2100 = arith.minimumf %min3A_2088, %min3A_2092 : vector<128x64xf32>
      %max3A_2101 = arith.maximumf %max3A_2093, %max3A_2095 : vector<128x64xf32>
      %min3A_2102 = arith.minimumf %max3A_2093, %max3A_2095 : vector<128x64xf32>
      %max3A_2103 = arith.maximumf %min3A_2094, %min3A_2096 : vector<128x64xf32>
      %min3A_2104 = arith.minimumf %min3A_2094, %min3A_2096 : vector<128x64xf32>
      %max3A_2105 = arith.maximumf %max3A_2097, %max3A_2099 : vector<128x64xf32>
      %min3A_2106 = arith.minimumf %max3A_2097, %max3A_2099 : vector<128x64xf32>
      %max3A_2107 = arith.maximumf %min3A_2098, %min3A_2100 : vector<128x64xf32>
      %min3A_2108 = arith.minimumf %min3A_2098, %min3A_2100 : vector<128x64xf32>
      %slice3A_2109 = vector.extract_strided_slice %max3A_2101 {offsets = [0, 0], sizes = [128, 32], strides = [1, 1]} : vector<128x64xf32> to vector<128x32xf32>
      %slice3A_2110 = vector.extract_strided_slice %min3A_2102 {offsets = [0, 0], sizes = [128, 32], strides = [1, 1]} : vector<128x64xf32> to vector<128x32xf32>
      %slice3A_2111 = vector.extract_strided_slice %max3A_2103 {offsets = [0, 0], sizes = [128, 32], strides = [1, 1]} : vector<128x64xf32> to vector<128x32xf32>
      %slice3A_2112 = vector.extract_strided_slice %min3A_2104 {offsets = [0, 0], sizes = [128, 32], strides = [1, 1]} : vector<128x64xf32> to vector<128x32xf32>
      %slice3A_2113 = vector.extract_strided_slice %max3A_2105 {offsets = [0, 0], sizes = [128, 32], strides = [1, 1]} : vector<128x64xf32> to vector<128x32xf32>
      %slice3A_2114 = vector.extract_strided_slice %min3A_2106 {offsets = [0, 0], sizes = [128, 32], strides = [1, 1]} : vector<128x64xf32> to vector<128x32xf32>
      %slice3A_2115 = vector.extract_strided_slice %max3A_2107 {offsets = [0, 0], sizes = [128, 32], strides = [1, 1]} : vector<128x64xf32> to vector<128x32xf32>
      %slice3A_2116 = vector.extract_strided_slice %min3A_2108 {offsets = [0, 0], sizes = [128, 32], strides = [1, 1]} : vector<128x64xf32> to vector<128x32xf32>
      %slice3A_2117 = vector.extract_strided_slice %max3A_2101 {offsets = [0, 32], sizes = [128, 32], strides = [1, 1]} : vector<128x64xf32> to vector<128x32xf32>
      %slice3A_2118 = vector.extract_strided_slice %min3A_2102 {offsets = [0, 32], sizes = [128, 32], strides = [1, 1]} : vector<128x64xf32> to vector<128x32xf32>
      %slice3A_2119 = vector.extract_strided_slice %max3A_2103 {offsets = [0, 32], sizes = [128, 32], strides = [1, 1]} : vector<128x64xf32> to vector<128x32xf32>
      %slice3A_2120 = vector.extract_strided_slice %min3A_2104 {offsets = [0, 32], sizes = [128, 32], strides = [1, 1]} : vector<128x64xf32> to vector<128x32xf32>
      %slice3A_2121 = vector.extract_strided_slice %max3A_2105 {offsets = [0, 32], sizes = [128, 32], strides = [1, 1]} : vector<128x64xf32> to vector<128x32xf32>
      %slice3A_2122 = vector.extract_strided_slice %min3A_2106 {offsets = [0, 32], sizes = [128, 32], strides = [1, 1]} : vector<128x64xf32> to vector<128x32xf32>
      %slice3A_2123 = vector.extract_strided_slice %max3A_2107 {offsets = [0, 32], sizes = [128, 32], strides = [1, 1]} : vector<128x64xf32> to vector<128x32xf32>
      %slice3A_2124 = vector.extract_strided_slice %min3A_2108 {offsets = [0, 32], sizes = [128, 32], strides = [1, 1]} : vector<128x64xf32> to vector<128x32xf32>
      %max3A_2125 = arith.maximumf %slice3A_2109, %slice3A_2124 : vector<128x32xf32>
      %max3A_2126 = arith.maximumf %slice3A_2110, %slice3A_2123 : vector<128x32xf32>
      %max3A_2127 = arith.maximumf %slice3A_2111, %slice3A_2122 : vector<128x32xf32>
      %max3A_2128 = arith.maximumf %slice3A_2112, %slice3A_2121 : vector<128x32xf32>
      %max3A_2129 = arith.maximumf %slice3A_2113, %slice3A_2120 : vector<128x32xf32>
      %max3A_2130 = arith.maximumf %slice3A_2114, %slice3A_2119 : vector<128x32xf32>
      %max3A_2131 = arith.maximumf %slice3A_2115, %slice3A_2118 : vector<128x32xf32>
      %max3A_2132 = arith.maximumf %slice3A_2116, %slice3A_2117 : vector<128x32xf32>
      %max3A_2133 = arith.maximumf %max3A_2125, %max3A_2129 : vector<128x32xf32>
      %min3A_2134 = arith.minimumf %max3A_2125, %max3A_2129 : vector<128x32xf32>
      %max3A_2135 = arith.maximumf %max3A_2126, %max3A_2130 : vector<128x32xf32>
      %min3A_2136 = arith.minimumf %max3A_2126, %max3A_2130 : vector<128x32xf32>
      %max3A_2137 = arith.maximumf %max3A_2127, %max3A_2131 : vector<128x32xf32>
      %min3A_2138 = arith.minimumf %max3A_2127, %max3A_2131 : vector<128x32xf32>
      %max3A_2139 = arith.maximumf %max3A_2128, %max3A_2132 : vector<128x32xf32>
      %min3A_2140 = arith.minimumf %max3A_2128, %max3A_2132 : vector<128x32xf32>
      %max3A_2141 = arith.maximumf %max3A_2133, %max3A_2137 : vector<128x32xf32>
      %min3A_2142 = arith.minimumf %max3A_2133, %max3A_2137 : vector<128x32xf32>
      %max3A_2143 = arith.maximumf %max3A_2135, %max3A_2139 : vector<128x32xf32>
      %min3A_2144 = arith.minimumf %max3A_2135, %max3A_2139 : vector<128x32xf32>
      %max3A_2145 = arith.maximumf %min3A_2134, %min3A_2138 : vector<128x32xf32>
      %min3A_2146 = arith.minimumf %min3A_2134, %min3A_2138 : vector<128x32xf32>
      %max3A_2147 = arith.maximumf %min3A_2136, %min3A_2140 : vector<128x32xf32>
      %min3A_2148 = arith.minimumf %min3A_2136, %min3A_2140 : vector<128x32xf32>
      %max3A_2149 = arith.maximumf %max3A_2141, %max3A_2143 : vector<128x32xf32>
      %min3A_2150 = arith.minimumf %max3A_2141, %max3A_2143 : vector<128x32xf32>
      %max3A_2151 = arith.maximumf %min3A_2142, %min3A_2144 : vector<128x32xf32>
      %min3A_2152 = arith.minimumf %min3A_2142, %min3A_2144 : vector<128x32xf32>
      %max3A_2153 = arith.maximumf %max3A_2145, %max3A_2147 : vector<128x32xf32>
      %min3A_2154 = arith.minimumf %max3A_2145, %max3A_2147 : vector<128x32xf32>
      %max3A_2155 = arith.maximumf %min3A_2146, %min3A_2148 : vector<128x32xf32>
      %min3A_2156 = arith.minimumf %min3A_2146, %min3A_2148 : vector<128x32xf32>
      %slice3A_2157 = vector.extract_strided_slice %max3A_2149 {offsets = [0, 0], sizes = [128, 16], strides = [1, 1]} : vector<128x32xf32> to vector<128x16xf32>
      %slice3A_2158 = vector.extract_strided_slice %min3A_2150 {offsets = [0, 0], sizes = [128, 16], strides = [1, 1]} : vector<128x32xf32> to vector<128x16xf32>
      %slice3A_2159 = vector.extract_strided_slice %max3A_2151 {offsets = [0, 0], sizes = [128, 16], strides = [1, 1]} : vector<128x32xf32> to vector<128x16xf32>
      %slice3A_2160 = vector.extract_strided_slice %min3A_2152 {offsets = [0, 0], sizes = [128, 16], strides = [1, 1]} : vector<128x32xf32> to vector<128x16xf32>
      %slice3A_2161 = vector.extract_strided_slice %max3A_2153 {offsets = [0, 0], sizes = [128, 16], strides = [1, 1]} : vector<128x32xf32> to vector<128x16xf32>
      %slice3A_2162 = vector.extract_strided_slice %min3A_2154 {offsets = [0, 0], sizes = [128, 16], strides = [1, 1]} : vector<128x32xf32> to vector<128x16xf32>
      %slice3A_2163 = vector.extract_strided_slice %max3A_2155 {offsets = [0, 0], sizes = [128, 16], strides = [1, 1]} : vector<128x32xf32> to vector<128x16xf32>
      %slice3A_2164 = vector.extract_strided_slice %min3A_2156 {offsets = [0, 0], sizes = [128, 16], strides = [1, 1]} : vector<128x32xf32> to vector<128x16xf32>
      %slice3A_2165 = vector.extract_strided_slice %max3A_2149 {offsets = [0, 16], sizes = [128, 16], strides = [1, 1]} : vector<128x32xf32> to vector<128x16xf32>
      %slice3A_2166 = vector.extract_strided_slice %min3A_2150 {offsets = [0, 16], sizes = [128, 16], strides = [1, 1]} : vector<128x32xf32> to vector<128x16xf32>
      %slice3A_2167 = vector.extract_strided_slice %max3A_2151 {offsets = [0, 16], sizes = [128, 16], strides = [1, 1]} : vector<128x32xf32> to vector<128x16xf32>
      %slice3A_2168 = vector.extract_strided_slice %min3A_2152 {offsets = [0, 16], sizes = [128, 16], strides = [1, 1]} : vector<128x32xf32> to vector<128x16xf32>
      %slice3A_2169 = vector.extract_strided_slice %max3A_2153 {offsets = [0, 16], sizes = [128, 16], strides = [1, 1]} : vector<128x32xf32> to vector<128x16xf32>
      %slice3A_2170 = vector.extract_strided_slice %min3A_2154 {offsets = [0, 16], sizes = [128, 16], strides = [1, 1]} : vector<128x32xf32> to vector<128x16xf32>
      %slice3A_2171 = vector.extract_strided_slice %max3A_2155 {offsets = [0, 16], sizes = [128, 16], strides = [1, 1]} : vector<128x32xf32> to vector<128x16xf32>
      %slice3A_2172 = vector.extract_strided_slice %min3A_2156 {offsets = [0, 16], sizes = [128, 16], strides = [1, 1]} : vector<128x32xf32> to vector<128x16xf32>
      %max3A_2173 = arith.maximumf %slice3A_2157, %slice3A_2172 : vector<128x16xf32>
      %max3A_2174 = arith.maximumf %slice3A_2158, %slice3A_2171 : vector<128x16xf32>
      %max3A_2175 = arith.maximumf %slice3A_2159, %slice3A_2170 : vector<128x16xf32>
      %max3A_2176 = arith.maximumf %slice3A_2160, %slice3A_2169 : vector<128x16xf32>
      %max3A_2177 = arith.maximumf %slice3A_2161, %slice3A_2168 : vector<128x16xf32>
      %max3A_2178 = arith.maximumf %slice3A_2162, %slice3A_2167 : vector<128x16xf32>
      %max3A_2179 = arith.maximumf %slice3A_2163, %slice3A_2166 : vector<128x16xf32>
      %max3A_2180 = arith.maximumf %slice3A_2164, %slice3A_2165 : vector<128x16xf32>
      %max3A_2181 = arith.maximumf %max3A_2173, %max3A_2177 : vector<128x16xf32>
      %min3A_2182 = arith.minimumf %max3A_2173, %max3A_2177 : vector<128x16xf32>
      %max3A_2183 = arith.maximumf %max3A_2174, %max3A_2178 : vector<128x16xf32>
      %min3A_2184 = arith.minimumf %max3A_2174, %max3A_2178 : vector<128x16xf32>
      %max3A_2185 = arith.maximumf %max3A_2175, %max3A_2179 : vector<128x16xf32>
      %min3A_2186 = arith.minimumf %max3A_2175, %max3A_2179 : vector<128x16xf32>
      %max3A_2187 = arith.maximumf %max3A_2176, %max3A_2180 : vector<128x16xf32>
      %min3A_2188 = arith.minimumf %max3A_2176, %max3A_2180 : vector<128x16xf32>
      %max3A_2189 = arith.maximumf %max3A_2181, %max3A_2185 : vector<128x16xf32>
      %min3A_2190 = arith.minimumf %max3A_2181, %max3A_2185 : vector<128x16xf32>
      %max3A_2191 = arith.maximumf %max3A_2183, %max3A_2187 : vector<128x16xf32>
      %min3A_2192 = arith.minimumf %max3A_2183, %max3A_2187 : vector<128x16xf32>
      %max3A_2193 = arith.maximumf %min3A_2182, %min3A_2186 : vector<128x16xf32>
      %min3A_2194 = arith.minimumf %min3A_2182, %min3A_2186 : vector<128x16xf32>
      %max3A_2195 = arith.maximumf %min3A_2184, %min3A_2188 : vector<128x16xf32>
      %min3A_2196 = arith.minimumf %min3A_2184, %min3A_2188 : vector<128x16xf32>
      %max3A_2197 = arith.maximumf %max3A_2189, %max3A_2191 : vector<128x16xf32>
      %min3A_2198 = arith.minimumf %max3A_2189, %max3A_2191 : vector<128x16xf32>
      %max3A_2199 = arith.maximumf %min3A_2190, %min3A_2192 : vector<128x16xf32>
      %min3A_2200 = arith.minimumf %min3A_2190, %min3A_2192 : vector<128x16xf32>
      %max3A_2201 = arith.maximumf %max3A_2193, %max3A_2195 : vector<128x16xf32>
      %min3A_2202 = arith.minimumf %max3A_2193, %max3A_2195 : vector<128x16xf32>
      %max3A_2203 = arith.maximumf %min3A_2194, %min3A_2196 : vector<128x16xf32>
      %min3A_2204 = arith.minimumf %min3A_2194, %min3A_2196 : vector<128x16xf32>
      %slice3A_2205 = vector.extract_strided_slice %max3A_2197 {offsets = [0, 0], sizes = [128, 8], strides = [1, 1]} : vector<128x16xf32> to vector<128x8xf32>
      %slice3A_2206 = vector.extract_strided_slice %min3A_2198 {offsets = [0, 0], sizes = [128, 8], strides = [1, 1]} : vector<128x16xf32> to vector<128x8xf32>
      %slice3A_2207 = vector.extract_strided_slice %max3A_2199 {offsets = [0, 0], sizes = [128, 8], strides = [1, 1]} : vector<128x16xf32> to vector<128x8xf32>
      %slice3A_2208 = vector.extract_strided_slice %min3A_2200 {offsets = [0, 0], sizes = [128, 8], strides = [1, 1]} : vector<128x16xf32> to vector<128x8xf32>
      %slice3A_2209 = vector.extract_strided_slice %max3A_2201 {offsets = [0, 0], sizes = [128, 8], strides = [1, 1]} : vector<128x16xf32> to vector<128x8xf32>
      %slice3A_2210 = vector.extract_strided_slice %min3A_2202 {offsets = [0, 0], sizes = [128, 8], strides = [1, 1]} : vector<128x16xf32> to vector<128x8xf32>
      %slice3A_2211 = vector.extract_strided_slice %max3A_2203 {offsets = [0, 0], sizes = [128, 8], strides = [1, 1]} : vector<128x16xf32> to vector<128x8xf32>
      %slice3A_2212 = vector.extract_strided_slice %min3A_2204 {offsets = [0, 0], sizes = [128, 8], strides = [1, 1]} : vector<128x16xf32> to vector<128x8xf32>
      %slice3A_2213 = vector.extract_strided_slice %max3A_2197 {offsets = [0, 8], sizes = [128, 8], strides = [1, 1]} : vector<128x16xf32> to vector<128x8xf32>
      %slice3A_2214 = vector.extract_strided_slice %min3A_2198 {offsets = [0, 8], sizes = [128, 8], strides = [1, 1]} : vector<128x16xf32> to vector<128x8xf32>
      %slice3A_2215 = vector.extract_strided_slice %max3A_2199 {offsets = [0, 8], sizes = [128, 8], strides = [1, 1]} : vector<128x16xf32> to vector<128x8xf32>
      %slice3A_2216 = vector.extract_strided_slice %min3A_2200 {offsets = [0, 8], sizes = [128, 8], strides = [1, 1]} : vector<128x16xf32> to vector<128x8xf32>
      %slice3A_2217 = vector.extract_strided_slice %max3A_2201 {offsets = [0, 8], sizes = [128, 8], strides = [1, 1]} : vector<128x16xf32> to vector<128x8xf32>
      %slice3A_2218 = vector.extract_strided_slice %min3A_2202 {offsets = [0, 8], sizes = [128, 8], strides = [1, 1]} : vector<128x16xf32> to vector<128x8xf32>
      %slice3A_2219 = vector.extract_strided_slice %max3A_2203 {offsets = [0, 8], sizes = [128, 8], strides = [1, 1]} : vector<128x16xf32> to vector<128x8xf32>
      %slice3A_2220 = vector.extract_strided_slice %min3A_2204 {offsets = [0, 8], sizes = [128, 8], strides = [1, 1]} : vector<128x16xf32> to vector<128x8xf32>
      %max3A_2221 = arith.maximumf %slice3A_2205, %slice3A_2220 : vector<128x8xf32>
      %max3A_2222 = arith.maximumf %slice3A_2206, %slice3A_2219 : vector<128x8xf32>
      %max3A_2223 = arith.maximumf %slice3A_2207, %slice3A_2218 : vector<128x8xf32>
      %max3A_2224 = arith.maximumf %slice3A_2208, %slice3A_2217 : vector<128x8xf32>
      %max3A_2225 = arith.maximumf %slice3A_2209, %slice3A_2216 : vector<128x8xf32>
      %max3A_2226 = arith.maximumf %slice3A_2210, %slice3A_2215 : vector<128x8xf32>
      %max3A_2227 = arith.maximumf %slice3A_2211, %slice3A_2214 : vector<128x8xf32>
      %max3A_2228 = arith.maximumf %slice3A_2212, %slice3A_2213 : vector<128x8xf32>
      %max3A_2229 = arith.maximumf %max3A_2221, %max3A_2225 : vector<128x8xf32>
      %min3A_2230 = arith.minimumf %max3A_2221, %max3A_2225 : vector<128x8xf32>
      %max3A_2231 = arith.maximumf %max3A_2222, %max3A_2226 : vector<128x8xf32>
      %min3A_2232 = arith.minimumf %max3A_2222, %max3A_2226 : vector<128x8xf32>
      %max3A_2233 = arith.maximumf %max3A_2223, %max3A_2227 : vector<128x8xf32>
      %min3A_2234 = arith.minimumf %max3A_2223, %max3A_2227 : vector<128x8xf32>
      %max3A_2235 = arith.maximumf %max3A_2224, %max3A_2228 : vector<128x8xf32>
      %min3A_2236 = arith.minimumf %max3A_2224, %max3A_2228 : vector<128x8xf32>
      %max3A_2237 = arith.maximumf %max3A_2229, %max3A_2233 : vector<128x8xf32>
      %min3A_2238 = arith.minimumf %max3A_2229, %max3A_2233 : vector<128x8xf32>
      %max3A_2239 = arith.maximumf %max3A_2231, %max3A_2235 : vector<128x8xf32>
      %min3A_2240 = arith.minimumf %max3A_2231, %max3A_2235 : vector<128x8xf32>
      %max3A_2241 = arith.maximumf %min3A_2230, %min3A_2234 : vector<128x8xf32>
      %min3A_2242 = arith.minimumf %min3A_2230, %min3A_2234 : vector<128x8xf32>
      %max3A_2243 = arith.maximumf %min3A_2232, %min3A_2236 : vector<128x8xf32>
      %min3A_2244 = arith.minimumf %min3A_2232, %min3A_2236 : vector<128x8xf32>
      %max3A_2245 = arith.maximumf %max3A_2237, %max3A_2239 : vector<128x8xf32>
      %min3A_2246 = arith.minimumf %max3A_2237, %max3A_2239 : vector<128x8xf32>
      %max3A_2247 = arith.maximumf %min3A_2238, %min3A_2240 : vector<128x8xf32>
      %min3A_2248 = arith.minimumf %min3A_2238, %min3A_2240 : vector<128x8xf32>
      %max3A_2249 = arith.maximumf %max3A_2241, %max3A_2243 : vector<128x8xf32>
      %min3A_2250 = arith.minimumf %max3A_2241, %max3A_2243 : vector<128x8xf32>
      %max3A_2251 = arith.maximumf %min3A_2242, %min3A_2244 : vector<128x8xf32>
      %min3A_2252 = arith.minimumf %min3A_2242, %min3A_2244 : vector<128x8xf32>
      %slice3A_2253 = vector.extract_strided_slice %max3A_2245 {offsets = [0, 0], sizes = [128, 4], strides = [1, 1]} : vector<128x8xf32> to vector<128x4xf32>
      %slice3A_2254 = vector.extract_strided_slice %min3A_2246 {offsets = [0, 0], sizes = [128, 4], strides = [1, 1]} : vector<128x8xf32> to vector<128x4xf32>
      %slice3A_2255 = vector.extract_strided_slice %max3A_2247 {offsets = [0, 0], sizes = [128, 4], strides = [1, 1]} : vector<128x8xf32> to vector<128x4xf32>
      %slice3A_2256 = vector.extract_strided_slice %min3A_2248 {offsets = [0, 0], sizes = [128, 4], strides = [1, 1]} : vector<128x8xf32> to vector<128x4xf32>
      %slice3A_2257 = vector.extract_strided_slice %max3A_2249 {offsets = [0, 0], sizes = [128, 4], strides = [1, 1]} : vector<128x8xf32> to vector<128x4xf32>
      %slice3A_2258 = vector.extract_strided_slice %min3A_2250 {offsets = [0, 0], sizes = [128, 4], strides = [1, 1]} : vector<128x8xf32> to vector<128x4xf32>
      %slice3A_2259 = vector.extract_strided_slice %max3A_2251 {offsets = [0, 0], sizes = [128, 4], strides = [1, 1]} : vector<128x8xf32> to vector<128x4xf32>
      %slice3A_2260 = vector.extract_strided_slice %min3A_2252 {offsets = [0, 0], sizes = [128, 4], strides = [1, 1]} : vector<128x8xf32> to vector<128x4xf32>
      %slice3A_2261 = vector.extract_strided_slice %max3A_2245 {offsets = [0, 4], sizes = [128, 4], strides = [1, 1]} : vector<128x8xf32> to vector<128x4xf32>
      %slice3A_2262 = vector.extract_strided_slice %min3A_2246 {offsets = [0, 4], sizes = [128, 4], strides = [1, 1]} : vector<128x8xf32> to vector<128x4xf32>
      %slice3A_2263 = vector.extract_strided_slice %max3A_2247 {offsets = [0, 4], sizes = [128, 4], strides = [1, 1]} : vector<128x8xf32> to vector<128x4xf32>
      %slice3A_2264 = vector.extract_strided_slice %min3A_2248 {offsets = [0, 4], sizes = [128, 4], strides = [1, 1]} : vector<128x8xf32> to vector<128x4xf32>
      %slice3A_2265 = vector.extract_strided_slice %max3A_2249 {offsets = [0, 4], sizes = [128, 4], strides = [1, 1]} : vector<128x8xf32> to vector<128x4xf32>
      %slice3A_2266 = vector.extract_strided_slice %min3A_2250 {offsets = [0, 4], sizes = [128, 4], strides = [1, 1]} : vector<128x8xf32> to vector<128x4xf32>
      %slice3A_2267 = vector.extract_strided_slice %max3A_2251 {offsets = [0, 4], sizes = [128, 4], strides = [1, 1]} : vector<128x8xf32> to vector<128x4xf32>
      %slice3A_2268 = vector.extract_strided_slice %min3A_2252 {offsets = [0, 4], sizes = [128, 4], strides = [1, 1]} : vector<128x8xf32> to vector<128x4xf32>
      %max3A_2269 = arith.maximumf %slice3A_2253, %slice3A_2268 : vector<128x4xf32>
      %max3A_2270 = arith.maximumf %slice3A_2254, %slice3A_2267 : vector<128x4xf32>
      %max3A_2271 = arith.maximumf %slice3A_2255, %slice3A_2266 : vector<128x4xf32>
      %max3A_2272 = arith.maximumf %slice3A_2256, %slice3A_2265 : vector<128x4xf32>
      %max3A_2273 = arith.maximumf %slice3A_2257, %slice3A_2264 : vector<128x4xf32>
      %max3A_2274 = arith.maximumf %slice3A_2258, %slice3A_2263 : vector<128x4xf32>
      %max3A_2275 = arith.maximumf %slice3A_2259, %slice3A_2262 : vector<128x4xf32>
      %max3A_2276 = arith.maximumf %slice3A_2260, %slice3A_2261 : vector<128x4xf32>
      %max3A_2277 = arith.maximumf %max3A_2269, %max3A_2273 : vector<128x4xf32>
      %min3A_2278 = arith.minimumf %max3A_2269, %max3A_2273 : vector<128x4xf32>
      %max3A_2279 = arith.maximumf %max3A_2270, %max3A_2274 : vector<128x4xf32>
      %min3A_2280 = arith.minimumf %max3A_2270, %max3A_2274 : vector<128x4xf32>
      %max3A_2281 = arith.maximumf %max3A_2271, %max3A_2275 : vector<128x4xf32>
      %min3A_2282 = arith.minimumf %max3A_2271, %max3A_2275 : vector<128x4xf32>
      %max3A_2283 = arith.maximumf %max3A_2272, %max3A_2276 : vector<128x4xf32>
      %min3A_2284 = arith.minimumf %max3A_2272, %max3A_2276 : vector<128x4xf32>
      %max3A_2285 = arith.maximumf %max3A_2277, %max3A_2281 : vector<128x4xf32>
      %min3A_2286 = arith.minimumf %max3A_2277, %max3A_2281 : vector<128x4xf32>
      %max3A_2287 = arith.maximumf %max3A_2279, %max3A_2283 : vector<128x4xf32>
      %min3A_2288 = arith.minimumf %max3A_2279, %max3A_2283 : vector<128x4xf32>
      %max3A_2289 = arith.maximumf %min3A_2278, %min3A_2282 : vector<128x4xf32>
      %min3A_2290 = arith.minimumf %min3A_2278, %min3A_2282 : vector<128x4xf32>
      %max3A_2291 = arith.maximumf %min3A_2280, %min3A_2284 : vector<128x4xf32>
      %min3A_2292 = arith.minimumf %min3A_2280, %min3A_2284 : vector<128x4xf32>
      %max3A_2293 = arith.maximumf %max3A_2285, %max3A_2287 : vector<128x4xf32>
      %min3A_2294 = arith.minimumf %max3A_2285, %max3A_2287 : vector<128x4xf32>
      %max3A_2295 = arith.maximumf %min3A_2286, %min3A_2288 : vector<128x4xf32>
      %min3A_2296 = arith.minimumf %min3A_2286, %min3A_2288 : vector<128x4xf32>
      %max3A_2297 = arith.maximumf %max3A_2289, %max3A_2291 : vector<128x4xf32>
      %min3A_2298 = arith.minimumf %max3A_2289, %max3A_2291 : vector<128x4xf32>
      %max3A_2299 = arith.maximumf %min3A_2290, %min3A_2292 : vector<128x4xf32>
      %min3A_2300 = arith.minimumf %min3A_2290, %min3A_2292 : vector<128x4xf32>
      %slice3A_2301 = vector.extract_strided_slice %max3A_2293 {offsets = [0, 0], sizes = [128, 2], strides = [1, 1]} : vector<128x4xf32> to vector<128x2xf32>
      %slice3A_2302 = vector.extract_strided_slice %min3A_2294 {offsets = [0, 0], sizes = [128, 2], strides = [1, 1]} : vector<128x4xf32> to vector<128x2xf32>
      %slice3A_2303 = vector.extract_strided_slice %max3A_2295 {offsets = [0, 0], sizes = [128, 2], strides = [1, 1]} : vector<128x4xf32> to vector<128x2xf32>
      %slice3A_2304 = vector.extract_strided_slice %min3A_2296 {offsets = [0, 0], sizes = [128, 2], strides = [1, 1]} : vector<128x4xf32> to vector<128x2xf32>
      %slice3A_2305 = vector.extract_strided_slice %max3A_2297 {offsets = [0, 0], sizes = [128, 2], strides = [1, 1]} : vector<128x4xf32> to vector<128x2xf32>
      %slice3A_2306 = vector.extract_strided_slice %min3A_2298 {offsets = [0, 0], sizes = [128, 2], strides = [1, 1]} : vector<128x4xf32> to vector<128x2xf32>
      %slice3A_2307 = vector.extract_strided_slice %max3A_2299 {offsets = [0, 0], sizes = [128, 2], strides = [1, 1]} : vector<128x4xf32> to vector<128x2xf32>
      %slice3A_2308 = vector.extract_strided_slice %min3A_2300 {offsets = [0, 0], sizes = [128, 2], strides = [1, 1]} : vector<128x4xf32> to vector<128x2xf32>
      %slice3A_2309 = vector.extract_strided_slice %max3A_2293 {offsets = [0, 2], sizes = [128, 2], strides = [1, 1]} : vector<128x4xf32> to vector<128x2xf32>
      %slice3A_2310 = vector.extract_strided_slice %min3A_2294 {offsets = [0, 2], sizes = [128, 2], strides = [1, 1]} : vector<128x4xf32> to vector<128x2xf32>
      %slice3A_2311 = vector.extract_strided_slice %max3A_2295 {offsets = [0, 2], sizes = [128, 2], strides = [1, 1]} : vector<128x4xf32> to vector<128x2xf32>
      %slice3A_2312 = vector.extract_strided_slice %min3A_2296 {offsets = [0, 2], sizes = [128, 2], strides = [1, 1]} : vector<128x4xf32> to vector<128x2xf32>
      %slice3A_2313 = vector.extract_strided_slice %max3A_2297 {offsets = [0, 2], sizes = [128, 2], strides = [1, 1]} : vector<128x4xf32> to vector<128x2xf32>
      %slice3A_2314 = vector.extract_strided_slice %min3A_2298 {offsets = [0, 2], sizes = [128, 2], strides = [1, 1]} : vector<128x4xf32> to vector<128x2xf32>
      %slice3A_2315 = vector.extract_strided_slice %max3A_2299 {offsets = [0, 2], sizes = [128, 2], strides = [1, 1]} : vector<128x4xf32> to vector<128x2xf32>
      %slice3A_2316 = vector.extract_strided_slice %min3A_2300 {offsets = [0, 2], sizes = [128, 2], strides = [1, 1]} : vector<128x4xf32> to vector<128x2xf32>
      %max3A_2317 = arith.maximumf %slice3A_2301, %slice3A_2316 : vector<128x2xf32>
      %max3A_2318 = arith.maximumf %slice3A_2302, %slice3A_2315 : vector<128x2xf32>
      %max3A_2319 = arith.maximumf %slice3A_2303, %slice3A_2314 : vector<128x2xf32>
      %max3A_2320 = arith.maximumf %slice3A_2304, %slice3A_2313 : vector<128x2xf32>
      %max3A_2321 = arith.maximumf %slice3A_2305, %slice3A_2312 : vector<128x2xf32>
      %max3A_2322 = arith.maximumf %slice3A_2306, %slice3A_2311 : vector<128x2xf32>
      %max3A_2323 = arith.maximumf %slice3A_2307, %slice3A_2310 : vector<128x2xf32>
      %max3A_2324 = arith.maximumf %slice3A_2308, %slice3A_2309 : vector<128x2xf32>
      %max3A_2325 = arith.maximumf %max3A_2317, %max3A_2321 : vector<128x2xf32>
      %min3A_2326 = arith.minimumf %max3A_2317, %max3A_2321 : vector<128x2xf32>
      %max3A_2327 = arith.maximumf %max3A_2318, %max3A_2322 : vector<128x2xf32>
      %min3A_2328 = arith.minimumf %max3A_2318, %max3A_2322 : vector<128x2xf32>
      %max3A_2329 = arith.maximumf %max3A_2319, %max3A_2323 : vector<128x2xf32>
      %min3A_2330 = arith.minimumf %max3A_2319, %max3A_2323 : vector<128x2xf32>
      %max3A_2331 = arith.maximumf %max3A_2320, %max3A_2324 : vector<128x2xf32>
      %min3A_2332 = arith.minimumf %max3A_2320, %max3A_2324 : vector<128x2xf32>
      %max3A_2333 = arith.maximumf %max3A_2325, %max3A_2329 : vector<128x2xf32>
      %min3A_2334 = arith.minimumf %max3A_2325, %max3A_2329 : vector<128x2xf32>
      %max3A_2335 = arith.maximumf %max3A_2327, %max3A_2331 : vector<128x2xf32>
      %min3A_2336 = arith.minimumf %max3A_2327, %max3A_2331 : vector<128x2xf32>
      %max3A_2337 = arith.maximumf %min3A_2326, %min3A_2330 : vector<128x2xf32>
      %min3A_2338 = arith.minimumf %min3A_2326, %min3A_2330 : vector<128x2xf32>
      %max3A_2339 = arith.maximumf %min3A_2328, %min3A_2332 : vector<128x2xf32>
      %min3A_2340 = arith.minimumf %min3A_2328, %min3A_2332 : vector<128x2xf32>
      %max3A_2341 = arith.maximumf %max3A_2333, %max3A_2335 : vector<128x2xf32>
      %min3A_2342 = arith.minimumf %max3A_2333, %max3A_2335 : vector<128x2xf32>
      %max3A_2343 = arith.maximumf %min3A_2334, %min3A_2336 : vector<128x2xf32>
      %min3A_2344 = arith.minimumf %min3A_2334, %min3A_2336 : vector<128x2xf32>
      %max3A_2345 = arith.maximumf %max3A_2337, %max3A_2339 : vector<128x2xf32>
      %min3A_2346 = arith.minimumf %max3A_2337, %max3A_2339 : vector<128x2xf32>
      %max3A_2347 = arith.maximumf %min3A_2338, %min3A_2340 : vector<128x2xf32>
      %min3A_2348 = arith.minimumf %min3A_2338, %min3A_2340 : vector<128x2xf32>
      %slice3A_2349 = vector.extract_strided_slice %max3A_2341 {offsets = [0, 0], sizes = [128, 1], strides = [1, 1]} : vector<128x2xf32> to vector<128x1xf32>
      %slice3A_2350 = vector.extract_strided_slice %min3A_2342 {offsets = [0, 0], sizes = [128, 1], strides = [1, 1]} : vector<128x2xf32> to vector<128x1xf32>
      %slice3A_2351 = vector.extract_strided_slice %max3A_2343 {offsets = [0, 0], sizes = [128, 1], strides = [1, 1]} : vector<128x2xf32> to vector<128x1xf32>
      %slice3A_2352 = vector.extract_strided_slice %min3A_2344 {offsets = [0, 0], sizes = [128, 1], strides = [1, 1]} : vector<128x2xf32> to vector<128x1xf32>
      %slice3A_2353 = vector.extract_strided_slice %max3A_2345 {offsets = [0, 0], sizes = [128, 1], strides = [1, 1]} : vector<128x2xf32> to vector<128x1xf32>
      %slice3A_2354 = vector.extract_strided_slice %min3A_2346 {offsets = [0, 0], sizes = [128, 1], strides = [1, 1]} : vector<128x2xf32> to vector<128x1xf32>
      %slice3A_2355 = vector.extract_strided_slice %max3A_2347 {offsets = [0, 0], sizes = [128, 1], strides = [1, 1]} : vector<128x2xf32> to vector<128x1xf32>
      %slice3A_2356 = vector.extract_strided_slice %min3A_2348 {offsets = [0, 0], sizes = [128, 1], strides = [1, 1]} : vector<128x2xf32> to vector<128x1xf32>
      %slice3A_2357 = vector.extract_strided_slice %max3A_2341 {offsets = [0, 1], sizes = [128, 1], strides = [1, 1]} : vector<128x2xf32> to vector<128x1xf32>
      %slice3A_2358 = vector.extract_strided_slice %min3A_2342 {offsets = [0, 1], sizes = [128, 1], strides = [1, 1]} : vector<128x2xf32> to vector<128x1xf32>
      %slice3A_2359 = vector.extract_strided_slice %max3A_2343 {offsets = [0, 1], sizes = [128, 1], strides = [1, 1]} : vector<128x2xf32> to vector<128x1xf32>
      %slice3A_2360 = vector.extract_strided_slice %min3A_2344 {offsets = [0, 1], sizes = [128, 1], strides = [1, 1]} : vector<128x2xf32> to vector<128x1xf32>
      %slice3A_2361 = vector.extract_strided_slice %max3A_2345 {offsets = [0, 1], sizes = [128, 1], strides = [1, 1]} : vector<128x2xf32> to vector<128x1xf32>
      %slice3A_2362 = vector.extract_strided_slice %min3A_2346 {offsets = [0, 1], sizes = [128, 1], strides = [1, 1]} : vector<128x2xf32> to vector<128x1xf32>
      %slice3A_2363 = vector.extract_strided_slice %max3A_2347 {offsets = [0, 1], sizes = [128, 1], strides = [1, 1]} : vector<128x2xf32> to vector<128x1xf32>
      %slice3A_2364 = vector.extract_strided_slice %min3A_2348 {offsets = [0, 1], sizes = [128, 1], strides = [1, 1]} : vector<128x2xf32> to vector<128x1xf32>
      %max3A_2365 = arith.maximumf %slice3A_2349, %slice3A_2364 : vector<128x1xf32>
      %max3A_2366 = arith.maximumf %slice3A_2350, %slice3A_2363 : vector<128x1xf32>
      %max3A_2367 = arith.maximumf %slice3A_2351, %slice3A_2362 : vector<128x1xf32>
      %max3A_2368 = arith.maximumf %slice3A_2352, %slice3A_2361 : vector<128x1xf32>
      %max3A_2369 = arith.maximumf %slice3A_2353, %slice3A_2360 : vector<128x1xf32>
      %max3A_2370 = arith.maximumf %slice3A_2354, %slice3A_2359 : vector<128x1xf32>
      %max3A_2371 = arith.maximumf %slice3A_2355, %slice3A_2358 : vector<128x1xf32>
      %max3A_2372 = arith.maximumf %slice3A_2356, %slice3A_2357 : vector<128x1xf32>
      %max3A_2373 = arith.maximumf %max3A_2365, %max3A_2369 : vector<128x1xf32>
      %min3A_2374 = arith.minimumf %max3A_2365, %max3A_2369 : vector<128x1xf32>
      %max3A_2375 = arith.maximumf %max3A_2366, %max3A_2370 : vector<128x1xf32>
      %min3A_2376 = arith.minimumf %max3A_2366, %max3A_2370 : vector<128x1xf32>
      %max3A_2377 = arith.maximumf %max3A_2367, %max3A_2371 : vector<128x1xf32>
      %min3A_2378 = arith.minimumf %max3A_2367, %max3A_2371 : vector<128x1xf32>
      %max3A_2379 = arith.maximumf %max3A_2368, %max3A_2372 : vector<128x1xf32>
      %min3A_2380 = arith.minimumf %max3A_2368, %max3A_2372 : vector<128x1xf32>
      %max3A_2381 = arith.maximumf %max3A_2373, %max3A_2377 : vector<128x1xf32>
      %min3A_2382 = arith.minimumf %max3A_2373, %max3A_2377 : vector<128x1xf32>
      %max3A_2383 = arith.maximumf %max3A_2375, %max3A_2379 : vector<128x1xf32>
      %min3A_2384 = arith.minimumf %max3A_2375, %max3A_2379 : vector<128x1xf32>
      %max3A_2385 = arith.maximumf %min3A_2374, %min3A_2378 : vector<128x1xf32>
      %min3A_2386 = arith.minimumf %min3A_2374, %min3A_2378 : vector<128x1xf32>
      %max3A_2387 = arith.maximumf %min3A_2376, %min3A_2380 : vector<128x1xf32>
      %min3A_2388 = arith.minimumf %min3A_2376, %min3A_2380 : vector<128x1xf32>
      %max3A_2389 = arith.maximumf %max3A_2381, %max3A_2383 : vector<128x1xf32>
      %min3A_2390 = arith.minimumf %max3A_2381, %max3A_2383 : vector<128x1xf32>
      %max3A_2391 = arith.maximumf %min3A_2382, %min3A_2384 : vector<128x1xf32>
      %min3A_2392 = arith.minimumf %min3A_2382, %min3A_2384 : vector<128x1xf32>
      %max3A_2393 = arith.maximumf %max3A_2385, %max3A_2387 : vector<128x1xf32>
      %min3A_2394 = arith.minimumf %max3A_2385, %max3A_2387 : vector<128x1xf32>
      %max3A_2395 = arith.maximumf %min3A_2386, %min3A_2388 : vector<128x1xf32>
      %min3A_2396 = arith.minimumf %min3A_2386, %min3A_2388 : vector<128x1xf32>
      %concatenate3A_2397 = tpu.concatenate %max3A_2389, %min3A_2390, %max3A_2391, %min3A_2392, %max3A_2393, %min3A_2394, %max3A_2395, %min3A_2396 in 1 : vector<128x1xf32>, vector<128x1xf32>, vector<128x1xf32>, vector<128x1xf32>, vector<128x1xf32>, vector<128x1xf32>, vector<128x1xf32>, vector<128x1xf32> -> vector<128x8xf32>
      %swap3A_2398 = arith.constant 0 : index
      %swap3A_2399 = arith.constant 0 : index
      %swap3A_2400 = vector.load %arg2[%swap3A_2398, %swap3A_2399] : memref<128x8xf32, #tpu.memory_space<vmem>>, vector<128x8xf32>
      tpu.vector_store %arg2[%swap3A_2398, %swap3A_2399], %concatenate3A_2397 {strides = array<i32>} : memref<128x8xf32, #tpu.memory_space<vmem>>, vector<128x8xf32>,
    } else {
    }
    return
  }
  func.func @transform_0(%arg0: i32) -> (i32, i32) {
    %c0_i32 = arith.constant 0 : i32
    %c0_i32_0 = arith.constant 0 : i32
    return %arg0, %c0_i32 : i32, i32
  }
  func.func @transform_1(%arg0: i32) -> (i32, i32) {
    %c0_i32 = arith.constant 0 : i32
    %c0_i32_0 = arith.constant 0 : i32
    %c0_i32_1 = arith.constant 0 : i32
    return %c0_i32, %c0_i32_0 : i32, i32
  }
}

module attributes {stable_mosaic.version = 14 : i64} {
  func.func @_merge_kernel(%arg0: memref<128x128xf32, #tpu.memory_space<vmem>>, %arg1: memref<128x8xf32, #tpu.memory_space<vmem>>, %arg2: memref<128x8xf32, #tpu.memory_space<vmem>>) attributes {dimension_semantics = [], scalar_prefetch = 0 : i64, scratch_operands = 0 : i64, tpu.core_type = #tpu.core_type<tc>} {
    %get3A = arith.constant 0 : index
    %get3A_0 = arith.constant 0 : index
    %get3A_1 = vector.load %arg0[%get3A, %get3A_0] : memref<128x128xf32, #tpu.memory_space<vmem>>, vector<128x16xf32>
    %get3A_2 = arith.constant 0 : index
    %get3A_3 = arith.constant 16 : index
    %get3A_4 = vector.load %arg0[%get3A_2, %get3A_3] : memref<128x128xf32, #tpu.memory_space<vmem>>, vector<128x16xf32>
    %get3A_5 = arith.constant 0 : index
    %get3A_6 = arith.constant 32 : index
    %get3A_7 = vector.load %arg0[%get3A_5, %get3A_6] : memref<128x128xf32, #tpu.memory_space<vmem>>, vector<128x16xf32>
    %get3A_8 = arith.constant 0 : index
    %get3A_9 = arith.constant 48 : index
    %get3A_10 = vector.load %arg0[%get3A_8, %get3A_9] : memref<128x128xf32, #tpu.memory_space<vmem>>, vector<128x16xf32>
    %get3A_11 = arith.constant 0 : index
    %get3A_12 = arith.constant 64 : index
    %get3A_13 = vector.load %arg0[%get3A_11, %get3A_12] : memref<128x128xf32, #tpu.memory_space<vmem>>, vector<128x16xf32>
    %get3A_14 = arith.constant 0 : index
    %get3A_15 = arith.constant 80 : index
    %get3A_16 = vector.load %arg0[%get3A_14, %get3A_15] : memref<128x128xf32, #tpu.memory_space<vmem>>, vector<128x16xf32>
    %get3A_17 = arith.constant 0 : index
    %get3A_18 = arith.constant 96 : index
    %get3A_19 = vector.load %arg0[%get3A_17, %get3A_18] : memref<128x128xf32, #tpu.memory_space<vmem>>, vector<128x16xf32>
    %get3A_20 = arith.constant 0 : index
    %get3A_21 = arith.constant 112 : index
    %get3A_22 = vector.load %arg0[%get3A_20, %get3A_21] : memref<128x128xf32, #tpu.memory_space<vmem>>, vector<128x16xf32>
    %slice3A = vector.extract_strided_slice %get3A_1 {offsets = [0, 0], sizes = [128, 8], strides = [1, 1]} : vector<128x16xf32> to vector<128x8xf32>
    %slice3A_23 = vector.extract_strided_slice %get3A_4 {offsets = [0, 0], sizes = [128, 8], strides = [1, 1]} : vector<128x16xf32> to vector<128x8xf32>
    %slice3A_24 = vector.extract_strided_slice %get3A_7 {offsets = [0, 0], sizes = [128, 8], strides = [1, 1]} : vector<128x16xf32> to vector<128x8xf32>
    %slice3A_25 = vector.extract_strided_slice %get3A_10 {offsets = [0, 0], sizes = [128, 8], strides = [1, 1]} : vector<128x16xf32> to vector<128x8xf32>
    %slice3A_26 = vector.extract_strided_slice %get3A_13 {offsets = [0, 0], sizes = [128, 8], strides = [1, 1]} : vector<128x16xf32> to vector<128x8xf32>
    %slice3A_27 = vector.extract_strided_slice %get3A_16 {offsets = [0, 0], sizes = [128, 8], strides = [1, 1]} : vector<128x16xf32> to vector<128x8xf32>
    %slice3A_28 = vector.extract_strided_slice %get3A_19 {offsets = [0, 0], sizes = [128, 8], strides = [1, 1]} : vector<128x16xf32> to vector<128x8xf32>
    %slice3A_29 = vector.extract_strided_slice %get3A_22 {offsets = [0, 0], sizes = [128, 8], strides = [1, 1]} : vector<128x16xf32> to vector<128x8xf32>
    %slice3A_30 = vector.extract_strided_slice %get3A_1 {offsets = [0, 8], sizes = [128, 8], strides = [1, 1]} : vector<128x16xf32> to vector<128x8xf32>
    %slice3A_31 = vector.extract_strided_slice %get3A_4 {offsets = [0, 8], sizes = [128, 8], strides = [1, 1]} : vector<128x16xf32> to vector<128x8xf32>
    %slice3A_32 = vector.extract_strided_slice %get3A_7 {offsets = [0, 8], sizes = [128, 8], strides = [1, 1]} : vector<128x16xf32> to vector<128x8xf32>
    %slice3A_33 = vector.extract_strided_slice %get3A_10 {offsets = [0, 8], sizes = [128, 8], strides = [1, 1]} : vector<128x16xf32> to vector<128x8xf32>
    %slice3A_34 = vector.extract_strided_slice %get3A_13 {offsets = [0, 8], sizes = [128, 8], strides = [1, 1]} : vector<128x16xf32> to vector<128x8xf32>
    %slice3A_35 = vector.extract_strided_slice %get3A_16 {offsets = [0, 8], sizes = [128, 8], strides = [1, 1]} : vector<128x16xf32> to vector<128x8xf32>
    %slice3A_36 = vector.extract_strided_slice %get3A_19 {offsets = [0, 8], sizes = [128, 8], strides = [1, 1]} : vector<128x16xf32> to vector<128x8xf32>
    %slice3A_37 = vector.extract_strided_slice %get3A_22 {offsets = [0, 8], sizes = [128, 8], strides = [1, 1]} : vector<128x16xf32> to vector<128x8xf32>
    %max3A = arith.maximumf %slice3A, %slice3A_37 : vector<128x8xf32>
    %max3A_38 = arith.maximumf %slice3A_23, %slice3A_36 : vector<128x8xf32>
    %max3A_39 = arith.maximumf %slice3A_24, %slice3A_35 : vector<128x8xf32>
    %max3A_40 = arith.maximumf %slice3A_25, %slice3A_34 : vector<128x8xf32>
    %max3A_41 = arith.maximumf %slice3A_26, %slice3A_33 : vector<128x8xf32>
    %max3A_42 = arith.maximumf %slice3A_27, %slice3A_32 : vector<128x8xf32>
    %max3A_43 = arith.maximumf %slice3A_28, %slice3A_31 : vector<128x8xf32>
    %max3A_44 = arith.maximumf %slice3A_29, %slice3A_30 : vector<128x8xf32>
    %max3A_45 = arith.maximumf %max3A, %max3A_41 : vector<128x8xf32>
    %min3A = arith.minimumf %max3A, %max3A_41 : vector<128x8xf32>
    %max3A_46 = arith.maximumf %max3A_38, %max3A_42 : vector<128x8xf32>
    %min3A_47 = arith.minimumf %max3A_38, %max3A_42 : vector<128x8xf32>
    %max3A_48 = arith.maximumf %max3A_39, %max3A_43 : vector<128x8xf32>
    %min3A_49 = arith.minimumf %max3A_39, %max3A_43 : vector<128x8xf32>
    %max3A_50 = arith.maximumf %max3A_40, %max3A_44 : vector<128x8xf32>
    %min3A_51 = arith.minimumf %max3A_40, %max3A_44 : vector<128x8xf32>
    %max3A_52 = arith.maximumf %max3A_45, %max3A_48 : vector<128x8xf32>
    %min3A_53 = arith.minimumf %max3A_45, %max3A_48 : vector<128x8xf32>
    %max3A_54 = arith.maximumf %max3A_46, %max3A_50 : vector<128x8xf32>
    %min3A_55 = arith.minimumf %max3A_46, %max3A_50 : vector<128x8xf32>
    %max3A_56 = arith.maximumf %min3A, %min3A_49 : vector<128x8xf32>
    %min3A_57 = arith.minimumf %min3A, %min3A_49 : vector<128x8xf32>
    %max3A_58 = arith.maximumf %min3A_47, %min3A_51 : vector<128x8xf32>
    %min3A_59 = arith.minimumf %min3A_47, %min3A_51 : vector<128x8xf32>
    %max3A_60 = arith.maximumf %max3A_52, %max3A_54 : vector<128x8xf32>
    %min3A_61 = arith.minimumf %max3A_52, %max3A_54 : vector<128x8xf32>
    %max3A_62 = arith.maximumf %min3A_53, %min3A_55 : vector<128x8xf32>
    %min3A_63 = arith.minimumf %min3A_53, %min3A_55 : vector<128x8xf32>
    %max3A_64 = arith.maximumf %max3A_56, %max3A_58 : vector<128x8xf32>
    %min3A_65 = arith.minimumf %max3A_56, %max3A_58 : vector<128x8xf32>
    %max3A_66 = arith.maximumf %min3A_57, %min3A_59 : vector<128x8xf32>
    %min3A_67 = arith.minimumf %min3A_57, %min3A_59 : vector<128x8xf32>
    %slice3A_68 = vector.extract_strided_slice %max3A_60 {offsets = [0, 0], sizes = [128, 4], strides = [1, 1]} : vector<128x8xf32> to vector<128x4xf32>
    %slice3A_69 = vector.extract_strided_slice %min3A_61 {offsets = [0, 0], sizes = [128, 4], strides = [1, 1]} : vector<128x8xf32> to vector<128x4xf32>
    %slice3A_70 = vector.extract_strided_slice %max3A_62 {offsets = [0, 0], sizes = [128, 4], strides = [1, 1]} : vector<128x8xf32> to vector<128x4xf32>
    %slice3A_71 = vector.extract_strided_slice %min3A_63 {offsets = [0, 0], sizes = [128, 4], strides = [1, 1]} : vector<128x8xf32> to vector<128x4xf32>
    %slice3A_72 = vector.extract_strided_slice %max3A_64 {offsets = [0, 0], sizes = [128, 4], strides = [1, 1]} : vector<128x8xf32> to vector<128x4xf32>
    %slice3A_73 = vector.extract_strided_slice %min3A_65 {offsets = [0, 0], sizes = [128, 4], strides = [1, 1]} : vector<128x8xf32> to vector<128x4xf32>
    %slice3A_74 = vector.extract_strided_slice %max3A_66 {offsets = [0, 0], sizes = [128, 4], strides = [1, 1]} : vector<128x8xf32> to vector<128x4xf32>
    %slice3A_75 = vector.extract_strided_slice %min3A_67 {offsets = [0, 0], sizes = [128, 4], strides = [1, 1]} : vector<128x8xf32> to vector<128x4xf32>
    %slice3A_76 = vector.extract_strided_slice %max3A_60 {offsets = [0, 4], sizes = [128, 4], strides = [1, 1]} : vector<128x8xf32> to vector<128x4xf32>
    %slice3A_77 = vector.extract_strided_slice %min3A_61 {offsets = [0, 4], sizes = [128, 4], strides = [1, 1]} : vector<128x8xf32> to vector<128x4xf32>
    %slice3A_78 = vector.extract_strided_slice %max3A_62 {offsets = [0, 4], sizes = [128, 4], strides = [1, 1]} : vector<128x8xf32> to vector<128x4xf32>
    %slice3A_79 = vector.extract_strided_slice %min3A_63 {offsets = [0, 4], sizes = [128, 4], strides = [1, 1]} : vector<128x8xf32> to vector<128x4xf32>
    %slice3A_80 = vector.extract_strided_slice %max3A_64 {offsets = [0, 4], sizes = [128, 4], strides = [1, 1]} : vector<128x8xf32> to vector<128x4xf32>
    %slice3A_81 = vector.extract_strided_slice %min3A_65 {offsets = [0, 4], sizes = [128, 4], strides = [1, 1]} : vector<128x8xf32> to vector<128x4xf32>
    %slice3A_82 = vector.extract_strided_slice %max3A_66 {offsets = [0, 4], sizes = [128, 4], strides = [1, 1]} : vector<128x8xf32> to vector<128x4xf32>
    %slice3A_83 = vector.extract_strided_slice %min3A_67 {offsets = [0, 4], sizes = [128, 4], strides = [1, 1]} : vector<128x8xf32> to vector<128x4xf32>
    %max3A_84 = arith.maximumf %slice3A_68, %slice3A_83 : vector<128x4xf32>
    %max3A_85 = arith.maximumf %slice3A_69, %slice3A_82 : vector<128x4xf32>
    %max3A_86 = arith.maximumf %slice3A_70, %slice3A_81 : vector<128x4xf32>
    %max3A_87 = arith.maximumf %slice3A_71, %slice3A_80 : vector<128x4xf32>
    %max3A_88 = arith.maximumf %slice3A_72, %slice3A_79 : vector<128x4xf32>
    %max3A_89 = arith.maximumf %slice3A_73, %slice3A_78 : vector<128x4xf32>
    %max3A_90 = arith.maximumf %slice3A_74, %slice3A_77 : vector<128x4xf32>
    %max3A_91 = arith.maximumf %slice3A_75, %slice3A_76 : vector<128x4xf32>
    %max3A_92 = arith.maximumf %max3A_84, %max3A_88 : vector<128x4xf32>
    %min3A_93 = arith.minimumf %max3A_84, %max3A_88 : vector<128x4xf32>
    %max3A_94 = arith.maximumf %max3A_85, %max3A_89 : vector<128x4xf32>
    %min3A_95 = arith.minimumf %max3A_85, %max3A_89 : vector<128x4xf32>
    %max3A_96 = arith.maximumf %max3A_86, %max3A_90 : vector<128x4xf32>
    %min3A_97 = arith.minimumf %max3A_86, %max3A_90 : vector<128x4xf32>
    %max3A_98 = arith.maximumf %max3A_87, %max3A_91 : vector<128x4xf32>
    %min3A_99 = arith.minimumf %max3A_87, %max3A_91 : vector<128x4xf32>
    %max3A_100 = arith.maximumf %max3A_92, %max3A_96 : vector<128x4xf32>
    %min3A_101 = arith.minimumf %max3A_92, %max3A_96 : vector<128x4xf32>
    %max3A_102 = arith.maximumf %max3A_94, %max3A_98 : vector<128x4xf32>
    %min3A_103 = arith.minimumf %max3A_94, %max3A_98 : vector<128x4xf32>
    %max3A_104 = arith.maximumf %min3A_93, %min3A_97 : vector<128x4xf32>
    %min3A_105 = arith.minimumf %min3A_93, %min3A_97 : vector<128x4xf32>
    %max3A_106 = arith.maximumf %min3A_95, %min3A_99 : vector<128x4xf32>
    %min3A_107 = arith.minimumf %min3A_95, %min3A_99 : vector<128x4xf32>
    %max3A_108 = arith.maximumf %max3A_100, %max3A_102 : vector<128x4xf32>
    %min3A_109 = arith.minimumf %max3A_100, %max3A_102 : vector<128x4xf32>
    %max3A_110 = arith.maximumf %min3A_101, %min3A_103 : vector<128x4xf32>
    %min3A_111 = arith.minimumf %min3A_101, %min3A_103 : vector<128x4xf32>
    %max3A_112 = arith.maximumf %max3A_104, %max3A_106 : vector<128x4xf32>
    %min3A_113 = arith.minimumf %max3A_104, %max3A_106 : vector<128x4xf32>
    %max3A_114 = arith.maximumf %min3A_105, %min3A_107 : vector<128x4xf32>
    %min3A_115 = arith.minimumf %min3A_105, %min3A_107 : vector<128x4xf32>
    %slice3A_116 = vector.extract_strided_slice %max3A_108 {offsets = [0, 0], sizes = [128, 2], strides = [1, 1]} : vector<128x4xf32> to vector<128x2xf32>
    %slice3A_117 = vector.extract_strided_slice %min3A_109 {offsets = [0, 0], sizes = [128, 2], strides = [1, 1]} : vector<128x4xf32> to vector<128x2xf32>
    %slice3A_118 = vector.extract_strided_slice %max3A_110 {offsets = [0, 0], sizes = [128, 2], strides = [1, 1]} : vector<128x4xf32> to vector<128x2xf32>
    %slice3A_119 = vector.extract_strided_slice %min3A_111 {offsets = [0, 0], sizes = [128, 2], strides = [1, 1]} : vector<128x4xf32> to vector<128x2xf32>
    %slice3A_120 = vector.extract_strided_slice %max3A_112 {offsets = [0, 0], sizes = [128, 2], strides = [1, 1]} : vector<128x4xf32> to vector<128x2xf32>
    %slice3A_121 = vector.extract_strided_slice %min3A_113 {offsets = [0, 0], sizes = [128, 2], strides = [1, 1]} : vector<128x4xf32> to vector<128x2xf32>
    %slice3A_122 = vector.extract_strided_slice %max3A_114 {offsets = [0, 0], sizes = [128, 2], strides = [1, 1]} : vector<128x4xf32> to vector<128x2xf32>
    %slice3A_123 = vector.extract_strided_slice %min3A_115 {offsets = [0, 0], sizes = [128, 2], strides = [1, 1]} : vector<128x4xf32> to vector<128x2xf32>
    %slice3A_124 = vector.extract_strided_slice %max3A_108 {offsets = [0, 2], sizes = [128, 2], strides = [1, 1]} : vector<128x4xf32> to vector<128x2xf32>
    %slice3A_125 = vector.extract_strided_slice %min3A_109 {offsets = [0, 2], sizes = [128, 2], strides = [1, 1]} : vector<128x4xf32> to vector<128x2xf32>
    %slice3A_126 = vector.extract_strided_slice %max3A_110 {offsets = [0, 2], sizes = [128, 2], strides = [1, 1]} : vector<128x4xf32> to vector<128x2xf32>
    %slice3A_127 = vector.extract_strided_slice %min3A_111 {offsets = [0, 2], sizes = [128, 2], strides = [1, 1]} : vector<128x4xf32> to vector<128x2xf32>
    %slice3A_128 = vector.extract_strided_slice %max3A_112 {offsets = [0, 2], sizes = [128, 2], strides = [1, 1]} : vector<128x4xf32> to vector<128x2xf32>
    %slice3A_129 = vector.extract_strided_slice %min3A_113 {offsets = [0, 2], sizes = [128, 2], strides = [1, 1]} : vector<128x4xf32> to vector<128x2xf32>
    %slice3A_130 = vector.extract_strided_slice %max3A_114 {offsets = [0, 2], sizes = [128, 2], strides = [1, 1]} : vector<128x4xf32> to vector<128x2xf32>
    %slice3A_131 = vector.extract_strided_slice %min3A_115 {offsets = [0, 2], sizes = [128, 2], strides = [1, 1]} : vector<128x4xf32> to vector<128x2xf32>
    %max3A_132 = arith.maximumf %slice3A_116, %slice3A_131 : vector<128x2xf32>
    %max3A_133 = arith.maximumf %slice3A_117, %slice3A_130 : vector<128x2xf32>
    %max3A_134 = arith.maximumf %slice3A_118, %slice3A_129 : vector<128x2xf32>
    %max3A_135 = arith.maximumf %slice3A_119, %slice3A_128 : vector<128x2xf32>
    %max3A_136 = arith.maximumf %slice3A_120, %slice3A_127 : vector<128x2xf32>
    %max3A_137 = arith.maximumf %slice3A_121, %slice3A_126 : vector<128x2xf32>
    %max3A_138 = arith.maximumf %slice3A_122, %slice3A_125 : vector<128x2xf32>
    %max3A_139 = arith.maximumf %slice3A_123, %slice3A_124 : vector<128x2xf32>
    %max3A_140 = arith.maximumf %max3A_132, %max3A_136 : vector<128x2xf32>
    %min3A_141 = arith.minimumf %max3A_132, %max3A_136 : vector<128x2xf32>
    %max3A_142 = arith.maximumf %max3A_133, %max3A_137 : vector<128x2xf32>
    %min3A_143 = arith.minimumf %max3A_133, %max3A_137 : vector<128x2xf32>
    %max3A_144 = arith.maximumf %max3A_134, %max3A_138 : vector<128x2xf32>
    %min3A_145 = arith.minimumf %max3A_134, %max3A_138 : vector<128x2xf32>
    %max3A_146 = arith.maximumf %max3A_135, %max3A_139 : vector<128x2xf32>
    %min3A_147 = arith.minimumf %max3A_135, %max3A_139 : vector<128x2xf32>
    %max3A_148 = arith.maximumf %max3A_140, %max3A_144 : vector<128x2xf32>
    %min3A_149 = arith.minimumf %max3A_140, %max3A_144 : vector<128x2xf32>
    %max3A_150 = arith.maximumf %max3A_142, %max3A_146 : vector<128x2xf32>
    %min3A_151 = arith.minimumf %max3A_142, %max3A_146 : vector<128x2xf32>
    %max3A_152 = arith.maximumf %min3A_141, %min3A_145 : vector<128x2xf32>
    %min3A_153 = arith.minimumf %min3A_141, %min3A_145 : vector<128x2xf32>
    %max3A_154 = arith.maximumf %min3A_143, %min3A_147 : vector<128x2xf32>
    %min3A_155 = arith.minimumf %min3A_143, %min3A_147 : vector<128x2xf32>
    %max3A_156 = arith.maximumf %max3A_148, %max3A_150 : vector<128x2xf32>
    %min3A_157 = arith.minimumf %max3A_148, %max3A_150 : vector<128x2xf32>
    %max3A_158 = arith.maximumf %min3A_149, %min3A_151 : vector<128x2xf32>
    %min3A_159 = arith.minimumf %min3A_149, %min3A_151 : vector<128x2xf32>
    %max3A_160 = arith.maximumf %max3A_152, %max3A_154 : vector<128x2xf32>
    %min3A_161 = arith.minimumf %max3A_152, %max3A_154 : vector<128x2xf32>
    %max3A_162 = arith.maximumf %min3A_153, %min3A_155 : vector<128x2xf32>
    %min3A_163 = arith.minimumf %min3A_153, %min3A_155 : vector<128x2xf32>
    %slice3A_164 = vector.extract_strided_slice %max3A_156 {offsets = [0, 0], sizes = [128, 1], strides = [1, 1]} : vector<128x2xf32> to vector<128x1xf32>
    %slice3A_165 = vector.extract_strided_slice %min3A_157 {offsets = [0, 0], sizes = [128, 1], strides = [1, 1]} : vector<128x2xf32> to vector<128x1xf32>
    %slice3A_166 = vector.extract_strided_slice %max3A_158 {offsets = [0, 0], sizes = [128, 1], strides = [1, 1]} : vector<128x2xf32> to vector<128x1xf32>
    %slice3A_167 = vector.extract_strided_slice %min3A_159 {offsets = [0, 0], sizes = [128, 1], strides = [1, 1]} : vector<128x2xf32> to vector<128x1xf32>
    %slice3A_168 = vector.extract_strided_slice %max3A_160 {offsets = [0, 0], sizes = [128, 1], strides = [1, 1]} : vector<128x2xf32> to vector<128x1xf32>
    %slice3A_169 = vector.extract_strided_slice %min3A_161 {offsets = [0, 0], sizes = [128, 1], strides = [1, 1]} : vector<128x2xf32> to vector<128x1xf32>
    %slice3A_170 = vector.extract_strided_slice %max3A_162 {offsets = [0, 0], sizes = [128, 1], strides = [1, 1]} : vector<128x2xf32> to vector<128x1xf32>
    %slice3A_171 = vector.extract_strided_slice %min3A_163 {offsets = [0, 0], sizes = [128, 1], strides = [1, 1]} : vector<128x2xf32> to vector<128x1xf32>
    %slice3A_172 = vector.extract_strided_slice %max3A_156 {offsets = [0, 1], sizes = [128, 1], strides = [1, 1]} : vector<128x2xf32> to vector<128x1xf32>
    %slice3A_173 = vector.extract_strided_slice %min3A_157 {offsets = [0, 1], sizes = [128, 1], strides = [1, 1]} : vector<128x2xf32> to vector<128x1xf32>
    %slice3A_174 = vector.extract_strided_slice %max3A_158 {offsets = [0, 1], sizes = [128, 1], strides = [1, 1]} : vector<128x2xf32> to vector<128x1xf32>
    %slice3A_175 = vector.extract_strided_slice %min3A_159 {offsets = [0, 1], sizes = [128, 1], strides = [1, 1]} : vector<128x2xf32> to vector<128x1xf32>
    %slice3A_176 = vector.extract_strided_slice %max3A_160 {offsets = [0, 1], sizes = [128, 1], strides = [1, 1]} : vector<128x2xf32> to vector<128x1xf32>
    %slice3A_177 = vector.extract_strided_slice %min3A_161 {offsets = [0, 1], sizes = [128, 1], strides = [1, 1]} : vector<128x2xf32> to vector<128x1xf32>
    %slice3A_178 = vector.extract_strided_slice %max3A_162 {offsets = [0, 1], sizes = [128, 1], strides = [1, 1]} : vector<128x2xf32> to vector<128x1xf32>
    %slice3A_179 = vector.extract_strided_slice %min3A_163 {offsets = [0, 1], sizes = [128, 1], strides = [1, 1]} : vector<128x2xf32> to vector<128x1xf32>
    %max3A_180 = arith.maximumf %slice3A_164, %slice3A_179 : vector<128x1xf32>
    %max3A_181 = arith.maximumf %slice3A_165, %slice3A_178 : vector<128x1xf32>
    %max3A_182 = arith.maximumf %slice3A_166, %slice3A_177 : vector<128x1xf32>
    %max3A_183 = arith.maximumf %slice3A_167, %slice3A_176 : vector<128x1xf32>
    %max3A_184 = arith.maximumf %slice3A_168, %slice3A_175 : vector<128x1xf32>
    %max3A_185 = arith.maximumf %slice3A_169, %slice3A_174 : vector<128x1xf32>
    %max3A_186 = arith.maximumf %slice3A_170, %slice3A_173 : vector<128x1xf32>
    %max3A_187 = arith.maximumf %slice3A_171, %slice3A_172 : vector<128x1xf32>
    %max3A_188 = arith.maximumf %max3A_180, %max3A_184 : vector<128x1xf32>
    %min3A_189 = arith.minimumf %max3A_180, %max3A_184 : vector<128x1xf32>
    %max3A_190 = arith.maximumf %max3A_181, %max3A_185 : vector<128x1xf32>
    %min3A_191 = arith.minimumf %max3A_181, %max3A_185 : vector<128x1xf32>
    %max3A_192 = arith.maximumf %max3A_182, %max3A_186 : vector<128x1xf32>
    %min3A_193 = arith.minimumf %max3A_182, %max3A_186 : vector<128x1xf32>
    %max3A_194 = arith.maximumf %max3A_183, %max3A_187 : vector<128x1xf32>
    %min3A_195 = arith.minimumf %max3A_183, %max3A_187 : vector<128x1xf32>
    %max3A_196 = arith.maximumf %max3A_188, %max3A_192 : vector<128x1xf32>
    %min3A_197 = arith.minimumf %max3A_188, %max3A_192 : vector<128x1xf32>
    %max3A_198 = arith.maximumf %max3A_190, %max3A_194 : vector<128x1xf32>
    %min3A_199 = arith.minimumf %max3A_190, %max3A_194 : vector<128x1xf32>
    %max3A_200 = arith.maximumf %min3A_189, %min3A_193 : vector<128x1xf32>
    %min3A_201 = arith.minimumf %min3A_189, %min3A_193 : vector<128x1xf32>
    %max3A_202 = arith.maximumf %min3A_191, %min3A_195 : vector<128x1xf32>
    %min3A_203 = arith.minimumf %min3A_191, %min3A_195 : vector<128x1xf32>
    %max3A_204 = arith.maximumf %max3A_196, %max3A_198 : vector<128x1xf32>
    %min3A_205 = arith.minimumf %max3A_196, %max3A_198 : vector<128x1xf32>
    %max3A_206 = arith.maximumf %min3A_197, %min3A_199 : vector<128x1xf32>
    %min3A_207 = arith.minimumf %min3A_197, %min3A_199 : vector<128x1xf32>
    %max3A_208 = arith.maximumf %max3A_200, %max3A_202 : vector<128x1xf32>
    %min3A_209 = arith.minimumf %max3A_200, %max3A_202 : vector<128x1xf32>
    %max3A_210 = arith.maximumf %min3A_201, %min3A_203 : vector<128x1xf32>
    %min3A_211 = arith.minimumf %min3A_201, %min3A_203 : vector<128x1xf32>
    %get3A_212 = arith.constant 0 : index
    %get3A_213 = arith.constant 0 : index
    %get3A_214 = vector.load %arg1[%get3A_212, %get3A_213] : memref<128x8xf32, #tpu.memory_space<vmem>>, vector<128x1xf32>
    %get3A_215 = arith.constant 0 : index
    %get3A_216 = arith.constant 1 : index
    %get3A_217 = vector.load %arg1[%get3A_215, %get3A_216] : memref<128x8xf32, #tpu.memory_space<vmem>>, vector<128x1xf32>
    %get3A_218 = arith.constant 0 : index
    %get3A_219 = arith.constant 2 : index
    %get3A_220 = vector.load %arg1[%get3A_218, %get3A_219] : memref<128x8xf32, #tpu.memory_space<vmem>>, vector<128x1xf32>
    %get3A_221 = arith.constant 0 : index
    %get3A_222 = arith.constant 3 : index
    %get3A_223 = vector.load %arg1[%get3A_221, %get3A_222] : memref<128x8xf32, #tpu.memory_space<vmem>>, vector<128x1xf32>
    %get3A_224 = arith.constant 0 : index
    %get3A_225 = arith.constant 4 : index
    %get3A_226 = vector.load %arg1[%get3A_224, %get3A_225] : memref<128x8xf32, #tpu.memory_space<vmem>>, vector<128x1xf32>
    %get3A_227 = arith.constant 0 : index
    %get3A_228 = arith.constant 5 : index
    %get3A_229 = vector.load %arg1[%get3A_227, %get3A_228] : memref<128x8xf32, #tpu.memory_space<vmem>>, vector<128x1xf32>
    %get3A_230 = arith.constant 0 : index
    %get3A_231 = arith.constant 6 : index
    %get3A_232 = vector.load %arg1[%get3A_230, %get3A_231] : memref<128x8xf32, #tpu.memory_space<vmem>>, vector<128x1xf32>
    %get3A_233 = arith.constant 0 : index
    %get3A_234 = arith.constant 7 : index
    %get3A_235 = vector.load %arg1[%get3A_233, %get3A_234] : memref<128x8xf32, #tpu.memory_space<vmem>>, vector<128x1xf32>
    %max3A_236 = arith.maximumf %get3A_214, %min3A_211 : vector<128x1xf32>
    %max3A_237 = arith.maximumf %get3A_217, %max3A_210 : vector<128x1xf32>
    %max3A_238 = arith.maximumf %get3A_220, %min3A_209 : vector<128x1xf32>
    %max3A_239 = arith.maximumf %get3A_223, %max3A_208 : vector<128x1xf32>
    %max3A_240 = arith.maximumf %get3A_226, %min3A_207 : vector<128x1xf32>
    %max3A_241 = arith.maximumf %get3A_229, %max3A_206 : vector<128x1xf32>
    %max3A_242 = arith.maximumf %get3A_232, %min3A_205 : vector<128x1xf32>
    %max3A_243 = arith.maximumf %get3A_235, %max3A_204 : vector<128x1xf32>
    %max3A_244 = arith.maximumf %max3A_236, %max3A_240 : vector<128x1xf32>
    %min3A_245 = arith.minimumf %max3A_236, %max3A_240 : vector<128x1xf32>
    %max3A_246 = arith.maximumf %max3A_237, %max3A_241 : vector<128x1xf32>
    %min3A_247 = arith.minimumf %max3A_237, %max3A_241 : vector<128x1xf32>
    %max3A_248 = arith.maximumf %max3A_238, %max3A_242 : vector<128x1xf32>
    %min3A_249 = arith.minimumf %max3A_238, %max3A_242 : vector<128x1xf32>
    %max3A_250 = arith.maximumf %max3A_239, %max3A_243 : vector<128x1xf32>
    %min3A_251 = arith.minimumf %max3A_239, %max3A_243 : vector<128x1xf32>
    %max3A_252 = arith.maximumf %max3A_244, %max3A_248 : vector<128x1xf32>
    %min3A_253 = arith.minimumf %max3A_244, %max3A_248 : vector<128x1xf32>
    %max3A_254 = arith.maximumf %max3A_246, %max3A_250 : vector<128x1xf32>
    %min3A_255 = arith.minimumf %max3A_246, %max3A_250 : vector<128x1xf32>
    %max3A_256 = arith.maximumf %min3A_245, %min3A_249 : vector<128x1xf32>
    %min3A_257 = arith.minimumf %min3A_245, %min3A_249 : vector<128x1xf32>
    %max3A_258 = arith.maximumf %min3A_247, %min3A_251 : vector<128x1xf32>
    %min3A_259 = arith.minimumf %min3A_247, %min3A_251 : vector<128x1xf32>
    %max3A_260 = arith.maximumf %max3A_252, %max3A_254 : vector<128x1xf32>
    %min3A_261 = arith.minimumf %max3A_252, %max3A_254 : vector<128x1xf32>
    %max3A_262 = arith.maximumf %min3A_253, %min3A_255 : vector<128x1xf32>
    %min3A_263 = arith.minimumf %min3A_253, %min3A_255 : vector<128x1xf32>
    %max3A_264 = arith.maximumf %max3A_256, %max3A_258 : vector<128x1xf32>
    %min3A_265 = arith.minimumf %max3A_256, %max3A_258 : vector<128x1xf32>
    %max3A_266 = arith.maximumf %min3A_257, %min3A_259 : vector<128x1xf32>
    %min3A_267 = arith.minimumf %min3A_257, %min3A_259 : vector<128x1xf32>
    %concatenate3A = tpu.concatenate %max3A_260, %min3A_261, %max3A_262, %min3A_263, %max3A_264, %min3A_265, %max3A_266, %min3A_267 in 1 : vector<128x1xf32>, vector<128x1xf32>, vector<128x1xf32>, vector<128x1xf32>, vector<128x1xf32>, vector<128x1xf32>, vector<128x1xf32>, vector<128x1xf32> -> vector<128x8xf32>
    %swap3A = arith.constant 0 : index
    %swap3A_268 = arith.constant 0 : index
    %swap3A_269 = vector.load %arg2[%swap3A, %swap3A_268] : memref<128x8xf32, #tpu.memory_space<vmem>>, vector<128x8xf32>
    tpu.vector_store %arg2[%swap3A, %swap3A_268], %concatenate3A {strides = array<i32>} : memref<128x8xf32, #tpu.memory_space<vmem>>, vector<128x8xf32>,
    return
  }
}

</mosaic_0001>

<sc_bundles>
// kernel: kernel.5.cloned.1.call-start
scs
__scs_entry_jumppad:
0x0: {  	(pc) =	sbr.rel $0x88, $3  }
0x1: {  	(tag) =	ssettag $0x0;
	lr =	simm.s32 $0x1  }
0x2: {  	[smem:$0x3FA0] =	sst lr;
	_ =	strace $0xD0000000  }
0x3: {  	_ = 	snop  }
0x4: {  	_ = 	snop  }
0x5: {  	_ = 	snop  }
0x6: {  	_ = 	snop  }
0x7: {  	_ = 	snop  }
__scs_overlays_trampoline_lowered:
0x8: {  	[smem:$0x3FAF] =	sst s0  }
0x9: {  	[smem:$0x3FB0] =	sst s1  }
0xa: {  	[smem:$0x3FB1] =	sst s2  }
0xb: {  	[smem:$0x3FB2] =	sst s3  }
0xc: {  	[smem:$0x3FB3] =	sst s4  }
0xd: {  	[smem:$0x3FB4] =	sst s5  }
0xe: {  	[smem:$0x3FB5] =	sst s6  }
0xf: {  	[smem:$0x3FB6] =	sst s7  }
0x10: {  	[smem:$0x3FB7] =	sst s8  }
0x11: {  	[smem:$0x3FB8] =	sst s9;
	s0 =	simm.s32 @!p0 $0x0  }
0x12: {  	s1 =	sld [smem:$0x3F9E];
	s0 =	simm.s32 @p0 $0x1  }
0x13: {  	[smem:$0x3FB9] =	sst s0;
	s0 =	simm.s32 @!p1 $0x0  }
0x14: {  	s2 =	sld [smem:$0x3F9D];
	s0 =	simm.s32 @p1 $0x1  }
0x15: {  	[smem:$0x3FBA] =	sst s0;
	s0 =	simm.s32 @!p2 $0x0  }
0x16: {  	s3 =	sld [smem:$0x3FDB];
	s0 =	simm.s32 @p2 $0x1  }
0x17: {  	s4 =	simm.s32 $0x1BF5;
	[smem:$0x3FBC] =	sst s0  }
0x18: {  	s0 =	sld [smem:$0x3F9F];
	_ =	swait.ge [sflag:s4], $0x0  }
0x19: {  	s7 =	sld [smem:$0x3FA0]  }
0x1a: {  	s8 =	sadd.s32 $0xFFFFE003, lr  }
0x1b: {  	s9 =	sadd.s32 $0xFFFFFEF7, lr;
	s5 =	simm.s32 $0xFFFFFFFF;
	p2 =	slt.u32 s8, $0xFFFFF086  }
0x1c: {  	p1 =	slt.u32 s9, $0xF7A;
	s5 =	simm.s32 @!p2 $0x0  }
0x1d: {  	s5 =	simm.s32 @p1 $0x1;
	p0 =	seq.s32 s7, s2  }
0x1e: {  	s7 =	smul.u32 @!p0 $0xF7A, s2;
	p2 =	seq.s32 @!p0 s5, $0x0  }
0x1f: {  	s9 =	smul.u32 $0xF7A, s1;
	s8 =	simm.s32 @!p0 $0x1BF5;
	p2 =	por !p2, p0  }
0x20: {  	[sflag:s8] =	ssyncset.s32 @!p0 $0xFFFFF086;
	s6 =	sadd.s32 @!p0 s3, s7;
	s7 =	simm.s32 @!p0 $0x108  }
0x21: {  	s3 =	sadd.s32 s3, s9;
	s6 =	sadd.s32 @!p0 $0x88, s6;
	s7 =	simm.s32 @p2 $0x1082  }
0x22: {  	[simem:s7], [sflag:s8] =	dma.local @!p0 [hbm:s6], $0xF7A  }
0x23: {  	s9 =	sor.u32 $0xD0000000, s2;
	s6 =	simm.s32 $0x108;
	_ =	swait.ge @!p0 [sflag:s8], $0x0  }
0x24: {  	s3 =	sadd.s32 $0x88, s3;
	s6 =	simm.s32 @!p1 $0x1082;
	[sflag:s4] =	ssyncset.s32 $0xFFFFF086  }
0x25: {  	[simem:s6], [sflag:s4] =	dma.local [hbm:s3], $0xF7A  }
0x26: {  	[smem:$0x3FA0] =	sst s1;
	(tag) =	ssettag s2;
	_ =	strace s9  }
0x27: {  	s1 =	sld [smem:$0x3FB0]  }
0x28: {  	s2 =	sld [smem:$0x3FB1]  }
0x29: {  	s4 =	sld [smem:$0x3FB3]  }
0x2a: {  	p0 =	seq.s32 s5, $0x0;
	s5 =	sld [smem:$0x3FB4]  }
0x2b: {  	s6 =	sld [smem:$0x3FB5]  }
0x2c: {  	s7 =	sld [smem:$0x3FB6]  }
0x2d: {  	s3 =	simm.s32 $0x108;
	s8 =	sld [smem:$0x3FB7]  }
0x2e: {  	s3 =	simm.s32 @!p0 $0x1082;
	s9 =	sld [smem:$0x3FB8]  }
0x2f: {  	lr =	sadd.s32 s0, s3;
	s0 =	sld [smem:$0x3FAF]  }
0x30: {  	s3 =	sld [smem:$0x3FB2]  }
0x31: {  	[smem:$0x3FBB] =	sst s10  }
0x32: {  	s10 =	sld [smem:$0x3FB9];
	_ =	sdelay $0x3  }
0x33: {  	p0 =	seq.s32 s10, $0x1;
	s10 =	sld [smem:$0x3FBB];
	_ =	sdelay $0x3  }
0x34: {  	[smem:$0x3FBB] =	sst s10  }
0x35: {  	s10 =	sld [smem:$0x3FBA];
	_ =	sdelay $0x3  }
0x36: {  	p1 =	seq.s32 s10, $0x1;
	s10 =	sld [smem:$0x3FBB];
	_ =	sdelay $0x3  }
0x37: {  	[smem:$0x3FBB] =	sst s10  }
0x38: {  	s10 =	sld [smem:$0x3FBC]  }
0x39: {  	_ = 	snop;
	(pc) =	sbr.ind lr, $3  }
0x3a: {  	_ = 	snop  }
0x3b: {  	_ = 	snop  }
0x3c: {  	p2 =	seq.s32 s10, $0x1;
	s10 =	sld [smem:$0x3FBB]  }
0x3d: {  	_ =	shalt  }
0x3e: {  	_ =	shalt  }
0x3f: {  	_ =	shalt  }
0x40: {  	_ =	shalt  }
0x41: {  	_ =	shalt  }
0x42: {  	_ =	shalt  }
0x43: {  	_ =	shalt  }
0x44: {  	_ =	shalt  }
0x45: {  	_ =	shalt  }
0x46: {  	_ =	shalt  }
0x47: {  	_ =	shalt  }
0x48: {  	_ =	shalt  }
0x49: {  	_ =	shalt  }
0x4a: {  	_ =	shalt  }
0x4b: {  	_ =	shalt  }
0x4c: {  	_ =	shalt  }
0x4d: {  	_ =	shalt  }
0x4e: {  	_ =	shalt  }
0x4f: {  	_ =	shalt  }
0x50: {  	_ =	shalt  }
0x51: {  	_ =	shalt  }
0x52: {  	_ =	shalt  }
0x53: {  	_ =	shalt  }
0x54: {  	_ =	shalt  }
0x55: {  	_ =	shalt  }
0x56: {  	_ =	shalt  }
0x57: {  	_ =	shalt  }
0x58: {  	_ =	shalt  }
0x59: {  	_ =	shalt  }
0x5a: {  	_ =	shalt  }
0x5b: {  	_ =	shalt  }
0x5c: {  	_ =	shalt  }
0x5d: {  	_ =	shalt  }
0x5e: {  	_ =	shalt  }
0x5f: {  	_ =	shalt  }
0x60: {  	_ =	shalt  }
0x61: {  	_ =	shalt  }
0x62: {  	_ =	shalt  }
0x63: {  	_ =	shalt  }
0x64: {  	_ =	shalt  }
0x65: {  	_ =	shalt  }
0x66: {  	_ =	shalt  }
0x67: {  	_ =	shalt  }
0x68: {  	_ =	shalt  }
0x69: {  	_ =	shalt  }
0x6a: {  	_ =	shalt  }
0x6b: {  	_ =	shalt  }
0x6c: {  	_ =	shalt  }
0x6d: {  	_ =	shalt  }
0x6e: {  	_ =	shalt  }
0x6f: {  	_ =	shalt  }
0x70: {  	_ =	shalt  }
0x71: {  	_ =	shalt  }
0x72: {  	_ =	shalt  }
0x73: {  	_ =	shalt  }
0x74: {  	_ =	shalt  }
0x75: {  	_ =	shalt  }
0x76: {  	_ =	shalt  }
0x77: {  	_ =	shalt  }
0x78: {  	_ =	shalt  }
0x79: {  	_ =	shalt  }
0x7a: {  	_ =	shalt  }
0x7b: {  	_ =	shalt  }
0x7c: {  	_ =	shalt  }
0x7d: {  	_ =	shalt  }
0x7e: {  	_ =	shalt  }
0x7f: {  	_ =	shalt  }
0x80: {  	_ =	shalt  }
0x81: {  	_ =	shalt  }
0x82: {  	_ =	shalt  }
0x83: {  	_ =	shalt  }
0x84: {  	_ =	shalt  }
0x85: {  	_ =	shalt  }
0x86: {  	_ =	shalt  }
0x87: {  	_ =	shalt  }
.Lfunc_end0:
.L_simem_size_0:
called_computation_lowered:
.L_overlay_start_0:
0x88: {  	s2 =	sld [smem:$0x3FD9]  }
0x89: {  	s3 =	sld [smem:$0x3FFE];
	_ =	sdelay $0x1  }
0x8a: {  	s1 =	srdreg.scid  }
0x8b: {  	s0 =	sand.u32 $0x1, s1  }
0x8c: {  	s17 =	sshll.u32 s0, $0xA;
	s2 =	sadd.s32 s3, s2  }
0x8d: {  	s2 =	sadd.s32 s2, s17  }
0x8e: {  	[smem:$0x3FC7] =	sst s2  }
0x8f: {  	_ = 	snop  }
0x90: {  	s2 =	sld [smem:$0x3FC9];
	(tm) =	ssettm $0x1  }
0x91: {  	s18 =	sld [smem:$0x3FFB];
	_ =	sdelay $0x3  }
0x92: {  	_ =	strace s18  }
0x93: {  	s3 =	sld [smem:$0x3FFC];
	_ =	sdelay $0x3  }
0x94: {  	_ =	strace s3  }
0x95: {  	s3 =	sld [smem:$0x3FFD];
	_ =	sdelay $0x3  }
0x96: {  	_ =	strace s3  }
0x97: {  	_ =	strace $0x8FFFFFFF  }
0x98: {  	s19 =	sld [smem:$0x3FDB];
	_ =	sdelay $0x1  }
0x99: {  	s4 =	simm.s32 $_scs_section_size  }
0x9a: {  	s5 =	simm.s32 $_size__tile_overlayer_lowered;
	s6 =	simm.s32 $_tile_overlayer_lowered  }
0x9b: {  	s22 =	simm.s32 $0x1BFF;
	s21 =	sshll.u32 s6, $0x1;
	s3 =	sadd.s32 s4, s19  }
0x9c: {  	s7 =	simm.s32 $0x0;
	s20 =	sshll.u32 s5, $0x1;
	s5 =	sadd.s32 s21, s3  }
0x9d: {  	[timem:s7], [sflag:s22] =	dma.local [hbm:s5], s20  }
0x9e: {  	_ =	swait.ge [sflag:s22], s20  }
0x9f: {  	s4 =	ssub.s32 $0x0, s20;
	[sflag:s22] =	ssyncset.done $0x0  }
0xa0: {  	[sflag:s22] =	ssyncadd.s32 s4;
	_ =	sdelay $0x1  }
0xa1: {  	s23 =	simm.s32 $0x1B8B  }
0xa2: {  	_ =	swait.ge [sflag:s23], $0x1  }
0xa3: {  	[sflag:s23] =	ssyncset.done $0x0  }
0xa4: {  	s25 =	simm.s32 $0x1B8E;
	s24 =	sld [smem:$0x3FFE];
	[sflag:s23] =	ssyncadd.s32 $0xFFFFFFFF  }
0xa5: {  	s26 =	simm.s32 $execute0_lowered;
	[smem:$0x3FD2] =	sst s25  }
0xa6: {  	s5 =	sshll.u32 s26, $0x1;
	_ =	strace $0x80000046;
	[dreg:$0x1] =	wrdreg $0xFFFFFFFF  }
0xa7: {  	s28 =	simm.s32 $_size_execute0_lowered;
	s3 =	sadd.s32 s3, s5;
	[dreg:$0x0] =	wrdreg $0x0  }
0xa8: {  	s5 =	sshll.u32 s28, $0x1;
	[dreg:$0x2] =	wrdreg s3  }
0xa9: {  	[dreg:$0x3] =	wrdreg s5  }
0xaa: {  	[dreg:$0x4] =	wrdreg $0xC0  }
0xab: {  	_ =	task [dreg:s7], $0x5FFFF  }
0xac: {  	[dreg:$0x1] =	wrdreg $0xFFFFFFFF  }
0xad: {  	[dreg:$0x0] =	wrdreg $0x60  }
0xae: {  	[dreg:$0x2] =	wrdreg s2  }
0xaf: {  	[dreg:$0x3] =	wrdreg s24  }
0xb0: {  	[dreg:$0x4] =	wrdreg $0x9  }
0xb1: {  	_ =	task.clear_ibuf [dreg:s7], $0x5FFFF;
	_ =	strace $0x90000046  }
0xb2: {  	s29 =	simm.s32 $0x9;
	_ =	strace $0x80000048  }
0xb3: {  	_ =	swait.ge [sflag:s29], $0x1  }
0xb4: {  	[sflag:s29] =	ssyncadd.s32 $0xFFFFFFFF  }
0xb5: {  	_ =	strace $0x90000048  }
0xb6: {  	_ =	sfence  }
0xb7: {  	s30 =	sld [smem:$0x0];
	_ =	sdelay $0x2  }
0xb8: {  	s31 =	sshll.u32 s1, $0xD;
	s1 =	sshrl.u32 s1, $0x2  }
0xb9: {  	s3 =	sand.u32 $0x4000, s31;
	s1 =	sadd.s32 s1, s30  }
0xba: {  	s0 =	sor.u32 s3, s0;
	s1 =	sshll.u32 s1, $0x11  }
0xbb: {  	s0 =	sor.u32 s1, s0  }
0xbc: {  	s0 =	sadd.s32 $0x8F2B, s0  }
0xbd: {  	[sflag:s0] =	ssyncadd.remote.s32 $0x1  }
0xbe: {  	_ =	sfence.sel $0xFFFF  }
0xbf: {  	[dreg:$0x0] =	wrdreg $0xFFFFFFFF;
	(pc) =	sbr.abs _section_cstart, $3  }
0xc0: {  	[dreg:$0x1] =	wrdreg $0xFFFFFFFF  }
0xc1: {  	_ =	task.clear_ibuf [dreg:s7], $0x2FFFF;
	_ =	strace $0x9FFFFFFF  }
0xc2: {  	(tm) =	ssettm $0x7FFFFFFF  }
0xc3: {  	_ =	shalt  }
tec
execute0_lowered:
.L_overlay_start_1:
0x0: {  	(tag) =	ssettag $0x1  }
0x1: {  	s6 =	rddreg [dreg:$0x0]  }
0x2: {  	s3 =	rddreg [dreg:$0x1];
	s2 =	srdreg.scid  }
0x3: {  	s0 =	rddreg [dreg:$0x2];
	s1 =	stileid.u32  }
0x4: {  	s11 =	simm.s32 $0x2800;
	s12 =	simm.s32 $0x1;
	s13 =	simm.s32 $0x2  }
0x5: {  	s14 =	simm.s32 $0x5000;
	s15 =	simm.s32 $0x3;
	s16 =	simm.s32 $0x0  }
0x6: {  	s4 =	sand.u32 $0x1, s2;
	s2 =	simm.s32 $0x0;
	s7 =	sshll.u32 s1, $0xA  }
0x7: {  	s8 =	sshll.u32 s1, $0x12;
	s5 =	sshll.u32 s4, $0x9;
	[smem:$0x7FF] =	sst s2  }
0x8: {  	s26 =	sshll.u32 s4, $0x11;
	s4 =	ssub.s32 $0x2, s4;
	s7 =	sor.u32 s5, s7  }
0x9: {  	_ =	strace $0x80000047;
	s5 =	sor.u32 s5, s8;
	s28 =	sshrl.u32 s4, $0x1  }
0xa: {  	s7 =	sshrl.u32 s7, $0x3;
	s8 =	sshrl.u32 s5, $0x3;
	s10 =	ssub.s32 s4, s28  }
0xb: {  	s7 =	sadd.s32 s7, s3;
	s3 =	sor.u32 s26, s5;
	s8 =	sadd.s32 s8, s6  }
0xc: {  	s9 =	sshrl.u32 s3, $0x3;
	s3 =	sadd.s32 $0x5800, s8;
	s7 =	sadd.s32 $0x800, s7  }
0xd: {  	s8 =	smax.u32 s10, $0x1;
	s10 =	simm.s32 $0x400;
	s29 =	sor.u32 $0x5810, s9  }
0xe: {  	s30 =	sor.u32 $0x5820, s9;
	s31 =	sor.u32 $0x5830, s9;
	s9 =	simm.s32 $0x80  }
0xf: {  	s4 =	sadd.s32 s6, s29;
	s5 =	sadd.s32 s6, s30;
	s6 =	sadd.s32 s6, s31  }
.LBB2_1:
0x10: {  	[tilespmem:s2], [sflag:$0x1] =	stream.strided.gather [hbm4b:s3+s9], $0x2800, s10, s9, $0x38;
	[tilespmem:$0x5200] =	vst v63  }
0x11: {  	_ = 	snop  }
0x12: {  	[tilespmem:s11], [sflag:$0x2] =	stream.strided.gather [hbm4b:s4+s9], $0x2800, s10, s9, $0x38;
	[tilespmem:$0x5200] =	vst v63  }
0x13: {  	_ =	swait.ge [sflag:s12], $0x2800  }
0x14: {  	[sflag:s12] =	ssyncset.done $0x0  }
0x15: {  	s17 =	simm.s32 $0x0;
	[sflag:s12] =	ssyncadd.s32 $0xFFFFD800  }
0x16: {  	v0 =	vld [tilespmem:s17+$0x0]  }
0x17: {  	v2 =	vld [tilespmem:s17+$0x10]  }
0x18: {  	v3 =	vld [tilespmem:s17+$0x20]  }
0x19: {  	v4 =	vld [tilespmem:s17+$0x30]  }
0x1a: {  	v5 =	vld [tilespmem:s17+$0x40]  }
0x1b: {  	v6 =	vld [tilespmem:s17+$0x50]  }
0x1c: {  	v7 =	vld [tilespmem:s17+$0x60]  }
0x1d: {  	v8 =	vld [tilespmem:s17+$0x70];
	_ =	sdelay $0x1  }
0x1e: {  	v1 =	vimm.f32 $-Inf  }
0x1f: {  	v9 =	vmax.f32 v0, v2;
	v10 =	vmin.f32 v0, v2;
	v14 =	vmax.f32 v3, v4  }
0x20: {  	v15 =	vmin.f32 v3, v4;
	v11 =	vmax.f32 v5, v6;
	v12 =	vmin.f32 v5, v6  }
0x21: {  	v17 =	vmax.f32 v7, v8;
	v16 =	vmin.f32 v7, v8;
	v7 =	vimm.f32 $-Inf  }
0x22: {  	v0 =	vimm.f32 $-Inf;
	v2 =	vimm.f32 $-Inf;
	v3 =	vimm.f32 $-Inf  }
0x23: {  	v6 =	vimm.f32 $-Inf;
	v4 =	vimm.f32 $-Inf;
	v5 =	vimm.f32 $-Inf  }
0x24: {  	s17 =	simm.s32 $0x200;
	v13 =	vmax.f32 v9, v14;
	v8 =	vmin.f32 v10, v15;
	v18 =	vmax.f32 v11, v17  }
.LBB2_2:
0x25: {  	p0 =	sne.s32 s17, $0x9E00;
	v9 =	vmin.f32 v9, v14;
	v10 =	vmax.f32 v10, v15;
	v14 =	vmin.f32 v12, v16  }
0x26: {  	v11 =	vmin.f32 v11, v17;
	v12 =	vmax.f32 v12, v16;
	v15 =	vmax.f32 v13, v18  }
0x27: {  	v13 =	vmin.f32 v13, v18;
	v16 =	vmax.f32 v10, v9;
	v17 =	vmin.f32 v8, v14  }
0x28: {  	v9 =	vmin.f32 v10, v9;
	v10 =	vmax.f32 v12, v11;
	v11 =	vmin.f32 v12, v11  }
0x29: {  	v8 =	vmax.f32 v8, v14;
	v12 =	vmax.f32 v16, v10;
	v18 =	vmax.f32 v9, v11  }
0x2a: {  	v10 =	vmin.f32 v16, v10;
	v9 =	vmin.f32 v9, v11;
	v11 =	vmax.f32 v18, v13  }
0x2b: {  	v13 =	vmin.f32 v18, v13;
	v14 =	vmax.f32 v8, v10;
	v8 =	vmin.f32 v8, v10  }
0x2c: {  	v10 =	vmax.f32 v12, v11;
	v11 =	vmin.f32 v12, v11;
	v12 =	vmax.f32 v14, v13  }
0x2d: {  	v13 =	vmin.f32 v14, v13;
	v14 =	vmax.f32 v8, v9;
	v8 =	vmin.f32 v8, v9  }
0x2e: {  	s18 =	sshra.s32 s17, $0x2;
	v1 =	vmax.f32 v1, v17;
	v7 =	vmax.f32 v7, v8;
	v8 =	vmax.f32 v0, v15  }
0x2f: {  	v0 =	vmax.f32 v2, v14;
	v2 =	vmax.f32 v3, v13;
	v3 =	vmax.f32 v6, v12;
	v15 =	vld [tilespmem:s18+$0x0]  }
0x30: {  	v4 =	vmax.f32 v4, v11;
	v5 =	vmax.f32 v5, v10;
	v6 =	vmin.f32 v1, v3;
	v12 =	vld [tilespmem:s18+$0x10]  }
0x31: {  	v9 =	vmin.f32 v7, v4;
	v10 =	vmin.f32 v0, v5;
	v13 =	vmin.f32 v2, v8;
	v11 =	vld [tilespmem:s18+$0x20]  }
0x32: {  	v1 =	vmax.f32 v1, v3;
	v14 =	vmin.f32 v6, v10;
	v17 =	vmin.f32 v9, v13;
	v16 =	vld [tilespmem:s18+$0x30]  }
0x33: {  	v3 =	vmax.f32 v7, v4;
	v4 =	vmax.f32 v0, v5;
	v0 =	vmin.f32 v14, v17;
	v18 =	vld [tilespmem:s18+$0x40]  }
0x34: {  	v2 =	vmax.f32 v2, v8;
	v5 =	vmax.f32 v1, v4;
	v4 =	vmin.f32 v1, v4;
	v19 =	vld [tilespmem:s18+$0x50]  }
0x35: {  	v7 =	vmax.f32 v3, v2;
	v3 =	vmin.f32 v3, v2;
	v10 =	vmax.f32 v6, v10;
	v8 =	vld [tilespmem:s18+$0x60]  }
0x36: {  	v9 =	vmax.f32 v9, v13;
	v1 =	vmax.f32 v5, v7;
	v7 =	vmin.f32 v5, v7;
	v20 =	vld [tilespmem:s18+$0x70]  }
0x37: {  	v2 =	vmax.f32 v4, v3;
	v3 =	vmin.f32 v4, v3;
	v6 =	vmax.f32 v10, v9  }
.Ltmp0:
0x38: {  	v4 =	vmin.f32 v10, v9;
	v5 =	vmax.f32 v14, v17;
	(pc) =	sbr.rel @p0 .LBB2_2-.Ltmp0, $4  }
0x39: {  	v9 =	vmax.f32 v15, v12;
	v10 =	vmin.f32 v15, v12  }
0x3a: {  	v14 =	vmax.f32 v11, v16;
	v15 =	vmin.f32 v11, v16;
	v11 =	vmax.f32 v18, v19  }
0x3b: {  	v12 =	vmin.f32 v18, v19;
	v17 =	vmax.f32 v8, v20;
	v16 =	vmin.f32 v8, v20  }
0x3c: {  	s17 =	sadd.s32 $0x200, s17;
	v13 =	vmax.f32 v9, v14;
	v8 =	vmin.f32 v10, v15;
	v18 =	vmax.f32 v11, v17  }
0x3d: {  	v9 =	vmin.f32 v9, v14;
	v10 =	vmax.f32 v10, v15;
	v14 =	vmin.f32 v12, v16  }
0x3e: {  	v11 =	vmin.f32 v11, v17;
	v12 =	vmax.f32 v12, v16;
	v15 =	vmax.f32 v13, v18  }
0x3f: {  	v13 =	vmin.f32 v13, v18;
	v16 =	vmax.f32 v10, v9;
	v17 =	vmin.f32 v8, v14  }
0x40: {  	v9 =	vmin.f32 v10, v9;
	v10 =	vmax.f32 v12, v11;
	v11 =	vmin.f32 v12, v11  }
0x41: {  	v8 =	vmax.f32 v8, v14;
	v12 =	vmax.f32 v16, v10;
	v18 =	vmax.f32 v9, v11  }
0x42: {  	v10 =	vmin.f32 v16, v10;
	v9 =	vmin.f32 v9, v11;
	v11 =	vmax.f32 v18, v13  }
0x43: {  	v13 =	vmin.f32 v18, v13;
	v14 =	vmax.f32 v8, v10;
	v8 =	vmin.f32 v8, v10  }
0x44: {  	v10 =	vmax.f32 v12, v11;
	v11 =	vmin.f32 v12, v11;
	v12 =	vmax.f32 v14, v13  }
0x45: {  	v13 =	vmin.f32 v14, v13;
	v14 =	vmax.f32 v8, v9;
	v8 =	vmin.f32 v8, v9  }
0x46: {  	v0 =	vmax.f32 v0, v15;
	v1 =	vmax.f32 v1, v17;
	v7 =	vmax.f32 v7, v8  }
0x47: {  	v2 =	vmax.f32 v2, v14;
	v3 =	vmax.f32 v3, v13;
	v6 =	vmax.f32 v6, v12  }
0x48: {  	v4 =	vmax.f32 v4, v11;
	v5 =	vmax.f32 v5, v10;
	v8 =	vmax.f32 v1, v6  }
0x49: {  	v9 =	vmax.f32 v7, v4;
	v10 =	vmax.f32 v2, v5;
	v11 =	vmax.f32 v3, v0  }
0x4a: {  	v12 =	vmax.f32 v8, v10;
	v13 =	vmax.f32 v9, v11  }
0x4b: {  	v1 =	vmin.f32 v1, v6;
	v4 =	vmin.f32 v7, v4;
	v6 =	vmax.f32 v12, v13  }
0x4c: {  	v7 =	vmin.f32 v8, v10;
	v8 =	vmin.f32 v9, v11;
	v9 =	vmin.f32 v12, v13;
	[tilespmem:$0x5000] =	vst v6  }
0x4d: {  	v2 =	vmin.f32 v2, v5;
	v0 =	vmin.f32 v3, v0;
	v3 =	vmax.f32 v7, v8;
	[tilespmem:$0x5010] =	vst v9  }
0x4e: {  	v5 =	vmax.f32 v1, v2;
	v7 =	vmin.f32 v7, v8;
	v6 =	vmax.f32 v4, v0;
	[tilespmem:$0x5020] =	vst v3  }
0x4f: {  	[tilespmem:$0x5030] =	vst v7;
	v3 =	vmax.f32 v5, v6  }
0x50: {  	v1 =	vmin.f32 v1, v2;
	v0 =	vmin.f32 v4, v0;
	v2 =	vmin.f32 v5, v6;
	[tilespmem:$0x5040] =	vst v3  }
0x51: {  	v3 =	vmax.f32 v1, v0;
	[tilespmem:$0x5050] =	vst v2  }
0x52: {  	v0 =	vmin.f32 v1, v0;
	[tilespmem:$0x5060] =	vst v3  }
0x53: {  	s17 =	simm.s32 $0x0;
	[tilespmem:$0x5070] =	vst v0  }
0x54: {  	[tilespmem:s17], [sflag:$0x1] =	stream.strided.gather [hbm4b:s5+s9], $0x2800, s10, s9, $0x38;
	[tilespmem:$0x5200] =	vst v63  }
0x55: {  	_ =	swait.ge [sflag:s13], $0x2800  }
0x56: {  	[sflag:s13] =	ssyncset.done $0x0  }
0x57: {  	s31 =	simm.s32 $0x0;
	[sflag:s13] =	ssyncadd.s32 $0xFFFFD800  }
0x58: {  	v0 =	vld [tilespmem:s31+$0x2800]  }
0x59: {  	v2 =	vld [tilespmem:s31+$0x2810]  }
0x5a: {  	v3 =	vld [tilespmem:s31+$0x2820]  }
0x5b: {  	v4 =	vld [tilespmem:s31+$0x2830]  }
0x5c: {  	v5 =	vld [tilespmem:s31+$0x2840]  }
0x5d: {  	v6 =	vld [tilespmem:s31+$0x2850]  }
0x5e: {  	v7 =	vld [tilespmem:s31+$0x2860]  }
0x5f: {  	v8 =	vld [tilespmem:s31+$0x2870];
	_ =	sdelay $0x1  }
0x60: {  	v1 =	vimm.f32 $-Inf  }
0x61: {  	v9 =	vmax.f32 v0, v2;
	v10 =	vmin.f32 v0, v2;
	v14 =	vmax.f32 v3, v4  }
0x62: {  	v15 =	vmin.f32 v3, v4;
	v11 =	vmax.f32 v5, v6;
	v12 =	vmin.f32 v5, v6  }
0x63: {  	v17 =	vmax.f32 v7, v8;
	v16 =	vmin.f32 v7, v8;
	v7 =	vimm.f32 $-Inf  }
0x64: {  	v0 =	vimm.f32 $-Inf;
	v2 =	vimm.f32 $-Inf;
	v3 =	vimm.f32 $-Inf  }
0x65: {  	v6 =	vimm.f32 $-Inf;
	v4 =	vimm.f32 $-Inf;
	v5 =	vimm.f32 $-Inf  }
0x66: {  	s17 =	simm.s32 $0x200;
	v13 =	vmax.f32 v9, v14;
	v8 =	vmin.f32 v10, v15;
	v18 =	vmax.f32 v11, v17  }
.LBB2_4:
0x67: {  	p0 =	sne.s32 s17, $0x9E00;
	v9 =	vmin.f32 v9, v14;
	v10 =	vmax.f32 v10, v15;
	v14 =	vmin.f32 v12, v16  }
0x68: {  	v11 =	vmin.f32 v11, v17;
	v12 =	vmax.f32 v12, v16;
	v15 =	vmax.f32 v13, v18  }
0x69: {  	v13 =	vmin.f32 v13, v18;
	v16 =	vmax.f32 v10, v9;
	v17 =	vmin.f32 v8, v14  }
0x6a: {  	v9 =	vmin.f32 v10, v9;
	v10 =	vmax.f32 v12, v11;
	v11 =	vmin.f32 v12, v11  }
0x6b: {  	v8 =	vmax.f32 v8, v14;
	v12 =	vmax.f32 v16, v10;
	v18 =	vmax.f32 v9, v11  }
0x6c: {  	v10 =	vmin.f32 v16, v10;
	v9 =	vmin.f32 v9, v11;
	v11 =	vmax.f32 v18, v13  }
0x6d: {  	v13 =	vmin.f32 v18, v13;
	v14 =	vmax.f32 v8, v10;
	v8 =	vmin.f32 v8, v10  }
0x6e: {  	v10 =	vmax.f32 v12, v11;
	v11 =	vmin.f32 v12, v11;
	v12 =	vmax.f32 v14, v13  }
0x6f: {  	v13 =	vmin.f32 v14, v13;
	v14 =	vmax.f32 v8, v9;
	v8 =	vmin.f32 v8, v9  }
0x70: {  	s18 =	sshra.s32 s17, $0x2;
	v1 =	vmax.f32 v1, v17;
	v7 =	vmax.f32 v7, v8;
	v8 =	vmax.f32 v0, v15  }
0x71: {  	v0 =	vmax.f32 v2, v14;
	v2 =	vmax.f32 v3, v13;
	v3 =	vmax.f32 v6, v12;
	v15 =	vld [tilespmem:s18+$0x2800]  }
0x72: {  	v4 =	vmax.f32 v4, v11;
	v5 =	vmax.f32 v5, v10;
	v6 =	vmin.f32 v1, v3;
	v12 =	vld [tilespmem:s18+$0x2810]  }
0x73: {  	v9 =	vmin.f32 v7, v4;
	v10 =	vmin.f32 v0, v5;
	v13 =	vmin.f32 v2, v8;
	v11 =	vld [tilespmem:s18+$0x2820]  }
0x74: {  	v1 =	vmax.f32 v1, v3;
	v14 =	vmin.f32 v6, v10;
	v17 =	vmin.f32 v9, v13;
	v16 =	vld [tilespmem:s18+$0x2830]  }
0x75: {  	v3 =	vmax.f32 v7, v4;
	v4 =	vmax.f32 v0, v5;
	v0 =	vmin.f32 v14, v17;
	v18 =	vld [tilespmem:s18+$0x2840]  }
0x76: {  	v2 =	vmax.f32 v2, v8;
	v5 =	vmax.f32 v1, v4;
	v4 =	vmin.f32 v1, v4;
	v19 =	vld [tilespmem:s18+$0x2850]  }
0x77: {  	v7 =	vmax.f32 v3, v2;
	v3 =	vmin.f32 v3, v2;
	v10 =	vmax.f32 v6, v10;
	v8 =	vld [tilespmem:s18+$0x2860]  }
0x78: {  	v9 =	vmax.f32 v9, v13;
	v1 =	vmax.f32 v5, v7;
	v7 =	vmin.f32 v5, v7;
	v20 =	vld [tilespmem:s18+$0x2870]  }
0x79: {  	v2 =	vmax.f32 v4, v3;
	v3 =	vmin.f32 v4, v3;
	v6 =	vmax.f32 v10, v9  }
.Ltmp1:
0x7a: {  	v4 =	vmin.f32 v10, v9;
	v5 =	vmax.f32 v14, v17;
	(pc) =	sbr.rel @p0 .LBB2_4-.Ltmp1, $4  }
0x7b: {  	v9 =	vmax.f32 v15, v12;
	v10 =	vmin.f32 v15, v12  }
0x7c: {  	v14 =	vmax.f32 v11, v16;
	v15 =	vmin.f32 v11, v16;
	v11 =	vmax.f32 v18, v19  }
0x7d: {  	v12 =	vmin.f32 v18, v19;
	v17 =	vmax.f32 v8, v20;
	v16 =	vmin.f32 v8, v20  }
0x7e: {  	s17 =	sadd.s32 $0x200, s17;
	v13 =	vmax.f32 v9, v14;
	v8 =	vmin.f32 v10, v15;
	v18 =	vmax.f32 v11, v17  }
0x7f: {  	v9 =	vmin.f32 v9, v14;
	v10 =	vmax.f32 v10, v15;
	v14 =	vmin.f32 v12, v16  }
0x80: {  	v11 =	vmin.f32 v11, v17;
	v12 =	vmax.f32 v12, v16;
	v15 =	vmax.f32 v13, v18  }
0x81: {  	v13 =	vmin.f32 v13, v18;
	v16 =	vmax.f32 v10, v9;
	v17 =	vmin.f32 v8, v14  }
0x82: {  	v9 =	vmin.f32 v10, v9;
	v10 =	vmax.f32 v12, v11;
	v11 =	vmin.f32 v12, v11  }
0x83: {  	v8 =	vmax.f32 v8, v14;
	v12 =	vmax.f32 v16, v10;
	v18 =	vmax.f32 v9, v11  }
0x84: {  	v10 =	vmin.f32 v16, v10;
	v9 =	vmin.f32 v9, v11;
	v11 =	vmax.f32 v18, v13  }
0x85: {  	v13 =	vmin.f32 v18, v13;
	v14 =	vmax.f32 v8, v10;
	v8 =	vmin.f32 v8, v10  }
0x86: {  	v10 =	vmax.f32 v12, v11;
	v11 =	vmin.f32 v12, v11;
	v12 =	vmax.f32 v14, v13  }
0x87: {  	v13 =	vmin.f32 v14, v13;
	v14 =	vmax.f32 v8, v9;
	v8 =	vmin.f32 v8, v9  }
0x88: {  	v0 =	vmax.f32 v0, v15;
	v1 =	vmax.f32 v1, v17;
	v7 =	vmax.f32 v7, v8  }
0x89: {  	v2 =	vmax.f32 v2, v14;
	v3 =	vmax.f32 v3, v13;
	v6 =	vmax.f32 v6, v12  }
0x8a: {  	v4 =	vmax.f32 v4, v11;
	v5 =	vmax.f32 v5, v10;
	v8 =	vmax.f32 v1, v6  }
0x8b: {  	v9 =	vmax.f32 v7, v4;
	v10 =	vmax.f32 v2, v5;
	v11 =	vmax.f32 v3, v0  }
0x8c: {  	v12 =	vmax.f32 v8, v10;
	v13 =	vmax.f32 v9, v11  }
0x8d: {  	v1 =	vmin.f32 v1, v6;
	v4 =	vmin.f32 v7, v4;
	v6 =	vmax.f32 v12, v13  }
0x8e: {  	v7 =	vmin.f32 v8, v10;
	v8 =	vmin.f32 v9, v11;
	v9 =	vmin.f32 v12, v13;
	[tilespmem:$0x5080] =	vst v6  }
0x8f: {  	v2 =	vmin.f32 v2, v5;
	v0 =	vmin.f32 v3, v0;
	v3 =	vmax.f32 v7, v8;
	[tilespmem:$0x5090] =	vst v9  }
0x90: {  	v5 =	vmax.f32 v1, v2;
	v7 =	vmin.f32 v7, v8;
	v6 =	vmax.f32 v4, v0;
	[tilespmem:$0x50A0] =	vst v3  }
0x91: {  	[tilespmem:$0x50B0] =	vst v7;
	v3 =	vmax.f32 v5, v6  }
0x92: {  	v1 =	vmin.f32 v1, v2;
	v0 =	vmin.f32 v4, v0;
	v2 =	vmin.f32 v5, v6;
	[tilespmem:$0x50C0] =	vst v3  }
0x93: {  	v3 =	vmax.f32 v1, v0;
	[tilespmem:$0x50D0] =	vst v2  }
0x94: {  	v0 =	vmin.f32 v1, v0;
	[tilespmem:$0x50E0] =	vst v3  }
0x95: {  	[tilespmem:$0x50F0] =	vst v0  }
0x96: {  	[tilespmem:s11], [sflag:$0x2] =	stream.strided.gather [hbm4b:s6+s9], $0x2800, s10, s9, $0x38;
	[tilespmem:$0x5200] =	vst v63  }
0x97: {  	_ =	swait.ge [sflag:s12], $0x2800  }
0x98: {  	[sflag:s12] =	ssyncset.done $0x0  }
0x99: {  	s17 =	simm.s32 $0x0;
	[sflag:s12] =	ssyncadd.s32 $0xFFFFD800  }
0x9a: {  	v0 =	vld [tilespmem:s17+$0x0]  }
0x9b: {  	v2 =	vld [tilespmem:s17+$0x10]  }
0x9c: {  	v3 =	vld [tilespmem:s17+$0x20]  }
0x9d: {  	v4 =	vld [tilespmem:s17+$0x30]  }
0x9e: {  	v5 =	vld [tilespmem:s17+$0x40]  }
0x9f: {  	v6 =	vld [tilespmem:s17+$0x50]  }
0xa0: {  	v7 =	vld [tilespmem:s17+$0x60]  }
0xa1: {  	v8 =	vld [tilespmem:s17+$0x70];
	_ =	sdelay $0x1  }
0xa2: {  	v1 =	vimm.f32 $-Inf  }
0xa3: {  	v9 =	vmax.f32 v0, v2;
	v10 =	vmin.f32 v0, v2;
	v14 =	vmax.f32 v3, v4  }
0xa4: {  	v15 =	vmin.f32 v3, v4;
	v11 =	vmax.f32 v5, v6;
	v12 =	vmin.f32 v5, v6  }
0xa5: {  	v17 =	vmax.f32 v7, v8;
	v16 =	vmin.f32 v7, v8;
	v7 =	vimm.f32 $-Inf  }
0xa6: {  	v0 =	vimm.f32 $-Inf;
	v2 =	vimm.f32 $-Inf;
	v3 =	vimm.f32 $-Inf  }
0xa7: {  	v6 =	vimm.f32 $-Inf;
	v4 =	vimm.f32 $-Inf;
	v5 =	vimm.f32 $-Inf  }
0xa8: {  	s17 =	simm.s32 $0x200;
	v13 =	vmax.f32 v9, v14;
	v8 =	vmin.f32 v10, v15;
	v18 =	vmax.f32 v11, v17  }
.LBB2_6:
0xa9: {  	p0 =	sne.s32 s17, $0x9E00;
	v9 =	vmin.f32 v9, v14;
	v10 =	vmax.f32 v10, v15;
	v14 =	vmin.f32 v12, v16  }
0xaa: {  	v11 =	vmin.f32 v11, v17;
	v12 =	vmax.f32 v12, v16;
	v15 =	vmax.f32 v13, v18  }
0xab: {  	v13 =	vmin.f32 v13, v18;
	v16 =	vmax.f32 v10, v9;
	v17 =	vmin.f32 v8, v14  }
0xac: {  	v9 =	vmin.f32 v10, v9;
	v10 =	vmax.f32 v12, v11;
	v11 =	vmin.f32 v12, v11  }
0xad: {  	v8 =	vmax.f32 v8, v14;
	v12 =	vmax.f32 v16, v10;
	v18 =	vmax.f32 v9, v11  }
0xae: {  	v10 =	vmin.f32 v16, v10;
	v9 =	vmin.f32 v9, v11;
	v11 =	vmax.f32 v18, v13  }
0xaf: {  	v13 =	vmin.f32 v18, v13;
	v14 =	vmax.f32 v8, v10;
	v8 =	vmin.f32 v8, v10  }
0xb0: {  	v10 =	vmax.f32 v12, v11;
	v11 =	vmin.f32 v12, v11;
	v12 =	vmax.f32 v14, v13  }
0xb1: {  	v13 =	vmin.f32 v14, v13;
	v14 =	vmax.f32 v8, v9;
	v8 =	vmin.f32 v8, v9  }
0xb2: {  	s18 =	sshra.s32 s17, $0x2;
	v1 =	vmax.f32 v1, v17;
	v7 =	vmax.f32 v7, v8;
	v8 =	vmax.f32 v0, v15  }
0xb3: {  	v0 =	vmax.f32 v2, v14;
	v2 =	vmax.f32 v3, v13;
	v3 =	vmax.f32 v6, v12;
	v15 =	vld [tilespmem:s18+$0x0]  }
0xb4: {  	v4 =	vmax.f32 v4, v11;
	v5 =	vmax.f32 v5, v10;
	v6 =	vmin.f32 v1, v3;
	v12 =	vld [tilespmem:s18+$0x10]  }
0xb5: {  	v9 =	vmin.f32 v7, v4;
	v10 =	vmin.f32 v0, v5;
	v13 =	vmin.f32 v2, v8;
	v11 =	vld [tilespmem:s18+$0x20]  }
0xb6: {  	v1 =	vmax.f32 v1, v3;
	v14 =	vmin.f32 v6, v10;
	v17 =	vmin.f32 v9, v13;
	v16 =	vld [tilespmem:s18+$0x30]  }
0xb7: {  	v3 =	vmax.f32 v7, v4;
	v4 =	vmax.f32 v0, v5;
	v0 =	vmin.f32 v14, v17;
	v18 =	vld [tilespmem:s18+$0x40]  }
0xb8: {  	v2 =	vmax.f32 v2, v8;
	v5 =	vmax.f32 v1, v4;
	v4 =	vmin.f32 v1, v4;
	v19 =	vld [tilespmem:s18+$0x50]  }
0xb9: {  	v7 =	vmax.f32 v3, v2;
	v3 =	vmin.f32 v3, v2;
	v10 =	vmax.f32 v6, v10;
	v8 =	vld [tilespmem:s18+$0x60]  }
0xba: {  	v9 =	vmax.f32 v9, v13;
	v1 =	vmax.f32 v5, v7;
	v7 =	vmin.f32 v5, v7;
	v20 =	vld [tilespmem:s18+$0x70]  }
0xbb: {  	v2 =	vmax.f32 v4, v3;
	v3 =	vmin.f32 v4, v3;
	v6 =	vmax.f32 v10, v9  }
.Ltmp2:
0xbc: {  	v4 =	vmin.f32 v10, v9;
	v5 =	vmax.f32 v14, v17;
	(pc) =	sbr.rel @p0 .LBB2_6-.Ltmp2, $4  }
0xbd: {  	v9 =	vmax.f32 v15, v12;
	v10 =	vmin.f32 v15, v12  }
0xbe: {  	v14 =	vmax.f32 v11, v16;
	v15 =	vmin.f32 v11, v16;
	v11 =	vmax.f32 v18, v19  }
0xbf: {  	v12 =	vmin.f32 v18, v19;
	v17 =	vmax.f32 v8, v20;
	v16 =	vmin.f32 v8, v20  }
0xc0: {  	s17 =	sadd.s32 $0x200, s17;
	v13 =	vmax.f32 v9, v14;
	v8 =	vmin.f32 v10, v15;
	v18 =	vmax.f32 v11, v17  }
0xc1: {  	v9 =	vmin.f32 v9, v14;
	v10 =	vmax.f32 v10, v15;
	v14 =	vmin.f32 v12, v16  }
0xc2: {  	v11 =	vmin.f32 v11, v17;
	v12 =	vmax.f32 v12, v16;
	v15 =	vmax.f32 v13, v18  }
0xc3: {  	v13 =	vmin.f32 v13, v18;
	v16 =	vmax.f32 v10, v9;
	v17 =	vmin.f32 v8, v14  }
0xc4: {  	v9 =	vmin.f32 v10, v9;
	v10 =	vmax.f32 v12, v11;
	v11 =	vmin.f32 v12, v11  }
0xc5: {  	v8 =	vmax.f32 v8, v14;
	v12 =	vmax.f32 v16, v10;
	v18 =	vmax.f32 v9, v11  }
0xc6: {  	v10 =	vmin.f32 v16, v10;
	v9 =	vmin.f32 v9, v11;
	v11 =	vmax.f32 v18, v13  }
0xc7: {  	v13 =	vmin.f32 v18, v13;
	v14 =	vmax.f32 v8, v10;
	v8 =	vmin.f32 v8, v10  }
0xc8: {  	v10 =	vmax.f32 v12, v11;
	v11 =	vmin.f32 v12, v11;
	v12 =	vmax.f32 v14, v13  }
0xc9: {  	v13 =	vmin.f32 v14, v13;
	v14 =	vmax.f32 v8, v9;
	v8 =	vmin.f32 v8, v9  }
0xca: {  	v0 =	vmax.f32 v0, v15;
	v1 =	vmax.f32 v1, v17;
	v7 =	vmax.f32 v7, v8  }
0xcb: {  	v2 =	vmax.f32 v2, v14;
	v3 =	vmax.f32 v3, v13;
	v6 =	vmax.f32 v6, v12  }
0xcc: {  	v4 =	vmax.f32 v4, v11;
	v5 =	vmax.f32 v5, v10;
	v8 =	vmax.f32 v1, v6  }
0xcd: {  	v9 =	vmax.f32 v7, v4;
	v10 =	vmax.f32 v2, v5;
	v11 =	vmax.f32 v3, v0  }
0xce: {  	v12 =	vmax.f32 v8, v10;
	v13 =	vmax.f32 v9, v11  }
0xcf: {  	v1 =	vmin.f32 v1, v6;
	v4 =	vmin.f32 v7, v4;
	v6 =	vmax.f32 v12, v13  }
0xd0: {  	v7 =	vmin.f32 v8, v10;
	v8 =	vmin.f32 v9, v11;
	v9 =	vmin.f32 v12, v13;
	[tilespmem:$0x5100] =	vst v6  }
0xd1: {  	v2 =	vmin.f32 v2, v5;
	v0 =	vmin.f32 v3, v0;
	v3 =	vmax.f32 v7, v8;
	[tilespmem:$0x5110] =	vst v9  }
0xd2: {  	v5 =	vmax.f32 v1, v2;
	v7 =	vmin.f32 v7, v8;
	v6 =	vmax.f32 v4, v0;
	[tilespmem:$0x5120] =	vst v3  }
0xd3: {  	[tilespmem:$0x5130] =	vst v7;
	v3 =	vmax.f32 v5, v6  }
0xd4: {  	v1 =	vmin.f32 v1, v2;
	v0 =	vmin.f32 v4, v0;
	v2 =	vmin.f32 v5, v6;
	[tilespmem:$0x5140] =	vst v3  }
0xd5: {  	v3 =	vmax.f32 v1, v0;
	[tilespmem:$0x5150] =	vst v2  }
0xd6: {  	v0 =	vmin.f32 v1, v0;
	[tilespmem:$0x5160] =	vst v3  }
0xd7: {  	[tilespmem:$0x5170] =	vst v0  }
0xd8: {  	_ =	swait.ge [sflag:s13], $0x2800  }
0xd9: {  	[sflag:s13] =	ssyncset.done $0x0  }
0xda: {  	s17 =	simm.s32 $0x0;
	[sflag:s13] =	ssyncadd.s32 $0xFFFFD800  }
0xdb: {  	v0 =	vld [tilespmem:s17+$0x2800]  }
0xdc: {  	v2 =	vld [tilespmem:s17+$0x2810]  }
0xdd: {  	v3 =	vld [tilespmem:s17+$0x2820]  }
0xde: {  	v4 =	vld [tilespmem:s17+$0x2830]  }
0xdf: {  	v5 =	vld [tilespmem:s17+$0x2840]  }
0xe0: {  	v6 =	vld [tilespmem:s17+$0x2850]  }
0xe1: {  	v7 =	vld [tilespmem:s17+$0x2860]  }
0xe2: {  	v8 =	vld [tilespmem:s17+$0x2870];
	_ =	sdelay $0x1  }
0xe3: {  	v1 =	vimm.f32 $-Inf  }
0xe4: {  	v9 =	vmax.f32 v0, v2;
	v10 =	vmin.f32 v0, v2;
	v14 =	vmax.f32 v3, v4  }
0xe5: {  	v15 =	vmin.f32 v3, v4;
	v11 =	vmax.f32 v5, v6;
	v12 =	vmin.f32 v5, v6  }
0xe6: {  	v17 =	vmax.f32 v7, v8;
	v16 =	vmin.f32 v7, v8;
	v7 =	vimm.f32 $-Inf  }
0xe7: {  	v0 =	vimm.f32 $-Inf;
	v2 =	vimm.f32 $-Inf;
	v3 =	vimm.f32 $-Inf  }
0xe8: {  	v6 =	vimm.f32 $-Inf;
	v4 =	vimm.f32 $-Inf;
	v5 =	vimm.f32 $-Inf  }
0xe9: {  	s17 =	simm.s32 $0x200;
	v13 =	vmax.f32 v9, v14;
	v8 =	vmin.f32 v10, v15;
	v18 =	vmax.f32 v11, v17  }
.LBB2_8:
0xea: {  	p0 =	sne.s32 s17, $0x9E00;
	v9 =	vmin.f32 v9, v14;
	v10 =	vmax.f32 v10, v15;
	v14 =	vmin.f32 v12, v16  }
0xeb: {  	v11 =	vmin.f32 v11, v17;
	v12 =	vmax.f32 v12, v16;
	v15 =	vmax.f32 v13, v18  }
0xec: {  	v13 =	vmin.f32 v13, v18;
	v16 =	vmax.f32 v10, v9;
	v17 =	vmin.f32 v8, v14  }
0xed: {  	v9 =	vmin.f32 v10, v9;
	v10 =	vmax.f32 v12, v11;
	v11 =	vmin.f32 v12, v11  }
0xee: {  	v8 =	vmax.f32 v8, v14;
	v12 =	vmax.f32 v16, v10;
	v18 =	vmax.f32 v9, v11  }
0xef: {  	v10 =	vmin.f32 v16, v10;
	v9 =	vmin.f32 v9, v11;
	v11 =	vmax.f32 v18, v13  }
0xf0: {  	v13 =	vmin.f32 v18, v13;
	v14 =	vmax.f32 v8, v10;
	v8 =	vmin.f32 v8, v10  }
0xf1: {  	v10 =	vmax.f32 v12, v11;
	v11 =	vmin.f32 v12, v11;
	v12 =	vmax.f32 v14, v13  }
0xf2: {  	v13 =	vmin.f32 v14, v13;
	v14 =	vmax.f32 v8, v9;
	v8 =	vmin.f32 v8, v9  }
0xf3: {  	s18 =	sshra.s32 s17, $0x2;
	v1 =	vmax.f32 v1, v17;
	v7 =	vmax.f32 v7, v8;
	v8 =	vmax.f32 v0, v15  }
0xf4: {  	v0 =	vmax.f32 v2, v14;
	v2 =	vmax.f32 v3, v13;
	v3 =	vmax.f32 v6, v12;
	v15 =	vld [tilespmem:s18+$0x2800]  }
0xf5: {  	v4 =	vmax.f32 v4, v11;
	v5 =	vmax.f32 v5, v10;
	v6 =	vmin.f32 v1, v3;
	v12 =	vld [tilespmem:s18+$0x2810]  }
0xf6: {  	v9 =	vmin.f32 v7, v4;
	v10 =	vmin.f32 v0, v5;
	v13 =	vmin.f32 v2, v8;
	v11 =	vld [tilespmem:s18+$0x2820]  }
0xf7: {  	v1 =	vmax.f32 v1, v3;
	v14 =	vmin.f32 v6, v10;
	v17 =	vmin.f32 v9, v13;
	v16 =	vld [tilespmem:s18+$0x2830]  }
0xf8: {  	v3 =	vmax.f32 v7, v4;
	v4 =	vmax.f32 v0, v5;
	v0 =	vmin.f32 v14, v17;
	v18 =	vld [tilespmem:s18+$0x2840]  }
0xf9: {  	v2 =	vmax.f32 v2, v8;
	v5 =	vmax.f32 v1, v4;
	v4 =	vmin.f32 v1, v4;
	v19 =	vld [tilespmem:s18+$0x2850]  }
0xfa: {  	v7 =	vmax.f32 v3, v2;
	v3 =	vmin.f32 v3, v2;
	v10 =	vmax.f32 v6, v10;
	v8 =	vld [tilespmem:s18+$0x2860]  }
0xfb: {  	v9 =	vmax.f32 v9, v13;
	v1 =	vmax.f32 v5, v7;
	v7 =	vmin.f32 v5, v7;
	v20 =	vld [tilespmem:s18+$0x2870]  }
0xfc: {  	v2 =	vmax.f32 v4, v3;
	v3 =	vmin.f32 v4, v3;
	v6 =	vmax.f32 v10, v9  }
.Ltmp3:
0xfd: {  	v4 =	vmin.f32 v10, v9;
	v5 =	vmax.f32 v14, v17;
	(pc) =	sbr.rel @p0 .LBB2_8-.Ltmp3, $4  }
0xfe: {  	v9 =	vmax.f32 v15, v12;
	v10 =	vmin.f32 v15, v12  }
0xff: {  	v14 =	vmax.f32 v11, v16;
	v15 =	vmin.f32 v11, v16;
	v11 =	vmax.f32 v18, v19  }
0x100: {  	v12 =	vmin.f32 v18, v19;
	v17 =	vmax.f32 v8, v20;
	v16 =	vmin.f32 v8, v20  }
0x101: {  	s17 =	sadd.s32 $0x200, s17;
	v13 =	vmax.f32 v9, v14;
	v8 =	vmin.f32 v10, v15;
	v18 =	vmax.f32 v11, v17  }
0x102: {  	v9 =	vmin.f32 v9, v14;
	v10 =	vmax.f32 v10, v15;
	v36 =	vmin.f32 v12, v16  }
0x103: {  	v11 =	vmin.f32 v11, v17;
	v37 =	vmax.f32 v12, v16;
	v38 =	vmax.f32 v13, v18  }
0x104: {  	v40 =	vmin.f32 v13, v18;
	v39 =	vmax.f32 v10, v9;
	v41 =	vmin.f32 v8, v36  }
0x105: {  	v9 =	vmin.f32 v10, v9;
	v42 =	vmax.f32 v37, v11;
	v11 =	vmin.f32 v37, v11  }
0x106: {  	v45 =	vmax.f32 v8, v36;
	v0 =	vmax.f32 v0, v38;
	v43 =	vmax.f32 v39, v42  }
0x107: {  	v44 =	vmax.f32 v9, v11;
	v10 =	vmin.f32 v39, v42;
	v9 =	vmin.f32 v9, v11  }
0x108: {  	v1 =	vmax.f32 v1, v41;
	v46 =	vmax.f32 v44, v40;
	v13 =	vmin.f32 v44, v40  }
0x109: {  	v14 =	vmax.f32 v45, v10;
	v8 =	vmin.f32 v45, v10;
	v47 =	vmax.f32 v43, v46  }
0x10a: {  	v11 =	vmin.f32 v43, v46;
	v49 =	vmax.f32 v8, v9;
	v8 =	vmin.f32 v8, v9  }
0x10b: {  	v48 =	vmax.f32 v14, v13;
	v13 =	vmin.f32 v14, v13;
	v7 =	vmax.f32 v7, v8  }
0x10c: {  	v2 =	vmax.f32 v2, v49;
	v3 =	vmax.f32 v3, v13;
	v6 =	vmax.f32 v6, v48  }
0x10d: {  	v4 =	vmax.f32 v4, v11;
	v5 =	vmax.f32 v5, v47;
	v50 =	vmax.f32 v1, v6  }
0x10e: {  	v51 =	vmax.f32 v7, v4;
	v10 =	vmax.f32 v2, v5;
	v52 =	vmax.f32 v3, v0  }
0x10f: {  	v53 =	vmax.f32 v50, v10;
	v54 =	vmax.f32 v51, v52  }
0x110: {  	v1 =	vmin.f32 v1, v6;
	v4 =	vmin.f32 v7, v4;
	v55 =	vmax.f32 v53, v54  }
0x111: {  	v56 =	vmin.f32 v50, v10;
	v57 =	vmin.f32 v51, v52;
	v58 =	vmin.f32 v53, v54;
	[tilespmem:$0x5180] =	vst v55  }
0x112: {  	v2 =	vmin.f32 v2, v5;
	v0 =	vmin.f32 v3, v0;
	v59 =	vmax.f32 v56, v57;
	[tilespmem:$0x5190] =	vst v58  }
0x113: {  	v5 =	vmax.f32 v1, v2;
	v60 =	vmax.f32 v4, v0;
	v7 =	vmin.f32 v56, v57;
	[tilespmem:$0x51A0] =	vst v59  }
0x114: {  	v61 =	vmax.f32 v5, v60;
	[tilespmem:$0x51B0] =	vst v7  }
0x115: {  	v1 =	vmin.f32 v1, v2;
	v0 =	vmin.f32 v4, v0;
	v62 =	vmin.f32 v5, v60;
	[tilespmem:$0x51C0] =	vst v61  }
0x116: {  	s16 =	sadd.s32 $0x1, s16;
	v63 =	vmax.f32 v1, v0;
	[tilespmem:$0x51D0] =	vst v62  }
0x117: {  	p0 =	sne.s32 s16, s8;
	v0 =	vmin.f32 v1, v0;
	[tilespmem:$0x51E0] =	vst v63  }
.Ltmp4:
0x118: {  	[tilespmem:$0x51F0] =	vst v0;
	(pc) =	sbr.rel @p0 .LBB2_1-.Ltmp4, $4  }
0x119: {  	[hbm4b:s7+s2] =	stream.linear.scatter [tilespmem:s14], [sflag:$0x3], $0x200, $0x38;
	[tilespmem:$0x5200] =	vst v63  }
0x11a: {  	_ =	swait.ge [sflag:s15], $0x200  }
0x11b: {  	[sflag:s15] =	ssyncset.done $0x0  }
0x11c: {  	[sflag:s15] =	ssyncadd.s32 $0xFFFFFE00  }
0x11d: {  	_ =	sfence.sel $0x180000  }
0x11e: {  	[bflag:$0x0] =	sbarrier.arrive $0xFFFF  }
0x11f: {  	p0 =	sne.s32 s1, $0x0;
	_ =	strace $0x90000047  }
0x120: {  	s0 =	sadd.s32 @!p0 $0x100000, s0;
	[bflag:$0x2] =	sbarrier.arrive $0xFFFF  }
0x121: {  	[sflag:s0] =	ssyncadd.tile.s32 @!p0 $0x1;
	_ =	shalt  }
.Lfunc_end2:
_tile_overlayer_lowered:
.L_overlay_start_2:
0x122: {  	(tag) =	ssettag $0x2  }
0x123: {  	s0 =	rddreg [dreg:$0x0];
	s2 =	stileid.u32  }
0x124: {  	s1 =	rddreg [dreg:$0x1];
	p0 =	sne.s32 s2, $0x0  }
0x125: {  	s3 =	rddreg [dreg:$0x2];
	[bflag:$0x3] =	sbarrier.arrive $0xFFFF;
	s2 =	simm.s32 @!p0 $0x1C03  }
0x126: {  	[timem:s3], [sflag:s2] =	dma.local @!p0 [hbm:s0], s1  }
0x127: {  	s0 =	simm.s32 @!p0 $0x3  }
0x128: {  	_ =	swait.ge @!p0 [sflag:s0], s1  }
0x129: {  	s1 =	ssub.s32 @!p0 $0x0, s1;
	[sflag:s0] =	ssyncset.done @!p0 $0x0  }
0x12a: {  	[sflag:s0] =	ssyncadd.s32 @!p0 s1  }
0x12b: {  	[bflag:$0x3] =	sbarrier.arrive $0xFFFF  }
0x12c: {  	_ =	shalt  }

</sc_bundles>
